<compile_context>
chip_gen: v7x
topology: tpu7x:2x2x1
jax: 0.10.2.dev20260603
libtpu: 0.0.44.dev20260713+nightly
codegen_flags: <defaults>
</compile_context>

<pallas_src>
import functools

import jax
import jax.numpy as jnp
from jax import lax
from jax.experimental import pallas as pl
from jax.experimental.pallas import tpu as pltpu
from jax.experimental.pallas import tpu_sc as plsc

_B, _L, _D = 4096, 200, 32
_CH = 128


def _make_kernel():
    mesh = plsc.VectorSubcoreMesh(core_axis_name="c", subcore_axis_name="s")
    nc, ns = mesh.num_cores, mesh.num_subcores
    nw = nc * ns
    assert _B // _CH == nw

    @functools.partial(
        pl.kernel,
        out_type=jax.ShapeDtypeStruct((_L, _D // 8, nw, 8, _CH), jnp.float32),
        mesh=mesh,
        compiler_params=pltpu.CompilerParams(use_tc_tiling_on_sc=False,
                                             needs_layout_passes=False),
        scratch_types=[
            pltpu.VMEM((_L, _CH), jnp.int32),
            pltpu.VMEM((_L, _D), jnp.float32),
            pltpu.VMEM((_CH, _D), jnp.float32),
            pltpu.VMEM((_CH, _D), jnp.float32),
            pltpu.VMEM((_D // 8, 8, _CH + 1), jnp.float32),
            pltpu.VMEM((_D // 8, 8, _CH + 1), jnp.float32),
            pltpu.SemaphoreType.DMA,
            pltpu.SemaphoreType.DMA,
            pltpu.SemaphoreType.DMA,
            pltpu.SemaphoreType.DMA,
        ],
    )
    def emb_kernel(tok_hbm, xt_hbm, pos_hbm, out_hbm,
                   idx_v, pos_v, gbuf0, gbuf1, tbuf0, tbuf1,
                   gsem0, gsem1, ssem0, ssem1):
        wid = lax.axis_index("s") * nc + lax.axis_index("c")

        pltpu.sync_copy(xt_hbm.at[:, pl.ds(wid * _CH, _CH)], idx_v)
        pltpu.sync_copy(pos_hbm, pos_v)

        pltpu.async_copy(tok_hbm.at[idx_v.at[0]], gbuf0, gsem0)

        lane = lax.iota(jnp.int32, 16)
        zero = lane * 0
        lo0, lo1 = lane >> 3, lane & 7
        hi = lane + 16
        hi0, hi1 = hi >> 3, hi & 7

        def step(g, gbuf_b, gsem_b, ssem_b, tbuf_b, gbuf_n, gsem_n, ssem_n,
                 tbuf_n):
            @pl.when(g >= 1)
            def _():
                pltpu.make_async_copy(
                    tbuf_n.at[:, :, pl.ds(0, _CH)],
                    out_hbm.at[g - 1, :, wid], ssem_n).wait()

            @pl.when(g + 1 < _L)
            def _():
                pltpu.async_copy(tok_hbm.at[idx_v.at[g + 1]], gbuf_n, gsem_n)

            pltpu.make_async_copy(tok_hbm.at[idx_v.at[g]], gbuf_b, gsem_b).wait()

            pos_lo = pos_v[g, pl.ds(0, 16)]
            pos_hi = pos_v[g, pl.ds(16, 16)]
            for b0 in range(0, _CH, 8):
                vlo = [gbuf_b[b0 + k, pl.ds(0, 16)] + pos_lo for k in range(8)]
                vhi = [gbuf_b[b0 + k, pl.ds(16, 16)] + pos_hi for k in range(8)]
                for k in range(8):
                    cb = zero + (b0 + k)
                    plsc.store_scatter(tbuf_b, [lo0, lo1, cb], vlo[k])
                    plsc.store_scatter(tbuf_b, [hi0, hi1, cb], vhi[k])

            pltpu.async_copy(tbuf_b.at[:, :, pl.ds(0, _CH)],
                             out_hbm.at[g, :, wid], ssem_b)

        def outer(i, carry):
            g = i * 2
            step(g, gbuf0, gsem0, ssem0, tbuf0, gbuf1, gsem1, ssem1, tbuf1)
            step(g + 1, gbuf1, gsem1, ssem1, tbuf1, gbuf0, gsem0, ssem0, tbuf0)
            return carry

        lax.fori_loop(0, _L // 2, outer, 0)

        pltpu.make_async_copy(tbuf1.at[:, :, pl.ds(0, _CH)],
                              out_hbm.at[_L - 1, :, wid], ssem1).wait()

    return emb_kernel, nw


_V = 1000000
_TBC = 8192
_TGRID = (_V + _TBC - 1) // _TBC


def _make_tc_transpose():
    def body(in_ref, out_ref):
        for q in range(4):
            out_ref[:, 32 * q:32 * (q + 1)] = \
                in_ref[:, pl.ds(q * (_TBC // 4), _TBC // 4)][...].T

    return pl.pallas_call(
        body,
        grid=(_TGRID,),
        in_specs=[pl.BlockSpec((_D, _TBC), lambda k: (0, k))],
        out_specs=pl.BlockSpec((_TBC // 4, 4 * _D), lambda k: (k, 0)),
        out_shape=jax.ShapeDtypeStruct((_TGRID * _TBC // 4, 4 * _D),
                                       jnp.float32),
    )


def kernel(x, token_table, pos_table):
    emb, nw = _make_kernel()
    trans = _make_tc_transpose()
    tblT = jnp.transpose(token_table)
    tbl_lin = trans(tblT).reshape(_TGRID * _TBC, _D)
    xi = x.astype(jnp.int32)
    quarter = _TBC // 4
    xs = ((xi & ~(_TBC - 1)) | ((xi & (quarter - 1)) << 2)
          | ((xi // quarter) & 3))
    xt = jnp.transpose(xs)
    out5 = emb(tbl_lin, xt, pos_table)
    out = jnp.transpose(out5, (2, 4, 0, 1, 3))
    return out.reshape(_B, _L, _D)

# --- scband reference (transcript-rebuilt; emitter-appended) ---
"""Pipeline reference for scband-token-and-position-embedding-36240934044328 (READ-ONLY COPY).

The authoritative reference and input builder live on the scoring server;
editing this copy changes nothing except your own understanding.
"""

import jax, jax.numpy as jnp
import numpy as np

MAXLEN = 200
VOCAB = 1000000
EMBED = 32
BATCH = 4096

def setup_inputs(seed: int = 0) -> dict:
    key = jax.random.key(seed)
    k1, k2, k3 = jax.random.split(key, 3)
    x = jax.random.randint(k1, (BATCH, MAXLEN), 0, VOCAB, dtype=jnp.int64 if jax.config.jax_enable_x64 else jnp.int32)
    token_table = jax.random.normal(k2, (VOCAB, EMBED), dtype=jnp.float32) * 0.02
    pos_table = jax.random.normal(k3, (MAXLEN, EMBED), dtype=jnp.float32) * 0.02
    return {"x": x, "token_table": token_table, "pos_table": pos_table}

def reference(x, token_table, pos_table):
    # TokenAndPositionEmbedding forward (eval mode: dropout is identity)
    seq_len = x.shape[-1]
    positions = jnp.arange(0, seq_len, dtype=jnp.int32)
    embedded_tokens = jnp.take(token_table, x, axis=0)           # [B, L, D]
    embedded_positions = jnp.take(pos_table, positions, axis=0)  # [L, D]
    out = embedded_tokens + embedded_positions[None, :, :]
    return out

if __name__ == "__main__":
    import jax
    _d = setup_inputs()
    print(jax.jit(kernel)(*tuple(_d.values())))

</pallas_src>

<mosaic_0001>
#map = affine_map<(d0, d1) -> (0, 0)>
#map1 = affine_map<(d0, d1) -> (0, 0, 0, 0, 0)>
module attributes {stable_mosaic.version = 14 : i64} {
  func.func @emb_kernel(%arg0: i32, %arg1: i32, %arg2: memref<1007616x32xf32, #tpu.memory_space<hbm>>, %arg3: memref<200x4096xi32, #tpu.memory_space<hbm>>, %arg4: memref<200x32xf32, #tpu.memory_space<hbm>>, %arg5: memref<200x4x32x8x128xf32, #tpu.memory_space<hbm>>, %arg6: memref<200x128xi32, #tpu.memory_space<vmem>>, %arg7: memref<200x32xf32, #tpu.memory_space<vmem>>, %arg8: memref<128x32xf32, #tpu.memory_space<vmem>>, %arg9: memref<128x32xf32, #tpu.memory_space<vmem>>, %arg10: memref<4x8x129xf32, #tpu.memory_space<vmem>>, %arg11: memref<4x8x129xf32, #tpu.memory_space<vmem>>, %arg12: memref<!tpu.dma_semaphore, #tpu.memory_space<semaphore_mem>>, %arg13: memref<!tpu.dma_semaphore, #tpu.memory_space<semaphore_mem>>, %arg14: memref<!tpu.dma_semaphore, #tpu.memory_space<semaphore_mem>>, %arg15: memref<!tpu.dma_semaphore, #tpu.memory_space<semaphore_mem>>) attributes {dimension_semantics = [#tpu.dimension_semantics<core_parallel>, #tpu.dimension_semantics<subcore_parallel>], iteration_bounds = array<i64: 2, 16>, scalar_prefetch = 0 : i64, scratch_operands = 10 : i64, tpu.core_type = #tpu.core_type<sc_vector_subcore>, window_params = [{transform_indices = #map}, {transform_indices = #map}, {transform_indices = #map}, {transform_indices = #map1}]} {
    %mul3A = arith.constant 2 : i32
    %mul3A_0 = arith.muli %arg1, %mul3A : i32
    %add3A = arith.addi %mul3A_0, %arg0 : i32
    %mul3A_1 = arith.constant 128 : i32
    %mul3A_2 = arith.muli %add3A, %mul3A_1 : i32
    "tpu.region"() ({
      %run_scoped3A = tpu.sem_alloc : memref<!tpu.dma_semaphore, #tpu.memory_space<semaphore_mem>>
      %dma_start3A_48 = arith.constant 0 : i32
      %dma_start3A_49 = tpu.memref_slice %arg3[%dma_start3A_48, %mul3A_2] : memref<200x4096xi32, #tpu.memory_space<hbm>> -> memref<200x128xi32, #tpu.memory_space<hbm>>
      %dma_start3A_50 = arith.constant 0 : i32
      %dma_start3A_51 = tpu.memref_slice %arg3[%dma_start3A_50, %mul3A_2] : memref<200x4096xi32, #tpu.memory_space<hbm>> -> memref<200x128xi32, #tpu.memory_space<hbm>>
      tpu.enqueue_dma source(%dma_start3A_51 : memref<200x128xi32, #tpu.memory_space<hbm>>) target(%arg6 : memref<200x128xi32, #tpu.memory_space<vmem>>) target_semaphore(%run_scoped3A : memref<!tpu.dma_semaphore, #tpu.memory_space<semaphore_mem>>)
      %dma_wait3A_52 = arith.constant 0 : i32
      %dma_wait3A_53 = tpu.memref_slice %arg3[%dma_wait3A_52, %mul3A_2] : memref<200x4096xi32, #tpu.memory_space<hbm>> -> memref<200x128xi32, #tpu.memory_space<hbm>>
      %dma_wait3A_54 = arith.constant 0 : i32
      %dma_wait3A_55 = tpu.memref_slice %arg3[%dma_wait3A_54, %mul3A_2] : memref<200x4096xi32, #tpu.memory_space<hbm>> -> memref<200x128xi32, #tpu.memory_space<hbm>>
      tpu.wait_dma2 semaphore(%run_scoped3A : memref<!tpu.dma_semaphore, #tpu.memory_space<semaphore_mem>>) src(%dma_wait3A_55 : memref<200x128xi32, #tpu.memory_space<hbm>>) dst(%arg6 : memref<200x128xi32, #tpu.memory_space<vmem>>)
      tpu.yield
    }) : () -> ()
    "tpu.region"() ({
      %run_scoped3A = tpu.sem_alloc : memref<!tpu.dma_semaphore, #tpu.memory_space<semaphore_mem>>
      tpu.enqueue_dma source(%arg4 : memref<200x32xf32, #tpu.memory_space<hbm>>) target(%arg7 : memref<200x32xf32, #tpu.memory_space<vmem>>) target_semaphore(%run_scoped3A : memref<!tpu.dma_semaphore, #tpu.memory_space<semaphore_mem>>)
      tpu.wait_dma2 semaphore(%run_scoped3A : memref<!tpu.dma_semaphore, #tpu.memory_space<semaphore_mem>>) src(%arg4 : memref<200x32xf32, #tpu.memory_space<hbm>>) dst(%arg7 : memref<200x32xf32, #tpu.memory_space<vmem>>)
      tpu.yield
    }) : () -> ()
    %dma_start3A = arith.constant 0 : i32
    %dma_start3A_3 = arith.constant 0 : i32
    %dma_start3A_4 = tpu.memref_slice %arg6[%dma_start3A, %dma_start3A_3] : memref<200x128xi32, #tpu.memory_space<vmem>> -> memref<1x128xi32, #tpu.memory_space<vmem>>
    %dma_start3A_5 = tpu.memref_squeeze %dma_start3A_4 : memref<1x128xi32, #tpu.memory_space<vmem>> -> memref<128xi32, #tpu.memory_space<vmem>>
    %dma_start3A_6 = arith.constant 0 : i32
    %dma_start3A_7 = arith.constant 0 : i32
    %dma_start3A_8 = tpu.memref_slice %arg2[%dma_start3A_6, %dma_start3A_7] : memref<1007616x32xf32, #tpu.memory_space<hbm>> -> memref<1007616x32xf32, #tpu.memory_space<hbm>>
    tpu.enqueue_indirect_dma source(%dma_start3A_8 : memref<1007616x32xf32, #tpu.memory_space<hbm>>) target(%arg8 : memref<128x32xf32, #tpu.memory_space<vmem>>) offsets(%dma_start3A_5 : memref<128xi32, #tpu.memory_space<vmem>>) semaphore(%arg12 : memref<!tpu.dma_semaphore, #tpu.memory_space<semaphore_mem>>)
    %iota3A = tpu.iota {dimensions = array<i32: 0>} : vector<16xi32>
    %mul3A_9 = arith.constant 0 : i32
    %mul3A_10 = vector.broadcast %mul3A_9 : i32 to vector<16xi32>
    %mul3A_11 = arith.muli %iota3A, %mul3A_10 : vector<16xi32>
    %shift_right_arithmetic3A = arith.constant 3 : i32
    %shift_right_arithmetic3A_12 = vector.broadcast %shift_right_arithmetic3A : i32 to vector<16xi32>
    %shift_right_arithmetic3A_13 = arith.shrsi %iota3A, %shift_right_arithmetic3A_12 : vector<16xi32>
    %and3A = arith.constant 7 : i32
    %and3A_14 = vector.broadcast %and3A : i32 to vector<16xi32>
    %and3A_15 = arith.andi %iota3A, %and3A_14 : vector<16xi32>
    %add3A_16 = arith.constant 16 : i32
    %add3A_17 = vector.broadcast %add3A_16 : i32 to vector<16xi32>
    %add3A_18 = arith.addi %iota3A, %add3A_17 : vector<16xi32>
    %shift_right_arithmetic3A_19 = arith.constant 3 : i32
    %shift_right_arithmetic3A_20 = vector.broadcast %shift_right_arithmetic3A_19 : i32 to vector<16xi32>
    %shift_right_arithmetic3A_21 = arith.shrsi %add3A_18, %shift_right_arithmetic3A_20 : vector<16xi32>
    %and3A_22 = arith.constant 7 : i32
    %and3A_23 = vector.broadcast %and3A_22 : i32 to vector<16xi32>
    %and3A_24 = arith.andi %add3A_18, %and3A_23 : vector<16xi32>
    %scan3A = arith.constant 0 : i32
    %scan3A_25 = arith.constant 0 : i32
    %scan3A_26 = arith.constant 100 : i32
    %scan3A_27 = arith.addi %scan3A_25, %scan3A_26 : i32
    %scan3A_28 = arith.constant 1 : i32
    scf.for %scan3A_48 = %scan3A_25 to %scan3A_27 step %scan3A_28  : i32 {
      %mul3A_49 = arith.constant 2 : i32
      %mul3A_50 = arith.muli %scan3A_48, %mul3A_49 : i32
      %ge3A = arith.constant 1 : i32
      %ge3A_51 = arith.cmpi sge, %mul3A_50, %ge3A : i32
      %convert_element_type3A = arith.extui %ge3A_51 : i1 to i32
      %cond3A = arith.constant 0 : i32
      %cond3A_52 = arith.cmpi ne, %convert_element_type3A, %cond3A : i32
      scf.if %cond3A_52 {
        %sub3A = arith.constant 1 : i32
        %sub3A_3460 = arith.subi %mul3A_50, %sub3A : i32
        %dma_wait3A_3461 = arith.constant 0 : i32
        %dma_wait3A_3462 = arith.constant 0 : i32
        %dma_wait3A_3463 = arith.constant 0 : i32
        %dma_wait3A_3464 = tpu.memref_slice %arg11[%dma_wait3A_3461, %dma_wait3A_3462, %dma_wait3A_3463] : memref<4x8x129xf32, #tpu.memory_space<vmem>> -> memref<4x8x128xf32, #tpu.memory_space<vmem>>
        %dma_wait3A_3465 = arith.constant 0 : i32
        %dma_wait3A_3466 = arith.constant 0 : i32
        %dma_wait3A_3467 = arith.constant 0 : i32
        %dma_wait3A_3468 = tpu.memref_slice %arg5[%sub3A_3460, %dma_wait3A_3465, %add3A, %dma_wait3A_3466, %dma_wait3A_3467] : memref<200x4x32x8x128xf32, #tpu.memory_space<hbm>> -> memref<1x4x1x8x128xf32, #tpu.memory_space<hbm>>
        %dma_wait3A_3469 = tpu.memref_squeeze %dma_wait3A_3468 : memref<1x4x1x8x128xf32, #tpu.memory_space<hbm>> -> memref<4x8x128xf32, #tpu.memory_space<hbm>>
        %dma_wait3A_3470 = arith.constant 0 : i32
        %dma_wait3A_3471 = arith.constant 0 : i32
        %dma_wait3A_3472 = arith.constant 0 : i32
        %dma_wait3A_3473 = tpu.memref_slice %arg5[%sub3A_3460, %dma_wait3A_3470, %add3A, %dma_wait3A_3471, %dma_wait3A_3472] : memref<200x4x32x8x128xf32, #tpu.memory_space<hbm>> -> memref<1x4x1x8x128xf32, #tpu.memory_space<hbm>>
        %dma_wait3A_3474 = tpu.memref_squeeze %dma_wait3A_3473 : memref<1x4x1x8x128xf32, #tpu.memory_space<hbm>> -> memref<4x8x128xf32, #tpu.memory_space<hbm>>
        %dma_wait3A_3475 = arith.constant 0 : i32
        %dma_wait3A_3476 = arith.constant 0 : i32
        %dma_wait3A_3477 = arith.constant 0 : i32
        %dma_wait3A_3478 = tpu.memref_slice %arg11[%dma_wait3A_3475, %dma_wait3A_3476, %dma_wait3A_3477] : memref<4x8x129xf32, #tpu.memory_space<vmem>> -> memref<4x8x128xf32, #tpu.memory_space<vmem>>
        tpu.wait_dma2 semaphore(%arg15 : memref<!tpu.dma_semaphore, #tpu.memory_space<semaphore_mem>>) src(%dma_wait3A_3478 : memref<4x8x128xf32, #tpu.memory_space<vmem>>) dst(%dma_wait3A_3474 : memref<4x8x128xf32, #tpu.memory_space<hbm>>)
      } else {
      }
      %add3A_53 = arith.constant 1 : i32
      %add3A_54 = arith.addi %mul3A_50, %add3A_53 : i32
      %lt3A = arith.constant 200 : i32
      %lt3A_55 = arith.cmpi slt, %add3A_54, %lt3A : i32
      %convert_element_type3A_56 = arith.extui %lt3A_55 : i1 to i32
      %cond3A_57 = arith.constant 0 : i32
      %cond3A_58 = arith.cmpi ne, %convert_element_type3A_56, %cond3A_57 : i32
      scf.if %cond3A_58 {
        %add3A_3460 = arith.constant 1 : i32
        %add3A_3461 = arith.addi %mul3A_50, %add3A_3460 : i32
        %dma_start3A_3462 = arith.constant 0 : i32
        %dma_start3A_3463 = tpu.memref_slice %arg6[%add3A_3461, %dma_start3A_3462] : memref<200x128xi32, #tpu.memory_space<vmem>> -> memref<1x128xi32, #tpu.memory_space<vmem>>
        %dma_start3A_3464 = tpu.memref_squeeze %dma_start3A_3463 : memref<1x128xi32, #tpu.memory_space<vmem>> -> memref<128xi32, #tpu.memory_space<vmem>>
        %dma_start3A_3465 = arith.constant 0 : i32
        %dma_start3A_3466 = arith.constant 0 : i32
        %dma_start3A_3467 = tpu.memref_slice %arg2[%dma_start3A_3465, %dma_start3A_3466] : memref<1007616x32xf32, #tpu.memory_space<hbm>> -> memref<1007616x32xf32, #tpu.memory_space<hbm>>
        tpu.enqueue_indirect_dma source(%dma_start3A_3467 : memref<1007616x32xf32, #tpu.memory_space<hbm>>) target(%arg9 : memref<128x32xf32, #tpu.memory_space<vmem>>) offsets(%dma_start3A_3464 : memref<128xi32, #tpu.memory_space<vmem>>) semaphore(%arg13 : memref<!tpu.dma_semaphore, #tpu.memory_space<semaphore_mem>>)
      } else {
      }
      %dma_wait3A_59 = arith.constant 0 : i32
      %dma_wait3A_60 = tpu.memref_slice %arg6[%mul3A_50, %dma_wait3A_59] : memref<200x128xi32, #tpu.memory_space<vmem>> -> memref<1x128xi32, #tpu.memory_space<vmem>>
      %dma_wait3A_61 = tpu.memref_squeeze %dma_wait3A_60 : memref<1x128xi32, #tpu.memory_space<vmem>> -> memref<128xi32, #tpu.memory_space<vmem>>
      %dma_wait3A_62 = arith.constant 0 : i32
      %dma_wait3A_63 = arith.constant 0 : i32
      %dma_wait3A_64 = tpu.memref_slice %arg2[%dma_wait3A_62, %dma_wait3A_63] : memref<1007616x32xf32, #tpu.memory_space<hbm>> -> memref<1007616x32xf32, #tpu.memory_space<hbm>>
      tpu.wait_indirect_dma semaphore(%arg12 : memref<!tpu.dma_semaphore, #tpu.memory_space<semaphore_mem>>) src(%dma_wait3A_64 : memref<1007616x32xf32, #tpu.memory_space<hbm>>) dst(%arg8 : memref<128x32xf32, #tpu.memory_space<vmem>>)
      %get3A = arith.index_cast %mul3A_50 : i32 to index
      %get3A_65 = arith.constant 0 : index
      %get3A_66 = tpu.vector_load %arg7[%get3A, %get3A_65] {strides = array<i32>} : memref<200x32xf32, #tpu.memory_space<vmem>>, vector<16xf32>,
      %get3A_67 = arith.index_cast %mul3A_50 : i32 to index
      %get3A_68 = arith.constant 16 : index
      %get3A_69 = tpu.vector_load %arg7[%get3A_67, %get3A_68] {strides = array<i32>} : memref<200x32xf32, #tpu.memory_space<vmem>>, vector<16xf32>,
      %get3A_70 = arith.constant 0 : i32
      %get3A_71 = arith.index_cast %get3A_70 : i32 to index
      %get3A_72 = arith.constant 0 : index
      %get3A_73 = tpu.vector_load %arg8[%get3A_71, %get3A_72] {strides = array<i32>} : memref<128x32xf32, #tpu.memory_space<vmem>>, vector<16xf32>,
      %add3A_74 = arith.addf %get3A_73, %get3A_66 : vector<16xf32>
      %get3A_75 = arith.constant 1 : i32
      %get3A_76 = arith.index_cast %get3A_75 : i32 to index
      %get3A_77 = arith.constant 0 : index
      %get3A_78 = tpu.vector_load %arg8[%get3A_76, %get3A_77] {strides = array<i32>} : memref<128x32xf32, #tpu.memory_space<vmem>>, vector<16xf32>,
      %add3A_79 = arith.addf %get3A_78, %get3A_66 : vector<16xf32>
      %get3A_80 = arith.constant 2 : i32
      %get3A_81 = arith.index_cast %get3A_80 : i32 to index
      %get3A_82 = arith.constant 0 : index
      %get3A_83 = tpu.vector_load %arg8[%get3A_81, %get3A_82] {strides = array<i32>} : memref<128x32xf32, #tpu.memory_space<vmem>>, vector<16xf32>,
      %add3A_84 = arith.addf %get3A_83, %get3A_66 : vector<16xf32>
      %get3A_85 = arith.constant 3 : i32
      %get3A_86 = arith.index_cast %get3A_85 : i32 to index
      %get3A_87 = arith.constant 0 : index
      %get3A_88 = tpu.vector_load %arg8[%get3A_86, %get3A_87] {strides = array<i32>} : memref<128x32xf32, #tpu.memory_space<vmem>>, vector<16xf32>,
      %add3A_89 = arith.addf %get3A_88, %get3A_66 : vector<16xf32>
      %get3A_90 = arith.constant 4 : i32
      %get3A_91 = arith.index_cast %get3A_90 : i32 to index
      %get3A_92 = arith.constant 0 : index
      %get3A_93 = tpu.vector_load %arg8[%get3A_91, %get3A_92] {strides = array<i32>} : memref<128x32xf32, #tpu.memory_space<vmem>>, vector<16xf32>,
      %add3A_94 = arith.addf %get3A_93, %get3A_66 : vector<16xf32>
      %get3A_95 = arith.constant 5 : i32
      %get3A_96 = arith.index_cast %get3A_95 : i32 to index
      %get3A_97 = arith.constant 0 : index
      %get3A_98 = tpu.vector_load %arg8[%get3A_96, %get3A_97] {strides = array<i32>} : memref<128x32xf32, #tpu.memory_space<vmem>>, vector<16xf32>,
      %add3A_99 = arith.addf %get3A_98, %get3A_66 : vector<16xf32>
      %get3A_100 = arith.constant 6 : i32
      %get3A_101 = arith.index_cast %get3A_100 : i32 to index
      %get3A_102 = arith.constant 0 : index
      %get3A_103 = tpu.vector_load %arg8[%get3A_101, %get3A_102] {strides = array<i32>} : memref<128x32xf32, #tpu.memory_space<vmem>>, vector<16xf32>,
      %add3A_104 = arith.addf %get3A_103, %get3A_66 : vector<16xf32>
      %get3A_105 = arith.constant 7 : i32
      %get3A_106 = arith.index_cast %get3A_105 : i32 to index
      %get3A_107 = arith.constant 0 : index
      %get3A_108 = tpu.vector_load %arg8[%get3A_106, %get3A_107] {strides = array<i32>} : memref<128x32xf32, #tpu.memory_space<vmem>>, vector<16xf32>,
      %add3A_109 = arith.addf %get3A_108, %get3A_66 : vector<16xf32>
      %get3A_110 = arith.constant 0 : i32
      %get3A_111 = arith.index_cast %get3A_110 : i32 to index
      %get3A_112 = arith.constant 16 : index
      %get3A_113 = tpu.vector_load %arg8[%get3A_111, %get3A_112] {strides = array<i32>} : memref<128x32xf32, #tpu.memory_space<vmem>>, vector<16xf32>,
      %add3A_114 = arith.addf %get3A_113, %get3A_69 : vector<16xf32>
      %get3A_115 = arith.constant 1 : i32
      %get3A_116 = arith.index_cast %get3A_115 : i32 to index
      %get3A_117 = arith.constant 16 : index
      %get3A_118 = tpu.vector_load %arg8[%get3A_116, %get3A_117] {strides = array<i32>} : memref<128x32xf32, #tpu.memory_space<vmem>>, vector<16xf32>,
      %add3A_119 = arith.addf %get3A_118, %get3A_69 : vector<16xf32>
      %get3A_120 = arith.constant 2 : i32
      %get3A_121 = arith.index_cast %get3A_120 : i32 to index
      %get3A_122 = arith.constant 16 : index
      %get3A_123 = tpu.vector_load %arg8[%get3A_121, %get3A_122] {strides = array<i32>} : memref<128x32xf32, #tpu.memory_space<vmem>>, vector<16xf32>,
      %add3A_124 = arith.addf %get3A_123, %get3A_69 : vector<16xf32>
      %get3A_125 = arith.constant 3 : i32
      %get3A_126 = arith.index_cast %get3A_125 : i32 to index
      %get3A_127 = arith.constant 16 : index
      %get3A_128 = tpu.vector_load %arg8[%get3A_126, %get3A_127] {strides = array<i32>} : memref<128x32xf32, #tpu.memory_space<vmem>>, vector<16xf32>,
      %add3A_129 = arith.addf %get3A_128, %get3A_69 : vector<16xf32>
      %get3A_130 = arith.constant 4 : i32
      %get3A_131 = arith.index_cast %get3A_130 : i32 to index
      %get3A_132 = arith.constant 16 : index
      %get3A_133 = tpu.vector_load %arg8[%get3A_131, %get3A_132] {strides = array<i32>} : memref<128x32xf32, #tpu.memory_space<vmem>>, vector<16xf32>,
      %add3A_134 = arith.addf %get3A_133, %get3A_69 : vector<16xf32>
      %get3A_135 = arith.constant 5 : i32
      %get3A_136 = arith.index_cast %get3A_135 : i32 to index
      %get3A_137 = arith.constant 16 : index
      %get3A_138 = tpu.vector_load %arg8[%get3A_136, %get3A_137] {strides = array<i32>} : memref<128x32xf32, #tpu.memory_space<vmem>>, vector<16xf32>,
      %add3A_139 = arith.addf %get3A_138, %get3A_69 : vector<16xf32>
      %get3A_140 = arith.constant 6 : i32
      %get3A_141 = arith.index_cast %get3A_140 : i32 to index
      %get3A_142 = arith.constant 16 : index
      %get3A_143 = tpu.vector_load %arg8[%get3A_141, %get3A_142] {strides = array<i32>} : memref<128x32xf32, #tpu.memory_space<vmem>>, vector<16xf32>,
      %add3A_144 = arith.addf %get3A_143, %get3A_69 : vector<16xf32>
      %get3A_145 = arith.constant 7 : i32
      %get3A_146 = arith.index_cast %get3A_145 : i32 to index
      %get3A_147 = arith.constant 16 : index
      %get3A_148 = tpu.vector_load %arg8[%get3A_146, %get3A_147] {strides = array<i32>} : memref<128x32xf32, #tpu.memory_space<vmem>>, vector<16xf32>,
      %add3A_149 = arith.addf %get3A_148, %get3A_69 : vector<16xf32>
      %add3A_150 = arith.constant 0 : i32
      %add3A_151 = vector.broadcast %add3A_150 : i32 to vector<16xi32>
      %add3A_152 = arith.addi %mul3A_11, %add3A_151 : vector<16xi32>
      tpu.vector_store_idx %arg10[%shift_right_arithmetic3A_13, %and3A_15, %add3A_152], %add3A_74 : memref<4x8x129xf32, #tpu.memory_space<vmem>>[vector<16xi32>, vector<16xi32>, vector<16xi32>], vector<16xf32>,
      tpu.vector_store_idx %arg10[%shift_right_arithmetic3A_21, %and3A_24, %add3A_152], %add3A_114 : memref<4x8x129xf32, #tpu.memory_space<vmem>>[vector<16xi32>, vector<16xi32>, vector<16xi32>], vector<16xf32>,
      %add3A_153 = arith.constant 1 : i32
      %add3A_154 = vector.broadcast %add3A_153 : i32 to vector<16xi32>
      %add3A_155 = arith.addi %mul3A_11, %add3A_154 : vector<16xi32>
      tpu.vector_store_idx %arg10[%shift_right_arithmetic3A_13, %and3A_15, %add3A_155], %add3A_79 : memref<4x8x129xf32, #tpu.memory_space<vmem>>[vector<16xi32>, vector<16xi32>, vector<16xi32>], vector<16xf32>,
      tpu.vector_store_idx %arg10[%shift_right_arithmetic3A_21, %and3A_24, %add3A_155], %add3A_119 : memref<4x8x129xf32, #tpu.memory_space<vmem>>[vector<16xi32>, vector<16xi32>, vector<16xi32>], vector<16xf32>,
      %add3A_156 = arith.constant 2 : i32
      %add3A_157 = vector.broadcast %add3A_156 : i32 to vector<16xi32>
      %add3A_158 = arith.addi %mul3A_11, %add3A_157 : vector<16xi32>
      tpu.vector_store_idx %arg10[%shift_right_arithmetic3A_13, %and3A_15, %add3A_158], %add3A_84 : memref<4x8x129xf32, #tpu.memory_space<vmem>>[vector<16xi32>, vector<16xi32>, vector<16xi32>], vector<16xf32>,
      tpu.vector_store_idx %arg10[%shift_right_arithmetic3A_21, %and3A_24, %add3A_158], %add3A_124 : memref<4x8x129xf32, #tpu.memory_space<vmem>>[vector<16xi32>, vector<16xi32>, vector<16xi32>], vector<16xf32>,
      %add3A_159 = arith.constant 3 : i32
      %add3A_160 = vector.broadcast %add3A_159 : i32 to vector<16xi32>
      %add3A_161 = arith.addi %mul3A_11, %add3A_160 : vector<16xi32>
      tpu.vector_store_idx %arg10[%shift_right_arithmetic3A_13, %and3A_15, %add3A_161], %add3A_89 : memref<4x8x129xf32, #tpu.memory_space<vmem>>[vector<16xi32>, vector<16xi32>, vector<16xi32>], vector<16xf32>,
      tpu.vector_store_idx %arg10[%shift_right_arithmetic3A_21, %and3A_24, %add3A_161], %add3A_129 : memref<4x8x129xf32, #tpu.memory_space<vmem>>[vector<16xi32>, vector<16xi32>, vector<16xi32>], vector<16xf32>,
      %add3A_162 = arith.constant 4 : i32
      %add3A_163 = vector.broadcast %add3A_162 : i32 to vector<16xi32>
      %add3A_164 = arith.addi %mul3A_11, %add3A_163 : vector<16xi32>
      tpu.vector_store_idx %arg10[%shift_right_arithmetic3A_13, %and3A_15, %add3A_164], %add3A_94 : memref<4x8x129xf32, #tpu.memory_space<vmem>>[vector<16xi32>, vector<16xi32>, vector<16xi32>], vector<16xf32>,
      tpu.vector_store_idx %arg10[%shift_right_arithmetic3A_21, %and3A_24, %add3A_164], %add3A_134 : memref<4x8x129xf32, #tpu.memory_space<vmem>>[vector<16xi32>, vector<16xi32>, vector<16xi32>], vector<16xf32>,
      %add3A_165 = arith.constant 5 : i32
      %add3A_166 = vector.broadcast %add3A_165 : i32 to vector<16xi32>
      %add3A_167 = arith.addi %mul3A_11, %add3A_166 : vector<16xi32>
      tpu.vector_store_idx %arg10[%shift_right_arithmetic3A_13, %and3A_15, %add3A_167], %add3A_99 : memref<4x8x129xf32, #tpu.memory_space<vmem>>[vector<16xi32>, vector<16xi32>, vector<16xi32>], vector<16xf32>,
      tpu.vector_store_idx %arg10[%shift_right_arithmetic3A_21, %and3A_24, %add3A_167], %add3A_139 : memref<4x8x129xf32, #tpu.memory_space<vmem>>[vector<16xi32>, vector<16xi32>, vector<16xi32>], vector<16xf32>,
      %add3A_168 = arith.constant 6 : i32
      %add3A_169 = vector.broadcast %add3A_168 : i32 to vector<16xi32>
      %add3A_170 = arith.addi %mul3A_11, %add3A_169 : vector<16xi32>
      tpu.vector_store_idx %arg10[%shift_right_arithmetic3A_13, %and3A_15, %add3A_170], %add3A_104 : memref<4x8x129xf32, #tpu.memory_space<vmem>>[vector<16xi32>, vector<16xi32>, vector<16xi32>], vector<16xf32>,
      tpu.vector_store_idx %arg10[%shift_right_arithmetic3A_21, %and3A_24, %add3A_170], %add3A_144 : memref<4x8x129xf32, #tpu.memory_space<vmem>>[vector<16xi32>, vector<16xi32>, vector<16xi32>], vector<16xf32>,
      %add3A_171 = arith.constant 7 : i32
      %add3A_172 = vector.broadcast %add3A_171 : i32 to vector<16xi32>
      %add3A_173 = arith.addi %mul3A_11, %add3A_172 : vector<16xi32>
      tpu.vector_store_idx %arg10[%shift_right_arithmetic3A_13, %and3A_15, %add3A_173], %add3A_109 : memref<4x8x129xf32, #tpu.memory_space<vmem>>[vector<16xi32>, vector<16xi32>, vector<16xi32>], vector<16xf32>,
      tpu.vector_store_idx %arg10[%shift_right_arithmetic3A_21, %and3A_24, %add3A_173], %add3A_149 : memref<4x8x129xf32, #tpu.memory_space<vmem>>[vector<16xi32>, vector<16xi32>, vector<16xi32>], vector<16xf32>,
      %get3A_174 = arith.constant 8 : i32
      %get3A_175 = arith.index_cast %get3A_174 : i32 to index
      %get3A_176 = arith.constant 0 : index
      %get3A_177 = tpu.vector_load %arg8[%get3A_175, %get3A_176] {strides = array<i32>} : memref<128x32xf32, #tpu.memory_space<vmem>>, vector<16xf32>,
      %add3A_178 = arith.addf %get3A_177, %get3A_66 : vector<16xf32>
      %get3A_179 = arith.constant 9 : i32
      %get3A_180 = arith.index_cast %get3A_179 : i32 to index
      %get3A_181 = arith.constant 0 : index
      %get3A_182 = tpu.vector_load %arg8[%get3A_180, %get3A_181] {strides = array<i32>} : memref<128x32xf32, #tpu.memory_space<vmem>>, vector<16xf32>,
      %add3A_183 = arith.addf %get3A_182, %get3A_66 : vector<16xf32>
      %get3A_184 = arith.constant 10 : i32
      %get3A_185 = arith.index_cast %get3A_184 : i32 to index
      %get3A_186 = arith.constant 0 : index
      %get3A_187 = tpu.vector_load %arg8[%get3A_185, %get3A_186] {strides = array<i32>} : memref<128x32xf32, #tpu.memory_space<vmem>>, vector<16xf32>,
      %add3A_188 = arith.addf %get3A_187, %get3A_66 : vector<16xf32>
      %get3A_189 = arith.constant 11 : i32
      %get3A_190 = arith.index_cast %get3A_189 : i32 to index
      %get3A_191 = arith.constant 0 : index
      %get3A_192 = tpu.vector_load %arg8[%get3A_190, %get3A_191] {strides = array<i32>} : memref<128x32xf32, #tpu.memory_space<vmem>>, vector<16xf32>,
      %add3A_193 = arith.addf %get3A_192, %get3A_66 : vector<16xf32>
      %get3A_194 = arith.constant 12 : i32
      %get3A_195 = arith.index_cast %get3A_194 : i32 to index
      %get3A_196 = arith.constant 0 : index
      %get3A_197 = tpu.vector_load %arg8[%get3A_195, %get3A_196] {strides = array<i32>} : memref<128x32xf32, #tpu.memory_space<vmem>>, vector<16xf32>,
      %add3A_198 = arith.addf %get3A_197, %get3A_66 : vector<16xf32>
      %get3A_199 = arith.constant 13 : i32
      %get3A_200 = arith.index_cast %get3A_199 : i32 to index
      %get3A_201 = arith.constant 0 : index
      %get3A_202 = tpu.vector_load %arg8[%get3A_200, %get3A_201] {strides = array<i32>} : memref<128x32xf32, #tpu.memory_space<vmem>>, vector<16xf32>,
      %add3A_203 = arith.addf %get3A_202, %get3A_66 : vector<16xf32>
      %get3A_204 = arith.constant 14 : i32
      %get3A_205 = arith.index_cast %get3A_204 : i32 to index
      %get3A_206 = arith.constant 0 : index
      %get3A_207 = tpu.vector_load %arg8[%get3A_205, %get3A_206] {strides = array<i32>} : memref<128x32xf32, #tpu.memory_space<vmem>>, vector<16xf32>,
      %add3A_208 = arith.addf %get3A_207, %get3A_66 : vector<16xf32>
      %get3A_209 = arith.constant 15 : i32
      %get3A_210 = arith.index_cast %get3A_209 : i32 to index
      %get3A_211 = arith.constant 0 : index
      %get3A_212 = tpu.vector_load %arg8[%get3A_210, %get3A_211] {strides = array<i32>} : memref<128x32xf32, #tpu.memory_space<vmem>>, vector<16xf32>,
      %add3A_213 = arith.addf %get3A_212, %get3A_66 : vector<16xf32>
      %get3A_214 = arith.constant 8 : i32
      %get3A_215 = arith.index_cast %get3A_214 : i32 to index
      %get3A_216 = arith.constant 16 : index
      %get3A_217 = tpu.vector_load %arg8[%get3A_215, %get3A_216] {strides = array<i32>} : memref<128x32xf32, #tpu.memory_space<vmem>>, vector<16xf32>,
      %add3A_218 = arith.addf %get3A_217, %get3A_69 : vector<16xf32>
      %get3A_219 = arith.constant 9 : i32
      %get3A_220 = arith.index_cast %get3A_219 : i32 to index
      %get3A_221 = arith.constant 16 : index
      %get3A_222 = tpu.vector_load %arg8[%get3A_220, %get3A_221] {strides = array<i32>} : memref<128x32xf32, #tpu.memory_space<vmem>>, vector<16xf32>,
      %add3A_223 = arith.addf %get3A_222, %get3A_69 : vector<16xf32>
      %get3A_224 = arith.constant 10 : i32
      %get3A_225 = arith.index_cast %get3A_224 : i32 to index
      %get3A_226 = arith.constant 16 : index
      %get3A_227 = tpu.vector_load %arg8[%get3A_225, %get3A_226] {strides = array<i32>} : memref<128x32xf32, #tpu.memory_space<vmem>>, vector<16xf32>,
      %add3A_228 = arith.addf %get3A_227, %get3A_69 : vector<16xf32>
      %get3A_229 = arith.constant 11 : i32
      %get3A_230 = arith.index_cast %get3A_229 : i32 to index
      %get3A_231 = arith.constant 16 : index
      %get3A_232 = tpu.vector_load %arg8[%get3A_230, %get3A_231] {strides = array<i32>} : memref<128x32xf32, #tpu.memory_space<vmem>>, vector<16xf32>,
      %add3A_233 = arith.addf %get3A_232, %get3A_69 : vector<16xf32>
      %get3A_234 = arith.constant 12 : i32
      %get3A_235 = arith.index_cast %get3A_234 : i32 to index
      %get3A_236 = arith.constant 16 : index
      %get3A_237 = tpu.vector_load %arg8[%get3A_235, %get3A_236] {strides = array<i32>} : memref<128x32xf32, #tpu.memory_space<vmem>>, vector<16xf32>,
      %add3A_238 = arith.addf %get3A_237, %get3A_69 : vector<16xf32>
      %get3A_239 = arith.constant 13 : i32
      %get3A_240 = arith.index_cast %get3A_239 : i32 to index
      %get3A_241 = arith.constant 16 : index
      %get3A_242 = tpu.vector_load %arg8[%get3A_240, %get3A_241] {strides = array<i32>} : memref<128x32xf32, #tpu.memory_space<vmem>>, vector<16xf32>,
      %add3A_243 = arith.addf %get3A_242, %get3A_69 : vector<16xf32>
      %get3A_244 = arith.constant 14 : i32
      %get3A_245 = arith.index_cast %get3A_244 : i32 to index
      %get3A_246 = arith.constant 16 : index
      %get3A_247 = tpu.vector_load %arg8[%get3A_245, %get3A_246] {strides = array<i32>} : memref<128x32xf32, #tpu.memory_space<vmem>>, vector<16xf32>,
      %add3A_248 = arith.addf %get3A_247, %get3A_69 : vector<16xf32>
      %get3A_249 = arith.constant 15 : i32
      %get3A_250 = arith.index_cast %get3A_249 : i32 to index
      %get3A_251 = arith.constant 16 : index
      %get3A_252 = tpu.vector_load %arg8[%get3A_250, %get3A_251] {strides = array<i32>} : memref<128x32xf32, #tpu.memory_space<vmem>>, vector<16xf32>,
      %add3A_253 = arith.addf %get3A_252, %get3A_69 : vector<16xf32>
      %add3A_254 = arith.constant 8 : i32
      %add3A_255 = vector.broadcast %add3A_254 : i32 to vector<16xi32>
      %add3A_256 = arith.addi %mul3A_11, %add3A_255 : vector<16xi32>
      tpu.vector_store_idx %arg10[%shift_right_arithmetic3A_13, %and3A_15, %add3A_256], %add3A_178 : memref<4x8x129xf32, #tpu.memory_space<vmem>>[vector<16xi32>, vector<16xi32>, vector<16xi32>], vector<16xf32>,
      tpu.vector_store_idx %arg10[%shift_right_arithmetic3A_21, %and3A_24, %add3A_256], %add3A_218 : memref<4x8x129xf32, #tpu.memory_space<vmem>>[vector<16xi32>, vector<16xi32>, vector<16xi32>], vector<16xf32>,
      %add3A_257 = arith.constant 9 : i32
      %add3A_258 = vector.broadcast %add3A_257 : i32 to vector<16xi32>
      %add3A_259 = arith.addi %mul3A_11, %add3A_258 : vector<16xi32>
      tpu.vector_store_idx %arg10[%shift_right_arithmetic3A_13, %and3A_15, %add3A_259], %add3A_183 : memref<4x8x129xf32, #tpu.memory_space<vmem>>[vector<16xi32>, vector<16xi32>, vector<16xi32>], vector<16xf32>,
      tpu.vector_store_idx %arg10[%shift_right_arithmetic3A_21, %and3A_24, %add3A_259], %add3A_223 : memref<4x8x129xf32, #tpu.memory_space<vmem>>[vector<16xi32>, vector<16xi32>, vector<16xi32>], vector<16xf32>,
      %add3A_260 = arith.constant 10 : i32
      %add3A_261 = vector.broadcast %add3A_260 : i32 to vector<16xi32>
      %add3A_262 = arith.addi %mul3A_11, %add3A_261 : vector<16xi32>
      tpu.vector_store_idx %arg10[%shift_right_arithmetic3A_13, %and3A_15, %add3A_262], %add3A_188 : memref<4x8x129xf32, #tpu.memory_space<vmem>>[vector<16xi32>, vector<16xi32>, vector<16xi32>], vector<16xf32>,
      tpu.vector_store_idx %arg10[%shift_right_arithmetic3A_21, %and3A_24, %add3A_262], %add3A_228 : memref<4x8x129xf32, #tpu.memory_space<vmem>>[vector<16xi32>, vector<16xi32>, vector<16xi32>], vector<16xf32>,
      %add3A_263 = arith.constant 11 : i32
      %add3A_264 = vector.broadcast %add3A_263 : i32 to vector<16xi32>
      %add3A_265 = arith.addi %mul3A_11, %add3A_264 : vector<16xi32>
      tpu.vector_store_idx %arg10[%shift_right_arithmetic3A_13, %and3A_15, %add3A_265], %add3A_193 : memref<4x8x129xf32, #tpu.memory_space<vmem>>[vector<16xi32>, vector<16xi32>, vector<16xi32>], vector<16xf32>,
      tpu.vector_store_idx %arg10[%shift_right_arithmetic3A_21, %and3A_24, %add3A_265], %add3A_233 : memref<4x8x129xf32, #tpu.memory_space<vmem>>[vector<16xi32>, vector<16xi32>, vector<16xi32>], vector<16xf32>,
      %add3A_266 = arith.constant 12 : i32
      %add3A_267 = vector.broadcast %add3A_266 : i32 to vector<16xi32>
      %add3A_268 = arith.addi %mul3A_11, %add3A_267 : vector<16xi32>
      tpu.vector_store_idx %arg10[%shift_right_arithmetic3A_13, %and3A_15, %add3A_268], %add3A_198 : memref<4x8x129xf32, #tpu.memory_space<vmem>>[vector<16xi32>, vector<16xi32>, vector<16xi32>], vector<16xf32>,
      tpu.vector_store_idx %arg10[%shift_right_arithmetic3A_21, %and3A_24, %add3A_268], %add3A_238 : memref<4x8x129xf32, #tpu.memory_space<vmem>>[vector<16xi32>, vector<16xi32>, vector<16xi32>], vector<16xf32>,
      %add3A_269 = arith.constant 13 : i32
      %add3A_270 = vector.broadcast %add3A_269 : i32 to vector<16xi32>
      %add3A_271 = arith.addi %mul3A_11, %add3A_270 : vector<16xi32>
      tpu.vector_store_idx %arg10[%shift_right_arithmetic3A_13, %and3A_15, %add3A_271], %add3A_203 : memref<4x8x129xf32, #tpu.memory_space<vmem>>[vector<16xi32>, vector<16xi32>, vector<16xi32>], vector<16xf32>,
      tpu.vector_store_idx %arg10[%shift_right_arithmetic3A_21, %and3A_24, %add3A_271], %add3A_243 : memref<4x8x129xf32, #tpu.memory_space<vmem>>[vector<16xi32>, vector<16xi32>, vector<16xi32>], vector<16xf32>,
      %add3A_272 = arith.constant 14 : i32
      %add3A_273 = vector.broadcast %add3A_272 : i32 to vector<16xi32>
      %add3A_274 = arith.addi %mul3A_11, %add3A_273 : vector<16xi32>
      tpu.vector_store_idx %arg10[%shift_right_arithmetic3A_13, %and3A_15, %add3A_274], %add3A_208 : memref<4x8x129xf32, #tpu.memory_space<vmem>>[vector<16xi32>, vector<16xi32>, vector<16xi32>], vector<16xf32>,
      tpu.vector_store_idx %arg10[%shift_right_arithmetic3A_21, %and3A_24, %add3A_274], %add3A_248 : memref<4x8x129xf32, #tpu.memory_space<vmem>>[vector<16xi32>, vector<16xi32>, vector<16xi32>], vector<16xf32>,
      %add3A_275 = arith.constant 15 : i32
      %add3A_276 = vector.broadcast %add3A_275 : i32 to vector<16xi32>
      %add3A_277 = arith.addi %mul3A_11, %add3A_276 : vector<16xi32>
      tpu.vector_store_idx %arg10[%shift_right_arithmetic3A_13, %and3A_15, %add3A_277], %add3A_213 : memref<4x8x129xf32, #tpu.memory_space<vmem>>[vector<16xi32>, vector<16xi32>, vector<16xi32>], vector<16xf32>,
      tpu.vector_store_idx %arg10[%shift_right_arithmetic3A_21, %and3A_24, %add3A_277], %add3A_253 : memref<4x8x129xf32, #tpu.memory_space<vmem>>[vector<16xi32>, vector<16xi32>, vector<16xi32>], vector<16xf32>,
      %get3A_278 = arith.constant 16 : i32
      %get3A_279 = arith.index_cast %get3A_278 : i32 to index
      %get3A_280 = arith.constant 0 : index
      %get3A_281 = tpu.vector_load %arg8[%get3A_279, %get3A_280] {strides = array<i32>} : memref<128x32xf32, #tpu.memory_space<vmem>>, vector<16xf32>,
      %add3A_282 = arith.addf %get3A_281, %get3A_66 : vector<16xf32>
      %get3A_283 = arith.constant 17 : i32
      %get3A_284 = arith.index_cast %get3A_283 : i32 to index
      %get3A_285 = arith.constant 0 : index
      %get3A_286 = tpu.vector_load %arg8[%get3A_284, %get3A_285] {strides = array<i32>} : memref<128x32xf32, #tpu.memory_space<vmem>>, vector<16xf32>,
      %add3A_287 = arith.addf %get3A_286, %get3A_66 : vector<16xf32>
      %get3A_288 = arith.constant 18 : i32
      %get3A_289 = arith.index_cast %get3A_288 : i32 to index
      %get3A_290 = arith.constant 0 : index
      %get3A_291 = tpu.vector_load %arg8[%get3A_289, %get3A_290] {strides = array<i32>} : memref<128x32xf32, #tpu.memory_space<vmem>>, vector<16xf32>,
      %add3A_292 = arith.addf %get3A_291, %get3A_66 : vector<16xf32>
      %get3A_293 = arith.constant 19 : i32
      %get3A_294 = arith.index_cast %get3A_293 : i32 to index
      %get3A_295 = arith.constant 0 : index
      %get3A_296 = tpu.vector_load %arg8[%get3A_294, %get3A_295] {strides = array<i32>} : memref<128x32xf32, #tpu.memory_space<vmem>>, vector<16xf32>,
      %add3A_297 = arith.addf %get3A_296, %get3A_66 : vector<16xf32>
      %get3A_298 = arith.constant 20 : i32
      %get3A_299 = arith.index_cast %get3A_298 : i32 to index
      %get3A_300 = arith.constant 0 : index
      %get3A_301 = tpu.vector_load %arg8[%get3A_299, %get3A_300] {strides = array<i32>} : memref<128x32xf32, #tpu.memory_space<vmem>>, vector<16xf32>,
      %add3A_302 = arith.addf %get3A_301, %get3A_66 : vector<16xf32>
      %get3A_303 = arith.constant 21 : i32
      %get3A_304 = arith.index_cast %get3A_303 : i32 to index
      %get3A_305 = arith.constant 0 : index
      %get3A_306 = tpu.vector_load %arg8[%get3A_304, %get3A_305] {strides = array<i32>} : memref<128x32xf32, #tpu.memory_space<vmem>>, vector<16xf32>,
      %add3A_307 = arith.addf %get3A_306, %get3A_66 : vector<16xf32>
      %get3A_308 = arith.constant 22 : i32
      %get3A_309 = arith.index_cast %get3A_308 : i32 to index
      %get3A_310 = arith.constant 0 : index
      %get3A_311 = tpu.vector_load %arg8[%get3A_309, %get3A_310] {strides = array<i32>} : memref<128x32xf32, #tpu.memory_space<vmem>>, vector<16xf32>,
      %add3A_312 = arith.addf %get3A_311, %get3A_66 : vector<16xf32>
      %get3A_313 = arith.constant 23 : i32
      %get3A_314 = arith.index_cast %get3A_313 : i32 to index
      %get3A_315 = arith.constant 0 : index
      %get3A_316 = tpu.vector_load %arg8[%get3A_314, %get3A_315] {strides = array<i32>} : memref<128x32xf32, #tpu.memory_space<vmem>>, vector<16xf32>,
      %add3A_317 = arith.addf %get3A_316, %get3A_66 : vector<16xf32>
      %get3A_318 = arith.constant 16 : i32
      %get3A_319 = arith.index_cast %get3A_318 : i32 to index
      %get3A_320 = arith.constant 16 : index
      %get3A_321 = tpu.vector_load %arg8[%get3A_319, %get3A_320] {strides = array<i32>} : memref<128x32xf32, #tpu.memory_space<vmem>>, vector<16xf32>,
      %add3A_322 = arith.addf %get3A_321, %get3A_69 : vector<16xf32>
      %get3A_323 = arith.constant 17 : i32
      %get3A_324 = arith.index_cast %get3A_323 : i32 to index
      %get3A_325 = arith.constant 16 : index
      %get3A_326 = tpu.vector_load %arg8[%get3A_324, %get3A_325] {strides = array<i32>} : memref<128x32xf32, #tpu.memory_space<vmem>>, vector<16xf32>,
      %add3A_327 = arith.addf %get3A_326, %get3A_69 : vector<16xf32>
      %get3A_328 = arith.constant 18 : i32
      %get3A_329 = arith.index_cast %get3A_328 : i32 to index
      %get3A_330 = arith.constant 16 : index
      %get3A_331 = tpu.vector_load %arg8[%get3A_329, %get3A_330] {strides = array<i32>} : memref<128x32xf32, #tpu.memory_space<vmem>>, vector<16xf32>,
      %add3A_332 = arith.addf %get3A_331, %get3A_69 : vector<16xf32>
      %get3A_333 = arith.constant 19 : i32
      %get3A_334 = arith.index_cast %get3A_333 : i32 to index
      %get3A_335 = arith.constant 16 : index
      %get3A_336 = tpu.vector_load %arg8[%get3A_334, %get3A_335] {strides = array<i32>} : memref<128x32xf32, #tpu.memory_space<vmem>>, vector<16xf32>,
      %add3A_337 = arith.addf %get3A_336, %get3A_69 : vector<16xf32>
      %get3A_338 = arith.constant 20 : i32
      %get3A_339 = arith.index_cast %get3A_338 : i32 to index
      %get3A_340 = arith.constant 16 : index
      %get3A_341 = tpu.vector_load %arg8[%get3A_339, %get3A_340] {strides = array<i32>} : memref<128x32xf32, #tpu.memory_space<vmem>>, vector<16xf32>,
      %add3A_342 = arith.addf %get3A_341, %get3A_69 : vector<16xf32>
      %get3A_343 = arith.constant 21 : i32
      %get3A_344 = arith.index_cast %get3A_343 : i32 to index
      %get3A_345 = arith.constant 16 : index
      %get3A_346 = tpu.vector_load %arg8[%get3A_344, %get3A_345] {strides = array<i32>} : memref<128x32xf32, #tpu.memory_space<vmem>>, vector<16xf32>,
      %add3A_347 = arith.addf %get3A_346, %get3A_69 : vector<16xf32>
      %get3A_348 = arith.constant 22 : i32
      %get3A_349 = arith.index_cast %get3A_348 : i32 to index
      %get3A_350 = arith.constant 16 : index
      %get3A_351 = tpu.vector_load %arg8[%get3A_349, %get3A_350] {strides = array<i32>} : memref<128x32xf32, #tpu.memory_space<vmem>>, vector<16xf32>,
      %add3A_352 = arith.addf %get3A_351, %get3A_69 : vector<16xf32>
      %get3A_353 = arith.constant 23 : i32
      %get3A_354 = arith.index_cast %get3A_353 : i32 to index
      %get3A_355 = arith.constant 16 : index
      %get3A_356 = tpu.vector_load %arg8[%get3A_354, %get3A_355] {strides = array<i32>} : memref<128x32xf32, #tpu.memory_space<vmem>>, vector<16xf32>,
      %add3A_357 = arith.addf %get3A_356, %get3A_69 : vector<16xf32>
      %add3A_358 = arith.constant 16 : i32
      %add3A_359 = vector.broadcast %add3A_358 : i32 to vector<16xi32>
      %add3A_360 = arith.addi %mul3A_11, %add3A_359 : vector<16xi32>
      tpu.vector_store_idx %arg10[%shift_right_arithmetic3A_13, %and3A_15, %add3A_360], %add3A_282 : memref<4x8x129xf32, #tpu.memory_space<vmem>>[vector<16xi32>, vector<16xi32>, vector<16xi32>], vector<16xf32>,
      tpu.vector_store_idx %arg10[%shift_right_arithmetic3A_21, %and3A_24, %add3A_360], %add3A_322 : memref<4x8x129xf32, #tpu.memory_space<vmem>>[vector<16xi32>, vector<16xi32>, vector<16xi32>], vector<16xf32>,
      %add3A_361 = arith.constant 17 : i32
      %add3A_362 = vector.broadcast %add3A_361 : i32 to vector<16xi32>
      %add3A_363 = arith.addi %mul3A_11, %add3A_362 : vector<16xi32>
      tpu.vector_store_idx %arg10[%shift_right_arithmetic3A_13, %and3A_15, %add3A_363], %add3A_287 : memref<4x8x129xf32, #tpu.memory_space<vmem>>[vector<16xi32>, vector<16xi32>, vector<16xi32>], vector<16xf32>,
      tpu.vector_store_idx %arg10[%shift_right_arithmetic3A_21, %and3A_24, %add3A_363], %add3A_327 : memref<4x8x129xf32, #tpu.memory_space<vmem>>[vector<16xi32>, vector<16xi32>, vector<16xi32>], vector<16xf32>,
      %add3A_364 = arith.constant 18 : i32
      %add3A_365 = vector.broadcast %add3A_364 : i32 to vector<16xi32>
      %add3A_366 = arith.addi %mul3A_11, %add3A_365 : vector<16xi32>
      tpu.vector_store_idx %arg10[%shift_right_arithmetic3A_13, %and3A_15, %add3A_366], %add3A_292 : memref<4x8x129xf32, #tpu.memory_space<vmem>>[vector<16xi32>, vector<16xi32>, vector<16xi32>], vector<16xf32>,
      tpu.vector_store_idx %arg10[%shift_right_arithmetic3A_21, %and3A_24, %add3A_366], %add3A_332 : memref<4x8x129xf32, #tpu.memory_space<vmem>>[vector<16xi32>, vector<16xi32>, vector<16xi32>], vector<16xf32>,
      %add3A_367 = arith.constant 19 : i32
      %add3A_368 = vector.broadcast %add3A_367 : i32 to vector<16xi32>
      %add3A_369 = arith.addi %mul3A_11, %add3A_368 : vector<16xi32>
      tpu.vector_store_idx %arg10[%shift_right_arithmetic3A_13, %and3A_15, %add3A_369], %add3A_297 : memref<4x8x129xf32, #tpu.memory_space<vmem>>[vector<16xi32>, vector<16xi32>, vector<16xi32>], vector<16xf32>,
      tpu.vector_store_idx %arg10[%shift_right_arithmetic3A_21, %and3A_24, %add3A_369], %add3A_337 : memref<4x8x129xf32, #tpu.memory_space<vmem>>[vector<16xi32>, vector<16xi32>, vector<16xi32>], vector<16xf32>,
      %add3A_370 = arith.constant 20 : i32
      %add3A_371 = vector.broadcast %add3A_370 : i32 to vector<16xi32>
      %add3A_372 = arith.addi %mul3A_11, %add3A_371 : vector<16xi32>
      tpu.vector_store_idx %arg10[%shift_right_arithmetic3A_13, %and3A_15, %add3A_372], %add3A_302 : memref<4x8x129xf32, #tpu.memory_space<vmem>>[vector<16xi32>, vector<16xi32>, vector<16xi32>], vector<16xf32>,
      tpu.vector_store_idx %arg10[%shift_right_arithmetic3A_21, %and3A_24, %add3A_372], %add3A_342 : memref<4x8x129xf32, #tpu.memory_space<vmem>>[vector<16xi32>, vector<16xi32>, vector<16xi32>], vector<16xf32>,
      %add3A_373 = arith.constant 21 : i32
      %add3A_374 = vector.broadcast %add3A_373 : i32 to vector<16xi32>
      %add3A_375 = arith.addi %mul3A_11, %add3A_374 : vector<16xi32>
      tpu.vector_store_idx %arg10[%shift_right_arithmetic3A_13, %and3A_15, %add3A_375], %add3A_307 : memref<4x8x129xf32, #tpu.memory_space<vmem>>[vector<16xi32>, vector<16xi32>, vector<16xi32>], vector<16xf32>,
      tpu.vector_store_idx %arg10[%shift_right_arithmetic3A_21, %and3A_24, %add3A_375], %add3A_347 : memref<4x8x129xf32, #tpu.memory_space<vmem>>[vector<16xi32>, vector<16xi32>, vector<16xi32>], vector<16xf32>,
      %add3A_376 = arith.constant 22 : i32
      %add3A_377 = vector.broadcast %add3A_376 : i32 to vector<16xi32>
      %add3A_378 = arith.addi %mul3A_11, %add3A_377 : vector<16xi32>
      tpu.vector_store_idx %arg10[%shift_right_arithmetic3A_13, %and3A_15, %add3A_378], %add3A_312 : memref<4x8x129xf32, #tpu.memory_space<vmem>>[vector<16xi32>, vector<16xi32>, vector<16xi32>], vector<16xf32>,
      tpu.vector_store_idx %arg10[%shift_right_arithmetic3A_21, %and3A_24, %add3A_378], %add3A_352 : memref<4x8x129xf32, #tpu.memory_space<vmem>>[vector<16xi32>, vector<16xi32>, vector<16xi32>], vector<16xf32>,
      %add3A_379 = arith.constant 23 : i32
      %add3A_380 = vector.broadcast %add3A_379 : i32 to vector<16xi32>
      %add3A_381 = arith.addi %mul3A_11, %add3A_380 : vector<16xi32>
      tpu.vector_store_idx %arg10[%shift_right_arithmetic3A_13, %and3A_15, %add3A_381], %add3A_317 : memref<4x8x129xf32, #tpu.memory_space<vmem>>[vector<16xi32>, vector<16xi32>, vector<16xi32>], vector<16xf32>,
      tpu.vector_store_idx %arg10[%shift_right_arithmetic3A_21, %and3A_24, %add3A_381], %add3A_357 : memref<4x8x129xf32, #tpu.memory_space<vmem>>[vector<16xi32>, vector<16xi32>, vector<16xi32>], vector<16xf32>,
      %get3A_382 = arith.constant 24 : i32
      %get3A_383 = arith.index_cast %get3A_382 : i32 to index
      %get3A_384 = arith.constant 0 : index
      %get3A_385 = tpu.vector_load %arg8[%get3A_383, %get3A_384] {strides = array<i32>} : memref<128x32xf32, #tpu.memory_space<vmem>>, vector<16xf32>,
      %add3A_386 = arith.addf %get3A_385, %get3A_66 : vector<16xf32>
      %get3A_387 = arith.constant 25 : i32
      %get3A_388 = arith.index_cast %get3A_387 : i32 to index
      %get3A_389 = arith.constant 0 : index
      %get3A_390 = tpu.vector_load %arg8[%get3A_388, %get3A_389] {strides = array<i32>} : memref<128x32xf32, #tpu.memory_space<vmem>>, vector<16xf32>,
      %add3A_391 = arith.addf %get3A_390, %get3A_66 : vector<16xf32>
      %get3A_392 = arith.constant 26 : i32
      %get3A_393 = arith.index_cast %get3A_392 : i32 to index
      %get3A_394 = arith.constant 0 : index
      %get3A_395 = tpu.vector_load %arg8[%get3A_393, %get3A_394] {strides = array<i32>} : memref<128x32xf32, #tpu.memory_space<vmem>>, vector<16xf32>,
      %add3A_396 = arith.addf %get3A_395, %get3A_66 : vector<16xf32>
      %get3A_397 = arith.constant 27 : i32
      %get3A_398 = arith.index_cast %get3A_397 : i32 to index
      %get3A_399 = arith.constant 0 : index
      %get3A_400 = tpu.vector_load %arg8[%get3A_398, %get3A_399] {strides = array<i32>} : memref<128x32xf32, #tpu.memory_space<vmem>>, vector<16xf32>,
      %add3A_401 = arith.addf %get3A_400, %get3A_66 : vector<16xf32>
      %get3A_402 = arith.constant 28 : i32
      %get3A_403 = arith.index_cast %get3A_402 : i32 to index
      %get3A_404 = arith.constant 0 : index
      %get3A_405 = tpu.vector_load %arg8[%get3A_403, %get3A_404] {strides = array<i32>} : memref<128x32xf32, #tpu.memory_space<vmem>>, vector<16xf32>,
      %add3A_406 = arith.addf %get3A_405, %get3A_66 : vector<16xf32>
      %get3A_407 = arith.constant 29 : i32
      %get3A_408 = arith.index_cast %get3A_407 : i32 to index
      %get3A_409 = arith.constant 0 : index
      %get3A_410 = tpu.vector_load %arg8[%get3A_408, %get3A_409] {strides = array<i32>} : memref<128x32xf32, #tpu.memory_space<vmem>>, vector<16xf32>,
      %add3A_411 = arith.addf %get3A_410, %get3A_66 : vector<16xf32>
      %get3A_412 = arith.constant 30 : i32
      %get3A_413 = arith.index_cast %get3A_412 : i32 to index
      %get3A_414 = arith.constant 0 : index
      %get3A_415 = tpu.vector_load %arg8[%get3A_413, %get3A_414] {strides = array<i32>} : memref<128x32xf32, #tpu.memory_space<vmem>>, vector<16xf32>,
      %add3A_416 = arith.addf %get3A_415, %get3A_66 : vector<16xf32>
      %get3A_417 = arith.constant 31 : i32
      %get3A_418 = arith.index_cast %get3A_417 : i32 to index
      %get3A_419 = arith.constant 0 : index
      %get3A_420 = tpu.vector_load %arg8[%get3A_418, %get3A_419] {strides = array<i32>} : memref<128x32xf32, #tpu.memory_space<vmem>>, vector<16xf32>,
      %add3A_421 = arith.addf %get3A_420, %get3A_66 : vector<16xf32>
      %get3A_422 = arith.constant 24 : i32
      %get3A_423 = arith.index_cast %get3A_422 : i32 to index
      %get3A_424 = arith.constant 16 : index
      %get3A_425 = tpu.vector_load %arg8[%get3A_423, %get3A_424] {strides = array<i32>} : memref<128x32xf32, #tpu.memory_space<vmem>>, vector<16xf32>,
      %add3A_426 = arith.addf %get3A_425, %get3A_69 : vector<16xf32>
      %get3A_427 = arith.constant 25 : i32
      %get3A_428 = arith.index_cast %get3A_427 : i32 to index
      %get3A_429 = arith.constant 16 : index
      %get3A_430 = tpu.vector_load %arg8[%get3A_428, %get3A_429] {strides = array<i32>} : memref<128x32xf32, #tpu.memory_space<vmem>>, vector<16xf32>,
      %add3A_431 = arith.addf %get3A_430, %get3A_69 : vector<16xf32>
      %get3A_432 = arith.constant 26 : i32
      %get3A_433 = arith.index_cast %get3A_432 : i32 to index
      %get3A_434 = arith.constant 16 : index
      %get3A_435 = tpu.vector_load %arg8[%get3A_433, %get3A_434] {strides = array<i32>} : memref<128x32xf32, #tpu.memory_space<vmem>>, vector<16xf32>,
      %add3A_436 = arith.addf %get3A_435, %get3A_69 : vector<16xf32>
      %get3A_437 = arith.constant 27 : i32
      %get3A_438 = arith.index_cast %get3A_437 : i32 to index
      %get3A_439 = arith.constant 16 : index
      %get3A_440 = tpu.vector_load %arg8[%get3A_438, %get3A_439] {strides = array<i32>} : memref<128x32xf32, #tpu.memory_space<vmem>>, vector<16xf32>,
      %add3A_441 = arith.addf %get3A_440, %get3A_69 : vector<16xf32>
      %get3A_442 = arith.constant 28 : i32
      %get3A_443 = arith.index_cast %get3A_442 : i32 to index
      %get3A_444 = arith.constant 16 : index
      %get3A_445 = tpu.vector_load %arg8[%get3A_443, %get3A_444] {strides = array<i32>} : memref<128x32xf32, #tpu.memory_space<vmem>>, vector<16xf32>,
      %add3A_446 = arith.addf %get3A_445, %get3A_69 : vector<16xf32>
      %get3A_447 = arith.constant 29 : i32
      %get3A_448 = arith.index_cast %get3A_447 : i32 to index
      %get3A_449 = arith.constant 16 : index
      %get3A_450 = tpu.vector_load %arg8[%get3A_448, %get3A_449] {strides = array<i32>} : memref<128x32xf32, #tpu.memory_space<vmem>>, vector<16xf32>,
      %add3A_451 = arith.addf %get3A_450, %get3A_69 : vector<16xf32>
      %get3A_452 = arith.constant 30 : i32
      %get3A_453 = arith.index_cast %get3A_452 : i32 to index
      %get3A_454 = arith.constant 16 : index
      %get3A_455 = tpu.vector_load %arg8[%get3A_453, %get3A_454] {strides = array<i32>} : memref<128x32xf32, #tpu.memory_space<vmem>>, vector<16xf32>,
      %add3A_456 = arith.addf %get3A_455, %get3A_69 : vector<16xf32>
      %get3A_457 = arith.constant 31 : i32
      %get3A_458 = arith.index_cast %get3A_457 : i32 to index
      %get3A_459 = arith.constant 16 : index
      %get3A_460 = tpu.vector_load %arg8[%get3A_458, %get3A_459] {strides = array<i32>} : memref<128x32xf32, #tpu.memory_space<vmem>>, vector<16xf32>,
      %add3A_461 = arith.addf %get3A_460, %get3A_69 : vector<16xf32>
      %add3A_462 = arith.constant 24 : i32
      %add3A_463 = vector.broadcast %add3A_462 : i32 to vector<16xi32>
      %add3A_464 = arith.addi %mul3A_11, %add3A_463 : vector<16xi32>
      tpu.vector_store_idx %arg10[%shift_right_arithmetic3A_13, %and3A_15, %add3A_464], %add3A_386 : memref<4x8x129xf32, #tpu.memory_space<vmem>>[vector<16xi32>, vector<16xi32>, vector<16xi32>], vector<16xf32>,
      tpu.vector_store_idx %arg10[%shift_right_arithmetic3A_21, %and3A_24, %add3A_464], %add3A_426 : memref<4x8x129xf32, #tpu.memory_space<vmem>>[vector<16xi32>, vector<16xi32>, vector<16xi32>], vector<16xf32>,
      %add3A_465 = arith.constant 25 : i32
      %add3A_466 = vector.broadcast %add3A_465 : i32 to vector<16xi32>
      %add3A_467 = arith.addi %mul3A_11, %add3A_466 : vector<16xi32>
      tpu.vector_store_idx %arg10[%shift_right_arithmetic3A_13, %and3A_15, %add3A_467], %add3A_391 : memref<4x8x129xf32, #tpu.memory_space<vmem>>[vector<16xi32>, vector<16xi32>, vector<16xi32>], vector<16xf32>,
      tpu.vector_store_idx %arg10[%shift_right_arithmetic3A_21, %and3A_24, %add3A_467], %add3A_431 : memref<4x8x129xf32, #tpu.memory_space<vmem>>[vector<16xi32>, vector<16xi32>, vector<16xi32>], vector<16xf32>,
      %add3A_468 = arith.constant 26 : i32
      %add3A_469 = vector.broadcast %add3A_468 : i32 to vector<16xi32>
      %add3A_470 = arith.addi %mul3A_11, %add3A_469 : vector<16xi32>
      tpu.vector_store_idx %arg10[%shift_right_arithmetic3A_13, %and3A_15, %add3A_470], %add3A_396 : memref<4x8x129xf32, #tpu.memory_space<vmem>>[vector<16xi32>, vector<16xi32>, vector<16xi32>], vector<16xf32>,
      tpu.vector_store_idx %arg10[%shift_right_arithmetic3A_21, %and3A_24, %add3A_470], %add3A_436 : memref<4x8x129xf32, #tpu.memory_space<vmem>>[vector<16xi32>, vector<16xi32>, vector<16xi32>], vector<16xf32>,
      %add3A_471 = arith.constant 27 : i32
      %add3A_472 = vector.broadcast %add3A_471 : i32 to vector<16xi32>
      %add3A_473 = arith.addi %mul3A_11, %add3A_472 : vector<16xi32>
      tpu.vector_store_idx %arg10[%shift_right_arithmetic3A_13, %and3A_15, %add3A_473], %add3A_401 : memref<4x8x129xf32, #tpu.memory_space<vmem>>[vector<16xi32>, vector<16xi32>, vector<16xi32>], vector<16xf32>,
      tpu.vector_store_idx %arg10[%shift_right_arithmetic3A_21, %and3A_24, %add3A_473], %add3A_441 : memref<4x8x129xf32, #tpu.memory_space<vmem>>[vector<16xi32>, vector<16xi32>, vector<16xi32>], vector<16xf32>,
      %add3A_474 = arith.constant 28 : i32
      %add3A_475 = vector.broadcast %add3A_474 : i32 to vector<16xi32>
      %add3A_476 = arith.addi %mul3A_11, %add3A_475 : vector<16xi32>
      tpu.vector_store_idx %arg10[%shift_right_arithmetic3A_13, %and3A_15, %add3A_476], %add3A_406 : memref<4x8x129xf32, #tpu.memory_space<vmem>>[vector<16xi32>, vector<16xi32>, vector<16xi32>], vector<16xf32>,
      tpu.vector_store_idx %arg10[%shift_right_arithmetic3A_21, %and3A_24, %add3A_476], %add3A_446 : memref<4x8x129xf32, #tpu.memory_space<vmem>>[vector<16xi32>, vector<16xi32>, vector<16xi32>], vector<16xf32>,
      %add3A_477 = arith.constant 29 : i32
      %add3A_478 = vector.broadcast %add3A_477 : i32 to vector<16xi32>
      %add3A_479 = arith.addi %mul3A_11, %add3A_478 : vector<16xi32>
      tpu.vector_store_idx %arg10[%shift_right_arithmetic3A_13, %and3A_15, %add3A_479], %add3A_411 : memref<4x8x129xf32, #tpu.memory_space<vmem>>[vector<16xi32>, vector<16xi32>, vector<16xi32>], vector<16xf32>,
      tpu.vector_store_idx %arg10[%shift_right_arithmetic3A_21, %and3A_24, %add3A_479], %add3A_451 : memref<4x8x129xf32, #tpu.memory_space<vmem>>[vector<16xi32>, vector<16xi32>, vector<16xi32>], vector<16xf32>,
      %add3A_480 = arith.constant 30 : i32
      %add3A_481 = vector.broadcast %add3A_480 : i32 to vector<16xi32>
      %add3A_482 = arith.addi %mul3A_11, %add3A_481 : vector<16xi32>
      tpu.vector_store_idx %arg10[%shift_right_arithmetic3A_13, %and3A_15, %add3A_482], %add3A_416 : memref<4x8x129xf32, #tpu.memory_space<vmem>>[vector<16xi32>, vector<16xi32>, vector<16xi32>], vector<16xf32>,
      tpu.vector_store_idx %arg10[%shift_right_arithmetic3A_21, %and3A_24, %add3A_482], %add3A_456 : memref<4x8x129xf32, #tpu.memory_space<vmem>>[vector<16xi32>, vector<16xi32>, vector<16xi32>], vector<16xf32>,
      %add3A_483 = arith.constant 31 : i32
      %add3A_484 = vector.broadcast %add3A_483 : i32 to vector<16xi32>
      %add3A_485 = arith.addi %mul3A_11, %add3A_484 : vector<16xi32>
      tpu.vector_store_idx %arg10[%shift_right_arithmetic3A_13, %and3A_15, %add3A_485], %add3A_421 : memref<4x8x129xf32, #tpu.memory_space<vmem>>[vector<16xi32>, vector<16xi32>, vector<16xi32>], vector<16xf32>,
      tpu.vector_store_idx %arg10[%shift_right_arithmetic3A_21, %and3A_24, %add3A_485], %add3A_461 : memref<4x8x129xf32, #tpu.memory_space<vmem>>[vector<16xi32>, vector<16xi32>, vector<16xi32>], vector<16xf32>,
      %get3A_486 = arith.constant 32 : i32
      %get3A_487 = arith.index_cast %get3A_486 : i32 to index
      %get3A_488 = arith.constant 0 : index
      %get3A_489 = tpu.vector_load %arg8[%get3A_487, %get3A_488] {strides = array<i32>} : memref<128x32xf32, #tpu.memory_space<vmem>>, vector<16xf32>,
      %add3A_490 = arith.addf %get3A_489, %get3A_66 : vector<16xf32>
      %get3A_491 = arith.constant 33 : i32
      %get3A_492 = arith.index_cast %get3A_491 : i32 to index
      %get3A_493 = arith.constant 0 : index
      %get3A_494 = tpu.vector_load %arg8[%get3A_492, %get3A_493] {strides = array<i32>} : memref<128x32xf32, #tpu.memory_space<vmem>>, vector<16xf32>,
      %add3A_495 = arith.addf %get3A_494, %get3A_66 : vector<16xf32>
      %get3A_496 = arith.constant 34 : i32
      %get3A_497 = arith.index_cast %get3A_496 : i32 to index
      %get3A_498 = arith.constant 0 : index
      %get3A_499 = tpu.vector_load %arg8[%get3A_497, %get3A_498] {strides = array<i32>} : memref<128x32xf32, #tpu.memory_space<vmem>>, vector<16xf32>,
      %add3A_500 = arith.addf %get3A_499, %get3A_66 : vector<16xf32>
      %get3A_501 = arith.constant 35 : i32
      %get3A_502 = arith.index_cast %get3A_501 : i32 to index
      %get3A_503 = arith.constant 0 : index
      %get3A_504 = tpu.vector_load %arg8[%get3A_502, %get3A_503] {strides = array<i32>} : memref<128x32xf32, #tpu.memory_space<vmem>>, vector<16xf32>,
      %add3A_505 = arith.addf %get3A_504, %get3A_66 : vector<16xf32>
      %get3A_506 = arith.constant 36 : i32
      %get3A_507 = arith.index_cast %get3A_506 : i32 to index
      %get3A_508 = arith.constant 0 : index
      %get3A_509 = tpu.vector_load %arg8[%get3A_507, %get3A_508] {strides = array<i32>} : memref<128x32xf32, #tpu.memory_space<vmem>>, vector<16xf32>,
      %add3A_510 = arith.addf %get3A_509, %get3A_66 : vector<16xf32>
      %get3A_511 = arith.constant 37 : i32
      %get3A_512 = arith.index_cast %get3A_511 : i32 to index
      %get3A_513 = arith.constant 0 : index
      %get3A_514 = tpu.vector_load %arg8[%get3A_512, %get3A_513] {strides = array<i32>} : memref<128x32xf32, #tpu.memory_space<vmem>>, vector<16xf32>,
      %add3A_515 = arith.addf %get3A_514, %get3A_66 : vector<16xf32>
      %get3A_516 = arith.constant 38 : i32
      %get3A_517 = arith.index_cast %get3A_516 : i32 to index
      %get3A_518 = arith.constant 0 : index
      %get3A_519 = tpu.vector_load %arg8[%get3A_517, %get3A_518] {strides = array<i32>} : memref<128x32xf32, #tpu.memory_space<vmem>>, vector<16xf32>,
      %add3A_520 = arith.addf %get3A_519, %get3A_66 : vector<16xf32>
      %get3A_521 = arith.constant 39 : i32
      %get3A_522 = arith.index_cast %get3A_521 : i32 to index
      %get3A_523 = arith.constant 0 : index
      %get3A_524 = tpu.vector_load %arg8[%get3A_522, %get3A_523] {strides = array<i32>} : memref<128x32xf32, #tpu.memory_space<vmem>>, vector<16xf32>,
      %add3A_525 = arith.addf %get3A_524, %get3A_66 : vector<16xf32>
      %get3A_526 = arith.constant 32 : i32
      %get3A_527 = arith.index_cast %get3A_526 : i32 to index
      %get3A_528 = arith.constant 16 : index
      %get3A_529 = tpu.vector_load %arg8[%get3A_527, %get3A_528] {strides = array<i32>} : memref<128x32xf32, #tpu.memory_space<vmem>>, vector<16xf32>,
      %add3A_530 = arith.addf %get3A_529, %get3A_69 : vector<16xf32>
      %get3A_531 = arith.constant 33 : i32
      %get3A_532 = arith.index_cast %get3A_531 : i32 to index
      %get3A_533 = arith.constant 16 : index
      %get3A_534 = tpu.vector_load %arg8[%get3A_532, %get3A_533] {strides = array<i32>} : memref<128x32xf32, #tpu.memory_space<vmem>>, vector<16xf32>,
      %add3A_535 = arith.addf %get3A_534, %get3A_69 : vector<16xf32>
      %get3A_536 = arith.constant 34 : i32
      %get3A_537 = arith.index_cast %get3A_536 : i32 to index
      %get3A_538 = arith.constant 16 : index
      %get3A_539 = tpu.vector_load %arg8[%get3A_537, %get3A_538] {strides = array<i32>} : memref<128x32xf32, #tpu.memory_space<vmem>>, vector<16xf32>,
      %add3A_540 = arith.addf %get3A_539, %get3A_69 : vector<16xf32>
      %get3A_541 = arith.constant 35 : i32
      %get3A_542 = arith.index_cast %get3A_541 : i32 to index
      %get3A_543 = arith.constant 16 : index
      %get3A_544 = tpu.vector_load %arg8[%get3A_542, %get3A_543] {strides = array<i32>} : memref<128x32xf32, #tpu.memory_space<vmem>>, vector<16xf32>,
      %add3A_545 = arith.addf %get3A_544, %get3A_69 : vector<16xf32>
      %get3A_546 = arith.constant 36 : i32
      %get3A_547 = arith.index_cast %get3A_546 : i32 to index
      %get3A_548 = arith.constant 16 : index
      %get3A_549 = tpu.vector_load %arg8[%get3A_547, %get3A_548] {strides = array<i32>} : memref<128x32xf32, #tpu.memory_space<vmem>>, vector<16xf32>,
      %add3A_550 = arith.addf %get3A_549, %get3A_69 : vector<16xf32>
      %get3A_551 = arith.constant 37 : i32
      %get3A_552 = arith.index_cast %get3A_551 : i32 to index
      %get3A_553 = arith.constant 16 : index
      %get3A_554 = tpu.vector_load %arg8[%get3A_552, %get3A_553] {strides = array<i32>} : memref<128x32xf32, #tpu.memory_space<vmem>>, vector<16xf32>,
      %add3A_555 = arith.addf %get3A_554, %get3A_69 : vector<16xf32>
      %get3A_556 = arith.constant 38 : i32
      %get3A_557 = arith.index_cast %get3A_556 : i32 to index
      %get3A_558 = arith.constant 16 : index
      %get3A_559 = tpu.vector_load %arg8[%get3A_557, %get3A_558] {strides = array<i32>} : memref<128x32xf32, #tpu.memory_space<vmem>>, vector<16xf32>,
      %add3A_560 = arith.addf %get3A_559, %get3A_69 : vector<16xf32>
      %get3A_561 = arith.constant 39 : i32
      %get3A_562 = arith.index_cast %get3A_561 : i32 to index
      %get3A_563 = arith.constant 16 : index
      %get3A_564 = tpu.vector_load %arg8[%get3A_562, %get3A_563] {strides = array<i32>} : memref<128x32xf32, #tpu.memory_space<vmem>>, vector<16xf32>,
      %add3A_565 = arith.addf %get3A_564, %get3A_69 : vector<16xf32>
      %add3A_566 = arith.constant 32 : i32
      %add3A_567 = vector.broadcast %add3A_566 : i32 to vector<16xi32>
      %add3A_568 = arith.addi %mul3A_11, %add3A_567 : vector<16xi32>
      tpu.vector_store_idx %arg10[%shift_right_arithmetic3A_13, %and3A_15, %add3A_568], %add3A_490 : memref<4x8x129xf32, #tpu.memory_space<vmem>>[vector<16xi32>, vector<16xi32>, vector<16xi32>], vector<16xf32>,
      tpu.vector_store_idx %arg10[%shift_right_arithmetic3A_21, %and3A_24, %add3A_568], %add3A_530 : memref<4x8x129xf32, #tpu.memory_space<vmem>>[vector<16xi32>, vector<16xi32>, vector<16xi32>], vector<16xf32>,
      %add3A_569 = arith.constant 33 : i32
      %add3A_570 = vector.broadcast %add3A_569 : i32 to vector<16xi32>
      %add3A_571 = arith.addi %mul3A_11, %add3A_570 : vector<16xi32>
      tpu.vector_store_idx %arg10[%shift_right_arithmetic3A_13, %and3A_15, %add3A_571], %add3A_495 : memref<4x8x129xf32, #tpu.memory_space<vmem>>[vector<16xi32>, vector<16xi32>, vector<16xi32>], vector<16xf32>,
      tpu.vector_store_idx %arg10[%shift_right_arithmetic3A_21, %and3A_24, %add3A_571], %add3A_535 : memref<4x8x129xf32, #tpu.memory_space<vmem>>[vector<16xi32>, vector<16xi32>, vector<16xi32>], vector<16xf32>,
      %add3A_572 = arith.constant 34 : i32
      %add3A_573 = vector.broadcast %add3A_572 : i32 to vector<16xi32>
      %add3A_574 = arith.addi %mul3A_11, %add3A_573 : vector<16xi32>
      tpu.vector_store_idx %arg10[%shift_right_arithmetic3A_13, %and3A_15, %add3A_574], %add3A_500 : memref<4x8x129xf32, #tpu.memory_space<vmem>>[vector<16xi32>, vector<16xi32>, vector<16xi32>], vector<16xf32>,
      tpu.vector_store_idx %arg10[%shift_right_arithmetic3A_21, %and3A_24, %add3A_574], %add3A_540 : memref<4x8x129xf32, #tpu.memory_space<vmem>>[vector<16xi32>, vector<16xi32>, vector<16xi32>], vector<16xf32>,
      %add3A_575 = arith.constant 35 : i32
      %add3A_576 = vector.broadcast %add3A_575 : i32 to vector<16xi32>
      %add3A_577 = arith.addi %mul3A_11, %add3A_576 : vector<16xi32>
      tpu.vector_store_idx %arg10[%shift_right_arithmetic3A_13, %and3A_15, %add3A_577], %add3A_505 : memref<4x8x129xf32, #tpu.memory_space<vmem>>[vector<16xi32>, vector<16xi32>, vector<16xi32>], vector<16xf32>,
      tpu.vector_store_idx %arg10[%shift_right_arithmetic3A_21, %and3A_24, %add3A_577], %add3A_545 : memref<4x8x129xf32, #tpu.memory_space<vmem>>[vector<16xi32>, vector<16xi32>, vector<16xi32>], vector<16xf32>,
      %add3A_578 = arith.constant 36 : i32
      %add3A_579 = vector.broadcast %add3A_578 : i32 to vector<16xi32>
      %add3A_580 = arith.addi %mul3A_11, %add3A_579 : vector<16xi32>
      tpu.vector_store_idx %arg10[%shift_right_arithmetic3A_13, %and3A_15, %add3A_580], %add3A_510 : memref<4x8x129xf32, #tpu.memory_space<vmem>>[vector<16xi32>, vector<16xi32>, vector<16xi32>], vector<16xf32>,
      tpu.vector_store_idx %arg10[%shift_right_arithmetic3A_21, %and3A_24, %add3A_580], %add3A_550 : memref<4x8x129xf32, #tpu.memory_space<vmem>>[vector<16xi32>, vector<16xi32>, vector<16xi32>], vector<16xf32>,
      %add3A_581 = arith.constant 37 : i32
      %add3A_582 = vector.broadcast %add3A_581 : i32 to vector<16xi32>
      %add3A_583 = arith.addi %mul3A_11, %add3A_582 : vector<16xi32>
      tpu.vector_store_idx %arg10[%shift_right_arithmetic3A_13, %and3A_15, %add3A_583], %add3A_515 : memref<4x8x129xf32, #tpu.memory_space<vmem>>[vector<16xi32>, vector<16xi32>, vector<16xi32>], vector<16xf32>,
      tpu.vector_store_idx %arg10[%shift_right_arithmetic3A_21, %and3A_24, %add3A_583], %add3A_555 : memref<4x8x129xf32, #tpu.memory_space<vmem>>[vector<16xi32>, vector<16xi32>, vector<16xi32>], vector<16xf32>,
      %add3A_584 = arith.constant 38 : i32
      %add3A_585 = vector.broadcast %add3A_584 : i32 to vector<16xi32>
      %add3A_586 = arith.addi %mul3A_11, %add3A_585 : vector<16xi32>
      tpu.vector_store_idx %arg10[%shift_right_arithmetic3A_13, %and3A_15, %add3A_586], %add3A_520 : memref<4x8x129xf32, #tpu.memory_space<vmem>>[vector<16xi32>, vector<16xi32>, vector<16xi32>], vector<16xf32>,
      tpu.vector_store_idx %arg10[%shift_right_arithmetic3A_21, %and3A_24, %add3A_586], %add3A_560 : memref<4x8x129xf32, #tpu.memory_space<vmem>>[vector<16xi32>, vector<16xi32>, vector<16xi32>], vector<16xf32>,
      %add3A_587 = arith.constant 39 : i32
      %add3A_588 = vector.broadcast %add3A_587 : i32 to vector<16xi32>
      %add3A_589 = arith.addi %mul3A_11, %add3A_588 : vector<16xi32>
      tpu.vector_store_idx %arg10[%shift_right_arithmetic3A_13, %and3A_15, %add3A_589], %add3A_525 : memref<4x8x129xf32, #tpu.memory_space<vmem>>[vector<16xi32>, vector<16xi32>, vector<16xi32>], vector<16xf32>,
      tpu.vector_store_idx %arg10[%shift_right_arithmetic3A_21, %and3A_24, %add3A_589], %add3A_565 : memref<4x8x129xf32, #tpu.memory_space<vmem>>[vector<16xi32>, vector<16xi32>, vector<16xi32>], vector<16xf32>,
      %get3A_590 = arith.constant 40 : i32
      %get3A_591 = arith.index_cast %get3A_590 : i32 to index
      %get3A_592 = arith.constant 0 : index
      %get3A_593 = tpu.vector_load %arg8[%get3A_591, %get3A_592] {strides = array<i32>} : memref<128x32xf32, #tpu.memory_space<vmem>>, vector<16xf32>,
      %add3A_594 = arith.addf %get3A_593, %get3A_66 : vector<16xf32>
      %get3A_595 = arith.constant 41 : i32
      %get3A_596 = arith.index_cast %get3A_595 : i32 to index
      %get3A_597 = arith.constant 0 : index
      %get3A_598 = tpu.vector_load %arg8[%get3A_596, %get3A_597] {strides = array<i32>} : memref<128x32xf32, #tpu.memory_space<vmem>>, vector<16xf32>,
      %add3A_599 = arith.addf %get3A_598, %get3A_66 : vector<16xf32>
      %get3A_600 = arith.constant 42 : i32
      %get3A_601 = arith.index_cast %get3A_600 : i32 to index
      %get3A_602 = arith.constant 0 : index
      %get3A_603 = tpu.vector_load %arg8[%get3A_601, %get3A_602] {strides = array<i32>} : memref<128x32xf32, #tpu.memory_space<vmem>>, vector<16xf32>,
      %add3A_604 = arith.addf %get3A_603, %get3A_66 : vector<16xf32>
      %get3A_605 = arith.constant 43 : i32
      %get3A_606 = arith.index_cast %get3A_605 : i32 to index
      %get3A_607 = arith.constant 0 : index
      %get3A_608 = tpu.vector_load %arg8[%get3A_606, %get3A_607] {strides = array<i32>} : memref<128x32xf32, #tpu.memory_space<vmem>>, vector<16xf32>,
      %add3A_609 = arith.addf %get3A_608, %get3A_66 : vector<16xf32>
      %get3A_610 = arith.constant 44 : i32
      %get3A_611 = arith.index_cast %get3A_610 : i32 to index
      %get3A_612 = arith.constant 0 : index
      %get3A_613 = tpu.vector_load %arg8[%get3A_611, %get3A_612] {strides = array<i32>} : memref<128x32xf32, #tpu.memory_space<vmem>>, vector<16xf32>,
      %add3A_614 = arith.addf %get3A_613, %get3A_66 : vector<16xf32>
      %get3A_615 = arith.constant 45 : i32
      %get3A_616 = arith.index_cast %get3A_615 : i32 to index
      %get3A_617 = arith.constant 0 : index
      %get3A_618 = tpu.vector_load %arg8[%get3A_616, %get3A_617] {strides = array<i32>} : memref<128x32xf32, #tpu.memory_space<vmem>>, vector<16xf32>,
      %add3A_619 = arith.addf %get3A_618, %get3A_66 : vector<16xf32>
      %get3A_620 = arith.constant 46 : i32
      %get3A_621 = arith.index_cast %get3A_620 : i32 to index
      %get3A_622 = arith.constant 0 : index
      %get3A_623 = tpu.vector_load %arg8[%get3A_621, %get3A_622] {strides = array<i32>} : memref<128x32xf32, #tpu.memory_space<vmem>>, vector<16xf32>,
      %add3A_624 = arith.addf %get3A_623, %get3A_66 : vector<16xf32>
      %get3A_625 = arith.constant 47 : i32
      %get3A_626 = arith.index_cast %get3A_625 : i32 to index
      %get3A_627 = arith.constant 0 : index
      %get3A_628 = tpu.vector_load %arg8[%get3A_626, %get3A_627] {strides = array<i32>} : memref<128x32xf32, #tpu.memory_space<vmem>>, vector<16xf32>,
      %add3A_629 = arith.addf %get3A_628, %get3A_66 : vector<16xf32>
      %get3A_630 = arith.constant 40 : i32
      %get3A_631 = arith.index_cast %get3A_630 : i32 to index
      %get3A_632 = arith.constant 16 : index
      %get3A_633 = tpu.vector_load %arg8[%get3A_631, %get3A_632] {strides = array<i32>} : memref<128x32xf32, #tpu.memory_space<vmem>>, vector<16xf32>,
      %add3A_634 = arith.addf %get3A_633, %get3A_69 : vector<16xf32>
      %get3A_635 = arith.constant 41 : i32
      %get3A_636 = arith.index_cast %get3A_635 : i32 to index
      %get3A_637 = arith.constant 16 : index
      %get3A_638 = tpu.vector_load %arg8[%get3A_636, %get3A_637] {strides = array<i32>} : memref<128x32xf32, #tpu.memory_space<vmem>>, vector<16xf32>,
      %add3A_639 = arith.addf %get3A_638, %get3A_69 : vector<16xf32>
      %get3A_640 = arith.constant 42 : i32
      %get3A_641 = arith.index_cast %get3A_640 : i32 to index
      %get3A_642 = arith.constant 16 : index
      %get3A_643 = tpu.vector_load %arg8[%get3A_641, %get3A_642] {strides = array<i32>} : memref<128x32xf32, #tpu.memory_space<vmem>>, vector<16xf32>,
      %add3A_644 = arith.addf %get3A_643, %get3A_69 : vector<16xf32>
      %get3A_645 = arith.constant 43 : i32
      %get3A_646 = arith.index_cast %get3A_645 : i32 to index
      %get3A_647 = arith.constant 16 : index
      %get3A_648 = tpu.vector_load %arg8[%get3A_646, %get3A_647] {strides = array<i32>} : memref<128x32xf32, #tpu.memory_space<vmem>>, vector<16xf32>,
      %add3A_649 = arith.addf %get3A_648, %get3A_69 : vector<16xf32>
      %get3A_650 = arith.constant 44 : i32
      %get3A_651 = arith.index_cast %get3A_650 : i32 to index
      %get3A_652 = arith.constant 16 : index
      %get3A_653 = tpu.vector_load %arg8[%get3A_651, %get3A_652] {strides = array<i32>} : memref<128x32xf32, #tpu.memory_space<vmem>>, vector<16xf32>,
      %add3A_654 = arith.addf %get3A_653, %get3A_69 : vector<16xf32>
      %get3A_655 = arith.constant 45 : i32
      %get3A_656 = arith.index_cast %get3A_655 : i32 to index
      %get3A_657 = arith.constant 16 : index
      %get3A_658 = tpu.vector_load %arg8[%get3A_656, %get3A_657] {strides = array<i32>} : memref<128x32xf32, #tpu.memory_space<vmem>>, vector<16xf32>,
      %add3A_659 = arith.addf %get3A_658, %get3A_69 : vector<16xf32>
      %get3A_660 = arith.constant 46 : i32
      %get3A_661 = arith.index_cast %get3A_660 : i32 to index
      %get3A_662 = arith.constant 16 : index
      %get3A_663 = tpu.vector_load %arg8[%get3A_661, %get3A_662] {strides = array<i32>} : memref<128x32xf32, #tpu.memory_space<vmem>>, vector<16xf32>,
      %add3A_664 = arith.addf %get3A_663, %get3A_69 : vector<16xf32>
      %get3A_665 = arith.constant 47 : i32
      %get3A_666 = arith.index_cast %get3A_665 : i32 to index
      %get3A_667 = arith.constant 16 : index
      %get3A_668 = tpu.vector_load %arg8[%get3A_666, %get3A_667] {strides = array<i32>} : memref<128x32xf32, #tpu.memory_space<vmem>>, vector<16xf32>,
      %add3A_669 = arith.addf %get3A_668, %get3A_69 : vector<16xf32>
      %add3A_670 = arith.constant 40 : i32
      %add3A_671 = vector.broadcast %add3A_670 : i32 to vector<16xi32>
      %add3A_672 = arith.addi %mul3A_11, %add3A_671 : vector<16xi32>
      tpu.vector_store_idx %arg10[%shift_right_arithmetic3A_13, %and3A_15, %add3A_672], %add3A_594 : memref<4x8x129xf32, #tpu.memory_space<vmem>>[vector<16xi32>, vector<16xi32>, vector<16xi32>], vector<16xf32>,
      tpu.vector_store_idx %arg10[%shift_right_arithmetic3A_21, %and3A_24, %add3A_672], %add3A_634 : memref<4x8x129xf32, #tpu.memory_space<vmem>>[vector<16xi32>, vector<16xi32>, vector<16xi32>], vector<16xf32>,
      %add3A_673 = arith.constant 41 : i32
      %add3A_674 = vector.broadcast %add3A_673 : i32 to vector<16xi32>
      %add3A_675 = arith.addi %mul3A_11, %add3A_674 : vector<16xi32>
      tpu.vector_store_idx %arg10[%shift_right_arithmetic3A_13, %and3A_15, %add3A_675], %add3A_599 : memref<4x8x129xf32, #tpu.memory_space<vmem>>[vector<16xi32>, vector<16xi32>, vector<16xi32>], vector<16xf32>,
      tpu.vector_store_idx %arg10[%shift_right_arithmetic3A_21, %and3A_24, %add3A_675], %add3A_639 : memref<4x8x129xf32, #tpu.memory_space<vmem>>[vector<16xi32>, vector<16xi32>, vector<16xi32>], vector<16xf32>,
      %add3A_676 = arith.constant 42 : i32
      %add3A_677 = vector.broadcast %add3A_676 : i32 to vector<16xi32>
      %add3A_678 = arith.addi %mul3A_11, %add3A_677 : vector<16xi32>
      tpu.vector_store_idx %arg10[%shift_right_arithmetic3A_13, %and3A_15, %add3A_678], %add3A_604 : memref<4x8x129xf32, #tpu.memory_space<vmem>>[vector<16xi32>, vector<16xi32>, vector<16xi32>], vector<16xf32>,
      tpu.vector_store_idx %arg10[%shift_right_arithmetic3A_21, %and3A_24, %add3A_678], %add3A_644 : memref<4x8x129xf32, #tpu.memory_space<vmem>>[vector<16xi32>, vector<16xi32>, vector<16xi32>], vector<16xf32>,
      %add3A_679 = arith.constant 43 : i32
      %add3A_680 = vector.broadcast %add3A_679 : i32 to vector<16xi32>
      %add3A_681 = arith.addi %mul3A_11, %add3A_680 : vector<16xi32>
      tpu.vector_store_idx %arg10[%shift_right_arithmetic3A_13, %and3A_15, %add3A_681], %add3A_609 : memref<4x8x129xf32, #tpu.memory_space<vmem>>[vector<16xi32>, vector<16xi32>, vector<16xi32>], vector<16xf32>,
      tpu.vector_store_idx %arg10[%shift_right_arithmetic3A_21, %and3A_24, %add3A_681], %add3A_649 : memref<4x8x129xf32, #tpu.memory_space<vmem>>[vector<16xi32>, vector<16xi32>, vector<16xi32>], vector<16xf32>,
      %add3A_682 = arith.constant 44 : i32
      %add3A_683 = vector.broadcast %add3A_682 : i32 to vector<16xi32>
      %add3A_684 = arith.addi %mul3A_11, %add3A_683 : vector<16xi32>
      tpu.vector_store_idx %arg10[%shift_right_arithmetic3A_13, %and3A_15, %add3A_684], %add3A_614 : memref<4x8x129xf32, #tpu.memory_space<vmem>>[vector<16xi32>, vector<16xi32>, vector<16xi32>], vector<16xf32>,
      tpu.vector_store_idx %arg10[%shift_right_arithmetic3A_21, %and3A_24, %add3A_684], %add3A_654 : memref<4x8x129xf32, #tpu.memory_space<vmem>>[vector<16xi32>, vector<16xi32>, vector<16xi32>], vector<16xf32>,
      %add3A_685 = arith.constant 45 : i32
      %add3A_686 = vector.broadcast %add3A_685 : i32 to vector<16xi32>
      %add3A_687 = arith.addi %mul3A_11, %add3A_686 : vector<16xi32>
      tpu.vector_store_idx %arg10[%shift_right_arithmetic3A_13, %and3A_15, %add3A_687], %add3A_619 : memref<4x8x129xf32, #tpu.memory_space<vmem>>[vector<16xi32>, vector<16xi32>, vector<16xi32>], vector<16xf32>,
      tpu.vector_store_idx %arg10[%shift_right_arithmetic3A_21, %and3A_24, %add3A_687], %add3A_659 : memref<4x8x129xf32, #tpu.memory_space<vmem>>[vector<16xi32>, vector<16xi32>, vector<16xi32>], vector<16xf32>,
      %add3A_688 = arith.constant 46 : i32
      %add3A_689 = vector.broadcast %add3A_688 : i32 to vector<16xi32>
      %add3A_690 = arith.addi %mul3A_11, %add3A_689 : vector<16xi32>
      tpu.vector_store_idx %arg10[%shift_right_arithmetic3A_13, %and3A_15, %add3A_690], %add3A_624 : memref<4x8x129xf32, #tpu.memory_space<vmem>>[vector<16xi32>, vector<16xi32>, vector<16xi32>], vector<16xf32>,
      tpu.vector_store_idx %arg10[%shift_right_arithmetic3A_21, %and3A_24, %add3A_690], %add3A_664 : memref<4x8x129xf32, #tpu.memory_space<vmem>>[vector<16xi32>, vector<16xi32>, vector<16xi32>], vector<16xf32>,
      %add3A_691 = arith.constant 47 : i32
      %add3A_692 = vector.broadcast %add3A_691 : i32 to vector<16xi32>
      %add3A_693 = arith.addi %mul3A_11, %add3A_692 : vector<16xi32>
      tpu.vector_store_idx %arg10[%shift_right_arithmetic3A_13, %and3A_15, %add3A_693], %add3A_629 : memref<4x8x129xf32, #tpu.memory_space<vmem>>[vector<16xi32>, vector<16xi32>, vector<16xi32>], vector<16xf32>,
      tpu.vector_store_idx %arg10[%shift_right_arithmetic3A_21, %and3A_24, %add3A_693], %add3A_669 : memref<4x8x129xf32, #tpu.memory_space<vmem>>[vector<16xi32>, vector<16xi32>, vector<16xi32>], vector<16xf32>,
      %get3A_694 = arith.constant 48 : i32
      %get3A_695 = arith.index_cast %get3A_694 : i32 to index
      %get3A_696 = arith.constant 0 : index
      %get3A_697 = tpu.vector_load %arg8[%get3A_695, %get3A_696] {strides = array<i32>} : memref<128x32xf32, #tpu.memory_space<vmem>>, vector<16xf32>,
      %add3A_698 = arith.addf %get3A_697, %get3A_66 : vector<16xf32>
      %get3A_699 = arith.constant 49 : i32
      %get3A_700 = arith.index_cast %get3A_699 : i32 to index
      %get3A_701 = arith.constant 0 : index
      %get3A_702 = tpu.vector_load %arg8[%get3A_700, %get3A_701] {strides = array<i32>} : memref<128x32xf32, #tpu.memory_space<vmem>>, vector<16xf32>,
      %add3A_703 = arith.addf %get3A_702, %get3A_66 : vector<16xf32>
      %get3A_704 = arith.constant 50 : i32
      %get3A_705 = arith.index_cast %get3A_704 : i32 to index
      %get3A_706 = arith.constant 0 : index
      %get3A_707 = tpu.vector_load %arg8[%get3A_705, %get3A_706] {strides = array<i32>} : memref<128x32xf32, #tpu.memory_space<vmem>>, vector<16xf32>,
      %add3A_708 = arith.addf %get3A_707, %get3A_66 : vector<16xf32>
      %get3A_709 = arith.constant 51 : i32
      %get3A_710 = arith.index_cast %get3A_709 : i32 to index
      %get3A_711 = arith.constant 0 : index
      %get3A_712 = tpu.vector_load %arg8[%get3A_710, %get3A_711] {strides = array<i32>} : memref<128x32xf32, #tpu.memory_space<vmem>>, vector<16xf32>,
      %add3A_713 = arith.addf %get3A_712, %get3A_66 : vector<16xf32>
      %get3A_714 = arith.constant 52 : i32
      %get3A_715 = arith.index_cast %get3A_714 : i32 to index
      %get3A_716 = arith.constant 0 : index
      %get3A_717 = tpu.vector_load %arg8[%get3A_715, %get3A_716] {strides = array<i32>} : memref<128x32xf32, #tpu.memory_space<vmem>>, vector<16xf32>,
      %add3A_718 = arith.addf %get3A_717, %get3A_66 : vector<16xf32>
      %get3A_719 = arith.constant 53 : i32
      %get3A_720 = arith.index_cast %get3A_719 : i32 to index
      %get3A_721 = arith.constant 0 : index
      %get3A_722 = tpu.vector_load %arg8[%get3A_720, %get3A_721] {strides = array<i32>} : memref<128x32xf32, #tpu.memory_space<vmem>>, vector<16xf32>,
      %add3A_723 = arith.addf %get3A_722, %get3A_66 : vector<16xf32>
      %get3A_724 = arith.constant 54 : i32
      %get3A_725 = arith.index_cast %get3A_724 : i32 to index
      %get3A_726 = arith.constant 0 : index
      %get3A_727 = tpu.vector_load %arg8[%get3A_725, %get3A_726] {strides = array<i32>} : memref<128x32xf32, #tpu.memory_space<vmem>>, vector<16xf32>,
      %add3A_728 = arith.addf %get3A_727, %get3A_66 : vector<16xf32>
      %get3A_729 = arith.constant 55 : i32
      %get3A_730 = arith.index_cast %get3A_729 : i32 to index
      %get3A_731 = arith.constant 0 : index
      %get3A_732 = tpu.vector_load %arg8[%get3A_730, %get3A_731] {strides = array<i32>} : memref<128x32xf32, #tpu.memory_space<vmem>>, vector<16xf32>,
      %add3A_733 = arith.addf %get3A_732, %get3A_66 : vector<16xf32>
      %get3A_734 = arith.constant 48 : i32
      %get3A_735 = arith.index_cast %get3A_734 : i32 to index
      %get3A_736 = arith.constant 16 : index
      %get3A_737 = tpu.vector_load %arg8[%get3A_735, %get3A_736] {strides = array<i32>} : memref<128x32xf32, #tpu.memory_space<vmem>>, vector<16xf32>,
      %add3A_738 = arith.addf %get3A_737, %get3A_69 : vector<16xf32>
      %get3A_739 = arith.constant 49 : i32
      %get3A_740 = arith.index_cast %get3A_739 : i32 to index
      %get3A_741 = arith.constant 16 : index
      %get3A_742 = tpu.vector_load %arg8[%get3A_740, %get3A_741] {strides = array<i32>} : memref<128x32xf32, #tpu.memory_space<vmem>>, vector<16xf32>,
      %add3A_743 = arith.addf %get3A_742, %get3A_69 : vector<16xf32>
      %get3A_744 = arith.constant 50 : i32
      %get3A_745 = arith.index_cast %get3A_744 : i32 to index
      %get3A_746 = arith.constant 16 : index
      %get3A_747 = tpu.vector_load %arg8[%get3A_745, %get3A_746] {strides = array<i32>} : memref<128x32xf32, #tpu.memory_space<vmem>>, vector<16xf32>,
      %add3A_748 = arith.addf %get3A_747, %get3A_69 : vector<16xf32>
      %get3A_749 = arith.constant 51 : i32
      %get3A_750 = arith.index_cast %get3A_749 : i32 to index
      %get3A_751 = arith.constant 16 : index
      %get3A_752 = tpu.vector_load %arg8[%get3A_750, %get3A_751] {strides = array<i32>} : memref<128x32xf32, #tpu.memory_space<vmem>>, vector<16xf32>,
      %add3A_753 = arith.addf %get3A_752, %get3A_69 : vector<16xf32>
      %get3A_754 = arith.constant 52 : i32
      %get3A_755 = arith.index_cast %get3A_754 : i32 to index
      %get3A_756 = arith.constant 16 : index
      %get3A_757 = tpu.vector_load %arg8[%get3A_755, %get3A_756] {strides = array<i32>} : memref<128x32xf32, #tpu.memory_space<vmem>>, vector<16xf32>,
      %add3A_758 = arith.addf %get3A_757, %get3A_69 : vector<16xf32>
      %get3A_759 = arith.constant 53 : i32
      %get3A_760 = arith.index_cast %get3A_759 : i32 to index
      %get3A_761 = arith.constant 16 : index
      %get3A_762 = tpu.vector_load %arg8[%get3A_760, %get3A_761] {strides = array<i32>} : memref<128x32xf32, #tpu.memory_space<vmem>>, vector<16xf32>,
      %add3A_763 = arith.addf %get3A_762, %get3A_69 : vector<16xf32>
      %get3A_764 = arith.constant 54 : i32
      %get3A_765 = arith.index_cast %get3A_764 : i32 to index
      %get3A_766 = arith.constant 16 : index
      %get3A_767 = tpu.vector_load %arg8[%get3A_765, %get3A_766] {strides = array<i32>} : memref<128x32xf32, #tpu.memory_space<vmem>>, vector<16xf32>,
      %add3A_768 = arith.addf %get3A_767, %get3A_69 : vector<16xf32>
      %get3A_769 = arith.constant 55 : i32
      %get3A_770 = arith.index_cast %get3A_769 : i32 to index
      %get3A_771 = arith.constant 16 : index
      %get3A_772 = tpu.vector_load %arg8[%get3A_770, %get3A_771] {strides = array<i32>} : memref<128x32xf32, #tpu.memory_space<vmem>>, vector<16xf32>,
      %add3A_773 = arith.addf %get3A_772, %get3A_69 : vector<16xf32>
      %add3A_774 = arith.constant 48 : i32
      %add3A_775 = vector.broadcast %add3A_774 : i32 to vector<16xi32>
      %add3A_776 = arith.addi %mul3A_11, %add3A_775 : vector<16xi32>
      tpu.vector_store_idx %arg10[%shift_right_arithmetic3A_13, %and3A_15, %add3A_776], %add3A_698 : memref<4x8x129xf32, #tpu.memory_space<vmem>>[vector<16xi32>, vector<16xi32>, vector<16xi32>], vector<16xf32>,
      tpu.vector_store_idx %arg10[%shift_right_arithmetic3A_21, %and3A_24, %add3A_776], %add3A_738 : memref<4x8x129xf32, #tpu.memory_space<vmem>>[vector<16xi32>, vector<16xi32>, vector<16xi32>], vector<16xf32>,
      %add3A_777 = arith.constant 49 : i32
      %add3A_778 = vector.broadcast %add3A_777 : i32 to vector<16xi32>
      %add3A_779 = arith.addi %mul3A_11, %add3A_778 : vector<16xi32>
      tpu.vector_store_idx %arg10[%shift_right_arithmetic3A_13, %and3A_15, %add3A_779], %add3A_703 : memref<4x8x129xf32, #tpu.memory_space<vmem>>[vector<16xi32>, vector<16xi32>, vector<16xi32>], vector<16xf32>,
      tpu.vector_store_idx %arg10[%shift_right_arithmetic3A_21, %and3A_24, %add3A_779], %add3A_743 : memref<4x8x129xf32, #tpu.memory_space<vmem>>[vector<16xi32>, vector<16xi32>, vector<16xi32>], vector<16xf32>,
      %add3A_780 = arith.constant 50 : i32
      %add3A_781 = vector.broadcast %add3A_780 : i32 to vector<16xi32>
      %add3A_782 = arith.addi %mul3A_11, %add3A_781 : vector<16xi32>
      tpu.vector_store_idx %arg10[%shift_right_arithmetic3A_13, %and3A_15, %add3A_782], %add3A_708 : memref<4x8x129xf32, #tpu.memory_space<vmem>>[vector<16xi32>, vector<16xi32>, vector<16xi32>], vector<16xf32>,
      tpu.vector_store_idx %arg10[%shift_right_arithmetic3A_21, %and3A_24, %add3A_782], %add3A_748 : memref<4x8x129xf32, #tpu.memory_space<vmem>>[vector<16xi32>, vector<16xi32>, vector<16xi32>], vector<16xf32>,
      %add3A_783 = arith.constant 51 : i32
      %add3A_784 = vector.broadcast %add3A_783 : i32 to vector<16xi32>
      %add3A_785 = arith.addi %mul3A_11, %add3A_784 : vector<16xi32>
      tpu.vector_store_idx %arg10[%shift_right_arithmetic3A_13, %and3A_15, %add3A_785], %add3A_713 : memref<4x8x129xf32, #tpu.memory_space<vmem>>[vector<16xi32>, vector<16xi32>, vector<16xi32>], vector<16xf32>,
      tpu.vector_store_idx %arg10[%shift_right_arithmetic3A_21, %and3A_24, %add3A_785], %add3A_753 : memref<4x8x129xf32, #tpu.memory_space<vmem>>[vector<16xi32>, vector<16xi32>, vector<16xi32>], vector<16xf32>,
      %add3A_786 = arith.constant 52 : i32
      %add3A_787 = vector.broadcast %add3A_786 : i32 to vector<16xi32>
      %add3A_788 = arith.addi %mul3A_11, %add3A_787 : vector<16xi32>
      tpu.vector_store_idx %arg10[%shift_right_arithmetic3A_13, %and3A_15, %add3A_788], %add3A_718 : memref<4x8x129xf32, #tpu.memory_space<vmem>>[vector<16xi32>, vector<16xi32>, vector<16xi32>], vector<16xf32>,
      tpu.vector_store_idx %arg10[%shift_right_arithmetic3A_21, %and3A_24, %add3A_788], %add3A_758 : memref<4x8x129xf32, #tpu.memory_space<vmem>>[vector<16xi32>, vector<16xi32>, vector<16xi32>], vector<16xf32>,
      %add3A_789 = arith.constant 53 : i32
      %add3A_790 = vector.broadcast %add3A_789 : i32 to vector<16xi32>
      %add3A_791 = arith.addi %mul3A_11, %add3A_790 : vector<16xi32>
      tpu.vector_store_idx %arg10[%shift_right_arithmetic3A_13, %and3A_15, %add3A_791], %add3A_723 : memref<4x8x129xf32, #tpu.memory_space<vmem>>[vector<16xi32>, vector<16xi32>, vector<16xi32>], vector<16xf32>,
      tpu.vector_store_idx %arg10[%shift_right_arithmetic3A_21, %and3A_24, %add3A_791], %add3A_763 : memref<4x8x129xf32, #tpu.memory_space<vmem>>[vector<16xi32>, vector<16xi32>, vector<16xi32>], vector<16xf32>,
      %add3A_792 = arith.constant 54 : i32
      %add3A_793 = vector.broadcast %add3A_792 : i32 to vector<16xi32>
      %add3A_794 = arith.addi %mul3A_11, %add3A_793 : vector<16xi32>
      tpu.vector_store_idx %arg10[%shift_right_arithmetic3A_13, %and3A_15, %add3A_794], %add3A_728 : memref<4x8x129xf32, #tpu.memory_space<vmem>>[vector<16xi32>, vector<16xi32>, vector<16xi32>], vector<16xf32>,
      tpu.vector_store_idx %arg10[%shift_right_arithmetic3A_21, %and3A_24, %add3A_794], %add3A_768 : memref<4x8x129xf32, #tpu.memory_space<vmem>>[vector<16xi32>, vector<16xi32>, vector<16xi32>], vector<16xf32>,
      %add3A_795 = arith.constant 55 : i32
      %add3A_796 = vector.broadcast %add3A_795 : i32 to vector<16xi32>
      %add3A_797 = arith.addi %mul3A_11, %add3A_796 : vector<16xi32>
      tpu.vector_store_idx %arg10[%shift_right_arithmetic3A_13, %and3A_15, %add3A_797], %add3A_733 : memref<4x8x129xf32, #tpu.memory_space<vmem>>[vector<16xi32>, vector<16xi32>, vector<16xi32>], vector<16xf32>,
      tpu.vector_store_idx %arg10[%shift_right_arithmetic3A_21, %and3A_24, %add3A_797], %add3A_773 : memref<4x8x129xf32, #tpu.memory_space<vmem>>[vector<16xi32>, vector<16xi32>, vector<16xi32>], vector<16xf32>,
      %get3A_798 = arith.constant 56 : i32
      %get3A_799 = arith.index_cast %get3A_798 : i32 to index
      %get3A_800 = arith.constant 0 : index
      %get3A_801 = tpu.vector_load %arg8[%get3A_799, %get3A_800] {strides = array<i32>} : memref<128x32xf32, #tpu.memory_space<vmem>>, vector<16xf32>,
      %add3A_802 = arith.addf %get3A_801, %get3A_66 : vector<16xf32>
      %get3A_803 = arith.constant 57 : i32
      %get3A_804 = arith.index_cast %get3A_803 : i32 to index
      %get3A_805 = arith.constant 0 : index
      %get3A_806 = tpu.vector_load %arg8[%get3A_804, %get3A_805] {strides = array<i32>} : memref<128x32xf32, #tpu.memory_space<vmem>>, vector<16xf32>,
      %add3A_807 = arith.addf %get3A_806, %get3A_66 : vector<16xf32>
      %get3A_808 = arith.constant 58 : i32
      %get3A_809 = arith.index_cast %get3A_808 : i32 to index
      %get3A_810 = arith.constant 0 : index
      %get3A_811 = tpu.vector_load %arg8[%get3A_809, %get3A_810] {strides = array<i32>} : memref<128x32xf32, #tpu.memory_space<vmem>>, vector<16xf32>,
      %add3A_812 = arith.addf %get3A_811, %get3A_66 : vector<16xf32>
      %get3A_813 = arith.constant 59 : i32
      %get3A_814 = arith.index_cast %get3A_813 : i32 to index
      %get3A_815 = arith.constant 0 : index
      %get3A_816 = tpu.vector_load %arg8[%get3A_814, %get3A_815] {strides = array<i32>} : memref<128x32xf32, #tpu.memory_space<vmem>>, vector<16xf32>,
      %add3A_817 = arith.addf %get3A_816, %get3A_66 : vector<16xf32>
      %get3A_818 = arith.constant 60 : i32
      %get3A_819 = arith.index_cast %get3A_818 : i32 to index
      %get3A_820 = arith.constant 0 : index
      %get3A_821 = tpu.vector_load %arg8[%get3A_819, %get3A_820] {strides = array<i32>} : memref<128x32xf32, #tpu.memory_space<vmem>>, vector<16xf32>,
      %add3A_822 = arith.addf %get3A_821, %get3A_66 : vector<16xf32>
      %get3A_823 = arith.constant 61 : i32
      %get3A_824 = arith.index_cast %get3A_823 : i32 to index
      %get3A_825 = arith.constant 0 : index
      %get3A_826 = tpu.vector_load %arg8[%get3A_824, %get3A_825] {strides = array<i32>} : memref<128x32xf32, #tpu.memory_space<vmem>>, vector<16xf32>,
      %add3A_827 = arith.addf %get3A_826, %get3A_66 : vector<16xf32>
      %get3A_828 = arith.constant 62 : i32
      %get3A_829 = arith.index_cast %get3A_828 : i32 to index
      %get3A_830 = arith.constant 0 : index
      %get3A_831 = tpu.vector_load %arg8[%get3A_829, %get3A_830] {strides = array<i32>} : memref<128x32xf32, #tpu.memory_space<vmem>>, vector<16xf32>,
      %add3A_832 = arith.addf %get3A_831, %get3A_66 : vector<16xf32>
      %get3A_833 = arith.constant 63 : i32
      %get3A_834 = arith.index_cast %get3A_833 : i32 to index
      %get3A_835 = arith.constant 0 : index
      %get3A_836 = tpu.vector_load %arg8[%get3A_834, %get3A_835] {strides = array<i32>} : memref<128x32xf32, #tpu.memory_space<vmem>>, vector<16xf32>,
      %add3A_837 = arith.addf %get3A_836, %get3A_66 : vector<16xf32>
      %get3A_838 = arith.constant 56 : i32
      %get3A_839 = arith.index_cast %get3A_838 : i32 to index
      %get3A_840 = arith.constant 16 : index
      %get3A_841 = tpu.vector_load %arg8[%get3A_839, %get3A_840] {strides = array<i32>} : memref<128x32xf32, #tpu.memory_space<vmem>>, vector<16xf32>,
      %add3A_842 = arith.addf %get3A_841, %get3A_69 : vector<16xf32>
      %get3A_843 = arith.constant 57 : i32
      %get3A_844 = arith.index_cast %get3A_843 : i32 to index
      %get3A_845 = arith.constant 16 : index
      %get3A_846 = tpu.vector_load %arg8[%get3A_844, %get3A_845] {strides = array<i32>} : memref<128x32xf32, #tpu.memory_space<vmem>>, vector<16xf32>,
      %add3A_847 = arith.addf %get3A_846, %get3A_69 : vector<16xf32>
      %get3A_848 = arith.constant 58 : i32
      %get3A_849 = arith.index_cast %get3A_848 : i32 to index
      %get3A_850 = arith.constant 16 : index
      %get3A_851 = tpu.vector_load %arg8[%get3A_849, %get3A_850] {strides = array<i32>} : memref<128x32xf32, #tpu.memory_space<vmem>>, vector<16xf32>,
      %add3A_852 = arith.addf %get3A_851, %get3A_69 : vector<16xf32>
      %get3A_853 = arith.constant 59 : i32
      %get3A_854 = arith.index_cast %get3A_853 : i32 to index
      %get3A_855 = arith.constant 16 : index
      %get3A_856 = tpu.vector_load %arg8[%get3A_854, %get3A_855] {strides = array<i32>} : memref<128x32xf32, #tpu.memory_space<vmem>>, vector<16xf32>,
      %add3A_857 = arith.addf %get3A_856, %get3A_69 : vector<16xf32>
      %get3A_858 = arith.constant 60 : i32
      %get3A_859 = arith.index_cast %get3A_858 : i32 to index
      %get3A_860 = arith.constant 16 : index
      %get3A_861 = tpu.vector_load %arg8[%get3A_859, %get3A_860] {strides = array<i32>} : memref<128x32xf32, #tpu.memory_space<vmem>>, vector<16xf32>,
      %add3A_862 = arith.addf %get3A_861, %get3A_69 : vector<16xf32>
      %get3A_863 = arith.constant 61 : i32
      %get3A_864 = arith.index_cast %get3A_863 : i32 to index
      %get3A_865 = arith.constant 16 : index
      %get3A_866 = tpu.vector_load %arg8[%get3A_864, %get3A_865] {strides = array<i32>} : memref<128x32xf32, #tpu.memory_space<vmem>>, vector<16xf32>,
      %add3A_867 = arith.addf %get3A_866, %get3A_69 : vector<16xf32>
      %get3A_868 = arith.constant 62 : i32
      %get3A_869 = arith.index_cast %get3A_868 : i32 to index
      %get3A_870 = arith.constant 16 : index
      %get3A_871 = tpu.vector_load %arg8[%get3A_869, %get3A_870] {strides = array<i32>} : memref<128x32xf32, #tpu.memory_space<vmem>>, vector<16xf32>,
      %add3A_872 = arith.addf %get3A_871, %get3A_69 : vector<16xf32>
      %get3A_873 = arith.constant 63 : i32
      %get3A_874 = arith.index_cast %get3A_873 : i32 to index
      %get3A_875 = arith.constant 16 : index
      %get3A_876 = tpu.vector_load %arg8[%get3A_874, %get3A_875] {strides = array<i32>} : memref<128x32xf32, #tpu.memory_space<vmem>>, vector<16xf32>,
      %add3A_877 = arith.addf %get3A_876, %get3A_69 : vector<16xf32>
      %add3A_878 = arith.constant 56 : i32
      %add3A_879 = vector.broadcast %add3A_878 : i32 to vector<16xi32>
      %add3A_880 = arith.addi %mul3A_11, %add3A_879 : vector<16xi32>
      tpu.vector_store_idx %arg10[%shift_right_arithmetic3A_13, %and3A_15, %add3A_880], %add3A_802 : memref<4x8x129xf32, #tpu.memory_space<vmem>>[vector<16xi32>, vector<16xi32>, vector<16xi32>], vector<16xf32>,
      tpu.vector_store_idx %arg10[%shift_right_arithmetic3A_21, %and3A_24, %add3A_880], %add3A_842 : memref<4x8x129xf32, #tpu.memory_space<vmem>>[vector<16xi32>, vector<16xi32>, vector<16xi32>], vector<16xf32>,
      %add3A_881 = arith.constant 57 : i32
      %add3A_882 = vector.broadcast %add3A_881 : i32 to vector<16xi32>
      %add3A_883 = arith.addi %mul3A_11, %add3A_882 : vector<16xi32>
      tpu.vector_store_idx %arg10[%shift_right_arithmetic3A_13, %and3A_15, %add3A_883], %add3A_807 : memref<4x8x129xf32, #tpu.memory_space<vmem>>[vector<16xi32>, vector<16xi32>, vector<16xi32>], vector<16xf32>,
      tpu.vector_store_idx %arg10[%shift_right_arithmetic3A_21, %and3A_24, %add3A_883], %add3A_847 : memref<4x8x129xf32, #tpu.memory_space<vmem>>[vector<16xi32>, vector<16xi32>, vector<16xi32>], vector<16xf32>,
      %add3A_884 = arith.constant 58 : i32
      %add3A_885 = vector.broadcast %add3A_884 : i32 to vector<16xi32>
      %add3A_886 = arith.addi %mul3A_11, %add3A_885 : vector<16xi32>
      tpu.vector_store_idx %arg10[%shift_right_arithmetic3A_13, %and3A_15, %add3A_886], %add3A_812 : memref<4x8x129xf32, #tpu.memory_space<vmem>>[vector<16xi32>, vector<16xi32>, vector<16xi32>], vector<16xf32>,
      tpu.vector_store_idx %arg10[%shift_right_arithmetic3A_21, %and3A_24, %add3A_886], %add3A_852 : memref<4x8x129xf32, #tpu.memory_space<vmem>>[vector<16xi32>, vector<16xi32>, vector<16xi32>], vector<16xf32>,
      %add3A_887 = arith.constant 59 : i32
      %add3A_888 = vector.broadcast %add3A_887 : i32 to vector<16xi32>
      %add3A_889 = arith.addi %mul3A_11, %add3A_888 : vector<16xi32>
      tpu.vector_store_idx %arg10[%shift_right_arithmetic3A_13, %and3A_15, %add3A_889], %add3A_817 : memref<4x8x129xf32, #tpu.memory_space<vmem>>[vector<16xi32>, vector<16xi32>, vector<16xi32>], vector<16xf32>,
      tpu.vector_store_idx %arg10[%shift_right_arithmetic3A_21, %and3A_24, %add3A_889], %add3A_857 : memref<4x8x129xf32, #tpu.memory_space<vmem>>[vector<16xi32>, vector<16xi32>, vector<16xi32>], vector<16xf32>,
      %add3A_890 = arith.constant 60 : i32
      %add3A_891 = vector.broadcast %add3A_890 : i32 to vector<16xi32>
      %add3A_892 = arith.addi %mul3A_11, %add3A_891 : vector<16xi32>
      tpu.vector_store_idx %arg10[%shift_right_arithmetic3A_13, %and3A_15, %add3A_892], %add3A_822 : memref<4x8x129xf32, #tpu.memory_space<vmem>>[vector<16xi32>, vector<16xi32>, vector<16xi32>], vector<16xf32>,
      tpu.vector_store_idx %arg10[%shift_right_arithmetic3A_21, %and3A_24, %add3A_892], %add3A_862 : memref<4x8x129xf32, #tpu.memory_space<vmem>>[vector<16xi32>, vector<16xi32>, vector<16xi32>], vector<16xf32>,
      %add3A_893 = arith.constant 61 : i32
      %add3A_894 = vector.broadcast %add3A_893 : i32 to vector<16xi32>
      %add3A_895 = arith.addi %mul3A_11, %add3A_894 : vector<16xi32>
      tpu.vector_store_idx %arg10[%shift_right_arithmetic3A_13, %and3A_15, %add3A_895], %add3A_827 : memref<4x8x129xf32, #tpu.memory_space<vmem>>[vector<16xi32>, vector<16xi32>, vector<16xi32>], vector<16xf32>,
      tpu.vector_store_idx %arg10[%shift_right_arithmetic3A_21, %and3A_24, %add3A_895], %add3A_867 : memref<4x8x129xf32, #tpu.memory_space<vmem>>[vector<16xi32>, vector<16xi32>, vector<16xi32>], vector<16xf32>,
      %add3A_896 = arith.constant 62 : i32
      %add3A_897 = vector.broadcast %add3A_896 : i32 to vector<16xi32>
      %add3A_898 = arith.addi %mul3A_11, %add3A_897 : vector<16xi32>
      tpu.vector_store_idx %arg10[%shift_right_arithmetic3A_13, %and3A_15, %add3A_898], %add3A_832 : memref<4x8x129xf32, #tpu.memory_space<vmem>>[vector<16xi32>, vector<16xi32>, vector<16xi32>], vector<16xf32>,
      tpu.vector_store_idx %arg10[%shift_right_arithmetic3A_21, %and3A_24, %add3A_898], %add3A_872 : memref<4x8x129xf32, #tpu.memory_space<vmem>>[vector<16xi32>, vector<16xi32>, vector<16xi32>], vector<16xf32>,
      %add3A_899 = arith.constant 63 : i32
      %add3A_900 = vector.broadcast %add3A_899 : i32 to vector<16xi32>
      %add3A_901 = arith.addi %mul3A_11, %add3A_900 : vector<16xi32>
      tpu.vector_store_idx %arg10[%shift_right_arithmetic3A_13, %and3A_15, %add3A_901], %add3A_837 : memref<4x8x129xf32, #tpu.memory_space<vmem>>[vector<16xi32>, vector<16xi32>, vector<16xi32>], vector<16xf32>,
      tpu.vector_store_idx %arg10[%shift_right_arithmetic3A_21, %and3A_24, %add3A_901], %add3A_877 : memref<4x8x129xf32, #tpu.memory_space<vmem>>[vector<16xi32>, vector<16xi32>, vector<16xi32>], vector<16xf32>,
      %get3A_902 = arith.constant 64 : i32
      %get3A_903 = arith.index_cast %get3A_902 : i32 to index
      %get3A_904 = arith.constant 0 : index
      %get3A_905 = tpu.vector_load %arg8[%get3A_903, %get3A_904] {strides = array<i32>} : memref<128x32xf32, #tpu.memory_space<vmem>>, vector<16xf32>,
      %add3A_906 = arith.addf %get3A_905, %get3A_66 : vector<16xf32>
      %get3A_907 = arith.constant 65 : i32
      %get3A_908 = arith.index_cast %get3A_907 : i32 to index
      %get3A_909 = arith.constant 0 : index
      %get3A_910 = tpu.vector_load %arg8[%get3A_908, %get3A_909] {strides = array<i32>} : memref<128x32xf32, #tpu.memory_space<vmem>>, vector<16xf32>,
      %add3A_911 = arith.addf %get3A_910, %get3A_66 : vector<16xf32>
      %get3A_912 = arith.constant 66 : i32
      %get3A_913 = arith.index_cast %get3A_912 : i32 to index
      %get3A_914 = arith.constant 0 : index
      %get3A_915 = tpu.vector_load %arg8[%get3A_913, %get3A_914] {strides = array<i32>} : memref<128x32xf32, #tpu.memory_space<vmem>>, vector<16xf32>,
      %add3A_916 = arith.addf %get3A_915, %get3A_66 : vector<16xf32>
      %get3A_917 = arith.constant 67 : i32
      %get3A_918 = arith.index_cast %get3A_917 : i32 to index
      %get3A_919 = arith.constant 0 : index
      %get3A_920 = tpu.vector_load %arg8[%get3A_918, %get3A_919] {strides = array<i32>} : memref<128x32xf32, #tpu.memory_space<vmem>>, vector<16xf32>,
      %add3A_921 = arith.addf %get3A_920, %get3A_66 : vector<16xf32>
      %get3A_922 = arith.constant 68 : i32
      %get3A_923 = arith.index_cast %get3A_922 : i32 to index
      %get3A_924 = arith.constant 0 : index
      %get3A_925 = tpu.vector_load %arg8[%get3A_923, %get3A_924] {strides = array<i32>} : memref<128x32xf32, #tpu.memory_space<vmem>>, vector<16xf32>,
      %add3A_926 = arith.addf %get3A_925, %get3A_66 : vector<16xf32>
      %get3A_927 = arith.constant 69 : i32
      %get3A_928 = arith.index_cast %get3A_927 : i32 to index
      %get3A_929 = arith.constant 0 : index
      %get3A_930 = tpu.vector_load %arg8[%get3A_928, %get3A_929] {strides = array<i32>} : memref<128x32xf32, #tpu.memory_space<vmem>>, vector<16xf32>,
      %add3A_931 = arith.addf %get3A_930, %get3A_66 : vector<16xf32>
      %get3A_932 = arith.constant 70 : i32
      %get3A_933 = arith.index_cast %get3A_932 : i32 to index
      %get3A_934 = arith.constant 0 : index
      %get3A_935 = tpu.vector_load %arg8[%get3A_933, %get3A_934] {strides = array<i32>} : memref<128x32xf32, #tpu.memory_space<vmem>>, vector<16xf32>,
      %add3A_936 = arith.addf %get3A_935, %get3A_66 : vector<16xf32>
      %get3A_937 = arith.constant 71 : i32
      %get3A_938 = arith.index_cast %get3A_937 : i32 to index
      %get3A_939 = arith.constant 0 : index
      %get3A_940 = tpu.vector_load %arg8[%get3A_938, %get3A_939] {strides = array<i32>} : memref<128x32xf32, #tpu.memory_space<vmem>>, vector<16xf32>,
      %add3A_941 = arith.addf %get3A_940, %get3A_66 : vector<16xf32>
      %get3A_942 = arith.constant 64 : i32
      %get3A_943 = arith.index_cast %get3A_942 : i32 to index
      %get3A_944 = arith.constant 16 : index
      %get3A_945 = tpu.vector_load %arg8[%get3A_943, %get3A_944] {strides = array<i32>} : memref<128x32xf32, #tpu.memory_space<vmem>>, vector<16xf32>,
      %add3A_946 = arith.addf %get3A_945, %get3A_69 : vector<16xf32>
      %get3A_947 = arith.constant 65 : i32
      %get3A_948 = arith.index_cast %get3A_947 : i32 to index
      %get3A_949 = arith.constant 16 : index
      %get3A_950 = tpu.vector_load %arg8[%get3A_948, %get3A_949] {strides = array<i32>} : memref<128x32xf32, #tpu.memory_space<vmem>>, vector<16xf32>,
      %add3A_951 = arith.addf %get3A_950, %get3A_69 : vector<16xf32>
      %get3A_952 = arith.constant 66 : i32
      %get3A_953 = arith.index_cast %get3A_952 : i32 to index
      %get3A_954 = arith.constant 16 : index
      %get3A_955 = tpu.vector_load %arg8[%get3A_953, %get3A_954] {strides = array<i32>} : memref<128x32xf32, #tpu.memory_space<vmem>>, vector<16xf32>,
      %add3A_956 = arith.addf %get3A_955, %get3A_69 : vector<16xf32>
      %get3A_957 = arith.constant 67 : i32
      %get3A_958 = arith.index_cast %get3A_957 : i32 to index
      %get3A_959 = arith.constant 16 : index
      %get3A_960 = tpu.vector_load %arg8[%get3A_958, %get3A_959] {strides = array<i32>} : memref<128x32xf32, #tpu.memory_space<vmem>>, vector<16xf32>,
      %add3A_961 = arith.addf %get3A_960, %get3A_69 : vector<16xf32>
      %get3A_962 = arith.constant 68 : i32
      %get3A_963 = arith.index_cast %get3A_962 : i32 to index
      %get3A_964 = arith.constant 16 : index
      %get3A_965 = tpu.vector_load %arg8[%get3A_963, %get3A_964] {strides = array<i32>} : memref<128x32xf32, #tpu.memory_space<vmem>>, vector<16xf32>,
      %add3A_966 = arith.addf %get3A_965, %get3A_69 : vector<16xf32>
      %get3A_967 = arith.constant 69 : i32
      %get3A_968 = arith.index_cast %get3A_967 : i32 to index
      %get3A_969 = arith.constant 16 : index
      %get3A_970 = tpu.vector_load %arg8[%get3A_968, %get3A_969] {strides = array<i32>} : memref<128x32xf32, #tpu.memory_space<vmem>>, vector<16xf32>,
      %add3A_971 = arith.addf %get3A_970, %get3A_69 : vector<16xf32>
      %get3A_972 = arith.constant 70 : i32
      %get3A_973 = arith.index_cast %get3A_972 : i32 to index
      %get3A_974 = arith.constant 16 : index
      %get3A_975 = tpu.vector_load %arg8[%get3A_973, %get3A_974] {strides = array<i32>} : memref<128x32xf32, #tpu.memory_space<vmem>>, vector<16xf32>,
      %add3A_976 = arith.addf %get3A_975, %get3A_69 : vector<16xf32>
      %get3A_977 = arith.constant 71 : i32
      %get3A_978 = arith.index_cast %get3A_977 : i32 to index
      %get3A_979 = arith.constant 16 : index
      %get3A_980 = tpu.vector_load %arg8[%get3A_978, %get3A_979] {strides = array<i32>} : memref<128x32xf32, #tpu.memory_space<vmem>>, vector<16xf32>,
      %add3A_981 = arith.addf %get3A_980, %get3A_69 : vector<16xf32>
      %add3A_982 = arith.constant 64 : i32
      %add3A_983 = vector.broadcast %add3A_982 : i32 to vector<16xi32>
      %add3A_984 = arith.addi %mul3A_11, %add3A_983 : vector<16xi32>
      tpu.vector_store_idx %arg10[%shift_right_arithmetic3A_13, %and3A_15, %add3A_984], %add3A_906 : memref<4x8x129xf32, #tpu.memory_space<vmem>>[vector<16xi32>, vector<16xi32>, vector<16xi32>], vector<16xf32>,
      tpu.vector_store_idx %arg10[%shift_right_arithmetic3A_21, %and3A_24, %add3A_984], %add3A_946 : memref<4x8x129xf32, #tpu.memory_space<vmem>>[vector<16xi32>, vector<16xi32>, vector<16xi32>], vector<16xf32>,
      %add3A_985 = arith.constant 65 : i32
      %add3A_986 = vector.broadcast %add3A_985 : i32 to vector<16xi32>
      %add3A_987 = arith.addi %mul3A_11, %add3A_986 : vector<16xi32>
      tpu.vector_store_idx %arg10[%shift_right_arithmetic3A_13, %and3A_15, %add3A_987], %add3A_911 : memref<4x8x129xf32, #tpu.memory_space<vmem>>[vector<16xi32>, vector<16xi32>, vector<16xi32>], vector<16xf32>,
      tpu.vector_store_idx %arg10[%shift_right_arithmetic3A_21, %and3A_24, %add3A_987], %add3A_951 : memref<4x8x129xf32, #tpu.memory_space<vmem>>[vector<16xi32>, vector<16xi32>, vector<16xi32>], vector<16xf32>,
      %add3A_988 = arith.constant 66 : i32
      %add3A_989 = vector.broadcast %add3A_988 : i32 to vector<16xi32>
      %add3A_990 = arith.addi %mul3A_11, %add3A_989 : vector<16xi32>
      tpu.vector_store_idx %arg10[%shift_right_arithmetic3A_13, %and3A_15, %add3A_990], %add3A_916 : memref<4x8x129xf32, #tpu.memory_space<vmem>>[vector<16xi32>, vector<16xi32>, vector<16xi32>], vector<16xf32>,
      tpu.vector_store_idx %arg10[%shift_right_arithmetic3A_21, %and3A_24, %add3A_990], %add3A_956 : memref<4x8x129xf32, #tpu.memory_space<vmem>>[vector<16xi32>, vector<16xi32>, vector<16xi32>], vector<16xf32>,
      %add3A_991 = arith.constant 67 : i32
      %add3A_992 = vector.broadcast %add3A_991 : i32 to vector<16xi32>
      %add3A_993 = arith.addi %mul3A_11, %add3A_992 : vector<16xi32>
      tpu.vector_store_idx %arg10[%shift_right_arithmetic3A_13, %and3A_15, %add3A_993], %add3A_921 : memref<4x8x129xf32, #tpu.memory_space<vmem>>[vector<16xi32>, vector<16xi32>, vector<16xi32>], vector<16xf32>,
      tpu.vector_store_idx %arg10[%shift_right_arithmetic3A_21, %and3A_24, %add3A_993], %add3A_961 : memref<4x8x129xf32, #tpu.memory_space<vmem>>[vector<16xi32>, vector<16xi32>, vector<16xi32>], vector<16xf32>,
      %add3A_994 = arith.constant 68 : i32
      %add3A_995 = vector.broadcast %add3A_994 : i32 to vector<16xi32>
      %add3A_996 = arith.addi %mul3A_11, %add3A_995 : vector<16xi32>
      tpu.vector_store_idx %arg10[%shift_right_arithmetic3A_13, %and3A_15, %add3A_996], %add3A_926 : memref<4x8x129xf32, #tpu.memory_space<vmem>>[vector<16xi32>, vector<16xi32>, vector<16xi32>], vector<16xf32>,
      tpu.vector_store_idx %arg10[%shift_right_arithmetic3A_21, %and3A_24, %add3A_996], %add3A_966 : memref<4x8x129xf32, #tpu.memory_space<vmem>>[vector<16xi32>, vector<16xi32>, vector<16xi32>], vector<16xf32>,
      %add3A_997 = arith.constant 69 : i32
      %add3A_998 = vector.broadcast %add3A_997 : i32 to vector<16xi32>
      %add3A_999 = arith.addi %mul3A_11, %add3A_998 : vector<16xi32>
      tpu.vector_store_idx %arg10[%shift_right_arithmetic3A_13, %and3A_15, %add3A_999], %add3A_931 : memref<4x8x129xf32, #tpu.memory_space<vmem>>[vector<16xi32>, vector<16xi32>, vector<16xi32>], vector<16xf32>,
      tpu.vector_store_idx %arg10[%shift_right_arithmetic3A_21, %and3A_24, %add3A_999], %add3A_971 : memref<4x8x129xf32, #tpu.memory_space<vmem>>[vector<16xi32>, vector<16xi32>, vector<16xi32>], vector<16xf32>,
      %add3A_1000 = arith.constant 70 : i32
      %add3A_1001 = vector.broadcast %add3A_1000 : i32 to vector<16xi32>
      %add3A_1002 = arith.addi %mul3A_11, %add3A_1001 : vector<16xi32>
      tpu.vector_store_idx %arg10[%shift_right_arithmetic3A_13, %and3A_15, %add3A_1002], %add3A_936 : memref<4x8x129xf32, #tpu.memory_space<vmem>>[vector<16xi32>, vector<16xi32>, vector<16xi32>], vector<16xf32>,
      tpu.vector_store_idx %arg10[%shift_right_arithmetic3A_21, %and3A_24, %add3A_1002], %add3A_976 : memref<4x8x129xf32, #tpu.memory_space<vmem>>[vector<16xi32>, vector<16xi32>, vector<16xi32>], vector<16xf32>,
      %add3A_1003 = arith.constant 71 : i32
      %add3A_1004 = vector.broadcast %add3A_1003 : i32 to vector<16xi32>
      %add3A_1005 = arith.addi %mul3A_11, %add3A_1004 : vector<16xi32>
      tpu.vector_store_idx %arg10[%shift_right_arithmetic3A_13, %and3A_15, %add3A_1005], %add3A_941 : memref<4x8x129xf32, #tpu.memory_space<vmem>>[vector<16xi32>, vector<16xi32>, vector<16xi32>], vector<16xf32>,
      tpu.vector_store_idx %arg10[%shift_right_arithmetic3A_21, %and3A_24, %add3A_1005], %add3A_981 : memref<4x8x129xf32, #tpu.memory_space<vmem>>[vector<16xi32>, vector<16xi32>, vector<16xi32>], vector<16xf32>,
      %get3A_1006 = arith.constant 72 : i32
      %get3A_1007 = arith.index_cast %get3A_1006 : i32 to index
      %get3A_1008 = arith.constant 0 : index
      %get3A_1009 = tpu.vector_load %arg8[%get3A_1007, %get3A_1008] {strides = array<i32>} : memref<128x32xf32, #tpu.memory_space<vmem>>, vector<16xf32>,
      %add3A_1010 = arith.addf %get3A_1009, %get3A_66 : vector<16xf32>
      %get3A_1011 = arith.constant 73 : i32
      %get3A_1012 = arith.index_cast %get3A_1011 : i32 to index
      %get3A_1013 = arith.constant 0 : index
      %get3A_1014 = tpu.vector_load %arg8[%get3A_1012, %get3A_1013] {strides = array<i32>} : memref<128x32xf32, #tpu.memory_space<vmem>>, vector<16xf32>,
      %add3A_1015 = arith.addf %get3A_1014, %get3A_66 : vector<16xf32>
      %get3A_1016 = arith.constant 74 : i32
      %get3A_1017 = arith.index_cast %get3A_1016 : i32 to index
      %get3A_1018 = arith.constant 0 : index
      %get3A_1019 = tpu.vector_load %arg8[%get3A_1017, %get3A_1018] {strides = array<i32>} : memref<128x32xf32, #tpu.memory_space<vmem>>, vector<16xf32>,
      %add3A_1020 = arith.addf %get3A_1019, %get3A_66 : vector<16xf32>
      %get3A_1021 = arith.constant 75 : i32
      %get3A_1022 = arith.index_cast %get3A_1021 : i32 to index
      %get3A_1023 = arith.constant 0 : index
      %get3A_1024 = tpu.vector_load %arg8[%get3A_1022, %get3A_1023] {strides = array<i32>} : memref<128x32xf32, #tpu.memory_space<vmem>>, vector<16xf32>,
      %add3A_1025 = arith.addf %get3A_1024, %get3A_66 : vector<16xf32>
      %get3A_1026 = arith.constant 76 : i32
      %get3A_1027 = arith.index_cast %get3A_1026 : i32 to index
      %get3A_1028 = arith.constant 0 : index
      %get3A_1029 = tpu.vector_load %arg8[%get3A_1027, %get3A_1028] {strides = array<i32>} : memref<128x32xf32, #tpu.memory_space<vmem>>, vector<16xf32>,
      %add3A_1030 = arith.addf %get3A_1029, %get3A_66 : vector<16xf32>
      %get3A_1031 = arith.constant 77 : i32
      %get3A_1032 = arith.index_cast %get3A_1031 : i32 to index
      %get3A_1033 = arith.constant 0 : index
      %get3A_1034 = tpu.vector_load %arg8[%get3A_1032, %get3A_1033] {strides = array<i32>} : memref<128x32xf32, #tpu.memory_space<vmem>>, vector<16xf32>,
      %add3A_1035 = arith.addf %get3A_1034, %get3A_66 : vector<16xf32>
      %get3A_1036 = arith.constant 78 : i32
      %get3A_1037 = arith.index_cast %get3A_1036 : i32 to index
      %get3A_1038 = arith.constant 0 : index
      %get3A_1039 = tpu.vector_load %arg8[%get3A_1037, %get3A_1038] {strides = array<i32>} : memref<128x32xf32, #tpu.memory_space<vmem>>, vector<16xf32>,
      %add3A_1040 = arith.addf %get3A_1039, %get3A_66 : vector<16xf32>
      %get3A_1041 = arith.constant 79 : i32
      %get3A_1042 = arith.index_cast %get3A_1041 : i32 to index
      %get3A_1043 = arith.constant 0 : index
      %get3A_1044 = tpu.vector_load %arg8[%get3A_1042, %get3A_1043] {strides = array<i32>} : memref<128x32xf32, #tpu.memory_space<vmem>>, vector<16xf32>,
      %add3A_1045 = arith.addf %get3A_1044, %get3A_66 : vector<16xf32>
      %get3A_1046 = arith.constant 72 : i32
      %get3A_1047 = arith.index_cast %get3A_1046 : i32 to index
      %get3A_1048 = arith.constant 16 : index
      %get3A_1049 = tpu.vector_load %arg8[%get3A_1047, %get3A_1048] {strides = array<i32>} : memref<128x32xf32, #tpu.memory_space<vmem>>, vector<16xf32>,
      %add3A_1050 = arith.addf %get3A_1049, %get3A_69 : vector<16xf32>
      %get3A_1051 = arith.constant 73 : i32
      %get3A_1052 = arith.index_cast %get3A_1051 : i32 to index
      %get3A_1053 = arith.constant 16 : index
      %get3A_1054 = tpu.vector_load %arg8[%get3A_1052, %get3A_1053] {strides = array<i32>} : memref<128x32xf32, #tpu.memory_space<vmem>>, vector<16xf32>,
      %add3A_1055 = arith.addf %get3A_1054, %get3A_69 : vector<16xf32>
      %get3A_1056 = arith.constant 74 : i32
      %get3A_1057 = arith.index_cast %get3A_1056 : i32 to index
      %get3A_1058 = arith.constant 16 : index
      %get3A_1059 = tpu.vector_load %arg8[%get3A_1057, %get3A_1058] {strides = array<i32>} : memref<128x32xf32, #tpu.memory_space<vmem>>, vector<16xf32>,
      %add3A_1060 = arith.addf %get3A_1059, %get3A_69 : vector<16xf32>
      %get3A_1061 = arith.constant 75 : i32
      %get3A_1062 = arith.index_cast %get3A_1061 : i32 to index
      %get3A_1063 = arith.constant 16 : index
      %get3A_1064 = tpu.vector_load %arg8[%get3A_1062, %get3A_1063] {strides = array<i32>} : memref<128x32xf32, #tpu.memory_space<vmem>>, vector<16xf32>,
      %add3A_1065 = arith.addf %get3A_1064, %get3A_69 : vector<16xf32>
      %get3A_1066 = arith.constant 76 : i32
      %get3A_1067 = arith.index_cast %get3A_1066 : i32 to index
      %get3A_1068 = arith.constant 16 : index
      %get3A_1069 = tpu.vector_load %arg8[%get3A_1067, %get3A_1068] {strides = array<i32>} : memref<128x32xf32, #tpu.memory_space<vmem>>, vector<16xf32>,
      %add3A_1070 = arith.addf %get3A_1069, %get3A_69 : vector<16xf32>
      %get3A_1071 = arith.constant 77 : i32
      %get3A_1072 = arith.index_cast %get3A_1071 : i32 to index
      %get3A_1073 = arith.constant 16 : index
      %get3A_1074 = tpu.vector_load %arg8[%get3A_1072, %get3A_1073] {strides = array<i32>} : memref<128x32xf32, #tpu.memory_space<vmem>>, vector<16xf32>,
      %add3A_1075 = arith.addf %get3A_1074, %get3A_69 : vector<16xf32>
      %get3A_1076 = arith.constant 78 : i32
      %get3A_1077 = arith.index_cast %get3A_1076 : i32 to index
      %get3A_1078 = arith.constant 16 : index
      %get3A_1079 = tpu.vector_load %arg8[%get3A_1077, %get3A_1078] {strides = array<i32>} : memref<128x32xf32, #tpu.memory_space<vmem>>, vector<16xf32>,
      %add3A_1080 = arith.addf %get3A_1079, %get3A_69 : vector<16xf32>
      %get3A_1081 = arith.constant 79 : i32
      %get3A_1082 = arith.index_cast %get3A_1081 : i32 to index
      %get3A_1083 = arith.constant 16 : index
      %get3A_1084 = tpu.vector_load %arg8[%get3A_1082, %get3A_1083] {strides = array<i32>} : memref<128x32xf32, #tpu.memory_space<vmem>>, vector<16xf32>,
      %add3A_1085 = arith.addf %get3A_1084, %get3A_69 : vector<16xf32>
      %add3A_1086 = arith.constant 72 : i32
      %add3A_1087 = vector.broadcast %add3A_1086 : i32 to vector<16xi32>
      %add3A_1088 = arith.addi %mul3A_11, %add3A_1087 : vector<16xi32>
      tpu.vector_store_idx %arg10[%shift_right_arithmetic3A_13, %and3A_15, %add3A_1088], %add3A_1010 : memref<4x8x129xf32, #tpu.memory_space<vmem>>[vector<16xi32>, vector<16xi32>, vector<16xi32>], vector<16xf32>,
      tpu.vector_store_idx %arg10[%shift_right_arithmetic3A_21, %and3A_24, %add3A_1088], %add3A_1050 : memref<4x8x129xf32, #tpu.memory_space<vmem>>[vector<16xi32>, vector<16xi32>, vector<16xi32>], vector<16xf32>,
      %add3A_1089 = arith.constant 73 : i32
      %add3A_1090 = vector.broadcast %add3A_1089 : i32 to vector<16xi32>
      %add3A_1091 = arith.addi %mul3A_11, %add3A_1090 : vector<16xi32>
      tpu.vector_store_idx %arg10[%shift_right_arithmetic3A_13, %and3A_15, %add3A_1091], %add3A_1015 : memref<4x8x129xf32, #tpu.memory_space<vmem>>[vector<16xi32>, vector<16xi32>, vector<16xi32>], vector<16xf32>,
      tpu.vector_store_idx %arg10[%shift_right_arithmetic3A_21, %and3A_24, %add3A_1091], %add3A_1055 : memref<4x8x129xf32, #tpu.memory_space<vmem>>[vector<16xi32>, vector<16xi32>, vector<16xi32>], vector<16xf32>,
      %add3A_1092 = arith.constant 74 : i32
      %add3A_1093 = vector.broadcast %add3A_1092 : i32 to vector<16xi32>
      %add3A_1094 = arith.addi %mul3A_11, %add3A_1093 : vector<16xi32>
      tpu.vector_store_idx %arg10[%shift_right_arithmetic3A_13, %and3A_15, %add3A_1094], %add3A_1020 : memref<4x8x129xf32, #tpu.memory_space<vmem>>[vector<16xi32>, vector<16xi32>, vector<16xi32>], vector<16xf32>,
      tpu.vector_store_idx %arg10[%shift_right_arithmetic3A_21, %and3A_24, %add3A_1094], %add3A_1060 : memref<4x8x129xf32, #tpu.memory_space<vmem>>[vector<16xi32>, vector<16xi32>, vector<16xi32>], vector<16xf32>,
      %add3A_1095 = arith.constant 75 : i32
      %add3A_1096 = vector.broadcast %add3A_1095 : i32 to vector<16xi32>
      %add3A_1097 = arith.addi %mul3A_11, %add3A_1096 : vector<16xi32>
      tpu.vector_store_idx %arg10[%shift_right_arithmetic3A_13, %and3A_15, %add3A_1097], %add3A_1025 : memref<4x8x129xf32, #tpu.memory_space<vmem>>[vector<16xi32>, vector<16xi32>, vector<16xi32>], vector<16xf32>,
      tpu.vector_store_idx %arg10[%shift_right_arithmetic3A_21, %and3A_24, %add3A_1097], %add3A_1065 : memref<4x8x129xf32, #tpu.memory_space<vmem>>[vector<16xi32>, vector<16xi32>, vector<16xi32>], vector<16xf32>,
      %add3A_1098 = arith.constant 76 : i32
      %add3A_1099 = vector.broadcast %add3A_1098 : i32 to vector<16xi32>
      %add3A_1100 = arith.addi %mul3A_11, %add3A_1099 : vector<16xi32>
      tpu.vector_store_idx %arg10[%shift_right_arithmetic3A_13, %and3A_15, %add3A_1100], %add3A_1030 : memref<4x8x129xf32, #tpu.memory_space<vmem>>[vector<16xi32>, vector<16xi32>, vector<16xi32>], vector<16xf32>,
      tpu.vector_store_idx %arg10[%shift_right_arithmetic3A_21, %and3A_24, %add3A_1100], %add3A_1070 : memref<4x8x129xf32, #tpu.memory_space<vmem>>[vector<16xi32>, vector<16xi32>, vector<16xi32>], vector<16xf32>,
      %add3A_1101 = arith.constant 77 : i32
      %add3A_1102 = vector.broadcast %add3A_1101 : i32 to vector<16xi32>
      %add3A_1103 = arith.addi %mul3A_11, %add3A_1102 : vector<16xi32>
      tpu.vector_store_idx %arg10[%shift_right_arithmetic3A_13, %and3A_15, %add3A_1103], %add3A_1035 : memref<4x8x129xf32, #tpu.memory_space<vmem>>[vector<16xi32>, vector<16xi32>, vector<16xi32>], vector<16xf32>,
      tpu.vector_store_idx %arg10[%shift_right_arithmetic3A_21, %and3A_24, %add3A_1103], %add3A_1075 : memref<4x8x129xf32, #tpu.memory_space<vmem>>[vector<16xi32>, vector<16xi32>, vector<16xi32>], vector<16xf32>,
      %add3A_1104 = arith.constant 78 : i32
      %add3A_1105 = vector.broadcast %add3A_1104 : i32 to vector<16xi32>
      %add3A_1106 = arith.addi %mul3A_11, %add3A_1105 : vector<16xi32>
      tpu.vector_store_idx %arg10[%shift_right_arithmetic3A_13, %and3A_15, %add3A_1106], %add3A_1040 : memref<4x8x129xf32, #tpu.memory_space<vmem>>[vector<16xi32>, vector<16xi32>, vector<16xi32>], vector<16xf32>,
      tpu.vector_store_idx %arg10[%shift_right_arithmetic3A_21, %and3A_24, %add3A_1106], %add3A_1080 : memref<4x8x129xf32, #tpu.memory_space<vmem>>[vector<16xi32>, vector<16xi32>, vector<16xi32>], vector<16xf32>,
      %add3A_1107 = arith.constant 79 : i32
      %add3A_1108 = vector.broadcast %add3A_1107 : i32 to vector<16xi32>
      %add3A_1109 = arith.addi %mul3A_11, %add3A_1108 : vector<16xi32>
      tpu.vector_store_idx %arg10[%shift_right_arithmetic3A_13, %and3A_15, %add3A_1109], %add3A_1045 : memref<4x8x129xf32, #tpu.memory_space<vmem>>[vector<16xi32>, vector<16xi32>, vector<16xi32>], vector<16xf32>,
      tpu.vector_store_idx %arg10[%shift_right_arithmetic3A_21, %and3A_24, %add3A_1109], %add3A_1085 : memref<4x8x129xf32, #tpu.memory_space<vmem>>[vector<16xi32>, vector<16xi32>, vector<16xi32>], vector<16xf32>,
      %get3A_1110 = arith.constant 80 : i32
      %get3A_1111 = arith.index_cast %get3A_1110 : i32 to index
      %get3A_1112 = arith.constant 0 : index
      %get3A_1113 = tpu.vector_load %arg8[%get3A_1111, %get3A_1112] {strides = array<i32>} : memref<128x32xf32, #tpu.memory_space<vmem>>, vector<16xf32>,
      %add3A_1114 = arith.addf %get3A_1113, %get3A_66 : vector<16xf32>
      %get3A_1115 = arith.constant 81 : i32
      %get3A_1116 = arith.index_cast %get3A_1115 : i32 to index
      %get3A_1117 = arith.constant 0 : index
      %get3A_1118 = tpu.vector_load %arg8[%get3A_1116, %get3A_1117] {strides = array<i32>} : memref<128x32xf32, #tpu.memory_space<vmem>>, vector<16xf32>,
      %add3A_1119 = arith.addf %get3A_1118, %get3A_66 : vector<16xf32>
      %get3A_1120 = arith.constant 82 : i32
      %get3A_1121 = arith.index_cast %get3A_1120 : i32 to index
      %get3A_1122 = arith.constant 0 : index
      %get3A_1123 = tpu.vector_load %arg8[%get3A_1121, %get3A_1122] {strides = array<i32>} : memref<128x32xf32, #tpu.memory_space<vmem>>, vector<16xf32>,
      %add3A_1124 = arith.addf %get3A_1123, %get3A_66 : vector<16xf32>
      %get3A_1125 = arith.constant 83 : i32
      %get3A_1126 = arith.index_cast %get3A_1125 : i32 to index
      %get3A_1127 = arith.constant 0 : index
      %get3A_1128 = tpu.vector_load %arg8[%get3A_1126, %get3A_1127] {strides = array<i32>} : memref<128x32xf32, #tpu.memory_space<vmem>>, vector<16xf32>,
      %add3A_1129 = arith.addf %get3A_1128, %get3A_66 : vector<16xf32>
      %get3A_1130 = arith.constant 84 : i32
      %get3A_1131 = arith.index_cast %get3A_1130 : i32 to index
      %get3A_1132 = arith.constant 0 : index
      %get3A_1133 = tpu.vector_load %arg8[%get3A_1131, %get3A_1132] {strides = array<i32>} : memref<128x32xf32, #tpu.memory_space<vmem>>, vector<16xf32>,
      %add3A_1134 = arith.addf %get3A_1133, %get3A_66 : vector<16xf32>
      %get3A_1135 = arith.constant 85 : i32
      %get3A_1136 = arith.index_cast %get3A_1135 : i32 to index
      %get3A_1137 = arith.constant 0 : index
      %get3A_1138 = tpu.vector_load %arg8[%get3A_1136, %get3A_1137] {strides = array<i32>} : memref<128x32xf32, #tpu.memory_space<vmem>>, vector<16xf32>,
      %add3A_1139 = arith.addf %get3A_1138, %get3A_66 : vector<16xf32>
      %get3A_1140 = arith.constant 86 : i32
      %get3A_1141 = arith.index_cast %get3A_1140 : i32 to index
      %get3A_1142 = arith.constant 0 : index
      %get3A_1143 = tpu.vector_load %arg8[%get3A_1141, %get3A_1142] {strides = array<i32>} : memref<128x32xf32, #tpu.memory_space<vmem>>, vector<16xf32>,
      %add3A_1144 = arith.addf %get3A_1143, %get3A_66 : vector<16xf32>
      %get3A_1145 = arith.constant 87 : i32
      %get3A_1146 = arith.index_cast %get3A_1145 : i32 to index
      %get3A_1147 = arith.constant 0 : index
      %get3A_1148 = tpu.vector_load %arg8[%get3A_1146, %get3A_1147] {strides = array<i32>} : memref<128x32xf32, #tpu.memory_space<vmem>>, vector<16xf32>,
      %add3A_1149 = arith.addf %get3A_1148, %get3A_66 : vector<16xf32>
      %get3A_1150 = arith.constant 80 : i32
      %get3A_1151 = arith.index_cast %get3A_1150 : i32 to index
      %get3A_1152 = arith.constant 16 : index
      %get3A_1153 = tpu.vector_load %arg8[%get3A_1151, %get3A_1152] {strides = array<i32>} : memref<128x32xf32, #tpu.memory_space<vmem>>, vector<16xf32>,
      %add3A_1154 = arith.addf %get3A_1153, %get3A_69 : vector<16xf32>
      %get3A_1155 = arith.constant 81 : i32
      %get3A_1156 = arith.index_cast %get3A_1155 : i32 to index
      %get3A_1157 = arith.constant 16 : index
      %get3A_1158 = tpu.vector_load %arg8[%get3A_1156, %get3A_1157] {strides = array<i32>} : memref<128x32xf32, #tpu.memory_space<vmem>>, vector<16xf32>,
      %add3A_1159 = arith.addf %get3A_1158, %get3A_69 : vector<16xf32>
      %get3A_1160 = arith.constant 82 : i32
      %get3A_1161 = arith.index_cast %get3A_1160 : i32 to index
      %get3A_1162 = arith.constant 16 : index
      %get3A_1163 = tpu.vector_load %arg8[%get3A_1161, %get3A_1162] {strides = array<i32>} : memref<128x32xf32, #tpu.memory_space<vmem>>, vector<16xf32>,
      %add3A_1164 = arith.addf %get3A_1163, %get3A_69 : vector<16xf32>
      %get3A_1165 = arith.constant 83 : i32
      %get3A_1166 = arith.index_cast %get3A_1165 : i32 to index
      %get3A_1167 = arith.constant 16 : index
      %get3A_1168 = tpu.vector_load %arg8[%get3A_1166, %get3A_1167] {strides = array<i32>} : memref<128x32xf32, #tpu.memory_space<vmem>>, vector<16xf32>,
      %add3A_1169 = arith.addf %get3A_1168, %get3A_69 : vector<16xf32>
      %get3A_1170 = arith.constant 84 : i32
      %get3A_1171 = arith.index_cast %get3A_1170 : i32 to index
      %get3A_1172 = arith.constant 16 : index
      %get3A_1173 = tpu.vector_load %arg8[%get3A_1171, %get3A_1172] {strides = array<i32>} : memref<128x32xf32, #tpu.memory_space<vmem>>, vector<16xf32>,
      %add3A_1174 = arith.addf %get3A_1173, %get3A_69 : vector<16xf32>
      %get3A_1175 = arith.constant 85 : i32
      %get3A_1176 = arith.index_cast %get3A_1175 : i32 to index
      %get3A_1177 = arith.constant 16 : index
      %get3A_1178 = tpu.vector_load %arg8[%get3A_1176, %get3A_1177] {strides = array<i32>} : memref<128x32xf32, #tpu.memory_space<vmem>>, vector<16xf32>,
      %add3A_1179 = arith.addf %get3A_1178, %get3A_69 : vector<16xf32>
      %get3A_1180 = arith.constant 86 : i32
      %get3A_1181 = arith.index_cast %get3A_1180 : i32 to index
      %get3A_1182 = arith.constant 16 : index
      %get3A_1183 = tpu.vector_load %arg8[%get3A_1181, %get3A_1182] {strides = array<i32>} : memref<128x32xf32, #tpu.memory_space<vmem>>, vector<16xf32>,
      %add3A_1184 = arith.addf %get3A_1183, %get3A_69 : vector<16xf32>
      %get3A_1185 = arith.constant 87 : i32
      %get3A_1186 = arith.index_cast %get3A_1185 : i32 to index
      %get3A_1187 = arith.constant 16 : index
      %get3A_1188 = tpu.vector_load %arg8[%get3A_1186, %get3A_1187] {strides = array<i32>} : memref<128x32xf32, #tpu.memory_space<vmem>>, vector<16xf32>,
      %add3A_1189 = arith.addf %get3A_1188, %get3A_69 : vector<16xf32>
      %add3A_1190 = arith.constant 80 : i32
      %add3A_1191 = vector.broadcast %add3A_1190 : i32 to vector<16xi32>
      %add3A_1192 = arith.addi %mul3A_11, %add3A_1191 : vector<16xi32>
      tpu.vector_store_idx %arg10[%shift_right_arithmetic3A_13, %and3A_15, %add3A_1192], %add3A_1114 : memref<4x8x129xf32, #tpu.memory_space<vmem>>[vector<16xi32>, vector<16xi32>, vector<16xi32>], vector<16xf32>,
      tpu.vector_store_idx %arg10[%shift_right_arithmetic3A_21, %and3A_24, %add3A_1192], %add3A_1154 : memref<4x8x129xf32, #tpu.memory_space<vmem>>[vector<16xi32>, vector<16xi32>, vector<16xi32>], vector<16xf32>,
      %add3A_1193 = arith.constant 81 : i32
      %add3A_1194 = vector.broadcast %add3A_1193 : i32 to vector<16xi32>
      %add3A_1195 = arith.addi %mul3A_11, %add3A_1194 : vector<16xi32>
      tpu.vector_store_idx %arg10[%shift_right_arithmetic3A_13, %and3A_15, %add3A_1195], %add3A_1119 : memref<4x8x129xf32, #tpu.memory_space<vmem>>[vector<16xi32>, vector<16xi32>, vector<16xi32>], vector<16xf32>,
      tpu.vector_store_idx %arg10[%shift_right_arithmetic3A_21, %and3A_24, %add3A_1195], %add3A_1159 : memref<4x8x129xf32, #tpu.memory_space<vmem>>[vector<16xi32>, vector<16xi32>, vector<16xi32>], vector<16xf32>,
      %add3A_1196 = arith.constant 82 : i32
      %add3A_1197 = vector.broadcast %add3A_1196 : i32 to vector<16xi32>
      %add3A_1198 = arith.addi %mul3A_11, %add3A_1197 : vector<16xi32>
      tpu.vector_store_idx %arg10[%shift_right_arithmetic3A_13, %and3A_15, %add3A_1198], %add3A_1124 : memref<4x8x129xf32, #tpu.memory_space<vmem>>[vector<16xi32>, vector<16xi32>, vector<16xi32>], vector<16xf32>,
      tpu.vector_store_idx %arg10[%shift_right_arithmetic3A_21, %and3A_24, %add3A_1198], %add3A_1164 : memref<4x8x129xf32, #tpu.memory_space<vmem>>[vector<16xi32>, vector<16xi32>, vector<16xi32>], vector<16xf32>,
      %add3A_1199 = arith.constant 83 : i32
      %add3A_1200 = vector.broadcast %add3A_1199 : i32 to vector<16xi32>
      %add3A_1201 = arith.addi %mul3A_11, %add3A_1200 : vector<16xi32>
      tpu.vector_store_idx %arg10[%shift_right_arithmetic3A_13, %and3A_15, %add3A_1201], %add3A_1129 : memref<4x8x129xf32, #tpu.memory_space<vmem>>[vector<16xi32>, vector<16xi32>, vector<16xi32>], vector<16xf32>,
      tpu.vector_store_idx %arg10[%shift_right_arithmetic3A_21, %and3A_24, %add3A_1201], %add3A_1169 : memref<4x8x129xf32, #tpu.memory_space<vmem>>[vector<16xi32>, vector<16xi32>, vector<16xi32>], vector<16xf32>,
      %add3A_1202 = arith.constant 84 : i32
      %add3A_1203 = vector.broadcast %add3A_1202 : i32 to vector<16xi32>
      %add3A_1204 = arith.addi %mul3A_11, %add3A_1203 : vector<16xi32>
      tpu.vector_store_idx %arg10[%shift_right_arithmetic3A_13, %and3A_15, %add3A_1204], %add3A_1134 : memref<4x8x129xf32, #tpu.memory_space<vmem>>[vector<16xi32>, vector<16xi32>, vector<16xi32>], vector<16xf32>,
      tpu.vector_store_idx %arg10[%shift_right_arithmetic3A_21, %and3A_24, %add3A_1204], %add3A_1174 : memref<4x8x129xf32, #tpu.memory_space<vmem>>[vector<16xi32>, vector<16xi32>, vector<16xi32>], vector<16xf32>,
      %add3A_1205 = arith.constant 85 : i32
      %add3A_1206 = vector.broadcast %add3A_1205 : i32 to vector<16xi32>
      %add3A_1207 = arith.addi %mul3A_11, %add3A_1206 : vector<16xi32>
      tpu.vector_store_idx %arg10[%shift_right_arithmetic3A_13, %and3A_15, %add3A_1207], %add3A_1139 : memref<4x8x129xf32, #tpu.memory_space<vmem>>[vector<16xi32>, vector<16xi32>, vector<16xi32>], vector<16xf32>,
      tpu.vector_store_idx %arg10[%shift_right_arithmetic3A_21, %and3A_24, %add3A_1207], %add3A_1179 : memref<4x8x129xf32, #tpu.memory_space<vmem>>[vector<16xi32>, vector<16xi32>, vector<16xi32>], vector<16xf32>,
      %add3A_1208 = arith.constant 86 : i32
      %add3A_1209 = vector.broadcast %add3A_1208 : i32 to vector<16xi32>
      %add3A_1210 = arith.addi %mul3A_11, %add3A_1209 : vector<16xi32>
      tpu.vector_store_idx %arg10[%shift_right_arithmetic3A_13, %and3A_15, %add3A_1210], %add3A_1144 : memref<4x8x129xf32, #tpu.memory_space<vmem>>[vector<16xi32>, vector<16xi32>, vector<16xi32>], vector<16xf32>,
      tpu.vector_store_idx %arg10[%shift_right_arithmetic3A_21, %and3A_24, %add3A_1210], %add3A_1184 : memref<4x8x129xf32, #tpu.memory_space<vmem>>[vector<16xi32>, vector<16xi32>, vector<16xi32>], vector<16xf32>,
      %add3A_1211 = arith.constant 87 : i32
      %add3A_1212 = vector.broadcast %add3A_1211 : i32 to vector<16xi32>
      %add3A_1213 = arith.addi %mul3A_11, %add3A_1212 : vector<16xi32>
      tpu.vector_store_idx %arg10[%shift_right_arithmetic3A_13, %and3A_15, %add3A_1213], %add3A_1149 : memref<4x8x129xf32, #tpu.memory_space<vmem>>[vector<16xi32>, vector<16xi32>, vector<16xi32>], vector<16xf32>,
      tpu.vector_store_idx %arg10[%shift_right_arithmetic3A_21, %and3A_24, %add3A_1213], %add3A_1189 : memref<4x8x129xf32, #tpu.memory_space<vmem>>[vector<16xi32>, vector<16xi32>, vector<16xi32>], vector<16xf32>,
      %get3A_1214 = arith.constant 88 : i32
      %get3A_1215 = arith.index_cast %get3A_1214 : i32 to index
      %get3A_1216 = arith.constant 0 : index
      %get3A_1217 = tpu.vector_load %arg8[%get3A_1215, %get3A_1216] {strides = array<i32>} : memref<128x32xf32, #tpu.memory_space<vmem>>, vector<16xf32>,
      %add3A_1218 = arith.addf %get3A_1217, %get3A_66 : vector<16xf32>
      %get3A_1219 = arith.constant 89 : i32
      %get3A_1220 = arith.index_cast %get3A_1219 : i32 to index
      %get3A_1221 = arith.constant 0 : index
      %get3A_1222 = tpu.vector_load %arg8[%get3A_1220, %get3A_1221] {strides = array<i32>} : memref<128x32xf32, #tpu.memory_space<vmem>>, vector<16xf32>,
      %add3A_1223 = arith.addf %get3A_1222, %get3A_66 : vector<16xf32>
      %get3A_1224 = arith.constant 90 : i32
      %get3A_1225 = arith.index_cast %get3A_1224 : i32 to index
      %get3A_1226 = arith.constant 0 : index
      %get3A_1227 = tpu.vector_load %arg8[%get3A_1225, %get3A_1226] {strides = array<i32>} : memref<128x32xf32, #tpu.memory_space<vmem>>, vector<16xf32>,
      %add3A_1228 = arith.addf %get3A_1227, %get3A_66 : vector<16xf32>
      %get3A_1229 = arith.constant 91 : i32
      %get3A_1230 = arith.index_cast %get3A_1229 : i32 to index
      %get3A_1231 = arith.constant 0 : index
      %get3A_1232 = tpu.vector_load %arg8[%get3A_1230, %get3A_1231] {strides = array<i32>} : memref<128x32xf32, #tpu.memory_space<vmem>>, vector<16xf32>,
      %add3A_1233 = arith.addf %get3A_1232, %get3A_66 : vector<16xf32>
      %get3A_1234 = arith.constant 92 : i32
      %get3A_1235 = arith.index_cast %get3A_1234 : i32 to index
      %get3A_1236 = arith.constant 0 : index
      %get3A_1237 = tpu.vector_load %arg8[%get3A_1235, %get3A_1236] {strides = array<i32>} : memref<128x32xf32, #tpu.memory_space<vmem>>, vector<16xf32>,
      %add3A_1238 = arith.addf %get3A_1237, %get3A_66 : vector<16xf32>
      %get3A_1239 = arith.constant 93 : i32
      %get3A_1240 = arith.index_cast %get3A_1239 : i32 to index
      %get3A_1241 = arith.constant 0 : index
      %get3A_1242 = tpu.vector_load %arg8[%get3A_1240, %get3A_1241] {strides = array<i32>} : memref<128x32xf32, #tpu.memory_space<vmem>>, vector<16xf32>,
      %add3A_1243 = arith.addf %get3A_1242, %get3A_66 : vector<16xf32>
      %get3A_1244 = arith.constant 94 : i32
      %get3A_1245 = arith.index_cast %get3A_1244 : i32 to index
      %get3A_1246 = arith.constant 0 : index
      %get3A_1247 = tpu.vector_load %arg8[%get3A_1245, %get3A_1246] {strides = array<i32>} : memref<128x32xf32, #tpu.memory_space<vmem>>, vector<16xf32>,
      %add3A_1248 = arith.addf %get3A_1247, %get3A_66 : vector<16xf32>
      %get3A_1249 = arith.constant 95 : i32
      %get3A_1250 = arith.index_cast %get3A_1249 : i32 to index
      %get3A_1251 = arith.constant 0 : index
      %get3A_1252 = tpu.vector_load %arg8[%get3A_1250, %get3A_1251] {strides = array<i32>} : memref<128x32xf32, #tpu.memory_space<vmem>>, vector<16xf32>,
      %add3A_1253 = arith.addf %get3A_1252, %get3A_66 : vector<16xf32>
      %get3A_1254 = arith.constant 88 : i32
      %get3A_1255 = arith.index_cast %get3A_1254 : i32 to index
      %get3A_1256 = arith.constant 16 : index
      %get3A_1257 = tpu.vector_load %arg8[%get3A_1255, %get3A_1256] {strides = array<i32>} : memref<128x32xf32, #tpu.memory_space<vmem>>, vector<16xf32>,
      %add3A_1258 = arith.addf %get3A_1257, %get3A_69 : vector<16xf32>
      %get3A_1259 = arith.constant 89 : i32
      %get3A_1260 = arith.index_cast %get3A_1259 : i32 to index
      %get3A_1261 = arith.constant 16 : index
      %get3A_1262 = tpu.vector_load %arg8[%get3A_1260, %get3A_1261] {strides = array<i32>} : memref<128x32xf32, #tpu.memory_space<vmem>>, vector<16xf32>,
      %add3A_1263 = arith.addf %get3A_1262, %get3A_69 : vector<16xf32>
      %get3A_1264 = arith.constant 90 : i32
      %get3A_1265 = arith.index_cast %get3A_1264 : i32 to index
      %get3A_1266 = arith.constant 16 : index
      %get3A_1267 = tpu.vector_load %arg8[%get3A_1265, %get3A_1266] {strides = array<i32>} : memref<128x32xf32, #tpu.memory_space<vmem>>, vector<16xf32>,
      %add3A_1268 = arith.addf %get3A_1267, %get3A_69 : vector<16xf32>
      %get3A_1269 = arith.constant 91 : i32
      %get3A_1270 = arith.index_cast %get3A_1269 : i32 to index
      %get3A_1271 = arith.constant 16 : index
      %get3A_1272 = tpu.vector_load %arg8[%get3A_1270, %get3A_1271] {strides = array<i32>} : memref<128x32xf32, #tpu.memory_space<vmem>>, vector<16xf32>,
      %add3A_1273 = arith.addf %get3A_1272, %get3A_69 : vector<16xf32>
      %get3A_1274 = arith.constant 92 : i32
      %get3A_1275 = arith.index_cast %get3A_1274 : i32 to index
      %get3A_1276 = arith.constant 16 : index
      %get3A_1277 = tpu.vector_load %arg8[%get3A_1275, %get3A_1276] {strides = array<i32>} : memref<128x32xf32, #tpu.memory_space<vmem>>, vector<16xf32>,
      %add3A_1278 = arith.addf %get3A_1277, %get3A_69 : vector<16xf32>
      %get3A_1279 = arith.constant 93 : i32
      %get3A_1280 = arith.index_cast %get3A_1279 : i32 to index
      %get3A_1281 = arith.constant 16 : index
      %get3A_1282 = tpu.vector_load %arg8[%get3A_1280, %get3A_1281] {strides = array<i32>} : memref<128x32xf32, #tpu.memory_space<vmem>>, vector<16xf32>,
      %add3A_1283 = arith.addf %get3A_1282, %get3A_69 : vector<16xf32>
      %get3A_1284 = arith.constant 94 : i32
      %get3A_1285 = arith.index_cast %get3A_1284 : i32 to index
      %get3A_1286 = arith.constant 16 : index
      %get3A_1287 = tpu.vector_load %arg8[%get3A_1285, %get3A_1286] {strides = array<i32>} : memref<128x32xf32, #tpu.memory_space<vmem>>, vector<16xf32>,
      %add3A_1288 = arith.addf %get3A_1287, %get3A_69 : vector<16xf32>
      %get3A_1289 = arith.constant 95 : i32
      %get3A_1290 = arith.index_cast %get3A_1289 : i32 to index
      %get3A_1291 = arith.constant 16 : index
      %get3A_1292 = tpu.vector_load %arg8[%get3A_1290, %get3A_1291] {strides = array<i32>} : memref<128x32xf32, #tpu.memory_space<vmem>>, vector<16xf32>,
      %add3A_1293 = arith.addf %get3A_1292, %get3A_69 : vector<16xf32>
      %add3A_1294 = arith.constant 88 : i32
      %add3A_1295 = vector.broadcast %add3A_1294 : i32 to vector<16xi32>
      %add3A_1296 = arith.addi %mul3A_11, %add3A_1295 : vector<16xi32>
      tpu.vector_store_idx %arg10[%shift_right_arithmetic3A_13, %and3A_15, %add3A_1296], %add3A_1218 : memref<4x8x129xf32, #tpu.memory_space<vmem>>[vector<16xi32>, vector<16xi32>, vector<16xi32>], vector<16xf32>,
      tpu.vector_store_idx %arg10[%shift_right_arithmetic3A_21, %and3A_24, %add3A_1296], %add3A_1258 : memref<4x8x129xf32, #tpu.memory_space<vmem>>[vector<16xi32>, vector<16xi32>, vector<16xi32>], vector<16xf32>,
      %add3A_1297 = arith.constant 89 : i32
      %add3A_1298 = vector.broadcast %add3A_1297 : i32 to vector<16xi32>
      %add3A_1299 = arith.addi %mul3A_11, %add3A_1298 : vector<16xi32>
      tpu.vector_store_idx %arg10[%shift_right_arithmetic3A_13, %and3A_15, %add3A_1299], %add3A_1223 : memref<4x8x129xf32, #tpu.memory_space<vmem>>[vector<16xi32>, vector<16xi32>, vector<16xi32>], vector<16xf32>,
      tpu.vector_store_idx %arg10[%shift_right_arithmetic3A_21, %and3A_24, %add3A_1299], %add3A_1263 : memref<4x8x129xf32, #tpu.memory_space<vmem>>[vector<16xi32>, vector<16xi32>, vector<16xi32>], vector<16xf32>,
      %add3A_1300 = arith.constant 90 : i32
      %add3A_1301 = vector.broadcast %add3A_1300 : i32 to vector<16xi32>
      %add3A_1302 = arith.addi %mul3A_11, %add3A_1301 : vector<16xi32>
      tpu.vector_store_idx %arg10[%shift_right_arithmetic3A_13, %and3A_15, %add3A_1302], %add3A_1228 : memref<4x8x129xf32, #tpu.memory_space<vmem>>[vector<16xi32>, vector<16xi32>, vector<16xi32>], vector<16xf32>,
      tpu.vector_store_idx %arg10[%shift_right_arithmetic3A_21, %and3A_24, %add3A_1302], %add3A_1268 : memref<4x8x129xf32, #tpu.memory_space<vmem>>[vector<16xi32>, vector<16xi32>, vector<16xi32>], vector<16xf32>,
      %add3A_1303 = arith.constant 91 : i32
      %add3A_1304 = vector.broadcast %add3A_1303 : i32 to vector<16xi32>
      %add3A_1305 = arith.addi %mul3A_11, %add3A_1304 : vector<16xi32>
      tpu.vector_store_idx %arg10[%shift_right_arithmetic3A_13, %and3A_15, %add3A_1305], %add3A_1233 : memref<4x8x129xf32, #tpu.memory_space<vmem>>[vector<16xi32>, vector<16xi32>, vector<16xi32>], vector<16xf32>,
      tpu.vector_store_idx %arg10[%shift_right_arithmetic3A_21, %and3A_24, %add3A_1305], %add3A_1273 : memref<4x8x129xf32, #tpu.memory_space<vmem>>[vector<16xi32>, vector<16xi32>, vector<16xi32>], vector<16xf32>,
      %add3A_1306 = arith.constant 92 : i32
      %add3A_1307 = vector.broadcast %add3A_1306 : i32 to vector<16xi32>
      %add3A_1308 = arith.addi %mul3A_11, %add3A_1307 : vector<16xi32>
      tpu.vector_store_idx %arg10[%shift_right_arithmetic3A_13, %and3A_15, %add3A_1308], %add3A_1238 : memref<4x8x129xf32, #tpu.memory_space<vmem>>[vector<16xi32>, vector<16xi32>, vector<16xi32>], vector<16xf32>,
      tpu.vector_store_idx %arg10[%shift_right_arithmetic3A_21, %and3A_24, %add3A_1308], %add3A_1278 : memref<4x8x129xf32, #tpu.memory_space<vmem>>[vector<16xi32>, vector<16xi32>, vector<16xi32>], vector<16xf32>,
      %add3A_1309 = arith.constant 93 : i32
      %add3A_1310 = vector.broadcast %add3A_1309 : i32 to vector<16xi32>
      %add3A_1311 = arith.addi %mul3A_11, %add3A_1310 : vector<16xi32>
      tpu.vector_store_idx %arg10[%shift_right_arithmetic3A_13, %and3A_15, %add3A_1311], %add3A_1243 : memref<4x8x129xf32, #tpu.memory_space<vmem>>[vector<16xi32>, vector<16xi32>, vector<16xi32>], vector<16xf32>,
      tpu.vector_store_idx %arg10[%shift_right_arithmetic3A_21, %and3A_24, %add3A_1311], %add3A_1283 : memref<4x8x129xf32, #tpu.memory_space<vmem>>[vector<16xi32>, vector<16xi32>, vector<16xi32>], vector<16xf32>,
      %add3A_1312 = arith.constant 94 : i32
      %add3A_1313 = vector.broadcast %add3A_1312 : i32 to vector<16xi32>
      %add3A_1314 = arith.addi %mul3A_11, %add3A_1313 : vector<16xi32>
      tpu.vector_store_idx %arg10[%shift_right_arithmetic3A_13, %and3A_15, %add3A_1314], %add3A_1248 : memref<4x8x129xf32, #tpu.memory_space<vmem>>[vector<16xi32>, vector<16xi32>, vector<16xi32>], vector<16xf32>,
      tpu.vector_store_idx %arg10[%shift_right_arithmetic3A_21, %and3A_24, %add3A_1314], %add3A_1288 : memref<4x8x129xf32, #tpu.memory_space<vmem>>[vector<16xi32>, vector<16xi32>, vector<16xi32>], vector<16xf32>,
      %add3A_1315 = arith.constant 95 : i32
      %add3A_1316 = vector.broadcast %add3A_1315 : i32 to vector<16xi32>
      %add3A_1317 = arith.addi %mul3A_11, %add3A_1316 : vector<16xi32>
      tpu.vector_store_idx %arg10[%shift_right_arithmetic3A_13, %and3A_15, %add3A_1317], %add3A_1253 : memref<4x8x129xf32, #tpu.memory_space<vmem>>[vector<16xi32>, vector<16xi32>, vector<16xi32>], vector<16xf32>,
      tpu.vector_store_idx %arg10[%shift_right_arithmetic3A_21, %and3A_24, %add3A_1317], %add3A_1293 : memref<4x8x129xf32, #tpu.memory_space<vmem>>[vector<16xi32>, vector<16xi32>, vector<16xi32>], vector<16xf32>,
      %get3A_1318 = arith.constant 96 : i32
      %get3A_1319 = arith.index_cast %get3A_1318 : i32 to index
      %get3A_1320 = arith.constant 0 : index
      %get3A_1321 = tpu.vector_load %arg8[%get3A_1319, %get3A_1320] {strides = array<i32>} : memref<128x32xf32, #tpu.memory_space<vmem>>, vector<16xf32>,
      %add3A_1322 = arith.addf %get3A_1321, %get3A_66 : vector<16xf32>
      %get3A_1323 = arith.constant 97 : i32
      %get3A_1324 = arith.index_cast %get3A_1323 : i32 to index
      %get3A_1325 = arith.constant 0 : index
      %get3A_1326 = tpu.vector_load %arg8[%get3A_1324, %get3A_1325] {strides = array<i32>} : memref<128x32xf32, #tpu.memory_space<vmem>>, vector<16xf32>,
      %add3A_1327 = arith.addf %get3A_1326, %get3A_66 : vector<16xf32>
      %get3A_1328 = arith.constant 98 : i32
      %get3A_1329 = arith.index_cast %get3A_1328 : i32 to index
      %get3A_1330 = arith.constant 0 : index
      %get3A_1331 = tpu.vector_load %arg8[%get3A_1329, %get3A_1330] {strides = array<i32>} : memref<128x32xf32, #tpu.memory_space<vmem>>, vector<16xf32>,
      %add3A_1332 = arith.addf %get3A_1331, %get3A_66 : vector<16xf32>
      %get3A_1333 = arith.constant 99 : i32
      %get3A_1334 = arith.index_cast %get3A_1333 : i32 to index
      %get3A_1335 = arith.constant 0 : index
      %get3A_1336 = tpu.vector_load %arg8[%get3A_1334, %get3A_1335] {strides = array<i32>} : memref<128x32xf32, #tpu.memory_space<vmem>>, vector<16xf32>,
      %add3A_1337 = arith.addf %get3A_1336, %get3A_66 : vector<16xf32>
      %get3A_1338 = arith.constant 100 : i32
      %get3A_1339 = arith.index_cast %get3A_1338 : i32 to index
      %get3A_1340 = arith.constant 0 : index
      %get3A_1341 = tpu.vector_load %arg8[%get3A_1339, %get3A_1340] {strides = array<i32>} : memref<128x32xf32, #tpu.memory_space<vmem>>, vector<16xf32>,
      %add3A_1342 = arith.addf %get3A_1341, %get3A_66 : vector<16xf32>
      %get3A_1343 = arith.constant 101 : i32
      %get3A_1344 = arith.index_cast %get3A_1343 : i32 to index
      %get3A_1345 = arith.constant 0 : index
      %get3A_1346 = tpu.vector_load %arg8[%get3A_1344, %get3A_1345] {strides = array<i32>} : memref<128x32xf32, #tpu.memory_space<vmem>>, vector<16xf32>,
      %add3A_1347 = arith.addf %get3A_1346, %get3A_66 : vector<16xf32>
      %get3A_1348 = arith.constant 102 : i32
      %get3A_1349 = arith.index_cast %get3A_1348 : i32 to index
      %get3A_1350 = arith.constant 0 : index
      %get3A_1351 = tpu.vector_load %arg8[%get3A_1349, %get3A_1350] {strides = array<i32>} : memref<128x32xf32, #tpu.memory_space<vmem>>, vector<16xf32>,
      %add3A_1352 = arith.addf %get3A_1351, %get3A_66 : vector<16xf32>
      %get3A_1353 = arith.constant 103 : i32
      %get3A_1354 = arith.index_cast %get3A_1353 : i32 to index
      %get3A_1355 = arith.constant 0 : index
      %get3A_1356 = tpu.vector_load %arg8[%get3A_1354, %get3A_1355] {strides = array<i32>} : memref<128x32xf32, #tpu.memory_space<vmem>>, vector<16xf32>,
      %add3A_1357 = arith.addf %get3A_1356, %get3A_66 : vector<16xf32>
      %get3A_1358 = arith.constant 96 : i32
      %get3A_1359 = arith.index_cast %get3A_1358 : i32 to index
      %get3A_1360 = arith.constant 16 : index
      %get3A_1361 = tpu.vector_load %arg8[%get3A_1359, %get3A_1360] {strides = array<i32>} : memref<128x32xf32, #tpu.memory_space<vmem>>, vector<16xf32>,
      %add3A_1362 = arith.addf %get3A_1361, %get3A_69 : vector<16xf32>
      %get3A_1363 = arith.constant 97 : i32
      %get3A_1364 = arith.index_cast %get3A_1363 : i32 to index
      %get3A_1365 = arith.constant 16 : index
      %get3A_1366 = tpu.vector_load %arg8[%get3A_1364, %get3A_1365] {strides = array<i32>} : memref<128x32xf32, #tpu.memory_space<vmem>>, vector<16xf32>,
      %add3A_1367 = arith.addf %get3A_1366, %get3A_69 : vector<16xf32>
      %get3A_1368 = arith.constant 98 : i32
      %get3A_1369 = arith.index_cast %get3A_1368 : i32 to index
      %get3A_1370 = arith.constant 16 : index
      %get3A_1371 = tpu.vector_load %arg8[%get3A_1369, %get3A_1370] {strides = array<i32>} : memref<128x32xf32, #tpu.memory_space<vmem>>, vector<16xf32>,
      %add3A_1372 = arith.addf %get3A_1371, %get3A_69 : vector<16xf32>
      %get3A_1373 = arith.constant 99 : i32
      %get3A_1374 = arith.index_cast %get3A_1373 : i32 to index
      %get3A_1375 = arith.constant 16 : index
      %get3A_1376 = tpu.vector_load %arg8[%get3A_1374, %get3A_1375] {strides = array<i32>} : memref<128x32xf32, #tpu.memory_space<vmem>>, vector<16xf32>,
      %add3A_1377 = arith.addf %get3A_1376, %get3A_69 : vector<16xf32>
      %get3A_1378 = arith.constant 100 : i32
      %get3A_1379 = arith.index_cast %get3A_1378 : i32 to index
      %get3A_1380 = arith.constant 16 : index
      %get3A_1381 = tpu.vector_load %arg8[%get3A_1379, %get3A_1380] {strides = array<i32>} : memref<128x32xf32, #tpu.memory_space<vmem>>, vector<16xf32>,
      %add3A_1382 = arith.addf %get3A_1381, %get3A_69 : vector<16xf32>
      %get3A_1383 = arith.constant 101 : i32
      %get3A_1384 = arith.index_cast %get3A_1383 : i32 to index
      %get3A_1385 = arith.constant 16 : index
      %get3A_1386 = tpu.vector_load %arg8[%get3A_1384, %get3A_1385] {strides = array<i32>} : memref<128x32xf32, #tpu.memory_space<vmem>>, vector<16xf32>,
      %add3A_1387 = arith.addf %get3A_1386, %get3A_69 : vector<16xf32>
      %get3A_1388 = arith.constant 102 : i32
      %get3A_1389 = arith.index_cast %get3A_1388 : i32 to index
      %get3A_1390 = arith.constant 16 : index
      %get3A_1391 = tpu.vector_load %arg8[%get3A_1389, %get3A_1390] {strides = array<i32>} : memref<128x32xf32, #tpu.memory_space<vmem>>, vector<16xf32>,
      %add3A_1392 = arith.addf %get3A_1391, %get3A_69 : vector<16xf32>
      %get3A_1393 = arith.constant 103 : i32
      %get3A_1394 = arith.index_cast %get3A_1393 : i32 to index
      %get3A_1395 = arith.constant 16 : index
      %get3A_1396 = tpu.vector_load %arg8[%get3A_1394, %get3A_1395] {strides = array<i32>} : memref<128x32xf32, #tpu.memory_space<vmem>>, vector<16xf32>,
      %add3A_1397 = arith.addf %get3A_1396, %get3A_69 : vector<16xf32>
      %add3A_1398 = arith.constant 96 : i32
      %add3A_1399 = vector.broadcast %add3A_1398 : i32 to vector<16xi32>
      %add3A_1400 = arith.addi %mul3A_11, %add3A_1399 : vector<16xi32>
      tpu.vector_store_idx %arg10[%shift_right_arithmetic3A_13, %and3A_15, %add3A_1400], %add3A_1322 : memref<4x8x129xf32, #tpu.memory_space<vmem>>[vector<16xi32>, vector<16xi32>, vector<16xi32>], vector<16xf32>,
      tpu.vector_store_idx %arg10[%shift_right_arithmetic3A_21, %and3A_24, %add3A_1400], %add3A_1362 : memref<4x8x129xf32, #tpu.memory_space<vmem>>[vector<16xi32>, vector<16xi32>, vector<16xi32>], vector<16xf32>,
      %add3A_1401 = arith.constant 97 : i32
      %add3A_1402 = vector.broadcast %add3A_1401 : i32 to vector<16xi32>
      %add3A_1403 = arith.addi %mul3A_11, %add3A_1402 : vector<16xi32>
      tpu.vector_store_idx %arg10[%shift_right_arithmetic3A_13, %and3A_15, %add3A_1403], %add3A_1327 : memref<4x8x129xf32, #tpu.memory_space<vmem>>[vector<16xi32>, vector<16xi32>, vector<16xi32>], vector<16xf32>,
      tpu.vector_store_idx %arg10[%shift_right_arithmetic3A_21, %and3A_24, %add3A_1403], %add3A_1367 : memref<4x8x129xf32, #tpu.memory_space<vmem>>[vector<16xi32>, vector<16xi32>, vector<16xi32>], vector<16xf32>,
      %add3A_1404 = arith.constant 98 : i32
      %add3A_1405 = vector.broadcast %add3A_1404 : i32 to vector<16xi32>
      %add3A_1406 = arith.addi %mul3A_11, %add3A_1405 : vector<16xi32>
      tpu.vector_store_idx %arg10[%shift_right_arithmetic3A_13, %and3A_15, %add3A_1406], %add3A_1332 : memref<4x8x129xf32, #tpu.memory_space<vmem>>[vector<16xi32>, vector<16xi32>, vector<16xi32>], vector<16xf32>,
      tpu.vector_store_idx %arg10[%shift_right_arithmetic3A_21, %and3A_24, %add3A_1406], %add3A_1372 : memref<4x8x129xf32, #tpu.memory_space<vmem>>[vector<16xi32>, vector<16xi32>, vector<16xi32>], vector<16xf32>,
      %add3A_1407 = arith.constant 99 : i32
      %add3A_1408 = vector.broadcast %add3A_1407 : i32 to vector<16xi32>
      %add3A_1409 = arith.addi %mul3A_11, %add3A_1408 : vector<16xi32>
      tpu.vector_store_idx %arg10[%shift_right_arithmetic3A_13, %and3A_15, %add3A_1409], %add3A_1337 : memref<4x8x129xf32, #tpu.memory_space<vmem>>[vector<16xi32>, vector<16xi32>, vector<16xi32>], vector<16xf32>,
      tpu.vector_store_idx %arg10[%shift_right_arithmetic3A_21, %and3A_24, %add3A_1409], %add3A_1377 : memref<4x8x129xf32, #tpu.memory_space<vmem>>[vector<16xi32>, vector<16xi32>, vector<16xi32>], vector<16xf32>,
      %add3A_1410 = arith.constant 100 : i32
      %add3A_1411 = vector.broadcast %add3A_1410 : i32 to vector<16xi32>
      %add3A_1412 = arith.addi %mul3A_11, %add3A_1411 : vector<16xi32>
      tpu.vector_store_idx %arg10[%shift_right_arithmetic3A_13, %and3A_15, %add3A_1412], %add3A_1342 : memref<4x8x129xf32, #tpu.memory_space<vmem>>[vector<16xi32>, vector<16xi32>, vector<16xi32>], vector<16xf32>,
      tpu.vector_store_idx %arg10[%shift_right_arithmetic3A_21, %and3A_24, %add3A_1412], %add3A_1382 : memref<4x8x129xf32, #tpu.memory_space<vmem>>[vector<16xi32>, vector<16xi32>, vector<16xi32>], vector<16xf32>,
      %add3A_1413 = arith.constant 101 : i32
      %add3A_1414 = vector.broadcast %add3A_1413 : i32 to vector<16xi32>
      %add3A_1415 = arith.addi %mul3A_11, %add3A_1414 : vector<16xi32>
      tpu.vector_store_idx %arg10[%shift_right_arithmetic3A_13, %and3A_15, %add3A_1415], %add3A_1347 : memref<4x8x129xf32, #tpu.memory_space<vmem>>[vector<16xi32>, vector<16xi32>, vector<16xi32>], vector<16xf32>,
      tpu.vector_store_idx %arg10[%shift_right_arithmetic3A_21, %and3A_24, %add3A_1415], %add3A_1387 : memref<4x8x129xf32, #tpu.memory_space<vmem>>[vector<16xi32>, vector<16xi32>, vector<16xi32>], vector<16xf32>,
      %add3A_1416 = arith.constant 102 : i32
      %add3A_1417 = vector.broadcast %add3A_1416 : i32 to vector<16xi32>
      %add3A_1418 = arith.addi %mul3A_11, %add3A_1417 : vector<16xi32>
      tpu.vector_store_idx %arg10[%shift_right_arithmetic3A_13, %and3A_15, %add3A_1418], %add3A_1352 : memref<4x8x129xf32, #tpu.memory_space<vmem>>[vector<16xi32>, vector<16xi32>, vector<16xi32>], vector<16xf32>,
      tpu.vector_store_idx %arg10[%shift_right_arithmetic3A_21, %and3A_24, %add3A_1418], %add3A_1392 : memref<4x8x129xf32, #tpu.memory_space<vmem>>[vector<16xi32>, vector<16xi32>, vector<16xi32>], vector<16xf32>,
      %add3A_1419 = arith.constant 103 : i32
      %add3A_1420 = vector.broadcast %add3A_1419 : i32 to vector<16xi32>
      %add3A_1421 = arith.addi %mul3A_11, %add3A_1420 : vector<16xi32>
      tpu.vector_store_idx %arg10[%shift_right_arithmetic3A_13, %and3A_15, %add3A_1421], %add3A_1357 : memref<4x8x129xf32, #tpu.memory_space<vmem>>[vector<16xi32>, vector<16xi32>, vector<16xi32>], vector<16xf32>,
      tpu.vector_store_idx %arg10[%shift_right_arithmetic3A_21, %and3A_24, %add3A_1421], %add3A_1397 : memref<4x8x129xf32, #tpu.memory_space<vmem>>[vector<16xi32>, vector<16xi32>, vector<16xi32>], vector<16xf32>,
      %get3A_1422 = arith.constant 104 : i32
      %get3A_1423 = arith.index_cast %get3A_1422 : i32 to index
      %get3A_1424 = arith.constant 0 : index
      %get3A_1425 = tpu.vector_load %arg8[%get3A_1423, %get3A_1424] {strides = array<i32>} : memref<128x32xf32, #tpu.memory_space<vmem>>, vector<16xf32>,
      %add3A_1426 = arith.addf %get3A_1425, %get3A_66 : vector<16xf32>
      %get3A_1427 = arith.constant 105 : i32
      %get3A_1428 = arith.index_cast %get3A_1427 : i32 to index
      %get3A_1429 = arith.constant 0 : index
      %get3A_1430 = tpu.vector_load %arg8[%get3A_1428, %get3A_1429] {strides = array<i32>} : memref<128x32xf32, #tpu.memory_space<vmem>>, vector<16xf32>,
      %add3A_1431 = arith.addf %get3A_1430, %get3A_66 : vector<16xf32>
      %get3A_1432 = arith.constant 106 : i32
      %get3A_1433 = arith.index_cast %get3A_1432 : i32 to index
      %get3A_1434 = arith.constant 0 : index
      %get3A_1435 = tpu.vector_load %arg8[%get3A_1433, %get3A_1434] {strides = array<i32>} : memref<128x32xf32, #tpu.memory_space<vmem>>, vector<16xf32>,
      %add3A_1436 = arith.addf %get3A_1435, %get3A_66 : vector<16xf32>
      %get3A_1437 = arith.constant 107 : i32
      %get3A_1438 = arith.index_cast %get3A_1437 : i32 to index
      %get3A_1439 = arith.constant 0 : index
      %get3A_1440 = tpu.vector_load %arg8[%get3A_1438, %get3A_1439] {strides = array<i32>} : memref<128x32xf32, #tpu.memory_space<vmem>>, vector<16xf32>,
      %add3A_1441 = arith.addf %get3A_1440, %get3A_66 : vector<16xf32>
      %get3A_1442 = arith.constant 108 : i32
      %get3A_1443 = arith.index_cast %get3A_1442 : i32 to index
      %get3A_1444 = arith.constant 0 : index
      %get3A_1445 = tpu.vector_load %arg8[%get3A_1443, %get3A_1444] {strides = array<i32>} : memref<128x32xf32, #tpu.memory_space<vmem>>, vector<16xf32>,
      %add3A_1446 = arith.addf %get3A_1445, %get3A_66 : vector<16xf32>
      %get3A_1447 = arith.constant 109 : i32
      %get3A_1448 = arith.index_cast %get3A_1447 : i32 to index
      %get3A_1449 = arith.constant 0 : index
      %get3A_1450 = tpu.vector_load %arg8[%get3A_1448, %get3A_1449] {strides = array<i32>} : memref<128x32xf32, #tpu.memory_space<vmem>>, vector<16xf32>,
      %add3A_1451 = arith.addf %get3A_1450, %get3A_66 : vector<16xf32>
      %get3A_1452 = arith.constant 110 : i32
      %get3A_1453 = arith.index_cast %get3A_1452 : i32 to index
      %get3A_1454 = arith.constant 0 : index
      %get3A_1455 = tpu.vector_load %arg8[%get3A_1453, %get3A_1454] {strides = array<i32>} : memref<128x32xf32, #tpu.memory_space<vmem>>, vector<16xf32>,
      %add3A_1456 = arith.addf %get3A_1455, %get3A_66 : vector<16xf32>
      %get3A_1457 = arith.constant 111 : i32
      %get3A_1458 = arith.index_cast %get3A_1457 : i32 to index
      %get3A_1459 = arith.constant 0 : index
      %get3A_1460 = tpu.vector_load %arg8[%get3A_1458, %get3A_1459] {strides = array<i32>} : memref<128x32xf32, #tpu.memory_space<vmem>>, vector<16xf32>,
      %add3A_1461 = arith.addf %get3A_1460, %get3A_66 : vector<16xf32>
      %get3A_1462 = arith.constant 104 : i32
      %get3A_1463 = arith.index_cast %get3A_1462 : i32 to index
      %get3A_1464 = arith.constant 16 : index
      %get3A_1465 = tpu.vector_load %arg8[%get3A_1463, %get3A_1464] {strides = array<i32>} : memref<128x32xf32, #tpu.memory_space<vmem>>, vector<16xf32>,
      %add3A_1466 = arith.addf %get3A_1465, %get3A_69 : vector<16xf32>
      %get3A_1467 = arith.constant 105 : i32
      %get3A_1468 = arith.index_cast %get3A_1467 : i32 to index
      %get3A_1469 = arith.constant 16 : index
      %get3A_1470 = tpu.vector_load %arg8[%get3A_1468, %get3A_1469] {strides = array<i32>} : memref<128x32xf32, #tpu.memory_space<vmem>>, vector<16xf32>,
      %add3A_1471 = arith.addf %get3A_1470, %get3A_69 : vector<16xf32>
      %get3A_1472 = arith.constant 106 : i32
      %get3A_1473 = arith.index_cast %get3A_1472 : i32 to index
      %get3A_1474 = arith.constant 16 : index
      %get3A_1475 = tpu.vector_load %arg8[%get3A_1473, %get3A_1474] {strides = array<i32>} : memref<128x32xf32, #tpu.memory_space<vmem>>, vector<16xf32>,
      %add3A_1476 = arith.addf %get3A_1475, %get3A_69 : vector<16xf32>
      %get3A_1477 = arith.constant 107 : i32
      %get3A_1478 = arith.index_cast %get3A_1477 : i32 to index
      %get3A_1479 = arith.constant 16 : index
      %get3A_1480 = tpu.vector_load %arg8[%get3A_1478, %get3A_1479] {strides = array<i32>} : memref<128x32xf32, #tpu.memory_space<vmem>>, vector<16xf32>,
      %add3A_1481 = arith.addf %get3A_1480, %get3A_69 : vector<16xf32>
      %get3A_1482 = arith.constant 108 : i32
      %get3A_1483 = arith.index_cast %get3A_1482 : i32 to index
      %get3A_1484 = arith.constant 16 : index
      %get3A_1485 = tpu.vector_load %arg8[%get3A_1483, %get3A_1484] {strides = array<i32>} : memref<128x32xf32, #tpu.memory_space<vmem>>, vector<16xf32>,
      %add3A_1486 = arith.addf %get3A_1485, %get3A_69 : vector<16xf32>
      %get3A_1487 = arith.constant 109 : i32
      %get3A_1488 = arith.index_cast %get3A_1487 : i32 to index
      %get3A_1489 = arith.constant 16 : index
      %get3A_1490 = tpu.vector_load %arg8[%get3A_1488, %get3A_1489] {strides = array<i32>} : memref<128x32xf32, #tpu.memory_space<vmem>>, vector<16xf32>,
      %add3A_1491 = arith.addf %get3A_1490, %get3A_69 : vector<16xf32>
      %get3A_1492 = arith.constant 110 : i32
      %get3A_1493 = arith.index_cast %get3A_1492 : i32 to index
      %get3A_1494 = arith.constant 16 : index
      %get3A_1495 = tpu.vector_load %arg8[%get3A_1493, %get3A_1494] {strides = array<i32>} : memref<128x32xf32, #tpu.memory_space<vmem>>, vector<16xf32>,
      %add3A_1496 = arith.addf %get3A_1495, %get3A_69 : vector<16xf32>
      %get3A_1497 = arith.constant 111 : i32
      %get3A_1498 = arith.index_cast %get3A_1497 : i32 to index
      %get3A_1499 = arith.constant 16 : index
      %get3A_1500 = tpu.vector_load %arg8[%get3A_1498, %get3A_1499] {strides = array<i32>} : memref<128x32xf32, #tpu.memory_space<vmem>>, vector<16xf32>,
      %add3A_1501 = arith.addf %get3A_1500, %get3A_69 : vector<16xf32>
      %add3A_1502 = arith.constant 104 : i32
      %add3A_1503 = vector.broadcast %add3A_1502 : i32 to vector<16xi32>
      %add3A_1504 = arith.addi %mul3A_11, %add3A_1503 : vector<16xi32>
      tpu.vector_store_idx %arg10[%shift_right_arithmetic3A_13, %and3A_15, %add3A_1504], %add3A_1426 : memref<4x8x129xf32, #tpu.memory_space<vmem>>[vector<16xi32>, vector<16xi32>, vector<16xi32>], vector<16xf32>,
      tpu.vector_store_idx %arg10[%shift_right_arithmetic3A_21, %and3A_24, %add3A_1504], %add3A_1466 : memref<4x8x129xf32, #tpu.memory_space<vmem>>[vector<16xi32>, vector<16xi32>, vector<16xi32>], vector<16xf32>,
      %add3A_1505 = arith.constant 105 : i32
      %add3A_1506 = vector.broadcast %add3A_1505 : i32 to vector<16xi32>
      %add3A_1507 = arith.addi %mul3A_11, %add3A_1506 : vector<16xi32>
      tpu.vector_store_idx %arg10[%shift_right_arithmetic3A_13, %and3A_15, %add3A_1507], %add3A_1431 : memref<4x8x129xf32, #tpu.memory_space<vmem>>[vector<16xi32>, vector<16xi32>, vector<16xi32>], vector<16xf32>,
      tpu.vector_store_idx %arg10[%shift_right_arithmetic3A_21, %and3A_24, %add3A_1507], %add3A_1471 : memref<4x8x129xf32, #tpu.memory_space<vmem>>[vector<16xi32>, vector<16xi32>, vector<16xi32>], vector<16xf32>,
      %add3A_1508 = arith.constant 106 : i32
      %add3A_1509 = vector.broadcast %add3A_1508 : i32 to vector<16xi32>
      %add3A_1510 = arith.addi %mul3A_11, %add3A_1509 : vector<16xi32>
      tpu.vector_store_idx %arg10[%shift_right_arithmetic3A_13, %and3A_15, %add3A_1510], %add3A_1436 : memref<4x8x129xf32, #tpu.memory_space<vmem>>[vector<16xi32>, vector<16xi32>, vector<16xi32>], vector<16xf32>,
      tpu.vector_store_idx %arg10[%shift_right_arithmetic3A_21, %and3A_24, %add3A_1510], %add3A_1476 : memref<4x8x129xf32, #tpu.memory_space<vmem>>[vector<16xi32>, vector<16xi32>, vector<16xi32>], vector<16xf32>,
      %add3A_1511 = arith.constant 107 : i32
      %add3A_1512 = vector.broadcast %add3A_1511 : i32 to vector<16xi32>
      %add3A_1513 = arith.addi %mul3A_11, %add3A_1512 : vector<16xi32>
      tpu.vector_store_idx %arg10[%shift_right_arithmetic3A_13, %and3A_15, %add3A_1513], %add3A_1441 : memref<4x8x129xf32, #tpu.memory_space<vmem>>[vector<16xi32>, vector<16xi32>, vector<16xi32>], vector<16xf32>,
      tpu.vector_store_idx %arg10[%shift_right_arithmetic3A_21, %and3A_24, %add3A_1513], %add3A_1481 : memref<4x8x129xf32, #tpu.memory_space<vmem>>[vector<16xi32>, vector<16xi32>, vector<16xi32>], vector<16xf32>,
      %add3A_1514 = arith.constant 108 : i32
      %add3A_1515 = vector.broadcast %add3A_1514 : i32 to vector<16xi32>
      %add3A_1516 = arith.addi %mul3A_11, %add3A_1515 : vector<16xi32>
      tpu.vector_store_idx %arg10[%shift_right_arithmetic3A_13, %and3A_15, %add3A_1516], %add3A_1446 : memref<4x8x129xf32, #tpu.memory_space<vmem>>[vector<16xi32>, vector<16xi32>, vector<16xi32>], vector<16xf32>,
      tpu.vector_store_idx %arg10[%shift_right_arithmetic3A_21, %and3A_24, %add3A_1516], %add3A_1486 : memref<4x8x129xf32, #tpu.memory_space<vmem>>[vector<16xi32>, vector<16xi32>, vector<16xi32>], vector<16xf32>,
      %add3A_1517 = arith.constant 109 : i32
      %add3A_1518 = vector.broadcast %add3A_1517 : i32 to vector<16xi32>
      %add3A_1519 = arith.addi %mul3A_11, %add3A_1518 : vector<16xi32>
      tpu.vector_store_idx %arg10[%shift_right_arithmetic3A_13, %and3A_15, %add3A_1519], %add3A_1451 : memref<4x8x129xf32, #tpu.memory_space<vmem>>[vector<16xi32>, vector<16xi32>, vector<16xi32>], vector<16xf32>,
      tpu.vector_store_idx %arg10[%shift_right_arithmetic3A_21, %and3A_24, %add3A_1519], %add3A_1491 : memref<4x8x129xf32, #tpu.memory_space<vmem>>[vector<16xi32>, vector<16xi32>, vector<16xi32>], vector<16xf32>,
      %add3A_1520 = arith.constant 110 : i32
      %add3A_1521 = vector.broadcast %add3A_1520 : i32 to vector<16xi32>
      %add3A_1522 = arith.addi %mul3A_11, %add3A_1521 : vector<16xi32>
      tpu.vector_store_idx %arg10[%shift_right_arithmetic3A_13, %and3A_15, %add3A_1522], %add3A_1456 : memref<4x8x129xf32, #tpu.memory_space<vmem>>[vector<16xi32>, vector<16xi32>, vector<16xi32>], vector<16xf32>,
      tpu.vector_store_idx %arg10[%shift_right_arithmetic3A_21, %and3A_24, %add3A_1522], %add3A_1496 : memref<4x8x129xf32, #tpu.memory_space<vmem>>[vector<16xi32>, vector<16xi32>, vector<16xi32>], vector<16xf32>,
      %add3A_1523 = arith.constant 111 : i32
      %add3A_1524 = vector.broadcast %add3A_1523 : i32 to vector<16xi32>
      %add3A_1525 = arith.addi %mul3A_11, %add3A_1524 : vector<16xi32>
      tpu.vector_store_idx %arg10[%shift_right_arithmetic3A_13, %and3A_15, %add3A_1525], %add3A_1461 : memref<4x8x129xf32, #tpu.memory_space<vmem>>[vector<16xi32>, vector<16xi32>, vector<16xi32>], vector<16xf32>,
      tpu.vector_store_idx %arg10[%shift_right_arithmetic3A_21, %and3A_24, %add3A_1525], %add3A_1501 : memref<4x8x129xf32, #tpu.memory_space<vmem>>[vector<16xi32>, vector<16xi32>, vector<16xi32>], vector<16xf32>,
      %get3A_1526 = arith.constant 112 : i32
      %get3A_1527 = arith.index_cast %get3A_1526 : i32 to index
      %get3A_1528 = arith.constant 0 : index
      %get3A_1529 = tpu.vector_load %arg8[%get3A_1527, %get3A_1528] {strides = array<i32>} : memref<128x32xf32, #tpu.memory_space<vmem>>, vector<16xf32>,
      %add3A_1530 = arith.addf %get3A_1529, %get3A_66 : vector<16xf32>
      %get3A_1531 = arith.constant 113 : i32
      %get3A_1532 = arith.index_cast %get3A_1531 : i32 to index
      %get3A_1533 = arith.constant 0 : index
      %get3A_1534 = tpu.vector_load %arg8[%get3A_1532, %get3A_1533] {strides = array<i32>} : memref<128x32xf32, #tpu.memory_space<vmem>>, vector<16xf32>,
      %add3A_1535 = arith.addf %get3A_1534, %get3A_66 : vector<16xf32>
      %get3A_1536 = arith.constant 114 : i32
      %get3A_1537 = arith.index_cast %get3A_1536 : i32 to index
      %get3A_1538 = arith.constant 0 : index
      %get3A_1539 = tpu.vector_load %arg8[%get3A_1537, %get3A_1538] {strides = array<i32>} : memref<128x32xf32, #tpu.memory_space<vmem>>, vector<16xf32>,
      %add3A_1540 = arith.addf %get3A_1539, %get3A_66 : vector<16xf32>
      %get3A_1541 = arith.constant 115 : i32
      %get3A_1542 = arith.index_cast %get3A_1541 : i32 to index
      %get3A_1543 = arith.constant 0 : index
      %get3A_1544 = tpu.vector_load %arg8[%get3A_1542, %get3A_1543] {strides = array<i32>} : memref<128x32xf32, #tpu.memory_space<vmem>>, vector<16xf32>,
      %add3A_1545 = arith.addf %get3A_1544, %get3A_66 : vector<16xf32>
      %get3A_1546 = arith.constant 116 : i32
      %get3A_1547 = arith.index_cast %get3A_1546 : i32 to index
      %get3A_1548 = arith.constant 0 : index
      %get3A_1549 = tpu.vector_load %arg8[%get3A_1547, %get3A_1548] {strides = array<i32>} : memref<128x32xf32, #tpu.memory_space<vmem>>, vector<16xf32>,
      %add3A_1550 = arith.addf %get3A_1549, %get3A_66 : vector<16xf32>
      %get3A_1551 = arith.constant 117 : i32
      %get3A_1552 = arith.index_cast %get3A_1551 : i32 to index
      %get3A_1553 = arith.constant 0 : index
      %get3A_1554 = tpu.vector_load %arg8[%get3A_1552, %get3A_1553] {strides = array<i32>} : memref<128x32xf32, #tpu.memory_space<vmem>>, vector<16xf32>,
      %add3A_1555 = arith.addf %get3A_1554, %get3A_66 : vector<16xf32>
      %get3A_1556 = arith.constant 118 : i32
      %get3A_1557 = arith.index_cast %get3A_1556 : i32 to index
      %get3A_1558 = arith.constant 0 : index
      %get3A_1559 = tpu.vector_load %arg8[%get3A_1557, %get3A_1558] {strides = array<i32>} : memref<128x32xf32, #tpu.memory_space<vmem>>, vector<16xf32>,
      %add3A_1560 = arith.addf %get3A_1559, %get3A_66 : vector<16xf32>
      %get3A_1561 = arith.constant 119 : i32
      %get3A_1562 = arith.index_cast %get3A_1561 : i32 to index
      %get3A_1563 = arith.constant 0 : index
      %get3A_1564 = tpu.vector_load %arg8[%get3A_1562, %get3A_1563] {strides = array<i32>} : memref<128x32xf32, #tpu.memory_space<vmem>>, vector<16xf32>,
      %add3A_1565 = arith.addf %get3A_1564, %get3A_66 : vector<16xf32>
      %get3A_1566 = arith.constant 112 : i32
      %get3A_1567 = arith.index_cast %get3A_1566 : i32 to index
      %get3A_1568 = arith.constant 16 : index
      %get3A_1569 = tpu.vector_load %arg8[%get3A_1567, %get3A_1568] {strides = array<i32>} : memref<128x32xf32, #tpu.memory_space<vmem>>, vector<16xf32>,
      %add3A_1570 = arith.addf %get3A_1569, %get3A_69 : vector<16xf32>
      %get3A_1571 = arith.constant 113 : i32
      %get3A_1572 = arith.index_cast %get3A_1571 : i32 to index
      %get3A_1573 = arith.constant 16 : index
      %get3A_1574 = tpu.vector_load %arg8[%get3A_1572, %get3A_1573] {strides = array<i32>} : memref<128x32xf32, #tpu.memory_space<vmem>>, vector<16xf32>,
      %add3A_1575 = arith.addf %get3A_1574, %get3A_69 : vector<16xf32>
      %get3A_1576 = arith.constant 114 : i32
      %get3A_1577 = arith.index_cast %get3A_1576 : i32 to index
      %get3A_1578 = arith.constant 16 : index
      %get3A_1579 = tpu.vector_load %arg8[%get3A_1577, %get3A_1578] {strides = array<i32>} : memref<128x32xf32, #tpu.memory_space<vmem>>, vector<16xf32>,
      %add3A_1580 = arith.addf %get3A_1579, %get3A_69 : vector<16xf32>
      %get3A_1581 = arith.constant 115 : i32
      %get3A_1582 = arith.index_cast %get3A_1581 : i32 to index
      %get3A_1583 = arith.constant 16 : index
      %get3A_1584 = tpu.vector_load %arg8[%get3A_1582, %get3A_1583] {strides = array<i32>} : memref<128x32xf32, #tpu.memory_space<vmem>>, vector<16xf32>,
      %add3A_1585 = arith.addf %get3A_1584, %get3A_69 : vector<16xf32>
      %get3A_1586 = arith.constant 116 : i32
      %get3A_1587 = arith.index_cast %get3A_1586 : i32 to index
      %get3A_1588 = arith.constant 16 : index
      %get3A_1589 = tpu.vector_load %arg8[%get3A_1587, %get3A_1588] {strides = array<i32>} : memref<128x32xf32, #tpu.memory_space<vmem>>, vector<16xf32>,
      %add3A_1590 = arith.addf %get3A_1589, %get3A_69 : vector<16xf32>
      %get3A_1591 = arith.constant 117 : i32
      %get3A_1592 = arith.index_cast %get3A_1591 : i32 to index
      %get3A_1593 = arith.constant 16 : index
      %get3A_1594 = tpu.vector_load %arg8[%get3A_1592, %get3A_1593] {strides = array<i32>} : memref<128x32xf32, #tpu.memory_space<vmem>>, vector<16xf32>,
      %add3A_1595 = arith.addf %get3A_1594, %get3A_69 : vector<16xf32>
      %get3A_1596 = arith.constant 118 : i32
      %get3A_1597 = arith.index_cast %get3A_1596 : i32 to index
      %get3A_1598 = arith.constant 16 : index
      %get3A_1599 = tpu.vector_load %arg8[%get3A_1597, %get3A_1598] {strides = array<i32>} : memref<128x32xf32, #tpu.memory_space<vmem>>, vector<16xf32>,
      %add3A_1600 = arith.addf %get3A_1599, %get3A_69 : vector<16xf32>
      %get3A_1601 = arith.constant 119 : i32
      %get3A_1602 = arith.index_cast %get3A_1601 : i32 to index
      %get3A_1603 = arith.constant 16 : index
      %get3A_1604 = tpu.vector_load %arg8[%get3A_1602, %get3A_1603] {strides = array<i32>} : memref<128x32xf32, #tpu.memory_space<vmem>>, vector<16xf32>,
      %add3A_1605 = arith.addf %get3A_1604, %get3A_69 : vector<16xf32>
      %add3A_1606 = arith.constant 112 : i32
      %add3A_1607 = vector.broadcast %add3A_1606 : i32 to vector<16xi32>
      %add3A_1608 = arith.addi %mul3A_11, %add3A_1607 : vector<16xi32>
      tpu.vector_store_idx %arg10[%shift_right_arithmetic3A_13, %and3A_15, %add3A_1608], %add3A_1530 : memref<4x8x129xf32, #tpu.memory_space<vmem>>[vector<16xi32>, vector<16xi32>, vector<16xi32>], vector<16xf32>,
      tpu.vector_store_idx %arg10[%shift_right_arithmetic3A_21, %and3A_24, %add3A_1608], %add3A_1570 : memref<4x8x129xf32, #tpu.memory_space<vmem>>[vector<16xi32>, vector<16xi32>, vector<16xi32>], vector<16xf32>,
      %add3A_1609 = arith.constant 113 : i32
      %add3A_1610 = vector.broadcast %add3A_1609 : i32 to vector<16xi32>
      %add3A_1611 = arith.addi %mul3A_11, %add3A_1610 : vector<16xi32>
      tpu.vector_store_idx %arg10[%shift_right_arithmetic3A_13, %and3A_15, %add3A_1611], %add3A_1535 : memref<4x8x129xf32, #tpu.memory_space<vmem>>[vector<16xi32>, vector<16xi32>, vector<16xi32>], vector<16xf32>,
      tpu.vector_store_idx %arg10[%shift_right_arithmetic3A_21, %and3A_24, %add3A_1611], %add3A_1575 : memref<4x8x129xf32, #tpu.memory_space<vmem>>[vector<16xi32>, vector<16xi32>, vector<16xi32>], vector<16xf32>,
      %add3A_1612 = arith.constant 114 : i32
      %add3A_1613 = vector.broadcast %add3A_1612 : i32 to vector<16xi32>
      %add3A_1614 = arith.addi %mul3A_11, %add3A_1613 : vector<16xi32>
      tpu.vector_store_idx %arg10[%shift_right_arithmetic3A_13, %and3A_15, %add3A_1614], %add3A_1540 : memref<4x8x129xf32, #tpu.memory_space<vmem>>[vector<16xi32>, vector<16xi32>, vector<16xi32>], vector<16xf32>,
      tpu.vector_store_idx %arg10[%shift_right_arithmetic3A_21, %and3A_24, %add3A_1614], %add3A_1580 : memref<4x8x129xf32, #tpu.memory_space<vmem>>[vector<16xi32>, vector<16xi32>, vector<16xi32>], vector<16xf32>,
      %add3A_1615 = arith.constant 115 : i32
      %add3A_1616 = vector.broadcast %add3A_1615 : i32 to vector<16xi32>
      %add3A_1617 = arith.addi %mul3A_11, %add3A_1616 : vector<16xi32>
      tpu.vector_store_idx %arg10[%shift_right_arithmetic3A_13, %and3A_15, %add3A_1617], %add3A_1545 : memref<4x8x129xf32, #tpu.memory_space<vmem>>[vector<16xi32>, vector<16xi32>, vector<16xi32>], vector<16xf32>,
      tpu.vector_store_idx %arg10[%shift_right_arithmetic3A_21, %and3A_24, %add3A_1617], %add3A_1585 : memref<4x8x129xf32, #tpu.memory_space<vmem>>[vector<16xi32>, vector<16xi32>, vector<16xi32>], vector<16xf32>,
      %add3A_1618 = arith.constant 116 : i32
      %add3A_1619 = vector.broadcast %add3A_1618 : i32 to vector<16xi32>
      %add3A_1620 = arith.addi %mul3A_11, %add3A_1619 : vector<16xi32>
      tpu.vector_store_idx %arg10[%shift_right_arithmetic3A_13, %and3A_15, %add3A_1620], %add3A_1550 : memref<4x8x129xf32, #tpu.memory_space<vmem>>[vector<16xi32>, vector<16xi32>, vector<16xi32>], vector<16xf32>,
      tpu.vector_store_idx %arg10[%shift_right_arithmetic3A_21, %and3A_24, %add3A_1620], %add3A_1590 : memref<4x8x129xf32, #tpu.memory_space<vmem>>[vector<16xi32>, vector<16xi32>, vector<16xi32>], vector<16xf32>,
      %add3A_1621 = arith.constant 117 : i32
      %add3A_1622 = vector.broadcast %add3A_1621 : i32 to vector<16xi32>
      %add3A_1623 = arith.addi %mul3A_11, %add3A_1622 : vector<16xi32>
      tpu.vector_store_idx %arg10[%shift_right_arithmetic3A_13, %and3A_15, %add3A_1623], %add3A_1555 : memref<4x8x129xf32, #tpu.memory_space<vmem>>[vector<16xi32>, vector<16xi32>, vector<16xi32>], vector<16xf32>,
      tpu.vector_store_idx %arg10[%shift_right_arithmetic3A_21, %and3A_24, %add3A_1623], %add3A_1595 : memref<4x8x129xf32, #tpu.memory_space<vmem>>[vector<16xi32>, vector<16xi32>, vector<16xi32>], vector<16xf32>,
      %add3A_1624 = arith.constant 118 : i32
      %add3A_1625 = vector.broadcast %add3A_1624 : i32 to vector<16xi32>
      %add3A_1626 = arith.addi %mul3A_11, %add3A_1625 : vector<16xi32>
      tpu.vector_store_idx %arg10[%shift_right_arithmetic3A_13, %and3A_15, %add3A_1626], %add3A_1560 : memref<4x8x129xf32, #tpu.memory_space<vmem>>[vector<16xi32>, vector<16xi32>, vector<16xi32>], vector<16xf32>,
      tpu.vector_store_idx %arg10[%shift_right_arithmetic3A_21, %and3A_24, %add3A_1626], %add3A_1600 : memref<4x8x129xf32, #tpu.memory_space<vmem>>[vector<16xi32>, vector<16xi32>, vector<16xi32>], vector<16xf32>,
      %add3A_1627 = arith.constant 119 : i32
      %add3A_1628 = vector.broadcast %add3A_1627 : i32 to vector<16xi32>
      %add3A_1629 = arith.addi %mul3A_11, %add3A_1628 : vector<16xi32>
      tpu.vector_store_idx %arg10[%shift_right_arithmetic3A_13, %and3A_15, %add3A_1629], %add3A_1565 : memref<4x8x129xf32, #tpu.memory_space<vmem>>[vector<16xi32>, vector<16xi32>, vector<16xi32>], vector<16xf32>,
      tpu.vector_store_idx %arg10[%shift_right_arithmetic3A_21, %and3A_24, %add3A_1629], %add3A_1605 : memref<4x8x129xf32, #tpu.memory_space<vmem>>[vector<16xi32>, vector<16xi32>, vector<16xi32>], vector<16xf32>,
      %get3A_1630 = arith.constant 120 : i32
      %get3A_1631 = arith.index_cast %get3A_1630 : i32 to index
      %get3A_1632 = arith.constant 0 : index
      %get3A_1633 = tpu.vector_load %arg8[%get3A_1631, %get3A_1632] {strides = array<i32>} : memref<128x32xf32, #tpu.memory_space<vmem>>, vector<16xf32>,
      %add3A_1634 = arith.addf %get3A_1633, %get3A_66 : vector<16xf32>
      %get3A_1635 = arith.constant 121 : i32
      %get3A_1636 = arith.index_cast %get3A_1635 : i32 to index
      %get3A_1637 = arith.constant 0 : index
      %get3A_1638 = tpu.vector_load %arg8[%get3A_1636, %get3A_1637] {strides = array<i32>} : memref<128x32xf32, #tpu.memory_space<vmem>>, vector<16xf32>,
      %add3A_1639 = arith.addf %get3A_1638, %get3A_66 : vector<16xf32>
      %get3A_1640 = arith.constant 122 : i32
      %get3A_1641 = arith.index_cast %get3A_1640 : i32 to index
      %get3A_1642 = arith.constant 0 : index
      %get3A_1643 = tpu.vector_load %arg8[%get3A_1641, %get3A_1642] {strides = array<i32>} : memref<128x32xf32, #tpu.memory_space<vmem>>, vector<16xf32>,
      %add3A_1644 = arith.addf %get3A_1643, %get3A_66 : vector<16xf32>
      %get3A_1645 = arith.constant 123 : i32
      %get3A_1646 = arith.index_cast %get3A_1645 : i32 to index
      %get3A_1647 = arith.constant 0 : index
      %get3A_1648 = tpu.vector_load %arg8[%get3A_1646, %get3A_1647] {strides = array<i32>} : memref<128x32xf32, #tpu.memory_space<vmem>>, vector<16xf32>,
      %add3A_1649 = arith.addf %get3A_1648, %get3A_66 : vector<16xf32>
      %get3A_1650 = arith.constant 124 : i32
      %get3A_1651 = arith.index_cast %get3A_1650 : i32 to index
      %get3A_1652 = arith.constant 0 : index
      %get3A_1653 = tpu.vector_load %arg8[%get3A_1651, %get3A_1652] {strides = array<i32>} : memref<128x32xf32, #tpu.memory_space<vmem>>, vector<16xf32>,
      %add3A_1654 = arith.addf %get3A_1653, %get3A_66 : vector<16xf32>
      %get3A_1655 = arith.constant 125 : i32
      %get3A_1656 = arith.index_cast %get3A_1655 : i32 to index
      %get3A_1657 = arith.constant 0 : index
      %get3A_1658 = tpu.vector_load %arg8[%get3A_1656, %get3A_1657] {strides = array<i32>} : memref<128x32xf32, #tpu.memory_space<vmem>>, vector<16xf32>,
      %add3A_1659 = arith.addf %get3A_1658, %get3A_66 : vector<16xf32>
      %get3A_1660 = arith.constant 126 : i32
      %get3A_1661 = arith.index_cast %get3A_1660 : i32 to index
      %get3A_1662 = arith.constant 0 : index
      %get3A_1663 = tpu.vector_load %arg8[%get3A_1661, %get3A_1662] {strides = array<i32>} : memref<128x32xf32, #tpu.memory_space<vmem>>, vector<16xf32>,
      %add3A_1664 = arith.addf %get3A_1663, %get3A_66 : vector<16xf32>
      %get3A_1665 = arith.constant 127 : i32
      %get3A_1666 = arith.index_cast %get3A_1665 : i32 to index
      %get3A_1667 = arith.constant 0 : index
      %get3A_1668 = tpu.vector_load %arg8[%get3A_1666, %get3A_1667] {strides = array<i32>} : memref<128x32xf32, #tpu.memory_space<vmem>>, vector<16xf32>,
      %add3A_1669 = arith.addf %get3A_1668, %get3A_66 : vector<16xf32>
      %get3A_1670 = arith.constant 120 : i32
      %get3A_1671 = arith.index_cast %get3A_1670 : i32 to index
      %get3A_1672 = arith.constant 16 : index
      %get3A_1673 = tpu.vector_load %arg8[%get3A_1671, %get3A_1672] {strides = array<i32>} : memref<128x32xf32, #tpu.memory_space<vmem>>, vector<16xf32>,
      %add3A_1674 = arith.addf %get3A_1673, %get3A_69 : vector<16xf32>
      %get3A_1675 = arith.constant 121 : i32
      %get3A_1676 = arith.index_cast %get3A_1675 : i32 to index
      %get3A_1677 = arith.constant 16 : index
      %get3A_1678 = tpu.vector_load %arg8[%get3A_1676, %get3A_1677] {strides = array<i32>} : memref<128x32xf32, #tpu.memory_space<vmem>>, vector<16xf32>,
      %add3A_1679 = arith.addf %get3A_1678, %get3A_69 : vector<16xf32>
      %get3A_1680 = arith.constant 122 : i32
      %get3A_1681 = arith.index_cast %get3A_1680 : i32 to index
      %get3A_1682 = arith.constant 16 : index
      %get3A_1683 = tpu.vector_load %arg8[%get3A_1681, %get3A_1682] {strides = array<i32>} : memref<128x32xf32, #tpu.memory_space<vmem>>, vector<16xf32>,
      %add3A_1684 = arith.addf %get3A_1683, %get3A_69 : vector<16xf32>
      %get3A_1685 = arith.constant 123 : i32
      %get3A_1686 = arith.index_cast %get3A_1685 : i32 to index
      %get3A_1687 = arith.constant 16 : index
      %get3A_1688 = tpu.vector_load %arg8[%get3A_1686, %get3A_1687] {strides = array<i32>} : memref<128x32xf32, #tpu.memory_space<vmem>>, vector<16xf32>,
      %add3A_1689 = arith.addf %get3A_1688, %get3A_69 : vector<16xf32>
      %get3A_1690 = arith.constant 124 : i32
      %get3A_1691 = arith.index_cast %get3A_1690 : i32 to index
      %get3A_1692 = arith.constant 16 : index
      %get3A_1693 = tpu.vector_load %arg8[%get3A_1691, %get3A_1692] {strides = array<i32>} : memref<128x32xf32, #tpu.memory_space<vmem>>, vector<16xf32>,
      %add3A_1694 = arith.addf %get3A_1693, %get3A_69 : vector<16xf32>
      %get3A_1695 = arith.constant 125 : i32
      %get3A_1696 = arith.index_cast %get3A_1695 : i32 to index
      %get3A_1697 = arith.constant 16 : index
      %get3A_1698 = tpu.vector_load %arg8[%get3A_1696, %get3A_1697] {strides = array<i32>} : memref<128x32xf32, #tpu.memory_space<vmem>>, vector<16xf32>,
      %add3A_1699 = arith.addf %get3A_1698, %get3A_69 : vector<16xf32>
      %get3A_1700 = arith.constant 126 : i32
      %get3A_1701 = arith.index_cast %get3A_1700 : i32 to index
      %get3A_1702 = arith.constant 16 : index
      %get3A_1703 = tpu.vector_load %arg8[%get3A_1701, %get3A_1702] {strides = array<i32>} : memref<128x32xf32, #tpu.memory_space<vmem>>, vector<16xf32>,
      %add3A_1704 = arith.addf %get3A_1703, %get3A_69 : vector<16xf32>
      %get3A_1705 = arith.constant 127 : i32
      %get3A_1706 = arith.index_cast %get3A_1705 : i32 to index
      %get3A_1707 = arith.constant 16 : index
      %get3A_1708 = tpu.vector_load %arg8[%get3A_1706, %get3A_1707] {strides = array<i32>} : memref<128x32xf32, #tpu.memory_space<vmem>>, vector<16xf32>,
      %add3A_1709 = arith.addf %get3A_1708, %get3A_69 : vector<16xf32>
      %add3A_1710 = arith.constant 120 : i32
      %add3A_1711 = vector.broadcast %add3A_1710 : i32 to vector<16xi32>
      %add3A_1712 = arith.addi %mul3A_11, %add3A_1711 : vector<16xi32>
      tpu.vector_store_idx %arg10[%shift_right_arithmetic3A_13, %and3A_15, %add3A_1712], %add3A_1634 : memref<4x8x129xf32, #tpu.memory_space<vmem>>[vector<16xi32>, vector<16xi32>, vector<16xi32>], vector<16xf32>,
      tpu.vector_store_idx %arg10[%shift_right_arithmetic3A_21, %and3A_24, %add3A_1712], %add3A_1674 : memref<4x8x129xf32, #tpu.memory_space<vmem>>[vector<16xi32>, vector<16xi32>, vector<16xi32>], vector<16xf32>,
      %add3A_1713 = arith.constant 121 : i32
      %add3A_1714 = vector.broadcast %add3A_1713 : i32 to vector<16xi32>
      %add3A_1715 = arith.addi %mul3A_11, %add3A_1714 : vector<16xi32>
      tpu.vector_store_idx %arg10[%shift_right_arithmetic3A_13, %and3A_15, %add3A_1715], %add3A_1639 : memref<4x8x129xf32, #tpu.memory_space<vmem>>[vector<16xi32>, vector<16xi32>, vector<16xi32>], vector<16xf32>,
      tpu.vector_store_idx %arg10[%shift_right_arithmetic3A_21, %and3A_24, %add3A_1715], %add3A_1679 : memref<4x8x129xf32, #tpu.memory_space<vmem>>[vector<16xi32>, vector<16xi32>, vector<16xi32>], vector<16xf32>,
      %add3A_1716 = arith.constant 122 : i32
      %add3A_1717 = vector.broadcast %add3A_1716 : i32 to vector<16xi32>
      %add3A_1718 = arith.addi %mul3A_11, %add3A_1717 : vector<16xi32>
      tpu.vector_store_idx %arg10[%shift_right_arithmetic3A_13, %and3A_15, %add3A_1718], %add3A_1644 : memref<4x8x129xf32, #tpu.memory_space<vmem>>[vector<16xi32>, vector<16xi32>, vector<16xi32>], vector<16xf32>,
      tpu.vector_store_idx %arg10[%shift_right_arithmetic3A_21, %and3A_24, %add3A_1718], %add3A_1684 : memref<4x8x129xf32, #tpu.memory_space<vmem>>[vector<16xi32>, vector<16xi32>, vector<16xi32>], vector<16xf32>,
      %add3A_1719 = arith.constant 123 : i32
      %add3A_1720 = vector.broadcast %add3A_1719 : i32 to vector<16xi32>
      %add3A_1721 = arith.addi %mul3A_11, %add3A_1720 : vector<16xi32>
      tpu.vector_store_idx %arg10[%shift_right_arithmetic3A_13, %and3A_15, %add3A_1721], %add3A_1649 : memref<4x8x129xf32, #tpu.memory_space<vmem>>[vector<16xi32>, vector<16xi32>, vector<16xi32>], vector<16xf32>,
      tpu.vector_store_idx %arg10[%shift_right_arithmetic3A_21, %and3A_24, %add3A_1721], %add3A_1689 : memref<4x8x129xf32, #tpu.memory_space<vmem>>[vector<16xi32>, vector<16xi32>, vector<16xi32>], vector<16xf32>,
      %add3A_1722 = arith.constant 124 : i32
      %add3A_1723 = vector.broadcast %add3A_1722 : i32 to vector<16xi32>
      %add3A_1724 = arith.addi %mul3A_11, %add3A_1723 : vector<16xi32>
      tpu.vector_store_idx %arg10[%shift_right_arithmetic3A_13, %and3A_15, %add3A_1724], %add3A_1654 : memref<4x8x129xf32, #tpu.memory_space<vmem>>[vector<16xi32>, vector<16xi32>, vector<16xi32>], vector<16xf32>,
      tpu.vector_store_idx %arg10[%shift_right_arithmetic3A_21, %and3A_24, %add3A_1724], %add3A_1694 : memref<4x8x129xf32, #tpu.memory_space<vmem>>[vector<16xi32>, vector<16xi32>, vector<16xi32>], vector<16xf32>,
      %add3A_1725 = arith.constant 125 : i32
      %add3A_1726 = vector.broadcast %add3A_1725 : i32 to vector<16xi32>
      %add3A_1727 = arith.addi %mul3A_11, %add3A_1726 : vector<16xi32>
      tpu.vector_store_idx %arg10[%shift_right_arithmetic3A_13, %and3A_15, %add3A_1727], %add3A_1659 : memref<4x8x129xf32, #tpu.memory_space<vmem>>[vector<16xi32>, vector<16xi32>, vector<16xi32>], vector<16xf32>,
      tpu.vector_store_idx %arg10[%shift_right_arithmetic3A_21, %and3A_24, %add3A_1727], %add3A_1699 : memref<4x8x129xf32, #tpu.memory_space<vmem>>[vector<16xi32>, vector<16xi32>, vector<16xi32>], vector<16xf32>,
      %add3A_1728 = arith.constant 126 : i32
      %add3A_1729 = vector.broadcast %add3A_1728 : i32 to vector<16xi32>
      %add3A_1730 = arith.addi %mul3A_11, %add3A_1729 : vector<16xi32>
      tpu.vector_store_idx %arg10[%shift_right_arithmetic3A_13, %and3A_15, %add3A_1730], %add3A_1664 : memref<4x8x129xf32, #tpu.memory_space<vmem>>[vector<16xi32>, vector<16xi32>, vector<16xi32>], vector<16xf32>,
      tpu.vector_store_idx %arg10[%shift_right_arithmetic3A_21, %and3A_24, %add3A_1730], %add3A_1704 : memref<4x8x129xf32, #tpu.memory_space<vmem>>[vector<16xi32>, vector<16xi32>, vector<16xi32>], vector<16xf32>,
      %add3A_1731 = arith.constant 127 : i32
      %add3A_1732 = vector.broadcast %add3A_1731 : i32 to vector<16xi32>
      %add3A_1733 = arith.addi %mul3A_11, %add3A_1732 : vector<16xi32>
      tpu.vector_store_idx %arg10[%shift_right_arithmetic3A_13, %and3A_15, %add3A_1733], %add3A_1669 : memref<4x8x129xf32, #tpu.memory_space<vmem>>[vector<16xi32>, vector<16xi32>, vector<16xi32>], vector<16xf32>,
      tpu.vector_store_idx %arg10[%shift_right_arithmetic3A_21, %and3A_24, %add3A_1733], %add3A_1709 : memref<4x8x129xf32, #tpu.memory_space<vmem>>[vector<16xi32>, vector<16xi32>, vector<16xi32>], vector<16xf32>,
      %dma_start3A_1734 = arith.constant 0 : i32
      %dma_start3A_1735 = arith.constant 0 : i32
      %dma_start3A_1736 = arith.constant 0 : i32
      %dma_start3A_1737 = tpu.memref_slice %arg10[%dma_start3A_1734, %dma_start3A_1735, %dma_start3A_1736] : memref<4x8x129xf32, #tpu.memory_space<vmem>> -> memref<4x8x128xf32, #tpu.memory_space<vmem>>
      %dma_start3A_1738 = arith.constant 0 : i32
      %dma_start3A_1739 = arith.constant 0 : i32
      %dma_start3A_1740 = arith.constant 0 : i32
      %dma_start3A_1741 = tpu.memref_slice %arg5[%mul3A_50, %dma_start3A_1738, %add3A, %dma_start3A_1739, %dma_start3A_1740] : memref<200x4x32x8x128xf32, #tpu.memory_space<hbm>> -> memref<1x4x1x8x128xf32, #tpu.memory_space<hbm>>
      %dma_start3A_1742 = tpu.memref_squeeze %dma_start3A_1741 : memref<1x4x1x8x128xf32, #tpu.memory_space<hbm>> -> memref<4x8x128xf32, #tpu.memory_space<hbm>>
      %dma_start3A_1743 = arith.constant 0 : i32
      %dma_start3A_1744 = arith.constant 0 : i32
      %dma_start3A_1745 = arith.constant 0 : i32
      %dma_start3A_1746 = tpu.memref_slice %arg5[%mul3A_50, %dma_start3A_1743, %add3A, %dma_start3A_1744, %dma_start3A_1745] : memref<200x4x32x8x128xf32, #tpu.memory_space<hbm>> -> memref<1x4x1x8x128xf32, #tpu.memory_space<hbm>>
      %dma_start3A_1747 = tpu.memref_squeeze %dma_start3A_1746 : memref<1x4x1x8x128xf32, #tpu.memory_space<hbm>> -> memref<4x8x128xf32, #tpu.memory_space<hbm>>
      %dma_start3A_1748 = arith.constant 0 : i32
      %dma_start3A_1749 = arith.constant 0 : i32
      %dma_start3A_1750 = arith.constant 0 : i32
      %dma_start3A_1751 = tpu.memref_slice %arg10[%dma_start3A_1748, %dma_start3A_1749, %dma_start3A_1750] : memref<4x8x129xf32, #tpu.memory_space<vmem>> -> memref<4x8x128xf32, #tpu.memory_space<vmem>>
      tpu.enqueue_dma source(%dma_start3A_1751 : memref<4x8x128xf32, #tpu.memory_space<vmem>>) target(%dma_start3A_1747 : memref<4x8x128xf32, #tpu.memory_space<hbm>>) target_semaphore(%arg14 : memref<!tpu.dma_semaphore, #tpu.memory_space<semaphore_mem>>)
      %add3A_1752 = arith.constant 1 : i32
      %add3A_1753 = arith.addi %mul3A_50, %add3A_1752 : i32
      %ge3A_1754 = arith.constant 1 : i32
      %ge3A_1755 = arith.cmpi sge, %add3A_1753, %ge3A_1754 : i32
      %convert_element_type3A_1756 = arith.extui %ge3A_1755 : i1 to i32
      %cond3A_1757 = arith.constant 0 : i32
      %cond3A_1758 = arith.cmpi ne, %convert_element_type3A_1756, %cond3A_1757 : i32
      scf.if %cond3A_1758 {
        %sub3A = arith.constant 1 : i32
        %sub3A_3460 = arith.subi %add3A_1753, %sub3A : i32
        %dma_wait3A_3461 = arith.constant 0 : i32
        %dma_wait3A_3462 = arith.constant 0 : i32
        %dma_wait3A_3463 = arith.constant 0 : i32
        %dma_wait3A_3464 = tpu.memref_slice %arg10[%dma_wait3A_3461, %dma_wait3A_3462, %dma_wait3A_3463] : memref<4x8x129xf32, #tpu.memory_space<vmem>> -> memref<4x8x128xf32, #tpu.memory_space<vmem>>
        %dma_wait3A_3465 = arith.constant 0 : i32
        %dma_wait3A_3466 = arith.constant 0 : i32
        %dma_wait3A_3467 = arith.constant 0 : i32
        %dma_wait3A_3468 = tpu.memref_slice %arg5[%sub3A_3460, %dma_wait3A_3465, %add3A, %dma_wait3A_3466, %dma_wait3A_3467] : memref<200x4x32x8x128xf32, #tpu.memory_space<hbm>> -> memref<1x4x1x8x128xf32, #tpu.memory_space<hbm>>
        %dma_wait3A_3469 = tpu.memref_squeeze %dma_wait3A_3468 : memref<1x4x1x8x128xf32, #tpu.memory_space<hbm>> -> memref<4x8x128xf32, #tpu.memory_space<hbm>>
        %dma_wait3A_3470 = arith.constant 0 : i32
        %dma_wait3A_3471 = arith.constant 0 : i32
        %dma_wait3A_3472 = arith.constant 0 : i32
        %dma_wait3A_3473 = tpu.memref_slice %arg5[%sub3A_3460, %dma_wait3A_3470, %add3A, %dma_wait3A_3471, %dma_wait3A_3472] : memref<200x4x32x8x128xf32, #tpu.memory_space<hbm>> -> memref<1x4x1x8x128xf32, #tpu.memory_space<hbm>>
        %dma_wait3A_3474 = tpu.memref_squeeze %dma_wait3A_3473 : memref<1x4x1x8x128xf32, #tpu.memory_space<hbm>> -> memref<4x8x128xf32, #tpu.memory_space<hbm>>
        %dma_wait3A_3475 = arith.constant 0 : i32
        %dma_wait3A_3476 = arith.constant 0 : i32
        %dma_wait3A_3477 = arith.constant 0 : i32
        %dma_wait3A_3478 = tpu.memref_slice %arg10[%dma_wait3A_3475, %dma_wait3A_3476, %dma_wait3A_3477] : memref<4x8x129xf32, #tpu.memory_space<vmem>> -> memref<4x8x128xf32, #tpu.memory_space<vmem>>
        tpu.wait_dma2 semaphore(%arg14 : memref<!tpu.dma_semaphore, #tpu.memory_space<semaphore_mem>>) src(%dma_wait3A_3478 : memref<4x8x128xf32, #tpu.memory_space<vmem>>) dst(%dma_wait3A_3474 : memref<4x8x128xf32, #tpu.memory_space<hbm>>)
      } else {
      }
      %add3A_1759 = arith.constant 1 : i32
      %add3A_1760 = arith.addi %add3A_1753, %add3A_1759 : i32
      %lt3A_1761 = arith.constant 200 : i32
      %lt3A_1762 = arith.cmpi slt, %add3A_1760, %lt3A_1761 : i32
      %convert_element_type3A_1763 = arith.extui %lt3A_1762 : i1 to i32
      %cond3A_1764 = arith.constant 0 : i32
      %cond3A_1765 = arith.cmpi ne, %convert_element_type3A_1763, %cond3A_1764 : i32
      scf.if %cond3A_1765 {
        %add3A_3460 = arith.constant 1 : i32
        %add3A_3461 = arith.addi %add3A_1753, %add3A_3460 : i32
        %dma_start3A_3462 = arith.constant 0 : i32
        %dma_start3A_3463 = tpu.memref_slice %arg6[%add3A_3461, %dma_start3A_3462] : memref<200x128xi32, #tpu.memory_space<vmem>> -> memref<1x128xi32, #tpu.memory_space<vmem>>
        %dma_start3A_3464 = tpu.memref_squeeze %dma_start3A_3463 : memref<1x128xi32, #tpu.memory_space<vmem>> -> memref<128xi32, #tpu.memory_space<vmem>>
        %dma_start3A_3465 = arith.constant 0 : i32
        %dma_start3A_3466 = arith.constant 0 : i32
        %dma_start3A_3467 = tpu.memref_slice %arg2[%dma_start3A_3465, %dma_start3A_3466] : memref<1007616x32xf32, #tpu.memory_space<hbm>> -> memref<1007616x32xf32, #tpu.memory_space<hbm>>
        tpu.enqueue_indirect_dma source(%dma_start3A_3467 : memref<1007616x32xf32, #tpu.memory_space<hbm>>) target(%arg8 : memref<128x32xf32, #tpu.memory_space<vmem>>) offsets(%dma_start3A_3464 : memref<128xi32, #tpu.memory_space<vmem>>) semaphore(%arg12 : memref<!tpu.dma_semaphore, #tpu.memory_space<semaphore_mem>>)
      } else {
      }
      %dma_wait3A_1766 = arith.constant 0 : i32
      %dma_wait3A_1767 = tpu.memref_slice %arg6[%add3A_1753, %dma_wait3A_1766] : memref<200x128xi32, #tpu.memory_space<vmem>> -> memref<1x128xi32, #tpu.memory_space<vmem>>
      %dma_wait3A_1768 = tpu.memref_squeeze %dma_wait3A_1767 : memref<1x128xi32, #tpu.memory_space<vmem>> -> memref<128xi32, #tpu.memory_space<vmem>>
      %dma_wait3A_1769 = arith.constant 0 : i32
      %dma_wait3A_1770 = arith.constant 0 : i32
      %dma_wait3A_1771 = tpu.memref_slice %arg2[%dma_wait3A_1769, %dma_wait3A_1770] : memref<1007616x32xf32, #tpu.memory_space<hbm>> -> memref<1007616x32xf32, #tpu.memory_space<hbm>>
      tpu.wait_indirect_dma semaphore(%arg13 : memref<!tpu.dma_semaphore, #tpu.memory_space<semaphore_mem>>) src(%dma_wait3A_1771 : memref<1007616x32xf32, #tpu.memory_space<hbm>>) dst(%arg9 : memref<128x32xf32, #tpu.memory_space<vmem>>)
      %get3A_1772 = arith.index_cast %add3A_1753 : i32 to index
      %get3A_1773 = arith.constant 0 : index
      %get3A_1774 = tpu.vector_load %arg7[%get3A_1772, %get3A_1773] {strides = array<i32>} : memref<200x32xf32, #tpu.memory_space<vmem>>, vector<16xf32>,
      %get3A_1775 = arith.index_cast %add3A_1753 : i32 to index
      %get3A_1776 = arith.constant 16 : index
      %get3A_1777 = tpu.vector_load %arg7[%get3A_1775, %get3A_1776] {strides = array<i32>} : memref<200x32xf32, #tpu.memory_space<vmem>>, vector<16xf32>,
      %get3A_1778 = arith.constant 0 : i32
      %get3A_1779 = arith.index_cast %get3A_1778 : i32 to index
      %get3A_1780 = arith.constant 0 : index
      %get3A_1781 = tpu.vector_load %arg9[%get3A_1779, %get3A_1780] {strides = array<i32>} : memref<128x32xf32, #tpu.memory_space<vmem>>, vector<16xf32>,
      %add3A_1782 = arith.addf %get3A_1781, %get3A_1774 : vector<16xf32>
      %get3A_1783 = arith.constant 1 : i32
      %get3A_1784 = arith.index_cast %get3A_1783 : i32 to index
      %get3A_1785 = arith.constant 0 : index
      %get3A_1786 = tpu.vector_load %arg9[%get3A_1784, %get3A_1785] {strides = array<i32>} : memref<128x32xf32, #tpu.memory_space<vmem>>, vector<16xf32>,
      %add3A_1787 = arith.addf %get3A_1786, %get3A_1774 : vector<16xf32>
      %get3A_1788 = arith.constant 2 : i32
      %get3A_1789 = arith.index_cast %get3A_1788 : i32 to index
      %get3A_1790 = arith.constant 0 : index
      %get3A_1791 = tpu.vector_load %arg9[%get3A_1789, %get3A_1790] {strides = array<i32>} : memref<128x32xf32, #tpu.memory_space<vmem>>, vector<16xf32>,
      %add3A_1792 = arith.addf %get3A_1791, %get3A_1774 : vector<16xf32>
      %get3A_1793 = arith.constant 3 : i32
      %get3A_1794 = arith.index_cast %get3A_1793 : i32 to index
      %get3A_1795 = arith.constant 0 : index
      %get3A_1796 = tpu.vector_load %arg9[%get3A_1794, %get3A_1795] {strides = array<i32>} : memref<128x32xf32, #tpu.memory_space<vmem>>, vector<16xf32>,
      %add3A_1797 = arith.addf %get3A_1796, %get3A_1774 : vector<16xf32>
      %get3A_1798 = arith.constant 4 : i32
      %get3A_1799 = arith.index_cast %get3A_1798 : i32 to index
      %get3A_1800 = arith.constant 0 : index
      %get3A_1801 = tpu.vector_load %arg9[%get3A_1799, %get3A_1800] {strides = array<i32>} : memref<128x32xf32, #tpu.memory_space<vmem>>, vector<16xf32>,
      %add3A_1802 = arith.addf %get3A_1801, %get3A_1774 : vector<16xf32>
      %get3A_1803 = arith.constant 5 : i32
      %get3A_1804 = arith.index_cast %get3A_1803 : i32 to index
      %get3A_1805 = arith.constant 0 : index
      %get3A_1806 = tpu.vector_load %arg9[%get3A_1804, %get3A_1805] {strides = array<i32>} : memref<128x32xf32, #tpu.memory_space<vmem>>, vector<16xf32>,
      %add3A_1807 = arith.addf %get3A_1806, %get3A_1774 : vector<16xf32>
      %get3A_1808 = arith.constant 6 : i32
      %get3A_1809 = arith.index_cast %get3A_1808 : i32 to index
      %get3A_1810 = arith.constant 0 : index
      %get3A_1811 = tpu.vector_load %arg9[%get3A_1809, %get3A_1810] {strides = array<i32>} : memref<128x32xf32, #tpu.memory_space<vmem>>, vector<16xf32>,
      %add3A_1812 = arith.addf %get3A_1811, %get3A_1774 : vector<16xf32>
      %get3A_1813 = arith.constant 7 : i32
      %get3A_1814 = arith.index_cast %get3A_1813 : i32 to index
      %get3A_1815 = arith.constant 0 : index
      %get3A_1816 = tpu.vector_load %arg9[%get3A_1814, %get3A_1815] {strides = array<i32>} : memref<128x32xf32, #tpu.memory_space<vmem>>, vector<16xf32>,
      %add3A_1817 = arith.addf %get3A_1816, %get3A_1774 : vector<16xf32>
      %get3A_1818 = arith.constant 0 : i32
      %get3A_1819 = arith.index_cast %get3A_1818 : i32 to index
      %get3A_1820 = arith.constant 16 : index
      %get3A_1821 = tpu.vector_load %arg9[%get3A_1819, %get3A_1820] {strides = array<i32>} : memref<128x32xf32, #tpu.memory_space<vmem>>, vector<16xf32>,
      %add3A_1822 = arith.addf %get3A_1821, %get3A_1777 : vector<16xf32>
      %get3A_1823 = arith.constant 1 : i32
      %get3A_1824 = arith.index_cast %get3A_1823 : i32 to index
      %get3A_1825 = arith.constant 16 : index
      %get3A_1826 = tpu.vector_load %arg9[%get3A_1824, %get3A_1825] {strides = array<i32>} : memref<128x32xf32, #tpu.memory_space<vmem>>, vector<16xf32>,
      %add3A_1827 = arith.addf %get3A_1826, %get3A_1777 : vector<16xf32>
      %get3A_1828 = arith.constant 2 : i32
      %get3A_1829 = arith.index_cast %get3A_1828 : i32 to index
      %get3A_1830 = arith.constant 16 : index
      %get3A_1831 = tpu.vector_load %arg9[%get3A_1829, %get3A_1830] {strides = array<i32>} : memref<128x32xf32, #tpu.memory_space<vmem>>, vector<16xf32>,
      %add3A_1832 = arith.addf %get3A_1831, %get3A_1777 : vector<16xf32>
      %get3A_1833 = arith.constant 3 : i32
      %get3A_1834 = arith.index_cast %get3A_1833 : i32 to index
      %get3A_1835 = arith.constant 16 : index
      %get3A_1836 = tpu.vector_load %arg9[%get3A_1834, %get3A_1835] {strides = array<i32>} : memref<128x32xf32, #tpu.memory_space<vmem>>, vector<16xf32>,
      %add3A_1837 = arith.addf %get3A_1836, %get3A_1777 : vector<16xf32>
      %get3A_1838 = arith.constant 4 : i32
      %get3A_1839 = arith.index_cast %get3A_1838 : i32 to index
      %get3A_1840 = arith.constant 16 : index
      %get3A_1841 = tpu.vector_load %arg9[%get3A_1839, %get3A_1840] {strides = array<i32>} : memref<128x32xf32, #tpu.memory_space<vmem>>, vector<16xf32>,
      %add3A_1842 = arith.addf %get3A_1841, %get3A_1777 : vector<16xf32>
      %get3A_1843 = arith.constant 5 : i32
      %get3A_1844 = arith.index_cast %get3A_1843 : i32 to index
      %get3A_1845 = arith.constant 16 : index
      %get3A_1846 = tpu.vector_load %arg9[%get3A_1844, %get3A_1845] {strides = array<i32>} : memref<128x32xf32, #tpu.memory_space<vmem>>, vector<16xf32>,
      %add3A_1847 = arith.addf %get3A_1846, %get3A_1777 : vector<16xf32>
      %get3A_1848 = arith.constant 6 : i32
      %get3A_1849 = arith.index_cast %get3A_1848 : i32 to index
      %get3A_1850 = arith.constant 16 : index
      %get3A_1851 = tpu.vector_load %arg9[%get3A_1849, %get3A_1850] {strides = array<i32>} : memref<128x32xf32, #tpu.memory_space<vmem>>, vector<16xf32>,
      %add3A_1852 = arith.addf %get3A_1851, %get3A_1777 : vector<16xf32>
      %get3A_1853 = arith.constant 7 : i32
      %get3A_1854 = arith.index_cast %get3A_1853 : i32 to index
      %get3A_1855 = arith.constant 16 : index
      %get3A_1856 = tpu.vector_load %arg9[%get3A_1854, %get3A_1855] {strides = array<i32>} : memref<128x32xf32, #tpu.memory_space<vmem>>, vector<16xf32>,
      %add3A_1857 = arith.addf %get3A_1856, %get3A_1777 : vector<16xf32>
      %add3A_1858 = arith.constant 0 : i32
      %add3A_1859 = vector.broadcast %add3A_1858 : i32 to vector<16xi32>
      %add3A_1860 = arith.addi %mul3A_11, %add3A_1859 : vector<16xi32>
      tpu.vector_store_idx %arg11[%shift_right_arithmetic3A_13, %and3A_15, %add3A_1860], %add3A_1782 : memref<4x8x129xf32, #tpu.memory_space<vmem>>[vector<16xi32>, vector<16xi32>, vector<16xi32>], vector<16xf32>,
      tpu.vector_store_idx %arg11[%shift_right_arithmetic3A_21, %and3A_24, %add3A_1860], %add3A_1822 : memref<4x8x129xf32, #tpu.memory_space<vmem>>[vector<16xi32>, vector<16xi32>, vector<16xi32>], vector<16xf32>,
      %add3A_1861 = arith.constant 1 : i32
      %add3A_1862 = vector.broadcast %add3A_1861 : i32 to vector<16xi32>
      %add3A_1863 = arith.addi %mul3A_11, %add3A_1862 : vector<16xi32>
      tpu.vector_store_idx %arg11[%shift_right_arithmetic3A_13, %and3A_15, %add3A_1863], %add3A_1787 : memref<4x8x129xf32, #tpu.memory_space<vmem>>[vector<16xi32>, vector<16xi32>, vector<16xi32>], vector<16xf32>,
      tpu.vector_store_idx %arg11[%shift_right_arithmetic3A_21, %and3A_24, %add3A_1863], %add3A_1827 : memref<4x8x129xf32, #tpu.memory_space<vmem>>[vector<16xi32>, vector<16xi32>, vector<16xi32>], vector<16xf32>,
      %add3A_1864 = arith.constant 2 : i32
      %add3A_1865 = vector.broadcast %add3A_1864 : i32 to vector<16xi32>
      %add3A_1866 = arith.addi %mul3A_11, %add3A_1865 : vector<16xi32>
      tpu.vector_store_idx %arg11[%shift_right_arithmetic3A_13, %and3A_15, %add3A_1866], %add3A_1792 : memref<4x8x129xf32, #tpu.memory_space<vmem>>[vector<16xi32>, vector<16xi32>, vector<16xi32>], vector<16xf32>,
      tpu.vector_store_idx %arg11[%shift_right_arithmetic3A_21, %and3A_24, %add3A_1866], %add3A_1832 : memref<4x8x129xf32, #tpu.memory_space<vmem>>[vector<16xi32>, vector<16xi32>, vector<16xi32>], vector<16xf32>,
      %add3A_1867 = arith.constant 3 : i32
      %add3A_1868 = vector.broadcast %add3A_1867 : i32 to vector<16xi32>
      %add3A_1869 = arith.addi %mul3A_11, %add3A_1868 : vector<16xi32>
      tpu.vector_store_idx %arg11[%shift_right_arithmetic3A_13, %and3A_15, %add3A_1869], %add3A_1797 : memref<4x8x129xf32, #tpu.memory_space<vmem>>[vector<16xi32>, vector<16xi32>, vector<16xi32>], vector<16xf32>,
      tpu.vector_store_idx %arg11[%shift_right_arithmetic3A_21, %and3A_24, %add3A_1869], %add3A_1837 : memref<4x8x129xf32, #tpu.memory_space<vmem>>[vector<16xi32>, vector<16xi32>, vector<16xi32>], vector<16xf32>,
      %add3A_1870 = arith.constant 4 : i32
      %add3A_1871 = vector.broadcast %add3A_1870 : i32 to vector<16xi32>
      %add3A_1872 = arith.addi %mul3A_11, %add3A_1871 : vector<16xi32>
      tpu.vector_store_idx %arg11[%shift_right_arithmetic3A_13, %and3A_15, %add3A_1872], %add3A_1802 : memref<4x8x129xf32, #tpu.memory_space<vmem>>[vector<16xi32>, vector<16xi32>, vector<16xi32>], vector<16xf32>,
      tpu.vector_store_idx %arg11[%shift_right_arithmetic3A_21, %and3A_24, %add3A_1872], %add3A_1842 : memref<4x8x129xf32, #tpu.memory_space<vmem>>[vector<16xi32>, vector<16xi32>, vector<16xi32>], vector<16xf32>,
      %add3A_1873 = arith.constant 5 : i32
      %add3A_1874 = vector.broadcast %add3A_1873 : i32 to vector<16xi32>
      %add3A_1875 = arith.addi %mul3A_11, %add3A_1874 : vector<16xi32>
      tpu.vector_store_idx %arg11[%shift_right_arithmetic3A_13, %and3A_15, %add3A_1875], %add3A_1807 : memref<4x8x129xf32, #tpu.memory_space<vmem>>[vector<16xi32>, vector<16xi32>, vector<16xi32>], vector<16xf32>,
      tpu.vector_store_idx %arg11[%shift_right_arithmetic3A_21, %and3A_24, %add3A_1875], %add3A_1847 : memref<4x8x129xf32, #tpu.memory_space<vmem>>[vector<16xi32>, vector<16xi32>, vector<16xi32>], vector<16xf32>,
      %add3A_1876 = arith.constant 6 : i32
      %add3A_1877 = vector.broadcast %add3A_1876 : i32 to vector<16xi32>
      %add3A_1878 = arith.addi %mul3A_11, %add3A_1877 : vector<16xi32>
      tpu.vector_store_idx %arg11[%shift_right_arithmetic3A_13, %and3A_15, %add3A_1878], %add3A_1812 : memref<4x8x129xf32, #tpu.memory_space<vmem>>[vector<16xi32>, vector<16xi32>, vector<16xi32>], vector<16xf32>,
      tpu.vector_store_idx %arg11[%shift_right_arithmetic3A_21, %and3A_24, %add3A_1878], %add3A_1852 : memref<4x8x129xf32, #tpu.memory_space<vmem>>[vector<16xi32>, vector<16xi32>, vector<16xi32>], vector<16xf32>,
      %add3A_1879 = arith.constant 7 : i32
      %add3A_1880 = vector.broadcast %add3A_1879 : i32 to vector<16xi32>
      %add3A_1881 = arith.addi %mul3A_11, %add3A_1880 : vector<16xi32>
      tpu.vector_store_idx %arg11[%shift_right_arithmetic3A_13, %and3A_15, %add3A_1881], %add3A_1817 : memref<4x8x129xf32, #tpu.memory_space<vmem>>[vector<16xi32>, vector<16xi32>, vector<16xi32>], vector<16xf32>,
      tpu.vector_store_idx %arg11[%shift_right_arithmetic3A_21, %and3A_24, %add3A_1881], %add3A_1857 : memref<4x8x129xf32, #tpu.memory_space<vmem>>[vector<16xi32>, vector<16xi32>, vector<16xi32>], vector<16xf32>,
      %get3A_1882 = arith.constant 8 : i32
      %get3A_1883 = arith.index_cast %get3A_1882 : i32 to index
      %get3A_1884 = arith.constant 0 : index
      %get3A_1885 = tpu.vector_load %arg9[%get3A_1883, %get3A_1884] {strides = array<i32>} : memref<128x32xf32, #tpu.memory_space<vmem>>, vector<16xf32>,
      %add3A_1886 = arith.addf %get3A_1885, %get3A_1774 : vector<16xf32>
      %get3A_1887 = arith.constant 9 : i32
      %get3A_1888 = arith.index_cast %get3A_1887 : i32 to index
      %get3A_1889 = arith.constant 0 : index
      %get3A_1890 = tpu.vector_load %arg9[%get3A_1888, %get3A_1889] {strides = array<i32>} : memref<128x32xf32, #tpu.memory_space<vmem>>, vector<16xf32>,
      %add3A_1891 = arith.addf %get3A_1890, %get3A_1774 : vector<16xf32>
      %get3A_1892 = arith.constant 10 : i32
      %get3A_1893 = arith.index_cast %get3A_1892 : i32 to index
      %get3A_1894 = arith.constant 0 : index
      %get3A_1895 = tpu.vector_load %arg9[%get3A_1893, %get3A_1894] {strides = array<i32>} : memref<128x32xf32, #tpu.memory_space<vmem>>, vector<16xf32>,
      %add3A_1896 = arith.addf %get3A_1895, %get3A_1774 : vector<16xf32>
      %get3A_1897 = arith.constant 11 : i32
      %get3A_1898 = arith.index_cast %get3A_1897 : i32 to index
      %get3A_1899 = arith.constant 0 : index
      %get3A_1900 = tpu.vector_load %arg9[%get3A_1898, %get3A_1899] {strides = array<i32>} : memref<128x32xf32, #tpu.memory_space<vmem>>, vector<16xf32>,
      %add3A_1901 = arith.addf %get3A_1900, %get3A_1774 : vector<16xf32>
      %get3A_1902 = arith.constant 12 : i32
      %get3A_1903 = arith.index_cast %get3A_1902 : i32 to index
      %get3A_1904 = arith.constant 0 : index
      %get3A_1905 = tpu.vector_load %arg9[%get3A_1903, %get3A_1904] {strides = array<i32>} : memref<128x32xf32, #tpu.memory_space<vmem>>, vector<16xf32>,
      %add3A_1906 = arith.addf %get3A_1905, %get3A_1774 : vector<16xf32>
      %get3A_1907 = arith.constant 13 : i32
      %get3A_1908 = arith.index_cast %get3A_1907 : i32 to index
      %get3A_1909 = arith.constant 0 : index
      %get3A_1910 = tpu.vector_load %arg9[%get3A_1908, %get3A_1909] {strides = array<i32>} : memref<128x32xf32, #tpu.memory_space<vmem>>, vector<16xf32>,
      %add3A_1911 = arith.addf %get3A_1910, %get3A_1774 : vector<16xf32>
      %get3A_1912 = arith.constant 14 : i32
      %get3A_1913 = arith.index_cast %get3A_1912 : i32 to index
      %get3A_1914 = arith.constant 0 : index
      %get3A_1915 = tpu.vector_load %arg9[%get3A_1913, %get3A_1914] {strides = array<i32>} : memref<128x32xf32, #tpu.memory_space<vmem>>, vector<16xf32>,
      %add3A_1916 = arith.addf %get3A_1915, %get3A_1774 : vector<16xf32>
      %get3A_1917 = arith.constant 15 : i32
      %get3A_1918 = arith.index_cast %get3A_1917 : i32 to index
      %get3A_1919 = arith.constant 0 : index
      %get3A_1920 = tpu.vector_load %arg9[%get3A_1918, %get3A_1919] {strides = array<i32>} : memref<128x32xf32, #tpu.memory_space<vmem>>, vector<16xf32>,
      %add3A_1921 = arith.addf %get3A_1920, %get3A_1774 : vector<16xf32>
      %get3A_1922 = arith.constant 8 : i32
      %get3A_1923 = arith.index_cast %get3A_1922 : i32 to index
      %get3A_1924 = arith.constant 16 : index
      %get3A_1925 = tpu.vector_load %arg9[%get3A_1923, %get3A_1924] {strides = array<i32>} : memref<128x32xf32, #tpu.memory_space<vmem>>, vector<16xf32>,
      %add3A_1926 = arith.addf %get3A_1925, %get3A_1777 : vector<16xf32>
      %get3A_1927 = arith.constant 9 : i32
      %get3A_1928 = arith.index_cast %get3A_1927 : i32 to index
      %get3A_1929 = arith.constant 16 : index
      %get3A_1930 = tpu.vector_load %arg9[%get3A_1928, %get3A_1929] {strides = array<i32>} : memref<128x32xf32, #tpu.memory_space<vmem>>, vector<16xf32>,
      %add3A_1931 = arith.addf %get3A_1930, %get3A_1777 : vector<16xf32>
      %get3A_1932 = arith.constant 10 : i32
      %get3A_1933 = arith.index_cast %get3A_1932 : i32 to index
      %get3A_1934 = arith.constant 16 : index
      %get3A_1935 = tpu.vector_load %arg9[%get3A_1933, %get3A_1934] {strides = array<i32>} : memref<128x32xf32, #tpu.memory_space<vmem>>, vector<16xf32>,
      %add3A_1936 = arith.addf %get3A_1935, %get3A_1777 : vector<16xf32>
      %get3A_1937 = arith.constant 11 : i32
      %get3A_1938 = arith.index_cast %get3A_1937 : i32 to index
      %get3A_1939 = arith.constant 16 : index
      %get3A_1940 = tpu.vector_load %arg9[%get3A_1938, %get3A_1939] {strides = array<i32>} : memref<128x32xf32, #tpu.memory_space<vmem>>, vector<16xf32>,
      %add3A_1941 = arith.addf %get3A_1940, %get3A_1777 : vector<16xf32>
      %get3A_1942 = arith.constant 12 : i32
      %get3A_1943 = arith.index_cast %get3A_1942 : i32 to index
      %get3A_1944 = arith.constant 16 : index
      %get3A_1945 = tpu.vector_load %arg9[%get3A_1943, %get3A_1944] {strides = array<i32>} : memref<128x32xf32, #tpu.memory_space<vmem>>, vector<16xf32>,
      %add3A_1946 = arith.addf %get3A_1945, %get3A_1777 : vector<16xf32>
      %get3A_1947 = arith.constant 13 : i32
      %get3A_1948 = arith.index_cast %get3A_1947 : i32 to index
      %get3A_1949 = arith.constant 16 : index
      %get3A_1950 = tpu.vector_load %arg9[%get3A_1948, %get3A_1949] {strides = array<i32>} : memref<128x32xf32, #tpu.memory_space<vmem>>, vector<16xf32>,
      %add3A_1951 = arith.addf %get3A_1950, %get3A_1777 : vector<16xf32>
      %get3A_1952 = arith.constant 14 : i32
      %get3A_1953 = arith.index_cast %get3A_1952 : i32 to index
      %get3A_1954 = arith.constant 16 : index
      %get3A_1955 = tpu.vector_load %arg9[%get3A_1953, %get3A_1954] {strides = array<i32>} : memref<128x32xf32, #tpu.memory_space<vmem>>, vector<16xf32>,
      %add3A_1956 = arith.addf %get3A_1955, %get3A_1777 : vector<16xf32>
      %get3A_1957 = arith.constant 15 : i32
      %get3A_1958 = arith.index_cast %get3A_1957 : i32 to index
      %get3A_1959 = arith.constant 16 : index
      %get3A_1960 = tpu.vector_load %arg9[%get3A_1958, %get3A_1959] {strides = array<i32>} : memref<128x32xf32, #tpu.memory_space<vmem>>, vector<16xf32>,
      %add3A_1961 = arith.addf %get3A_1960, %get3A_1777 : vector<16xf32>
      %add3A_1962 = arith.constant 8 : i32
      %add3A_1963 = vector.broadcast %add3A_1962 : i32 to vector<16xi32>
      %add3A_1964 = arith.addi %mul3A_11, %add3A_1963 : vector<16xi32>
      tpu.vector_store_idx %arg11[%shift_right_arithmetic3A_13, %and3A_15, %add3A_1964], %add3A_1886 : memref<4x8x129xf32, #tpu.memory_space<vmem>>[vector<16xi32>, vector<16xi32>, vector<16xi32>], vector<16xf32>,
      tpu.vector_store_idx %arg11[%shift_right_arithmetic3A_21, %and3A_24, %add3A_1964], %add3A_1926 : memref<4x8x129xf32, #tpu.memory_space<vmem>>[vector<16xi32>, vector<16xi32>, vector<16xi32>], vector<16xf32>,
      %add3A_1965 = arith.constant 9 : i32
      %add3A_1966 = vector.broadcast %add3A_1965 : i32 to vector<16xi32>
      %add3A_1967 = arith.addi %mul3A_11, %add3A_1966 : vector<16xi32>
      tpu.vector_store_idx %arg11[%shift_right_arithmetic3A_13, %and3A_15, %add3A_1967], %add3A_1891 : memref<4x8x129xf32, #tpu.memory_space<vmem>>[vector<16xi32>, vector<16xi32>, vector<16xi32>], vector<16xf32>,
      tpu.vector_store_idx %arg11[%shift_right_arithmetic3A_21, %and3A_24, %add3A_1967], %add3A_1931 : memref<4x8x129xf32, #tpu.memory_space<vmem>>[vector<16xi32>, vector<16xi32>, vector<16xi32>], vector<16xf32>,
      %add3A_1968 = arith.constant 10 : i32
      %add3A_1969 = vector.broadcast %add3A_1968 : i32 to vector<16xi32>
      %add3A_1970 = arith.addi %mul3A_11, %add3A_1969 : vector<16xi32>
      tpu.vector_store_idx %arg11[%shift_right_arithmetic3A_13, %and3A_15, %add3A_1970], %add3A_1896 : memref<4x8x129xf32, #tpu.memory_space<vmem>>[vector<16xi32>, vector<16xi32>, vector<16xi32>], vector<16xf32>,
      tpu.vector_store_idx %arg11[%shift_right_arithmetic3A_21, %and3A_24, %add3A_1970], %add3A_1936 : memref<4x8x129xf32, #tpu.memory_space<vmem>>[vector<16xi32>, vector<16xi32>, vector<16xi32>], vector<16xf32>,
      %add3A_1971 = arith.constant 11 : i32
      %add3A_1972 = vector.broadcast %add3A_1971 : i32 to vector<16xi32>
      %add3A_1973 = arith.addi %mul3A_11, %add3A_1972 : vector<16xi32>
      tpu.vector_store_idx %arg11[%shift_right_arithmetic3A_13, %and3A_15, %add3A_1973], %add3A_1901 : memref<4x8x129xf32, #tpu.memory_space<vmem>>[vector<16xi32>, vector<16xi32>, vector<16xi32>], vector<16xf32>,
      tpu.vector_store_idx %arg11[%shift_right_arithmetic3A_21, %and3A_24, %add3A_1973], %add3A_1941 : memref<4x8x129xf32, #tpu.memory_space<vmem>>[vector<16xi32>, vector<16xi32>, vector<16xi32>], vector<16xf32>,
      %add3A_1974 = arith.constant 12 : i32
      %add3A_1975 = vector.broadcast %add3A_1974 : i32 to vector<16xi32>
      %add3A_1976 = arith.addi %mul3A_11, %add3A_1975 : vector<16xi32>
      tpu.vector_store_idx %arg11[%shift_right_arithmetic3A_13, %and3A_15, %add3A_1976], %add3A_1906 : memref<4x8x129xf32, #tpu.memory_space<vmem>>[vector<16xi32>, vector<16xi32>, vector<16xi32>], vector<16xf32>,
      tpu.vector_store_idx %arg11[%shift_right_arithmetic3A_21, %and3A_24, %add3A_1976], %add3A_1946 : memref<4x8x129xf32, #tpu.memory_space<vmem>>[vector<16xi32>, vector<16xi32>, vector<16xi32>], vector<16xf32>,
      %add3A_1977 = arith.constant 13 : i32
      %add3A_1978 = vector.broadcast %add3A_1977 : i32 to vector<16xi32>
      %add3A_1979 = arith.addi %mul3A_11, %add3A_1978 : vector<16xi32>
      tpu.vector_store_idx %arg11[%shift_right_arithmetic3A_13, %and3A_15, %add3A_1979], %add3A_1911 : memref<4x8x129xf32, #tpu.memory_space<vmem>>[vector<16xi32>, vector<16xi32>, vector<16xi32>], vector<16xf32>,
      tpu.vector_store_idx %arg11[%shift_right_arithmetic3A_21, %and3A_24, %add3A_1979], %add3A_1951 : memref<4x8x129xf32, #tpu.memory_space<vmem>>[vector<16xi32>, vector<16xi32>, vector<16xi32>], vector<16xf32>,
      %add3A_1980 = arith.constant 14 : i32
      %add3A_1981 = vector.broadcast %add3A_1980 : i32 to vector<16xi32>
      %add3A_1982 = arith.addi %mul3A_11, %add3A_1981 : vector<16xi32>
      tpu.vector_store_idx %arg11[%shift_right_arithmetic3A_13, %and3A_15, %add3A_1982], %add3A_1916 : memref<4x8x129xf32, #tpu.memory_space<vmem>>[vector<16xi32>, vector<16xi32>, vector<16xi32>], vector<16xf32>,
      tpu.vector_store_idx %arg11[%shift_right_arithmetic3A_21, %and3A_24, %add3A_1982], %add3A_1956 : memref<4x8x129xf32, #tpu.memory_space<vmem>>[vector<16xi32>, vector<16xi32>, vector<16xi32>], vector<16xf32>,
      %add3A_1983 = arith.constant 15 : i32
      %add3A_1984 = vector.broadcast %add3A_1983 : i32 to vector<16xi32>
      %add3A_1985 = arith.addi %mul3A_11, %add3A_1984 : vector<16xi32>
      tpu.vector_store_idx %arg11[%shift_right_arithmetic3A_13, %and3A_15, %add3A_1985], %add3A_1921 : memref<4x8x129xf32, #tpu.memory_space<vmem>>[vector<16xi32>, vector<16xi32>, vector<16xi32>], vector<16xf32>,
      tpu.vector_store_idx %arg11[%shift_right_arithmetic3A_21, %and3A_24, %add3A_1985], %add3A_1961 : memref<4x8x129xf32, #tpu.memory_space<vmem>>[vector<16xi32>, vector<16xi32>, vector<16xi32>], vector<16xf32>,
      %get3A_1986 = arith.constant 16 : i32
      %get3A_1987 = arith.index_cast %get3A_1986 : i32 to index
      %get3A_1988 = arith.constant 0 : index
      %get3A_1989 = tpu.vector_load %arg9[%get3A_1987, %get3A_1988] {strides = array<i32>} : memref<128x32xf32, #tpu.memory_space<vmem>>, vector<16xf32>,
      %add3A_1990 = arith.addf %get3A_1989, %get3A_1774 : vector<16xf32>
      %get3A_1991 = arith.constant 17 : i32
      %get3A_1992 = arith.index_cast %get3A_1991 : i32 to index
      %get3A_1993 = arith.constant 0 : index
      %get3A_1994 = tpu.vector_load %arg9[%get3A_1992, %get3A_1993] {strides = array<i32>} : memref<128x32xf32, #tpu.memory_space<vmem>>, vector<16xf32>,
      %add3A_1995 = arith.addf %get3A_1994, %get3A_1774 : vector<16xf32>
      %get3A_1996 = arith.constant 18 : i32
      %get3A_1997 = arith.index_cast %get3A_1996 : i32 to index
      %get3A_1998 = arith.constant 0 : index
      %get3A_1999 = tpu.vector_load %arg9[%get3A_1997, %get3A_1998] {strides = array<i32>} : memref<128x32xf32, #tpu.memory_space<vmem>>, vector<16xf32>,
      %add3A_2000 = arith.addf %get3A_1999, %get3A_1774 : vector<16xf32>
      %get3A_2001 = arith.constant 19 : i32
      %get3A_2002 = arith.index_cast %get3A_2001 : i32 to index
      %get3A_2003 = arith.constant 0 : index
      %get3A_2004 = tpu.vector_load %arg9[%get3A_2002, %get3A_2003] {strides = array<i32>} : memref<128x32xf32, #tpu.memory_space<vmem>>, vector<16xf32>,
      %add3A_2005 = arith.addf %get3A_2004, %get3A_1774 : vector<16xf32>
      %get3A_2006 = arith.constant 20 : i32
      %get3A_2007 = arith.index_cast %get3A_2006 : i32 to index
      %get3A_2008 = arith.constant 0 : index
      %get3A_2009 = tpu.vector_load %arg9[%get3A_2007, %get3A_2008] {strides = array<i32>} : memref<128x32xf32, #tpu.memory_space<vmem>>, vector<16xf32>,
      %add3A_2010 = arith.addf %get3A_2009, %get3A_1774 : vector<16xf32>
      %get3A_2011 = arith.constant 21 : i32
      %get3A_2012 = arith.index_cast %get3A_2011 : i32 to index
      %get3A_2013 = arith.constant 0 : index
      %get3A_2014 = tpu.vector_load %arg9[%get3A_2012, %get3A_2013] {strides = array<i32>} : memref<128x32xf32, #tpu.memory_space<vmem>>, vector<16xf32>,
      %add3A_2015 = arith.addf %get3A_2014, %get3A_1774 : vector<16xf32>
      %get3A_2016 = arith.constant 22 : i32
      %get3A_2017 = arith.index_cast %get3A_2016 : i32 to index
      %get3A_2018 = arith.constant 0 : index
      %get3A_2019 = tpu.vector_load %arg9[%get3A_2017, %get3A_2018] {strides = array<i32>} : memref<128x32xf32, #tpu.memory_space<vmem>>, vector<16xf32>,
      %add3A_2020 = arith.addf %get3A_2019, %get3A_1774 : vector<16xf32>
      %get3A_2021 = arith.constant 23 : i32
      %get3A_2022 = arith.index_cast %get3A_2021 : i32 to index
      %get3A_2023 = arith.constant 0 : index
      %get3A_2024 = tpu.vector_load %arg9[%get3A_2022, %get3A_2023] {strides = array<i32>} : memref<128x32xf32, #tpu.memory_space<vmem>>, vector<16xf32>,
      %add3A_2025 = arith.addf %get3A_2024, %get3A_1774 : vector<16xf32>
      %get3A_2026 = arith.constant 16 : i32
      %get3A_2027 = arith.index_cast %get3A_2026 : i32 to index
      %get3A_2028 = arith.constant 16 : index
      %get3A_2029 = tpu.vector_load %arg9[%get3A_2027, %get3A_2028] {strides = array<i32>} : memref<128x32xf32, #tpu.memory_space<vmem>>, vector<16xf32>,
      %add3A_2030 = arith.addf %get3A_2029, %get3A_1777 : vector<16xf32>
      %get3A_2031 = arith.constant 17 : i32
      %get3A_2032 = arith.index_cast %get3A_2031 : i32 to index
      %get3A_2033 = arith.constant 16 : index
      %get3A_2034 = tpu.vector_load %arg9[%get3A_2032, %get3A_2033] {strides = array<i32>} : memref<128x32xf32, #tpu.memory_space<vmem>>, vector<16xf32>,
      %add3A_2035 = arith.addf %get3A_2034, %get3A_1777 : vector<16xf32>
      %get3A_2036 = arith.constant 18 : i32
      %get3A_2037 = arith.index_cast %get3A_2036 : i32 to index
      %get3A_2038 = arith.constant 16 : index
      %get3A_2039 = tpu.vector_load %arg9[%get3A_2037, %get3A_2038] {strides = array<i32>} : memref<128x32xf32, #tpu.memory_space<vmem>>, vector<16xf32>,
      %add3A_2040 = arith.addf %get3A_2039, %get3A_1777 : vector<16xf32>
      %get3A_2041 = arith.constant 19 : i32
      %get3A_2042 = arith.index_cast %get3A_2041 : i32 to index
      %get3A_2043 = arith.constant 16 : index
      %get3A_2044 = tpu.vector_load %arg9[%get3A_2042, %get3A_2043] {strides = array<i32>} : memref<128x32xf32, #tpu.memory_space<vmem>>, vector<16xf32>,
      %add3A_2045 = arith.addf %get3A_2044, %get3A_1777 : vector<16xf32>
      %get3A_2046 = arith.constant 20 : i32
      %get3A_2047 = arith.index_cast %get3A_2046 : i32 to index
      %get3A_2048 = arith.constant 16 : index
      %get3A_2049 = tpu.vector_load %arg9[%get3A_2047, %get3A_2048] {strides = array<i32>} : memref<128x32xf32, #tpu.memory_space<vmem>>, vector<16xf32>,
      %add3A_2050 = arith.addf %get3A_2049, %get3A_1777 : vector<16xf32>
      %get3A_2051 = arith.constant 21 : i32
      %get3A_2052 = arith.index_cast %get3A_2051 : i32 to index
      %get3A_2053 = arith.constant 16 : index
      %get3A_2054 = tpu.vector_load %arg9[%get3A_2052, %get3A_2053] {strides = array<i32>} : memref<128x32xf32, #tpu.memory_space<vmem>>, vector<16xf32>,
      %add3A_2055 = arith.addf %get3A_2054, %get3A_1777 : vector<16xf32>
      %get3A_2056 = arith.constant 22 : i32
      %get3A_2057 = arith.index_cast %get3A_2056 : i32 to index
      %get3A_2058 = arith.constant 16 : index
      %get3A_2059 = tpu.vector_load %arg9[%get3A_2057, %get3A_2058] {strides = array<i32>} : memref<128x32xf32, #tpu.memory_space<vmem>>, vector<16xf32>,
      %add3A_2060 = arith.addf %get3A_2059, %get3A_1777 : vector<16xf32>
      %get3A_2061 = arith.constant 23 : i32
      %get3A_2062 = arith.index_cast %get3A_2061 : i32 to index
      %get3A_2063 = arith.constant 16 : index
      %get3A_2064 = tpu.vector_load %arg9[%get3A_2062, %get3A_2063] {strides = array<i32>} : memref<128x32xf32, #tpu.memory_space<vmem>>, vector<16xf32>,
      %add3A_2065 = arith.addf %get3A_2064, %get3A_1777 : vector<16xf32>
      %add3A_2066 = arith.constant 16 : i32
      %add3A_2067 = vector.broadcast %add3A_2066 : i32 to vector<16xi32>
      %add3A_2068 = arith.addi %mul3A_11, %add3A_2067 : vector<16xi32>
      tpu.vector_store_idx %arg11[%shift_right_arithmetic3A_13, %and3A_15, %add3A_2068], %add3A_1990 : memref<4x8x129xf32, #tpu.memory_space<vmem>>[vector<16xi32>, vector<16xi32>, vector<16xi32>], vector<16xf32>,
      tpu.vector_store_idx %arg11[%shift_right_arithmetic3A_21, %and3A_24, %add3A_2068], %add3A_2030 : memref<4x8x129xf32, #tpu.memory_space<vmem>>[vector<16xi32>, vector<16xi32>, vector<16xi32>], vector<16xf32>,
      %add3A_2069 = arith.constant 17 : i32
      %add3A_2070 = vector.broadcast %add3A_2069 : i32 to vector<16xi32>
      %add3A_2071 = arith.addi %mul3A_11, %add3A_2070 : vector<16xi32>
      tpu.vector_store_idx %arg11[%shift_right_arithmetic3A_13, %and3A_15, %add3A_2071], %add3A_1995 : memref<4x8x129xf32, #tpu.memory_space<vmem>>[vector<16xi32>, vector<16xi32>, vector<16xi32>], vector<16xf32>,
      tpu.vector_store_idx %arg11[%shift_right_arithmetic3A_21, %and3A_24, %add3A_2071], %add3A_2035 : memref<4x8x129xf32, #tpu.memory_space<vmem>>[vector<16xi32>, vector<16xi32>, vector<16xi32>], vector<16xf32>,
      %add3A_2072 = arith.constant 18 : i32
      %add3A_2073 = vector.broadcast %add3A_2072 : i32 to vector<16xi32>
      %add3A_2074 = arith.addi %mul3A_11, %add3A_2073 : vector<16xi32>
      tpu.vector_store_idx %arg11[%shift_right_arithmetic3A_13, %and3A_15, %add3A_2074], %add3A_2000 : memref<4x8x129xf32, #tpu.memory_space<vmem>>[vector<16xi32>, vector<16xi32>, vector<16xi32>], vector<16xf32>,
      tpu.vector_store_idx %arg11[%shift_right_arithmetic3A_21, %and3A_24, %add3A_2074], %add3A_2040 : memref<4x8x129xf32, #tpu.memory_space<vmem>>[vector<16xi32>, vector<16xi32>, vector<16xi32>], vector<16xf32>,
      %add3A_2075 = arith.constant 19 : i32
      %add3A_2076 = vector.broadcast %add3A_2075 : i32 to vector<16xi32>
      %add3A_2077 = arith.addi %mul3A_11, %add3A_2076 : vector<16xi32>
      tpu.vector_store_idx %arg11[%shift_right_arithmetic3A_13, %and3A_15, %add3A_2077], %add3A_2005 : memref<4x8x129xf32, #tpu.memory_space<vmem>>[vector<16xi32>, vector<16xi32>, vector<16xi32>], vector<16xf32>,
      tpu.vector_store_idx %arg11[%shift_right_arithmetic3A_21, %and3A_24, %add3A_2077], %add3A_2045 : memref<4x8x129xf32, #tpu.memory_space<vmem>>[vector<16xi32>, vector<16xi32>, vector<16xi32>], vector<16xf32>,
      %add3A_2078 = arith.constant 20 : i32
      %add3A_2079 = vector.broadcast %add3A_2078 : i32 to vector<16xi32>
      %add3A_2080 = arith.addi %mul3A_11, %add3A_2079 : vector<16xi32>
      tpu.vector_store_idx %arg11[%shift_right_arithmetic3A_13, %and3A_15, %add3A_2080], %add3A_2010 : memref<4x8x129xf32, #tpu.memory_space<vmem>>[vector<16xi32>, vector<16xi32>, vector<16xi32>], vector<16xf32>,
      tpu.vector_store_idx %arg11[%shift_right_arithmetic3A_21, %and3A_24, %add3A_2080], %add3A_2050 : memref<4x8x129xf32, #tpu.memory_space<vmem>>[vector<16xi32>, vector<16xi32>, vector<16xi32>], vector<16xf32>,
      %add3A_2081 = arith.constant 21 : i32
      %add3A_2082 = vector.broadcast %add3A_2081 : i32 to vector<16xi32>
      %add3A_2083 = arith.addi %mul3A_11, %add3A_2082 : vector<16xi32>
      tpu.vector_store_idx %arg11[%shift_right_arithmetic3A_13, %and3A_15, %add3A_2083], %add3A_2015 : memref<4x8x129xf32, #tpu.memory_space<vmem>>[vector<16xi32>, vector<16xi32>, vector<16xi32>], vector<16xf32>,
      tpu.vector_store_idx %arg11[%shift_right_arithmetic3A_21, %and3A_24, %add3A_2083], %add3A_2055 : memref<4x8x129xf32, #tpu.memory_space<vmem>>[vector<16xi32>, vector<16xi32>, vector<16xi32>], vector<16xf32>,
      %add3A_2084 = arith.constant 22 : i32
      %add3A_2085 = vector.broadcast %add3A_2084 : i32 to vector<16xi32>
      %add3A_2086 = arith.addi %mul3A_11, %add3A_2085 : vector<16xi32>
      tpu.vector_store_idx %arg11[%shift_right_arithmetic3A_13, %and3A_15, %add3A_2086], %add3A_2020 : memref<4x8x129xf32, #tpu.memory_space<vmem>>[vector<16xi32>, vector<16xi32>, vector<16xi32>], vector<16xf32>,
      tpu.vector_store_idx %arg11[%shift_right_arithmetic3A_21, %and3A_24, %add3A_2086], %add3A_2060 : memref<4x8x129xf32, #tpu.memory_space<vmem>>[vector<16xi32>, vector<16xi32>, vector<16xi32>], vector<16xf32>,
      %add3A_2087 = arith.constant 23 : i32
      %add3A_2088 = vector.broadcast %add3A_2087 : i32 to vector<16xi32>
      %add3A_2089 = arith.addi %mul3A_11, %add3A_2088 : vector<16xi32>
      tpu.vector_store_idx %arg11[%shift_right_arithmetic3A_13, %and3A_15, %add3A_2089], %add3A_2025 : memref<4x8x129xf32, #tpu.memory_space<vmem>>[vector<16xi32>, vector<16xi32>, vector<16xi32>], vector<16xf32>,
      tpu.vector_store_idx %arg11[%shift_right_arithmetic3A_21, %and3A_24, %add3A_2089], %add3A_2065 : memref<4x8x129xf32, #tpu.memory_space<vmem>>[vector<16xi32>, vector<16xi32>, vector<16xi32>], vector<16xf32>,
      %get3A_2090 = arith.constant 24 : i32
      %get3A_2091 = arith.index_cast %get3A_2090 : i32 to index
      %get3A_2092 = arith.constant 0 : index
      %get3A_2093 = tpu.vector_load %arg9[%get3A_2091, %get3A_2092] {strides = array<i32>} : memref<128x32xf32, #tpu.memory_space<vmem>>, vector<16xf32>,
      %add3A_2094 = arith.addf %get3A_2093, %get3A_1774 : vector<16xf32>
      %get3A_2095 = arith.constant 25 : i32
      %get3A_2096 = arith.index_cast %get3A_2095 : i32 to index
      %get3A_2097 = arith.constant 0 : index
      %get3A_2098 = tpu.vector_load %arg9[%get3A_2096, %get3A_2097] {strides = array<i32>} : memref<128x32xf32, #tpu.memory_space<vmem>>, vector<16xf32>,
      %add3A_2099 = arith.addf %get3A_2098, %get3A_1774 : vector<16xf32>
      %get3A_2100 = arith.constant 26 : i32
      %get3A_2101 = arith.index_cast %get3A_2100 : i32 to index
      %get3A_2102 = arith.constant 0 : index
      %get3A_2103 = tpu.vector_load %arg9[%get3A_2101, %get3A_2102] {strides = array<i32>} : memref<128x32xf32, #tpu.memory_space<vmem>>, vector<16xf32>,
      %add3A_2104 = arith.addf %get3A_2103, %get3A_1774 : vector<16xf32>
      %get3A_2105 = arith.constant 27 : i32
      %get3A_2106 = arith.index_cast %get3A_2105 : i32 to index
      %get3A_2107 = arith.constant 0 : index
      %get3A_2108 = tpu.vector_load %arg9[%get3A_2106, %get3A_2107] {strides = array<i32>} : memref<128x32xf32, #tpu.memory_space<vmem>>, vector<16xf32>,
      %add3A_2109 = arith.addf %get3A_2108, %get3A_1774 : vector<16xf32>
      %get3A_2110 = arith.constant 28 : i32
      %get3A_2111 = arith.index_cast %get3A_2110 : i32 to index
      %get3A_2112 = arith.constant 0 : index
      %get3A_2113 = tpu.vector_load %arg9[%get3A_2111, %get3A_2112] {strides = array<i32>} : memref<128x32xf32, #tpu.memory_space<vmem>>, vector<16xf32>,
      %add3A_2114 = arith.addf %get3A_2113, %get3A_1774 : vector<16xf32>
      %get3A_2115 = arith.constant 29 : i32
      %get3A_2116 = arith.index_cast %get3A_2115 : i32 to index
      %get3A_2117 = arith.constant 0 : index
      %get3A_2118 = tpu.vector_load %arg9[%get3A_2116, %get3A_2117] {strides = array<i32>} : memref<128x32xf32, #tpu.memory_space<vmem>>, vector<16xf32>,
      %add3A_2119 = arith.addf %get3A_2118, %get3A_1774 : vector<16xf32>
      %get3A_2120 = arith.constant 30 : i32
      %get3A_2121 = arith.index_cast %get3A_2120 : i32 to index
      %get3A_2122 = arith.constant 0 : index
      %get3A_2123 = tpu.vector_load %arg9[%get3A_2121, %get3A_2122] {strides = array<i32>} : memref<128x32xf32, #tpu.memory_space<vmem>>, vector<16xf32>,
      %add3A_2124 = arith.addf %get3A_2123, %get3A_1774 : vector<16xf32>
      %get3A_2125 = arith.constant 31 : i32
      %get3A_2126 = arith.index_cast %get3A_2125 : i32 to index
      %get3A_2127 = arith.constant 0 : index
      %get3A_2128 = tpu.vector_load %arg9[%get3A_2126, %get3A_2127] {strides = array<i32>} : memref<128x32xf32, #tpu.memory_space<vmem>>, vector<16xf32>,
      %add3A_2129 = arith.addf %get3A_2128, %get3A_1774 : vector<16xf32>
      %get3A_2130 = arith.constant 24 : i32
      %get3A_2131 = arith.index_cast %get3A_2130 : i32 to index
      %get3A_2132 = arith.constant 16 : index
      %get3A_2133 = tpu.vector_load %arg9[%get3A_2131, %get3A_2132] {strides = array<i32>} : memref<128x32xf32, #tpu.memory_space<vmem>>, vector<16xf32>,
      %add3A_2134 = arith.addf %get3A_2133, %get3A_1777 : vector<16xf32>
      %get3A_2135 = arith.constant 25 : i32
      %get3A_2136 = arith.index_cast %get3A_2135 : i32 to index
      %get3A_2137 = arith.constant 16 : index
      %get3A_2138 = tpu.vector_load %arg9[%get3A_2136, %get3A_2137] {strides = array<i32>} : memref<128x32xf32, #tpu.memory_space<vmem>>, vector<16xf32>,
      %add3A_2139 = arith.addf %get3A_2138, %get3A_1777 : vector<16xf32>
      %get3A_2140 = arith.constant 26 : i32
      %get3A_2141 = arith.index_cast %get3A_2140 : i32 to index
      %get3A_2142 = arith.constant 16 : index
      %get3A_2143 = tpu.vector_load %arg9[%get3A_2141, %get3A_2142] {strides = array<i32>} : memref<128x32xf32, #tpu.memory_space<vmem>>, vector<16xf32>,
      %add3A_2144 = arith.addf %get3A_2143, %get3A_1777 : vector<16xf32>
      %get3A_2145 = arith.constant 27 : i32
      %get3A_2146 = arith.index_cast %get3A_2145 : i32 to index
      %get3A_2147 = arith.constant 16 : index
      %get3A_2148 = tpu.vector_load %arg9[%get3A_2146, %get3A_2147] {strides = array<i32>} : memref<128x32xf32, #tpu.memory_space<vmem>>, vector<16xf32>,
      %add3A_2149 = arith.addf %get3A_2148, %get3A_1777 : vector<16xf32>
      %get3A_2150 = arith.constant 28 : i32
      %get3A_2151 = arith.index_cast %get3A_2150 : i32 to index
      %get3A_2152 = arith.constant 16 : index
      %get3A_2153 = tpu.vector_load %arg9[%get3A_2151, %get3A_2152] {strides = array<i32>} : memref<128x32xf32, #tpu.memory_space<vmem>>, vector<16xf32>,
      %add3A_2154 = arith.addf %get3A_2153, %get3A_1777 : vector<16xf32>
      %get3A_2155 = arith.constant 29 : i32
      %get3A_2156 = arith.index_cast %get3A_2155 : i32 to index
      %get3A_2157 = arith.constant 16 : index
      %get3A_2158 = tpu.vector_load %arg9[%get3A_2156, %get3A_2157] {strides = array<i32>} : memref<128x32xf32, #tpu.memory_space<vmem>>, vector<16xf32>,
      %add3A_2159 = arith.addf %get3A_2158, %get3A_1777 : vector<16xf32>
      %get3A_2160 = arith.constant 30 : i32
      %get3A_2161 = arith.index_cast %get3A_2160 : i32 to index
      %get3A_2162 = arith.constant 16 : index
      %get3A_2163 = tpu.vector_load %arg9[%get3A_2161, %get3A_2162] {strides = array<i32>} : memref<128x32xf32, #tpu.memory_space<vmem>>, vector<16xf32>,
      %add3A_2164 = arith.addf %get3A_2163, %get3A_1777 : vector<16xf32>
      %get3A_2165 = arith.constant 31 : i32
      %get3A_2166 = arith.index_cast %get3A_2165 : i32 to index
      %get3A_2167 = arith.constant 16 : index
      %get3A_2168 = tpu.vector_load %arg9[%get3A_2166, %get3A_2167] {strides = array<i32>} : memref<128x32xf32, #tpu.memory_space<vmem>>, vector<16xf32>,
      %add3A_2169 = arith.addf %get3A_2168, %get3A_1777 : vector<16xf32>
      %add3A_2170 = arith.constant 24 : i32
      %add3A_2171 = vector.broadcast %add3A_2170 : i32 to vector<16xi32>
      %add3A_2172 = arith.addi %mul3A_11, %add3A_2171 : vector<16xi32>
      tpu.vector_store_idx %arg11[%shift_right_arithmetic3A_13, %and3A_15, %add3A_2172], %add3A_2094 : memref<4x8x129xf32, #tpu.memory_space<vmem>>[vector<16xi32>, vector<16xi32>, vector<16xi32>], vector<16xf32>,
      tpu.vector_store_idx %arg11[%shift_right_arithmetic3A_21, %and3A_24, %add3A_2172], %add3A_2134 : memref<4x8x129xf32, #tpu.memory_space<vmem>>[vector<16xi32>, vector<16xi32>, vector<16xi32>], vector<16xf32>,
      %add3A_2173 = arith.constant 25 : i32
      %add3A_2174 = vector.broadcast %add3A_2173 : i32 to vector<16xi32>
      %add3A_2175 = arith.addi %mul3A_11, %add3A_2174 : vector<16xi32>
      tpu.vector_store_idx %arg11[%shift_right_arithmetic3A_13, %and3A_15, %add3A_2175], %add3A_2099 : memref<4x8x129xf32, #tpu.memory_space<vmem>>[vector<16xi32>, vector<16xi32>, vector<16xi32>], vector<16xf32>,
      tpu.vector_store_idx %arg11[%shift_right_arithmetic3A_21, %and3A_24, %add3A_2175], %add3A_2139 : memref<4x8x129xf32, #tpu.memory_space<vmem>>[vector<16xi32>, vector<16xi32>, vector<16xi32>], vector<16xf32>,
      %add3A_2176 = arith.constant 26 : i32
      %add3A_2177 = vector.broadcast %add3A_2176 : i32 to vector<16xi32>
      %add3A_2178 = arith.addi %mul3A_11, %add3A_2177 : vector<16xi32>
      tpu.vector_store_idx %arg11[%shift_right_arithmetic3A_13, %and3A_15, %add3A_2178], %add3A_2104 : memref<4x8x129xf32, #tpu.memory_space<vmem>>[vector<16xi32>, vector<16xi32>, vector<16xi32>], vector<16xf32>,
      tpu.vector_store_idx %arg11[%shift_right_arithmetic3A_21, %and3A_24, %add3A_2178], %add3A_2144 : memref<4x8x129xf32, #tpu.memory_space<vmem>>[vector<16xi32>, vector<16xi32>, vector<16xi32>], vector<16xf32>,
      %add3A_2179 = arith.constant 27 : i32
      %add3A_2180 = vector.broadcast %add3A_2179 : i32 to vector<16xi32>
      %add3A_2181 = arith.addi %mul3A_11, %add3A_2180 : vector<16xi32>
      tpu.vector_store_idx %arg11[%shift_right_arithmetic3A_13, %and3A_15, %add3A_2181], %add3A_2109 : memref<4x8x129xf32, #tpu.memory_space<vmem>>[vector<16xi32>, vector<16xi32>, vector<16xi32>], vector<16xf32>,
      tpu.vector_store_idx %arg11[%shift_right_arithmetic3A_21, %and3A_24, %add3A_2181], %add3A_2149 : memref<4x8x129xf32, #tpu.memory_space<vmem>>[vector<16xi32>, vector<16xi32>, vector<16xi32>], vector<16xf32>,
      %add3A_2182 = arith.constant 28 : i32
      %add3A_2183 = vector.broadcast %add3A_2182 : i32 to vector<16xi32>
      %add3A_2184 = arith.addi %mul3A_11, %add3A_2183 : vector<16xi32>
      tpu.vector_store_idx %arg11[%shift_right_arithmetic3A_13, %and3A_15, %add3A_2184], %add3A_2114 : memref<4x8x129xf32, #tpu.memory_space<vmem>>[vector<16xi32>, vector<16xi32>, vector<16xi32>], vector<16xf32>,
      tpu.vector_store_idx %arg11[%shift_right_arithmetic3A_21, %and3A_24, %add3A_2184], %add3A_2154 : memref<4x8x129xf32, #tpu.memory_space<vmem>>[vector<16xi32>, vector<16xi32>, vector<16xi32>], vector<16xf32>,
      %add3A_2185 = arith.constant 29 : i32
      %add3A_2186 = vector.broadcast %add3A_2185 : i32 to vector<16xi32>
      %add3A_2187 = arith.addi %mul3A_11, %add3A_2186 : vector<16xi32>
      tpu.vector_store_idx %arg11[%shift_right_arithmetic3A_13, %and3A_15, %add3A_2187], %add3A_2119 : memref<4x8x129xf32, #tpu.memory_space<vmem>>[vector<16xi32>, vector<16xi32>, vector<16xi32>], vector<16xf32>,
      tpu.vector_store_idx %arg11[%shift_right_arithmetic3A_21, %and3A_24, %add3A_2187], %add3A_2159 : memref<4x8x129xf32, #tpu.memory_space<vmem>>[vector<16xi32>, vector<16xi32>, vector<16xi32>], vector<16xf32>,
      %add3A_2188 = arith.constant 30 : i32
      %add3A_2189 = vector.broadcast %add3A_2188 : i32 to vector<16xi32>
      %add3A_2190 = arith.addi %mul3A_11, %add3A_2189 : vector<16xi32>
      tpu.vector_store_idx %arg11[%shift_right_arithmetic3A_13, %and3A_15, %add3A_2190], %add3A_2124 : memref<4x8x129xf32, #tpu.memory_space<vmem>>[vector<16xi32>, vector<16xi32>, vector<16xi32>], vector<16xf32>,
      tpu.vector_store_idx %arg11[%shift_right_arithmetic3A_21, %and3A_24, %add3A_2190], %add3A_2164 : memref<4x8x129xf32, #tpu.memory_space<vmem>>[vector<16xi32>, vector<16xi32>, vector<16xi32>], vector<16xf32>,
      %add3A_2191 = arith.constant 31 : i32
      %add3A_2192 = vector.broadcast %add3A_2191 : i32 to vector<16xi32>
      %add3A_2193 = arith.addi %mul3A_11, %add3A_2192 : vector<16xi32>
      tpu.vector_store_idx %arg11[%shift_right_arithmetic3A_13, %and3A_15, %add3A_2193], %add3A_2129 : memref<4x8x129xf32, #tpu.memory_space<vmem>>[vector<16xi32>, vector<16xi32>, vector<16xi32>], vector<16xf32>,
      tpu.vector_store_idx %arg11[%shift_right_arithmetic3A_21, %and3A_24, %add3A_2193], %add3A_2169 : memref<4x8x129xf32, #tpu.memory_space<vmem>>[vector<16xi32>, vector<16xi32>, vector<16xi32>], vector<16xf32>,
      %get3A_2194 = arith.constant 32 : i32
      %get3A_2195 = arith.index_cast %get3A_2194 : i32 to index
      %get3A_2196 = arith.constant 0 : index
      %get3A_2197 = tpu.vector_load %arg9[%get3A_2195, %get3A_2196] {strides = array<i32>} : memref<128x32xf32, #tpu.memory_space<vmem>>, vector<16xf32>,
      %add3A_2198 = arith.addf %get3A_2197, %get3A_1774 : vector<16xf32>
      %get3A_2199 = arith.constant 33 : i32
      %get3A_2200 = arith.index_cast %get3A_2199 : i32 to index
      %get3A_2201 = arith.constant 0 : index
      %get3A_2202 = tpu.vector_load %arg9[%get3A_2200, %get3A_2201] {strides = array<i32>} : memref<128x32xf32, #tpu.memory_space<vmem>>, vector<16xf32>,
      %add3A_2203 = arith.addf %get3A_2202, %get3A_1774 : vector<16xf32>
      %get3A_2204 = arith.constant 34 : i32
      %get3A_2205 = arith.index_cast %get3A_2204 : i32 to index
      %get3A_2206 = arith.constant 0 : index
      %get3A_2207 = tpu.vector_load %arg9[%get3A_2205, %get3A_2206] {strides = array<i32>} : memref<128x32xf32, #tpu.memory_space<vmem>>, vector<16xf32>,
      %add3A_2208 = arith.addf %get3A_2207, %get3A_1774 : vector<16xf32>
      %get3A_2209 = arith.constant 35 : i32
      %get3A_2210 = arith.index_cast %get3A_2209 : i32 to index
      %get3A_2211 = arith.constant 0 : index
      %get3A_2212 = tpu.vector_load %arg9[%get3A_2210, %get3A_2211] {strides = array<i32>} : memref<128x32xf32, #tpu.memory_space<vmem>>, vector<16xf32>,
      %add3A_2213 = arith.addf %get3A_2212, %get3A_1774 : vector<16xf32>
      %get3A_2214 = arith.constant 36 : i32
      %get3A_2215 = arith.index_cast %get3A_2214 : i32 to index
      %get3A_2216 = arith.constant 0 : index
      %get3A_2217 = tpu.vector_load %arg9[%get3A_2215, %get3A_2216] {strides = array<i32>} : memref<128x32xf32, #tpu.memory_space<vmem>>, vector<16xf32>,
      %add3A_2218 = arith.addf %get3A_2217, %get3A_1774 : vector<16xf32>
      %get3A_2219 = arith.constant 37 : i32
      %get3A_2220 = arith.index_cast %get3A_2219 : i32 to index
      %get3A_2221 = arith.constant 0 : index
      %get3A_2222 = tpu.vector_load %arg9[%get3A_2220, %get3A_2221] {strides = array<i32>} : memref<128x32xf32, #tpu.memory_space<vmem>>, vector<16xf32>,
      %add3A_2223 = arith.addf %get3A_2222, %get3A_1774 : vector<16xf32>
      %get3A_2224 = arith.constant 38 : i32
      %get3A_2225 = arith.index_cast %get3A_2224 : i32 to index
      %get3A_2226 = arith.constant 0 : index
      %get3A_2227 = tpu.vector_load %arg9[%get3A_2225, %get3A_2226] {strides = array<i32>} : memref<128x32xf32, #tpu.memory_space<vmem>>, vector<16xf32>,
      %add3A_2228 = arith.addf %get3A_2227, %get3A_1774 : vector<16xf32>
      %get3A_2229 = arith.constant 39 : i32
      %get3A_2230 = arith.index_cast %get3A_2229 : i32 to index
      %get3A_2231 = arith.constant 0 : index
      %get3A_2232 = tpu.vector_load %arg9[%get3A_2230, %get3A_2231] {strides = array<i32>} : memref<128x32xf32, #tpu.memory_space<vmem>>, vector<16xf32>,
      %add3A_2233 = arith.addf %get3A_2232, %get3A_1774 : vector<16xf32>
      %get3A_2234 = arith.constant 32 : i32
      %get3A_2235 = arith.index_cast %get3A_2234 : i32 to index
      %get3A_2236 = arith.constant 16 : index
      %get3A_2237 = tpu.vector_load %arg9[%get3A_2235, %get3A_2236] {strides = array<i32>} : memref<128x32xf32, #tpu.memory_space<vmem>>, vector<16xf32>,
      %add3A_2238 = arith.addf %get3A_2237, %get3A_1777 : vector<16xf32>
      %get3A_2239 = arith.constant 33 : i32
      %get3A_2240 = arith.index_cast %get3A_2239 : i32 to index
      %get3A_2241 = arith.constant 16 : index
      %get3A_2242 = tpu.vector_load %arg9[%get3A_2240, %get3A_2241] {strides = array<i32>} : memref<128x32xf32, #tpu.memory_space<vmem>>, vector<16xf32>,
      %add3A_2243 = arith.addf %get3A_2242, %get3A_1777 : vector<16xf32>
      %get3A_2244 = arith.constant 34 : i32
      %get3A_2245 = arith.index_cast %get3A_2244 : i32 to index
      %get3A_2246 = arith.constant 16 : index
      %get3A_2247 = tpu.vector_load %arg9[%get3A_2245, %get3A_2246] {strides = array<i32>} : memref<128x32xf32, #tpu.memory_space<vmem>>, vector<16xf32>,
      %add3A_2248 = arith.addf %get3A_2247, %get3A_1777 : vector<16xf32>
      %get3A_2249 = arith.constant 35 : i32
      %get3A_2250 = arith.index_cast %get3A_2249 : i32 to index
      %get3A_2251 = arith.constant 16 : index
      %get3A_2252 = tpu.vector_load %arg9[%get3A_2250, %get3A_2251] {strides = array<i32>} : memref<128x32xf32, #tpu.memory_space<vmem>>, vector<16xf32>,
      %add3A_2253 = arith.addf %get3A_2252, %get3A_1777 : vector<16xf32>
      %get3A_2254 = arith.constant 36 : i32
      %get3A_2255 = arith.index_cast %get3A_2254 : i32 to index
      %get3A_2256 = arith.constant 16 : index
      %get3A_2257 = tpu.vector_load %arg9[%get3A_2255, %get3A_2256] {strides = array<i32>} : memref<128x32xf32, #tpu.memory_space<vmem>>, vector<16xf32>,
      %add3A_2258 = arith.addf %get3A_2257, %get3A_1777 : vector<16xf32>
      %get3A_2259 = arith.constant 37 : i32
      %get3A_2260 = arith.index_cast %get3A_2259 : i32 to index
      %get3A_2261 = arith.constant 16 : index
      %get3A_2262 = tpu.vector_load %arg9[%get3A_2260, %get3A_2261] {strides = array<i32>} : memref<128x32xf32, #tpu.memory_space<vmem>>, vector<16xf32>,
      %add3A_2263 = arith.addf %get3A_2262, %get3A_1777 : vector<16xf32>
      %get3A_2264 = arith.constant 38 : i32
      %get3A_2265 = arith.index_cast %get3A_2264 : i32 to index
      %get3A_2266 = arith.constant 16 : index
      %get3A_2267 = tpu.vector_load %arg9[%get3A_2265, %get3A_2266] {strides = array<i32>} : memref<128x32xf32, #tpu.memory_space<vmem>>, vector<16xf32>,
      %add3A_2268 = arith.addf %get3A_2267, %get3A_1777 : vector<16xf32>
      %get3A_2269 = arith.constant 39 : i32
      %get3A_2270 = arith.index_cast %get3A_2269 : i32 to index
      %get3A_2271 = arith.constant 16 : index
      %get3A_2272 = tpu.vector_load %arg9[%get3A_2270, %get3A_2271] {strides = array<i32>} : memref<128x32xf32, #tpu.memory_space<vmem>>, vector<16xf32>,
      %add3A_2273 = arith.addf %get3A_2272, %get3A_1777 : vector<16xf32>
      %add3A_2274 = arith.constant 32 : i32
      %add3A_2275 = vector.broadcast %add3A_2274 : i32 to vector<16xi32>
      %add3A_2276 = arith.addi %mul3A_11, %add3A_2275 : vector<16xi32>
      tpu.vector_store_idx %arg11[%shift_right_arithmetic3A_13, %and3A_15, %add3A_2276], %add3A_2198 : memref<4x8x129xf32, #tpu.memory_space<vmem>>[vector<16xi32>, vector<16xi32>, vector<16xi32>], vector<16xf32>,
      tpu.vector_store_idx %arg11[%shift_right_arithmetic3A_21, %and3A_24, %add3A_2276], %add3A_2238 : memref<4x8x129xf32, #tpu.memory_space<vmem>>[vector<16xi32>, vector<16xi32>, vector<16xi32>], vector<16xf32>,
      %add3A_2277 = arith.constant 33 : i32
      %add3A_2278 = vector.broadcast %add3A_2277 : i32 to vector<16xi32>
      %add3A_2279 = arith.addi %mul3A_11, %add3A_2278 : vector<16xi32>
      tpu.vector_store_idx %arg11[%shift_right_arithmetic3A_13, %and3A_15, %add3A_2279], %add3A_2203 : memref<4x8x129xf32, #tpu.memory_space<vmem>>[vector<16xi32>, vector<16xi32>, vector<16xi32>], vector<16xf32>,
      tpu.vector_store_idx %arg11[%shift_right_arithmetic3A_21, %and3A_24, %add3A_2279], %add3A_2243 : memref<4x8x129xf32, #tpu.memory_space<vmem>>[vector<16xi32>, vector<16xi32>, vector<16xi32>], vector<16xf32>,
      %add3A_2280 = arith.constant 34 : i32
      %add3A_2281 = vector.broadcast %add3A_2280 : i32 to vector<16xi32>
      %add3A_2282 = arith.addi %mul3A_11, %add3A_2281 : vector<16xi32>
      tpu.vector_store_idx %arg11[%shift_right_arithmetic3A_13, %and3A_15, %add3A_2282], %add3A_2208 : memref<4x8x129xf32, #tpu.memory_space<vmem>>[vector<16xi32>, vector<16xi32>, vector<16xi32>], vector<16xf32>,
      tpu.vector_store_idx %arg11[%shift_right_arithmetic3A_21, %and3A_24, %add3A_2282], %add3A_2248 : memref<4x8x129xf32, #tpu.memory_space<vmem>>[vector<16xi32>, vector<16xi32>, vector<16xi32>], vector<16xf32>,
      %add3A_2283 = arith.constant 35 : i32
      %add3A_2284 = vector.broadcast %add3A_2283 : i32 to vector<16xi32>
      %add3A_2285 = arith.addi %mul3A_11, %add3A_2284 : vector<16xi32>
      tpu.vector_store_idx %arg11[%shift_right_arithmetic3A_13, %and3A_15, %add3A_2285], %add3A_2213 : memref<4x8x129xf32, #tpu.memory_space<vmem>>[vector<16xi32>, vector<16xi32>, vector<16xi32>], vector<16xf32>,
      tpu.vector_store_idx %arg11[%shift_right_arithmetic3A_21, %and3A_24, %add3A_2285], %add3A_2253 : memref<4x8x129xf32, #tpu.memory_space<vmem>>[vector<16xi32>, vector<16xi32>, vector<16xi32>], vector<16xf32>,
      %add3A_2286 = arith.constant 36 : i32
      %add3A_2287 = vector.broadcast %add3A_2286 : i32 to vector<16xi32>
      %add3A_2288 = arith.addi %mul3A_11, %add3A_2287 : vector<16xi32>
      tpu.vector_store_idx %arg11[%shift_right_arithmetic3A_13, %and3A_15, %add3A_2288], %add3A_2218 : memref<4x8x129xf32, #tpu.memory_space<vmem>>[vector<16xi32>, vector<16xi32>, vector<16xi32>], vector<16xf32>,
      tpu.vector_store_idx %arg11[%shift_right_arithmetic3A_21, %and3A_24, %add3A_2288], %add3A_2258 : memref<4x8x129xf32, #tpu.memory_space<vmem>>[vector<16xi32>, vector<16xi32>, vector<16xi32>], vector<16xf32>,
      %add3A_2289 = arith.constant 37 : i32
      %add3A_2290 = vector.broadcast %add3A_2289 : i32 to vector<16xi32>
      %add3A_2291 = arith.addi %mul3A_11, %add3A_2290 : vector<16xi32>
      tpu.vector_store_idx %arg11[%shift_right_arithmetic3A_13, %and3A_15, %add3A_2291], %add3A_2223 : memref<4x8x129xf32, #tpu.memory_space<vmem>>[vector<16xi32>, vector<16xi32>, vector<16xi32>], vector<16xf32>,
      tpu.vector_store_idx %arg11[%shift_right_arithmetic3A_21, %and3A_24, %add3A_2291], %add3A_2263 : memref<4x8x129xf32, #tpu.memory_space<vmem>>[vector<16xi32>, vector<16xi32>, vector<16xi32>], vector<16xf32>,
      %add3A_2292 = arith.constant 38 : i32
      %add3A_2293 = vector.broadcast %add3A_2292 : i32 to vector<16xi32>
      %add3A_2294 = arith.addi %mul3A_11, %add3A_2293 : vector<16xi32>
      tpu.vector_store_idx %arg11[%shift_right_arithmetic3A_13, %and3A_15, %add3A_2294], %add3A_2228 : memref<4x8x129xf32, #tpu.memory_space<vmem>>[vector<16xi32>, vector<16xi32>, vector<16xi32>], vector<16xf32>,
      tpu.vector_store_idx %arg11[%shift_right_arithmetic3A_21, %and3A_24, %add3A_2294], %add3A_2268 : memref<4x8x129xf32, #tpu.memory_space<vmem>>[vector<16xi32>, vector<16xi32>, vector<16xi32>], vector<16xf32>,
      %add3A_2295 = arith.constant 39 : i32
      %add3A_2296 = vector.broadcast %add3A_2295 : i32 to vector<16xi32>
      %add3A_2297 = arith.addi %mul3A_11, %add3A_2296 : vector<16xi32>
      tpu.vector_store_idx %arg11[%shift_right_arithmetic3A_13, %and3A_15, %add3A_2297], %add3A_2233 : memref<4x8x129xf32, #tpu.memory_space<vmem>>[vector<16xi32>, vector<16xi32>, vector<16xi32>], vector<16xf32>,
      tpu.vector_store_idx %arg11[%shift_right_arithmetic3A_21, %and3A_24, %add3A_2297], %add3A_2273 : memref<4x8x129xf32, #tpu.memory_space<vmem>>[vector<16xi32>, vector<16xi32>, vector<16xi32>], vector<16xf32>,
      %get3A_2298 = arith.constant 40 : i32
      %get3A_2299 = arith.index_cast %get3A_2298 : i32 to index
      %get3A_2300 = arith.constant 0 : index
      %get3A_2301 = tpu.vector_load %arg9[%get3A_2299, %get3A_2300] {strides = array<i32>} : memref<128x32xf32, #tpu.memory_space<vmem>>, vector<16xf32>,
      %add3A_2302 = arith.addf %get3A_2301, %get3A_1774 : vector<16xf32>
      %get3A_2303 = arith.constant 41 : i32
      %get3A_2304 = arith.index_cast %get3A_2303 : i32 to index
      %get3A_2305 = arith.constant 0 : index
      %get3A_2306 = tpu.vector_load %arg9[%get3A_2304, %get3A_2305] {strides = array<i32>} : memref<128x32xf32, #tpu.memory_space<vmem>>, vector<16xf32>,
      %add3A_2307 = arith.addf %get3A_2306, %get3A_1774 : vector<16xf32>
      %get3A_2308 = arith.constant 42 : i32
      %get3A_2309 = arith.index_cast %get3A_2308 : i32 to index
      %get3A_2310 = arith.constant 0 : index
      %get3A_2311 = tpu.vector_load %arg9[%get3A_2309, %get3A_2310] {strides = array<i32>} : memref<128x32xf32, #tpu.memory_space<vmem>>, vector<16xf32>,
      %add3A_2312 = arith.addf %get3A_2311, %get3A_1774 : vector<16xf32>
      %get3A_2313 = arith.constant 43 : i32
      %get3A_2314 = arith.index_cast %get3A_2313 : i32 to index
      %get3A_2315 = arith.constant 0 : index
      %get3A_2316 = tpu.vector_load %arg9[%get3A_2314, %get3A_2315] {strides = array<i32>} : memref<128x32xf32, #tpu.memory_space<vmem>>, vector<16xf32>,
      %add3A_2317 = arith.addf %get3A_2316, %get3A_1774 : vector<16xf32>
      %get3A_2318 = arith.constant 44 : i32
      %get3A_2319 = arith.index_cast %get3A_2318 : i32 to index
      %get3A_2320 = arith.constant 0 : index
      %get3A_2321 = tpu.vector_load %arg9[%get3A_2319, %get3A_2320] {strides = array<i32>} : memref<128x32xf32, #tpu.memory_space<vmem>>, vector<16xf32>,
      %add3A_2322 = arith.addf %get3A_2321, %get3A_1774 : vector<16xf32>
      %get3A_2323 = arith.constant 45 : i32
      %get3A_2324 = arith.index_cast %get3A_2323 : i32 to index
      %get3A_2325 = arith.constant 0 : index
      %get3A_2326 = tpu.vector_load %arg9[%get3A_2324, %get3A_2325] {strides = array<i32>} : memref<128x32xf32, #tpu.memory_space<vmem>>, vector<16xf32>,
      %add3A_2327 = arith.addf %get3A_2326, %get3A_1774 : vector<16xf32>
      %get3A_2328 = arith.constant 46 : i32
      %get3A_2329 = arith.index_cast %get3A_2328 : i32 to index
      %get3A_2330 = arith.constant 0 : index
      %get3A_2331 = tpu.vector_load %arg9[%get3A_2329, %get3A_2330] {strides = array<i32>} : memref<128x32xf32, #tpu.memory_space<vmem>>, vector<16xf32>,
      %add3A_2332 = arith.addf %get3A_2331, %get3A_1774 : vector<16xf32>
      %get3A_2333 = arith.constant 47 : i32
      %get3A_2334 = arith.index_cast %get3A_2333 : i32 to index
      %get3A_2335 = arith.constant 0 : index
      %get3A_2336 = tpu.vector_load %arg9[%get3A_2334, %get3A_2335] {strides = array<i32>} : memref<128x32xf32, #tpu.memory_space<vmem>>, vector<16xf32>,
      %add3A_2337 = arith.addf %get3A_2336, %get3A_1774 : vector<16xf32>
      %get3A_2338 = arith.constant 40 : i32
      %get3A_2339 = arith.index_cast %get3A_2338 : i32 to index
      %get3A_2340 = arith.constant 16 : index
      %get3A_2341 = tpu.vector_load %arg9[%get3A_2339, %get3A_2340] {strides = array<i32>} : memref<128x32xf32, #tpu.memory_space<vmem>>, vector<16xf32>,
      %add3A_2342 = arith.addf %get3A_2341, %get3A_1777 : vector<16xf32>
      %get3A_2343 = arith.constant 41 : i32
      %get3A_2344 = arith.index_cast %get3A_2343 : i32 to index
      %get3A_2345 = arith.constant 16 : index
      %get3A_2346 = tpu.vector_load %arg9[%get3A_2344, %get3A_2345] {strides = array<i32>} : memref<128x32xf32, #tpu.memory_space<vmem>>, vector<16xf32>,
      %add3A_2347 = arith.addf %get3A_2346, %get3A_1777 : vector<16xf32>
      %get3A_2348 = arith.constant 42 : i32
      %get3A_2349 = arith.index_cast %get3A_2348 : i32 to index
      %get3A_2350 = arith.constant 16 : index
      %get3A_2351 = tpu.vector_load %arg9[%get3A_2349, %get3A_2350] {strides = array<i32>} : memref<128x32xf32, #tpu.memory_space<vmem>>, vector<16xf32>,
      %add3A_2352 = arith.addf %get3A_2351, %get3A_1777 : vector<16xf32>
      %get3A_2353 = arith.constant 43 : i32
      %get3A_2354 = arith.index_cast %get3A_2353 : i32 to index
      %get3A_2355 = arith.constant 16 : index
      %get3A_2356 = tpu.vector_load %arg9[%get3A_2354, %get3A_2355] {strides = array<i32>} : memref<128x32xf32, #tpu.memory_space<vmem>>, vector<16xf32>,
      %add3A_2357 = arith.addf %get3A_2356, %get3A_1777 : vector<16xf32>
      %get3A_2358 = arith.constant 44 : i32
      %get3A_2359 = arith.index_cast %get3A_2358 : i32 to index
      %get3A_2360 = arith.constant 16 : index
      %get3A_2361 = tpu.vector_load %arg9[%get3A_2359, %get3A_2360] {strides = array<i32>} : memref<128x32xf32, #tpu.memory_space<vmem>>, vector<16xf32>,
      %add3A_2362 = arith.addf %get3A_2361, %get3A_1777 : vector<16xf32>
      %get3A_2363 = arith.constant 45 : i32
      %get3A_2364 = arith.index_cast %get3A_2363 : i32 to index
      %get3A_2365 = arith.constant 16 : index
      %get3A_2366 = tpu.vector_load %arg9[%get3A_2364, %get3A_2365] {strides = array<i32>} : memref<128x32xf32, #tpu.memory_space<vmem>>, vector<16xf32>,
      %add3A_2367 = arith.addf %get3A_2366, %get3A_1777 : vector<16xf32>
      %get3A_2368 = arith.constant 46 : i32
      %get3A_2369 = arith.index_cast %get3A_2368 : i32 to index
      %get3A_2370 = arith.constant 16 : index
      %get3A_2371 = tpu.vector_load %arg9[%get3A_2369, %get3A_2370] {strides = array<i32>} : memref<128x32xf32, #tpu.memory_space<vmem>>, vector<16xf32>,
      %add3A_2372 = arith.addf %get3A_2371, %get3A_1777 : vector<16xf32>
      %get3A_2373 = arith.constant 47 : i32
      %get3A_2374 = arith.index_cast %get3A_2373 : i32 to index
      %get3A_2375 = arith.constant 16 : index
      %get3A_2376 = tpu.vector_load %arg9[%get3A_2374, %get3A_2375] {strides = array<i32>} : memref<128x32xf32, #tpu.memory_space<vmem>>, vector<16xf32>,
      %add3A_2377 = arith.addf %get3A_2376, %get3A_1777 : vector<16xf32>
      %add3A_2378 = arith.constant 40 : i32
      %add3A_2379 = vector.broadcast %add3A_2378 : i32 to vector<16xi32>
      %add3A_2380 = arith.addi %mul3A_11, %add3A_2379 : vector<16xi32>
      tpu.vector_store_idx %arg11[%shift_right_arithmetic3A_13, %and3A_15, %add3A_2380], %add3A_2302 : memref<4x8x129xf32, #tpu.memory_space<vmem>>[vector<16xi32>, vector<16xi32>, vector<16xi32>], vector<16xf32>,
      tpu.vector_store_idx %arg11[%shift_right_arithmetic3A_21, %and3A_24, %add3A_2380], %add3A_2342 : memref<4x8x129xf32, #tpu.memory_space<vmem>>[vector<16xi32>, vector<16xi32>, vector<16xi32>], vector<16xf32>,
      %add3A_2381 = arith.constant 41 : i32
      %add3A_2382 = vector.broadcast %add3A_2381 : i32 to vector<16xi32>
      %add3A_2383 = arith.addi %mul3A_11, %add3A_2382 : vector<16xi32>
      tpu.vector_store_idx %arg11[%shift_right_arithmetic3A_13, %and3A_15, %add3A_2383], %add3A_2307 : memref<4x8x129xf32, #tpu.memory_space<vmem>>[vector<16xi32>, vector<16xi32>, vector<16xi32>], vector<16xf32>,
      tpu.vector_store_idx %arg11[%shift_right_arithmetic3A_21, %and3A_24, %add3A_2383], %add3A_2347 : memref<4x8x129xf32, #tpu.memory_space<vmem>>[vector<16xi32>, vector<16xi32>, vector<16xi32>], vector<16xf32>,
      %add3A_2384 = arith.constant 42 : i32
      %add3A_2385 = vector.broadcast %add3A_2384 : i32 to vector<16xi32>
      %add3A_2386 = arith.addi %mul3A_11, %add3A_2385 : vector<16xi32>
      tpu.vector_store_idx %arg11[%shift_right_arithmetic3A_13, %and3A_15, %add3A_2386], %add3A_2312 : memref<4x8x129xf32, #tpu.memory_space<vmem>>[vector<16xi32>, vector<16xi32>, vector<16xi32>], vector<16xf32>,
      tpu.vector_store_idx %arg11[%shift_right_arithmetic3A_21, %and3A_24, %add3A_2386], %add3A_2352 : memref<4x8x129xf32, #tpu.memory_space<vmem>>[vector<16xi32>, vector<16xi32>, vector<16xi32>], vector<16xf32>,
      %add3A_2387 = arith.constant 43 : i32
      %add3A_2388 = vector.broadcast %add3A_2387 : i32 to vector<16xi32>
      %add3A_2389 = arith.addi %mul3A_11, %add3A_2388 : vector<16xi32>
      tpu.vector_store_idx %arg11[%shift_right_arithmetic3A_13, %and3A_15, %add3A_2389], %add3A_2317 : memref<4x8x129xf32, #tpu.memory_space<vmem>>[vector<16xi32>, vector<16xi32>, vector<16xi32>], vector<16xf32>,
      tpu.vector_store_idx %arg11[%shift_right_arithmetic3A_21, %and3A_24, %add3A_2389], %add3A_2357 : memref<4x8x129xf32, #tpu.memory_space<vmem>>[vector<16xi32>, vector<16xi32>, vector<16xi32>], vector<16xf32>,
      %add3A_2390 = arith.constant 44 : i32
      %add3A_2391 = vector.broadcast %add3A_2390 : i32 to vector<16xi32>
      %add3A_2392 = arith.addi %mul3A_11, %add3A_2391 : vector<16xi32>
      tpu.vector_store_idx %arg11[%shift_right_arithmetic3A_13, %and3A_15, %add3A_2392], %add3A_2322 : memref<4x8x129xf32, #tpu.memory_space<vmem>>[vector<16xi32>, vector<16xi32>, vector<16xi32>], vector<16xf32>,
      tpu.vector_store_idx %arg11[%shift_right_arithmetic3A_21, %and3A_24, %add3A_2392], %add3A_2362 : memref<4x8x129xf32, #tpu.memory_space<vmem>>[vector<16xi32>, vector<16xi32>, vector<16xi32>], vector<16xf32>,
      %add3A_2393 = arith.constant 45 : i32
      %add3A_2394 = vector.broadcast %add3A_2393 : i32 to vector<16xi32>
      %add3A_2395 = arith.addi %mul3A_11, %add3A_2394 : vector<16xi32>
      tpu.vector_store_idx %arg11[%shift_right_arithmetic3A_13, %and3A_15, %add3A_2395], %add3A_2327 : memref<4x8x129xf32, #tpu.memory_space<vmem>>[vector<16xi32>, vector<16xi32>, vector<16xi32>], vector<16xf32>,
      tpu.vector_store_idx %arg11[%shift_right_arithmetic3A_21, %and3A_24, %add3A_2395], %add3A_2367 : memref<4x8x129xf32, #tpu.memory_space<vmem>>[vector<16xi32>, vector<16xi32>, vector<16xi32>], vector<16xf32>,
      %add3A_2396 = arith.constant 46 : i32
      %add3A_2397 = vector.broadcast %add3A_2396 : i32 to vector<16xi32>
      %add3A_2398 = arith.addi %mul3A_11, %add3A_2397 : vector<16xi32>
      tpu.vector_store_idx %arg11[%shift_right_arithmetic3A_13, %and3A_15, %add3A_2398], %add3A_2332 : memref<4x8x129xf32, #tpu.memory_space<vmem>>[vector<16xi32>, vector<16xi32>, vector<16xi32>], vector<16xf32>,
      tpu.vector_store_idx %arg11[%shift_right_arithmetic3A_21, %and3A_24, %add3A_2398], %add3A_2372 : memref<4x8x129xf32, #tpu.memory_space<vmem>>[vector<16xi32>, vector<16xi32>, vector<16xi32>], vector<16xf32>,
      %add3A_2399 = arith.constant 47 : i32
      %add3A_2400 = vector.broadcast %add3A_2399 : i32 to vector<16xi32>
      %add3A_2401 = arith.addi %mul3A_11, %add3A_2400 : vector<16xi32>
      tpu.vector_store_idx %arg11[%shift_right_arithmetic3A_13, %and3A_15, %add3A_2401], %add3A_2337 : memref<4x8x129xf32, #tpu.memory_space<vmem>>[vector<16xi32>, vector<16xi32>, vector<16xi32>], vector<16xf32>,
      tpu.vector_store_idx %arg11[%shift_right_arithmetic3A_21, %and3A_24, %add3A_2401], %add3A_2377 : memref<4x8x129xf32, #tpu.memory_space<vmem>>[vector<16xi32>, vector<16xi32>, vector<16xi32>], vector<16xf32>,
      %get3A_2402 = arith.constant 48 : i32
      %get3A_2403 = arith.index_cast %get3A_2402 : i32 to index
      %get3A_2404 = arith.constant 0 : index
      %get3A_2405 = tpu.vector_load %arg9[%get3A_2403, %get3A_2404] {strides = array<i32>} : memref<128x32xf32, #tpu.memory_space<vmem>>, vector<16xf32>,
      %add3A_2406 = arith.addf %get3A_2405, %get3A_1774 : vector<16xf32>
      %get3A_2407 = arith.constant 49 : i32
      %get3A_2408 = arith.index_cast %get3A_2407 : i32 to index
      %get3A_2409 = arith.constant 0 : index
      %get3A_2410 = tpu.vector_load %arg9[%get3A_2408, %get3A_2409] {strides = array<i32>} : memref<128x32xf32, #tpu.memory_space<vmem>>, vector<16xf32>,
      %add3A_2411 = arith.addf %get3A_2410, %get3A_1774 : vector<16xf32>
      %get3A_2412 = arith.constant 50 : i32
      %get3A_2413 = arith.index_cast %get3A_2412 : i32 to index
      %get3A_2414 = arith.constant 0 : index
      %get3A_2415 = tpu.vector_load %arg9[%get3A_2413, %get3A_2414] {strides = array<i32>} : memref<128x32xf32, #tpu.memory_space<vmem>>, vector<16xf32>,
      %add3A_2416 = arith.addf %get3A_2415, %get3A_1774 : vector<16xf32>
      %get3A_2417 = arith.constant 51 : i32
      %get3A_2418 = arith.index_cast %get3A_2417 : i32 to index
      %get3A_2419 = arith.constant 0 : index
      %get3A_2420 = tpu.vector_load %arg9[%get3A_2418, %get3A_2419] {strides = array<i32>} : memref<128x32xf32, #tpu.memory_space<vmem>>, vector<16xf32>,
      %add3A_2421 = arith.addf %get3A_2420, %get3A_1774 : vector<16xf32>
      %get3A_2422 = arith.constant 52 : i32
      %get3A_2423 = arith.index_cast %get3A_2422 : i32 to index
      %get3A_2424 = arith.constant 0 : index
      %get3A_2425 = tpu.vector_load %arg9[%get3A_2423, %get3A_2424] {strides = array<i32>} : memref<128x32xf32, #tpu.memory_space<vmem>>, vector<16xf32>,
      %add3A_2426 = arith.addf %get3A_2425, %get3A_1774 : vector<16xf32>
      %get3A_2427 = arith.constant 53 : i32
      %get3A_2428 = arith.index_cast %get3A_2427 : i32 to index
      %get3A_2429 = arith.constant 0 : index
      %get3A_2430 = tpu.vector_load %arg9[%get3A_2428, %get3A_2429] {strides = array<i32>} : memref<128x32xf32, #tpu.memory_space<vmem>>, vector<16xf32>,
      %add3A_2431 = arith.addf %get3A_2430, %get3A_1774 : vector<16xf32>
      %get3A_2432 = arith.constant 54 : i32
      %get3A_2433 = arith.index_cast %get3A_2432 : i32 to index
      %get3A_2434 = arith.constant 0 : index
      %get3A_2435 = tpu.vector_load %arg9[%get3A_2433, %get3A_2434] {strides = array<i32>} : memref<128x32xf32, #tpu.memory_space<vmem>>, vector<16xf32>,
      %add3A_2436 = arith.addf %get3A_2435, %get3A_1774 : vector<16xf32>
      %get3A_2437 = arith.constant 55 : i32
      %get3A_2438 = arith.index_cast %get3A_2437 : i32 to index
      %get3A_2439 = arith.constant 0 : index
      %get3A_2440 = tpu.vector_load %arg9[%get3A_2438, %get3A_2439] {strides = array<i32>} : memref<128x32xf32, #tpu.memory_space<vmem>>, vector<16xf32>,
      %add3A_2441 = arith.addf %get3A_2440, %get3A_1774 : vector<16xf32>
      %get3A_2442 = arith.constant 48 : i32
      %get3A_2443 = arith.index_cast %get3A_2442 : i32 to index
      %get3A_2444 = arith.constant 16 : index
      %get3A_2445 = tpu.vector_load %arg9[%get3A_2443, %get3A_2444] {strides = array<i32>} : memref<128x32xf32, #tpu.memory_space<vmem>>, vector<16xf32>,
      %add3A_2446 = arith.addf %get3A_2445, %get3A_1777 : vector<16xf32>
      %get3A_2447 = arith.constant 49 : i32
      %get3A_2448 = arith.index_cast %get3A_2447 : i32 to index
      %get3A_2449 = arith.constant 16 : index
      %get3A_2450 = tpu.vector_load %arg9[%get3A_2448, %get3A_2449] {strides = array<i32>} : memref<128x32xf32, #tpu.memory_space<vmem>>, vector<16xf32>,
      %add3A_2451 = arith.addf %get3A_2450, %get3A_1777 : vector<16xf32>
      %get3A_2452 = arith.constant 50 : i32
      %get3A_2453 = arith.index_cast %get3A_2452 : i32 to index
      %get3A_2454 = arith.constant 16 : index
      %get3A_2455 = tpu.vector_load %arg9[%get3A_2453, %get3A_2454] {strides = array<i32>} : memref<128x32xf32, #tpu.memory_space<vmem>>, vector<16xf32>,
      %add3A_2456 = arith.addf %get3A_2455, %get3A_1777 : vector<16xf32>
      %get3A_2457 = arith.constant 51 : i32
      %get3A_2458 = arith.index_cast %get3A_2457 : i32 to index
      %get3A_2459 = arith.constant 16 : index
      %get3A_2460 = tpu.vector_load %arg9[%get3A_2458, %get3A_2459] {strides = array<i32>} : memref<128x32xf32, #tpu.memory_space<vmem>>, vector<16xf32>,
      %add3A_2461 = arith.addf %get3A_2460, %get3A_1777 : vector<16xf32>
      %get3A_2462 = arith.constant 52 : i32
      %get3A_2463 = arith.index_cast %get3A_2462 : i32 to index
      %get3A_2464 = arith.constant 16 : index
      %get3A_2465 = tpu.vector_load %arg9[%get3A_2463, %get3A_2464] {strides = array<i32>} : memref<128x32xf32, #tpu.memory_space<vmem>>, vector<16xf32>,
      %add3A_2466 = arith.addf %get3A_2465, %get3A_1777 : vector<16xf32>
      %get3A_2467 = arith.constant 53 : i32
      %get3A_2468 = arith.index_cast %get3A_2467 : i32 to index
      %get3A_2469 = arith.constant 16 : index
      %get3A_2470 = tpu.vector_load %arg9[%get3A_2468, %get3A_2469] {strides = array<i32>} : memref<128x32xf32, #tpu.memory_space<vmem>>, vector<16xf32>,
      %add3A_2471 = arith.addf %get3A_2470, %get3A_1777 : vector<16xf32>
      %get3A_2472 = arith.constant 54 : i32
      %get3A_2473 = arith.index_cast %get3A_2472 : i32 to index
      %get3A_2474 = arith.constant 16 : index
      %get3A_2475 = tpu.vector_load %arg9[%get3A_2473, %get3A_2474] {strides = array<i32>} : memref<128x32xf32, #tpu.memory_space<vmem>>, vector<16xf32>,
      %add3A_2476 = arith.addf %get3A_2475, %get3A_1777 : vector<16xf32>
      %get3A_2477 = arith.constant 55 : i32
      %get3A_2478 = arith.index_cast %get3A_2477 : i32 to index
      %get3A_2479 = arith.constant 16 : index
      %get3A_2480 = tpu.vector_load %arg9[%get3A_2478, %get3A_2479] {strides = array<i32>} : memref<128x32xf32, #tpu.memory_space<vmem>>, vector<16xf32>,
      %add3A_2481 = arith.addf %get3A_2480, %get3A_1777 : vector<16xf32>
      %add3A_2482 = arith.constant 48 : i32
      %add3A_2483 = vector.broadcast %add3A_2482 : i32 to vector<16xi32>
      %add3A_2484 = arith.addi %mul3A_11, %add3A_2483 : vector<16xi32>
      tpu.vector_store_idx %arg11[%shift_right_arithmetic3A_13, %and3A_15, %add3A_2484], %add3A_2406 : memref<4x8x129xf32, #tpu.memory_space<vmem>>[vector<16xi32>, vector<16xi32>, vector<16xi32>], vector<16xf32>,
      tpu.vector_store_idx %arg11[%shift_right_arithmetic3A_21, %and3A_24, %add3A_2484], %add3A_2446 : memref<4x8x129xf32, #tpu.memory_space<vmem>>[vector<16xi32>, vector<16xi32>, vector<16xi32>], vector<16xf32>,
      %add3A_2485 = arith.constant 49 : i32
      %add3A_2486 = vector.broadcast %add3A_2485 : i32 to vector<16xi32>
      %add3A_2487 = arith.addi %mul3A_11, %add3A_2486 : vector<16xi32>
      tpu.vector_store_idx %arg11[%shift_right_arithmetic3A_13, %and3A_15, %add3A_2487], %add3A_2411 : memref<4x8x129xf32, #tpu.memory_space<vmem>>[vector<16xi32>, vector<16xi32>, vector<16xi32>], vector<16xf32>,
      tpu.vector_store_idx %arg11[%shift_right_arithmetic3A_21, %and3A_24, %add3A_2487], %add3A_2451 : memref<4x8x129xf32, #tpu.memory_space<vmem>>[vector<16xi32>, vector<16xi32>, vector<16xi32>], vector<16xf32>,
      %add3A_2488 = arith.constant 50 : i32
      %add3A_2489 = vector.broadcast %add3A_2488 : i32 to vector<16xi32>
      %add3A_2490 = arith.addi %mul3A_11, %add3A_2489 : vector<16xi32>
      tpu.vector_store_idx %arg11[%shift_right_arithmetic3A_13, %and3A_15, %add3A_2490], %add3A_2416 : memref<4x8x129xf32, #tpu.memory_space<vmem>>[vector<16xi32>, vector<16xi32>, vector<16xi32>], vector<16xf32>,
      tpu.vector_store_idx %arg11[%shift_right_arithmetic3A_21, %and3A_24, %add3A_2490], %add3A_2456 : memref<4x8x129xf32, #tpu.memory_space<vmem>>[vector<16xi32>, vector<16xi32>, vector<16xi32>], vector<16xf32>,
      %add3A_2491 = arith.constant 51 : i32
      %add3A_2492 = vector.broadcast %add3A_2491 : i32 to vector<16xi32>
      %add3A_2493 = arith.addi %mul3A_11, %add3A_2492 : vector<16xi32>
      tpu.vector_store_idx %arg11[%shift_right_arithmetic3A_13, %and3A_15, %add3A_2493], %add3A_2421 : memref<4x8x129xf32, #tpu.memory_space<vmem>>[vector<16xi32>, vector<16xi32>, vector<16xi32>], vector<16xf32>,
      tpu.vector_store_idx %arg11[%shift_right_arithmetic3A_21, %and3A_24, %add3A_2493], %add3A_2461 : memref<4x8x129xf32, #tpu.memory_space<vmem>>[vector<16xi32>, vector<16xi32>, vector<16xi32>], vector<16xf32>,
      %add3A_2494 = arith.constant 52 : i32
      %add3A_2495 = vector.broadcast %add3A_2494 : i32 to vector<16xi32>
      %add3A_2496 = arith.addi %mul3A_11, %add3A_2495 : vector<16xi32>
      tpu.vector_store_idx %arg11[%shift_right_arithmetic3A_13, %and3A_15, %add3A_2496], %add3A_2426 : memref<4x8x129xf32, #tpu.memory_space<vmem>>[vector<16xi32>, vector<16xi32>, vector<16xi32>], vector<16xf32>,
      tpu.vector_store_idx %arg11[%shift_right_arithmetic3A_21, %and3A_24, %add3A_2496], %add3A_2466 : memref<4x8x129xf32, #tpu.memory_space<vmem>>[vector<16xi32>, vector<16xi32>, vector<16xi32>], vector<16xf32>,
      %add3A_2497 = arith.constant 53 : i32
      %add3A_2498 = vector.broadcast %add3A_2497 : i32 to vector<16xi32>
      %add3A_2499 = arith.addi %mul3A_11, %add3A_2498 : vector<16xi32>
      tpu.vector_store_idx %arg11[%shift_right_arithmetic3A_13, %and3A_15, %add3A_2499], %add3A_2431 : memref<4x8x129xf32, #tpu.memory_space<vmem>>[vector<16xi32>, vector<16xi32>, vector<16xi32>], vector<16xf32>,
      tpu.vector_store_idx %arg11[%shift_right_arithmetic3A_21, %and3A_24, %add3A_2499], %add3A_2471 : memref<4x8x129xf32, #tpu.memory_space<vmem>>[vector<16xi32>, vector<16xi32>, vector<16xi32>], vector<16xf32>,
      %add3A_2500 = arith.constant 54 : i32
      %add3A_2501 = vector.broadcast %add3A_2500 : i32 to vector<16xi32>
      %add3A_2502 = arith.addi %mul3A_11, %add3A_2501 : vector<16xi32>
      tpu.vector_store_idx %arg11[%shift_right_arithmetic3A_13, %and3A_15, %add3A_2502], %add3A_2436 : memref<4x8x129xf32, #tpu.memory_space<vmem>>[vector<16xi32>, vector<16xi32>, vector<16xi32>], vector<16xf32>,
      tpu.vector_store_idx %arg11[%shift_right_arithmetic3A_21, %and3A_24, %add3A_2502], %add3A_2476 : memref<4x8x129xf32, #tpu.memory_space<vmem>>[vector<16xi32>, vector<16xi32>, vector<16xi32>], vector<16xf32>,
      %add3A_2503 = arith.constant 55 : i32
      %add3A_2504 = vector.broadcast %add3A_2503 : i32 to vector<16xi32>
      %add3A_2505 = arith.addi %mul3A_11, %add3A_2504 : vector<16xi32>
      tpu.vector_store_idx %arg11[%shift_right_arithmetic3A_13, %and3A_15, %add3A_2505], %add3A_2441 : memref<4x8x129xf32, #tpu.memory_space<vmem>>[vector<16xi32>, vector<16xi32>, vector<16xi32>], vector<16xf32>,
      tpu.vector_store_idx %arg11[%shift_right_arithmetic3A_21, %and3A_24, %add3A_2505], %add3A_2481 : memref<4x8x129xf32, #tpu.memory_space<vmem>>[vector<16xi32>, vector<16xi32>, vector<16xi32>], vector<16xf32>,
      %get3A_2506 = arith.constant 56 : i32
      %get3A_2507 = arith.index_cast %get3A_2506 : i32 to index
      %get3A_2508 = arith.constant 0 : index
      %get3A_2509 = tpu.vector_load %arg9[%get3A_2507, %get3A_2508] {strides = array<i32>} : memref<128x32xf32, #tpu.memory_space<vmem>>, vector<16xf32>,
      %add3A_2510 = arith.addf %get3A_2509, %get3A_1774 : vector<16xf32>
      %get3A_2511 = arith.constant 57 : i32
      %get3A_2512 = arith.index_cast %get3A_2511 : i32 to index
      %get3A_2513 = arith.constant 0 : index
      %get3A_2514 = tpu.vector_load %arg9[%get3A_2512, %get3A_2513] {strides = array<i32>} : memref<128x32xf32, #tpu.memory_space<vmem>>, vector<16xf32>,
      %add3A_2515 = arith.addf %get3A_2514, %get3A_1774 : vector<16xf32>
      %get3A_2516 = arith.constant 58 : i32
      %get3A_2517 = arith.index_cast %get3A_2516 : i32 to index
      %get3A_2518 = arith.constant 0 : index
      %get3A_2519 = tpu.vector_load %arg9[%get3A_2517, %get3A_2518] {strides = array<i32>} : memref<128x32xf32, #tpu.memory_space<vmem>>, vector<16xf32>,
      %add3A_2520 = arith.addf %get3A_2519, %get3A_1774 : vector<16xf32>
      %get3A_2521 = arith.constant 59 : i32
      %get3A_2522 = arith.index_cast %get3A_2521 : i32 to index
      %get3A_2523 = arith.constant 0 : index
      %get3A_2524 = tpu.vector_load %arg9[%get3A_2522, %get3A_2523] {strides = array<i32>} : memref<128x32xf32, #tpu.memory_space<vmem>>, vector<16xf32>,
      %add3A_2525 = arith.addf %get3A_2524, %get3A_1774 : vector<16xf32>
      %get3A_2526 = arith.constant 60 : i32
      %get3A_2527 = arith.index_cast %get3A_2526 : i32 to index
      %get3A_2528 = arith.constant 0 : index
      %get3A_2529 = tpu.vector_load %arg9[%get3A_2527, %get3A_2528] {strides = array<i32>} : memref<128x32xf32, #tpu.memory_space<vmem>>, vector<16xf32>,
      %add3A_2530 = arith.addf %get3A_2529, %get3A_1774 : vector<16xf32>
      %get3A_2531 = arith.constant 61 : i32
      %get3A_2532 = arith.index_cast %get3A_2531 : i32 to index
      %get3A_2533 = arith.constant 0 : index
      %get3A_2534 = tpu.vector_load %arg9[%get3A_2532, %get3A_2533] {strides = array<i32>} : memref<128x32xf32, #tpu.memory_space<vmem>>, vector<16xf32>,
      %add3A_2535 = arith.addf %get3A_2534, %get3A_1774 : vector<16xf32>
      %get3A_2536 = arith.constant 62 : i32
      %get3A_2537 = arith.index_cast %get3A_2536 : i32 to index
      %get3A_2538 = arith.constant 0 : index
      %get3A_2539 = tpu.vector_load %arg9[%get3A_2537, %get3A_2538] {strides = array<i32>} : memref<128x32xf32, #tpu.memory_space<vmem>>, vector<16xf32>,
      %add3A_2540 = arith.addf %get3A_2539, %get3A_1774 : vector<16xf32>
      %get3A_2541 = arith.constant 63 : i32
      %get3A_2542 = arith.index_cast %get3A_2541 : i32 to index
      %get3A_2543 = arith.constant 0 : index
      %get3A_2544 = tpu.vector_load %arg9[%get3A_2542, %get3A_2543] {strides = array<i32>} : memref<128x32xf32, #tpu.memory_space<vmem>>, vector<16xf32>,
      %add3A_2545 = arith.addf %get3A_2544, %get3A_1774 : vector<16xf32>
      %get3A_2546 = arith.constant 56 : i32
      %get3A_2547 = arith.index_cast %get3A_2546 : i32 to index
      %get3A_2548 = arith.constant 16 : index
      %get3A_2549 = tpu.vector_load %arg9[%get3A_2547, %get3A_2548] {strides = array<i32>} : memref<128x32xf32, #tpu.memory_space<vmem>>, vector<16xf32>,
      %add3A_2550 = arith.addf %get3A_2549, %get3A_1777 : vector<16xf32>
      %get3A_2551 = arith.constant 57 : i32
      %get3A_2552 = arith.index_cast %get3A_2551 : i32 to index
      %get3A_2553 = arith.constant 16 : index
      %get3A_2554 = tpu.vector_load %arg9[%get3A_2552, %get3A_2553] {strides = array<i32>} : memref<128x32xf32, #tpu.memory_space<vmem>>, vector<16xf32>,
      %add3A_2555 = arith.addf %get3A_2554, %get3A_1777 : vector<16xf32>
      %get3A_2556 = arith.constant 58 : i32
      %get3A_2557 = arith.index_cast %get3A_2556 : i32 to index
      %get3A_2558 = arith.constant 16 : index
      %get3A_2559 = tpu.vector_load %arg9[%get3A_2557, %get3A_2558] {strides = array<i32>} : memref<128x32xf32, #tpu.memory_space<vmem>>, vector<16xf32>,
      %add3A_2560 = arith.addf %get3A_2559, %get3A_1777 : vector<16xf32>
      %get3A_2561 = arith.constant 59 : i32
      %get3A_2562 = arith.index_cast %get3A_2561 : i32 to index
      %get3A_2563 = arith.constant 16 : index
      %get3A_2564 = tpu.vector_load %arg9[%get3A_2562, %get3A_2563] {strides = array<i32>} : memref<128x32xf32, #tpu.memory_space<vmem>>, vector<16xf32>,
      %add3A_2565 = arith.addf %get3A_2564, %get3A_1777 : vector<16xf32>
      %get3A_2566 = arith.constant 60 : i32
      %get3A_2567 = arith.index_cast %get3A_2566 : i32 to index
      %get3A_2568 = arith.constant 16 : index
      %get3A_2569 = tpu.vector_load %arg9[%get3A_2567, %get3A_2568] {strides = array<i32>} : memref<128x32xf32, #tpu.memory_space<vmem>>, vector<16xf32>,
      %add3A_2570 = arith.addf %get3A_2569, %get3A_1777 : vector<16xf32>
      %get3A_2571 = arith.constant 61 : i32
      %get3A_2572 = arith.index_cast %get3A_2571 : i32 to index
      %get3A_2573 = arith.constant 16 : index
      %get3A_2574 = tpu.vector_load %arg9[%get3A_2572, %get3A_2573] {strides = array<i32>} : memref<128x32xf32, #tpu.memory_space<vmem>>, vector<16xf32>,
      %add3A_2575 = arith.addf %get3A_2574, %get3A_1777 : vector<16xf32>
      %get3A_2576 = arith.constant 62 : i32
      %get3A_2577 = arith.index_cast %get3A_2576 : i32 to index
      %get3A_2578 = arith.constant 16 : index
      %get3A_2579 = tpu.vector_load %arg9[%get3A_2577, %get3A_2578] {strides = array<i32>} : memref<128x32xf32, #tpu.memory_space<vmem>>, vector<16xf32>,
      %add3A_2580 = arith.addf %get3A_2579, %get3A_1777 : vector<16xf32>
      %get3A_2581 = arith.constant 63 : i32
      %get3A_2582 = arith.index_cast %get3A_2581 : i32 to index
      %get3A_2583 = arith.constant 16 : index
      %get3A_2584 = tpu.vector_load %arg9[%get3A_2582, %get3A_2583] {strides = array<i32>} : memref<128x32xf32, #tpu.memory_space<vmem>>, vector<16xf32>,
      %add3A_2585 = arith.addf %get3A_2584, %get3A_1777 : vector<16xf32>
      %add3A_2586 = arith.constant 56 : i32
      %add3A_2587 = vector.broadcast %add3A_2586 : i32 to vector<16xi32>
      %add3A_2588 = arith.addi %mul3A_11, %add3A_2587 : vector<16xi32>
      tpu.vector_store_idx %arg11[%shift_right_arithmetic3A_13, %and3A_15, %add3A_2588], %add3A_2510 : memref<4x8x129xf32, #tpu.memory_space<vmem>>[vector<16xi32>, vector<16xi32>, vector<16xi32>], vector<16xf32>,
      tpu.vector_store_idx %arg11[%shift_right_arithmetic3A_21, %and3A_24, %add3A_2588], %add3A_2550 : memref<4x8x129xf32, #tpu.memory_space<vmem>>[vector<16xi32>, vector<16xi32>, vector<16xi32>], vector<16xf32>,
      %add3A_2589 = arith.constant 57 : i32
      %add3A_2590 = vector.broadcast %add3A_2589 : i32 to vector<16xi32>
      %add3A_2591 = arith.addi %mul3A_11, %add3A_2590 : vector<16xi32>
      tpu.vector_store_idx %arg11[%shift_right_arithmetic3A_13, %and3A_15, %add3A_2591], %add3A_2515 : memref<4x8x129xf32, #tpu.memory_space<vmem>>[vector<16xi32>, vector<16xi32>, vector<16xi32>], vector<16xf32>,
      tpu.vector_store_idx %arg11[%shift_right_arithmetic3A_21, %and3A_24, %add3A_2591], %add3A_2555 : memref<4x8x129xf32, #tpu.memory_space<vmem>>[vector<16xi32>, vector<16xi32>, vector<16xi32>], vector<16xf32>,
      %add3A_2592 = arith.constant 58 : i32
      %add3A_2593 = vector.broadcast %add3A_2592 : i32 to vector<16xi32>
      %add3A_2594 = arith.addi %mul3A_11, %add3A_2593 : vector<16xi32>
      tpu.vector_store_idx %arg11[%shift_right_arithmetic3A_13, %and3A_15, %add3A_2594], %add3A_2520 : memref<4x8x129xf32, #tpu.memory_space<vmem>>[vector<16xi32>, vector<16xi32>, vector<16xi32>], vector<16xf32>,
      tpu.vector_store_idx %arg11[%shift_right_arithmetic3A_21, %and3A_24, %add3A_2594], %add3A_2560 : memref<4x8x129xf32, #tpu.memory_space<vmem>>[vector<16xi32>, vector<16xi32>, vector<16xi32>], vector<16xf32>,
      %add3A_2595 = arith.constant 59 : i32
      %add3A_2596 = vector.broadcast %add3A_2595 : i32 to vector<16xi32>
      %add3A_2597 = arith.addi %mul3A_11, %add3A_2596 : vector<16xi32>
      tpu.vector_store_idx %arg11[%shift_right_arithmetic3A_13, %and3A_15, %add3A_2597], %add3A_2525 : memref<4x8x129xf32, #tpu.memory_space<vmem>>[vector<16xi32>, vector<16xi32>, vector<16xi32>], vector<16xf32>,
      tpu.vector_store_idx %arg11[%shift_right_arithmetic3A_21, %and3A_24, %add3A_2597], %add3A_2565 : memref<4x8x129xf32, #tpu.memory_space<vmem>>[vector<16xi32>, vector<16xi32>, vector<16xi32>], vector<16xf32>,
      %add3A_2598 = arith.constant 60 : i32
      %add3A_2599 = vector.broadcast %add3A_2598 : i32 to vector<16xi32>
      %add3A_2600 = arith.addi %mul3A_11, %add3A_2599 : vector<16xi32>
      tpu.vector_store_idx %arg11[%shift_right_arithmetic3A_13, %and3A_15, %add3A_2600], %add3A_2530 : memref<4x8x129xf32, #tpu.memory_space<vmem>>[vector<16xi32>, vector<16xi32>, vector<16xi32>], vector<16xf32>,
      tpu.vector_store_idx %arg11[%shift_right_arithmetic3A_21, %and3A_24, %add3A_2600], %add3A_2570 : memref<4x8x129xf32, #tpu.memory_space<vmem>>[vector<16xi32>, vector<16xi32>, vector<16xi32>], vector<16xf32>,
      %add3A_2601 = arith.constant 61 : i32
      %add3A_2602 = vector.broadcast %add3A_2601 : i32 to vector<16xi32>
      %add3A_2603 = arith.addi %mul3A_11, %add3A_2602 : vector<16xi32>
      tpu.vector_store_idx %arg11[%shift_right_arithmetic3A_13, %and3A_15, %add3A_2603], %add3A_2535 : memref<4x8x129xf32, #tpu.memory_space<vmem>>[vector<16xi32>, vector<16xi32>, vector<16xi32>], vector<16xf32>,
      tpu.vector_store_idx %arg11[%shift_right_arithmetic3A_21, %and3A_24, %add3A_2603], %add3A_2575 : memref<4x8x129xf32, #tpu.memory_space<vmem>>[vector<16xi32>, vector<16xi32>, vector<16xi32>], vector<16xf32>,
      %add3A_2604 = arith.constant 62 : i32
      %add3A_2605 = vector.broadcast %add3A_2604 : i32 to vector<16xi32>
      %add3A_2606 = arith.addi %mul3A_11, %add3A_2605 : vector<16xi32>
      tpu.vector_store_idx %arg11[%shift_right_arithmetic3A_13, %and3A_15, %add3A_2606], %add3A_2540 : memref<4x8x129xf32, #tpu.memory_space<vmem>>[vector<16xi32>, vector<16xi32>, vector<16xi32>], vector<16xf32>,
      tpu.vector_store_idx %arg11[%shift_right_arithmetic3A_21, %and3A_24, %add3A_2606], %add3A_2580 : memref<4x8x129xf32, #tpu.memory_space<vmem>>[vector<16xi32>, vector<16xi32>, vector<16xi32>], vector<16xf32>,
      %add3A_2607 = arith.constant 63 : i32
      %add3A_2608 = vector.broadcast %add3A_2607 : i32 to vector<16xi32>
      %add3A_2609 = arith.addi %mul3A_11, %add3A_2608 : vector<16xi32>
      tpu.vector_store_idx %arg11[%shift_right_arithmetic3A_13, %and3A_15, %add3A_2609], %add3A_2545 : memref<4x8x129xf32, #tpu.memory_space<vmem>>[vector<16xi32>, vector<16xi32>, vector<16xi32>], vector<16xf32>,
      tpu.vector_store_idx %arg11[%shift_right_arithmetic3A_21, %and3A_24, %add3A_2609], %add3A_2585 : memref<4x8x129xf32, #tpu.memory_space<vmem>>[vector<16xi32>, vector<16xi32>, vector<16xi32>], vector<16xf32>,
      %get3A_2610 = arith.constant 64 : i32
      %get3A_2611 = arith.index_cast %get3A_2610 : i32 to index
      %get3A_2612 = arith.constant 0 : index
      %get3A_2613 = tpu.vector_load %arg9[%get3A_2611, %get3A_2612] {strides = array<i32>} : memref<128x32xf32, #tpu.memory_space<vmem>>, vector<16xf32>,
      %add3A_2614 = arith.addf %get3A_2613, %get3A_1774 : vector<16xf32>
      %get3A_2615 = arith.constant 65 : i32
      %get3A_2616 = arith.index_cast %get3A_2615 : i32 to index
      %get3A_2617 = arith.constant 0 : index
      %get3A_2618 = tpu.vector_load %arg9[%get3A_2616, %get3A_2617] {strides = array<i32>} : memref<128x32xf32, #tpu.memory_space<vmem>>, vector<16xf32>,
      %add3A_2619 = arith.addf %get3A_2618, %get3A_1774 : vector<16xf32>
      %get3A_2620 = arith.constant 66 : i32
      %get3A_2621 = arith.index_cast %get3A_2620 : i32 to index
      %get3A_2622 = arith.constant 0 : index
      %get3A_2623 = tpu.vector_load %arg9[%get3A_2621, %get3A_2622] {strides = array<i32>} : memref<128x32xf32, #tpu.memory_space<vmem>>, vector<16xf32>,
      %add3A_2624 = arith.addf %get3A_2623, %get3A_1774 : vector<16xf32>
      %get3A_2625 = arith.constant 67 : i32
      %get3A_2626 = arith.index_cast %get3A_2625 : i32 to index
      %get3A_2627 = arith.constant 0 : index
      %get3A_2628 = tpu.vector_load %arg9[%get3A_2626, %get3A_2627] {strides = array<i32>} : memref<128x32xf32, #tpu.memory_space<vmem>>, vector<16xf32>,
      %add3A_2629 = arith.addf %get3A_2628, %get3A_1774 : vector<16xf32>
      %get3A_2630 = arith.constant 68 : i32
      %get3A_2631 = arith.index_cast %get3A_2630 : i32 to index
      %get3A_2632 = arith.constant 0 : index
      %get3A_2633 = tpu.vector_load %arg9[%get3A_2631, %get3A_2632] {strides = array<i32>} : memref<128x32xf32, #tpu.memory_space<vmem>>, vector<16xf32>,
      %add3A_2634 = arith.addf %get3A_2633, %get3A_1774 : vector<16xf32>
      %get3A_2635 = arith.constant 69 : i32
      %get3A_2636 = arith.index_cast %get3A_2635 : i32 to index
      %get3A_2637 = arith.constant 0 : index
      %get3A_2638 = tpu.vector_load %arg9[%get3A_2636, %get3A_2637] {strides = array<i32>} : memref<128x32xf32, #tpu.memory_space<vmem>>, vector<16xf32>,
      %add3A_2639 = arith.addf %get3A_2638, %get3A_1774 : vector<16xf32>
      %get3A_2640 = arith.constant 70 : i32
      %get3A_2641 = arith.index_cast %get3A_2640 : i32 to index
      %get3A_2642 = arith.constant 0 : index
      %get3A_2643 = tpu.vector_load %arg9[%get3A_2641, %get3A_2642] {strides = array<i32>} : memref<128x32xf32, #tpu.memory_space<vmem>>, vector<16xf32>,
      %add3A_2644 = arith.addf %get3A_2643, %get3A_1774 : vector<16xf32>
      %get3A_2645 = arith.constant 71 : i32
      %get3A_2646 = arith.index_cast %get3A_2645 : i32 to index
      %get3A_2647 = arith.constant 0 : index
      %get3A_2648 = tpu.vector_load %arg9[%get3A_2646, %get3A_2647] {strides = array<i32>} : memref<128x32xf32, #tpu.memory_space<vmem>>, vector<16xf32>,
      %add3A_2649 = arith.addf %get3A_2648, %get3A_1774 : vector<16xf32>
      %get3A_2650 = arith.constant 64 : i32
      %get3A_2651 = arith.index_cast %get3A_2650 : i32 to index
      %get3A_2652 = arith.constant 16 : index
      %get3A_2653 = tpu.vector_load %arg9[%get3A_2651, %get3A_2652] {strides = array<i32>} : memref<128x32xf32, #tpu.memory_space<vmem>>, vector<16xf32>,
      %add3A_2654 = arith.addf %get3A_2653, %get3A_1777 : vector<16xf32>
      %get3A_2655 = arith.constant 65 : i32
      %get3A_2656 = arith.index_cast %get3A_2655 : i32 to index
      %get3A_2657 = arith.constant 16 : index
      %get3A_2658 = tpu.vector_load %arg9[%get3A_2656, %get3A_2657] {strides = array<i32>} : memref<128x32xf32, #tpu.memory_space<vmem>>, vector<16xf32>,
      %add3A_2659 = arith.addf %get3A_2658, %get3A_1777 : vector<16xf32>
      %get3A_2660 = arith.constant 66 : i32
      %get3A_2661 = arith.index_cast %get3A_2660 : i32 to index
      %get3A_2662 = arith.constant 16 : index
      %get3A_2663 = tpu.vector_load %arg9[%get3A_2661, %get3A_2662] {strides = array<i32>} : memref<128x32xf32, #tpu.memory_space<vmem>>, vector<16xf32>,
      %add3A_2664 = arith.addf %get3A_2663, %get3A_1777 : vector<16xf32>
      %get3A_2665 = arith.constant 67 : i32
      %get3A_2666 = arith.index_cast %get3A_2665 : i32 to index
      %get3A_2667 = arith.constant 16 : index
      %get3A_2668 = tpu.vector_load %arg9[%get3A_2666, %get3A_2667] {strides = array<i32>} : memref<128x32xf32, #tpu.memory_space<vmem>>, vector<16xf32>,
      %add3A_2669 = arith.addf %get3A_2668, %get3A_1777 : vector<16xf32>
      %get3A_2670 = arith.constant 68 : i32
      %get3A_2671 = arith.index_cast %get3A_2670 : i32 to index
      %get3A_2672 = arith.constant 16 : index
      %get3A_2673 = tpu.vector_load %arg9[%get3A_2671, %get3A_2672] {strides = array<i32>} : memref<128x32xf32, #tpu.memory_space<vmem>>, vector<16xf32>,
      %add3A_2674 = arith.addf %get3A_2673, %get3A_1777 : vector<16xf32>
      %get3A_2675 = arith.constant 69 : i32
      %get3A_2676 = arith.index_cast %get3A_2675 : i32 to index
      %get3A_2677 = arith.constant 16 : index
      %get3A_2678 = tpu.vector_load %arg9[%get3A_2676, %get3A_2677] {strides = array<i32>} : memref<128x32xf32, #tpu.memory_space<vmem>>, vector<16xf32>,
      %add3A_2679 = arith.addf %get3A_2678, %get3A_1777 : vector<16xf32>
      %get3A_2680 = arith.constant 70 : i32
      %get3A_2681 = arith.index_cast %get3A_2680 : i32 to index
      %get3A_2682 = arith.constant 16 : index
      %get3A_2683 = tpu.vector_load %arg9[%get3A_2681, %get3A_2682] {strides = array<i32>} : memref<128x32xf32, #tpu.memory_space<vmem>>, vector<16xf32>,
      %add3A_2684 = arith.addf %get3A_2683, %get3A_1777 : vector<16xf32>
      %get3A_2685 = arith.constant 71 : i32
      %get3A_2686 = arith.index_cast %get3A_2685 : i32 to index
      %get3A_2687 = arith.constant 16 : index
      %get3A_2688 = tpu.vector_load %arg9[%get3A_2686, %get3A_2687] {strides = array<i32>} : memref<128x32xf32, #tpu.memory_space<vmem>>, vector<16xf32>,
      %add3A_2689 = arith.addf %get3A_2688, %get3A_1777 : vector<16xf32>
      %add3A_2690 = arith.constant 64 : i32
      %add3A_2691 = vector.broadcast %add3A_2690 : i32 to vector<16xi32>
      %add3A_2692 = arith.addi %mul3A_11, %add3A_2691 : vector<16xi32>
      tpu.vector_store_idx %arg11[%shift_right_arithmetic3A_13, %and3A_15, %add3A_2692], %add3A_2614 : memref<4x8x129xf32, #tpu.memory_space<vmem>>[vector<16xi32>, vector<16xi32>, vector<16xi32>], vector<16xf32>,
      tpu.vector_store_idx %arg11[%shift_right_arithmetic3A_21, %and3A_24, %add3A_2692], %add3A_2654 : memref<4x8x129xf32, #tpu.memory_space<vmem>>[vector<16xi32>, vector<16xi32>, vector<16xi32>], vector<16xf32>,
      %add3A_2693 = arith.constant 65 : i32
      %add3A_2694 = vector.broadcast %add3A_2693 : i32 to vector<16xi32>
      %add3A_2695 = arith.addi %mul3A_11, %add3A_2694 : vector<16xi32>
      tpu.vector_store_idx %arg11[%shift_right_arithmetic3A_13, %and3A_15, %add3A_2695], %add3A_2619 : memref<4x8x129xf32, #tpu.memory_space<vmem>>[vector<16xi32>, vector<16xi32>, vector<16xi32>], vector<16xf32>,
      tpu.vector_store_idx %arg11[%shift_right_arithmetic3A_21, %and3A_24, %add3A_2695], %add3A_2659 : memref<4x8x129xf32, #tpu.memory_space<vmem>>[vector<16xi32>, vector<16xi32>, vector<16xi32>], vector<16xf32>,
      %add3A_2696 = arith.constant 66 : i32
      %add3A_2697 = vector.broadcast %add3A_2696 : i32 to vector<16xi32>
      %add3A_2698 = arith.addi %mul3A_11, %add3A_2697 : vector<16xi32>
      tpu.vector_store_idx %arg11[%shift_right_arithmetic3A_13, %and3A_15, %add3A_2698], %add3A_2624 : memref<4x8x129xf32, #tpu.memory_space<vmem>>[vector<16xi32>, vector<16xi32>, vector<16xi32>], vector<16xf32>,
      tpu.vector_store_idx %arg11[%shift_right_arithmetic3A_21, %and3A_24, %add3A_2698], %add3A_2664 : memref<4x8x129xf32, #tpu.memory_space<vmem>>[vector<16xi32>, vector<16xi32>, vector<16xi32>], vector<16xf32>,
      %add3A_2699 = arith.constant 67 : i32
      %add3A_2700 = vector.broadcast %add3A_2699 : i32 to vector<16xi32>
      %add3A_2701 = arith.addi %mul3A_11, %add3A_2700 : vector<16xi32>
      tpu.vector_store_idx %arg11[%shift_right_arithmetic3A_13, %and3A_15, %add3A_2701], %add3A_2629 : memref<4x8x129xf32, #tpu.memory_space<vmem>>[vector<16xi32>, vector<16xi32>, vector<16xi32>], vector<16xf32>,
      tpu.vector_store_idx %arg11[%shift_right_arithmetic3A_21, %and3A_24, %add3A_2701], %add3A_2669 : memref<4x8x129xf32, #tpu.memory_space<vmem>>[vector<16xi32>, vector<16xi32>, vector<16xi32>], vector<16xf32>,
      %add3A_2702 = arith.constant 68 : i32
      %add3A_2703 = vector.broadcast %add3A_2702 : i32 to vector<16xi32>
      %add3A_2704 = arith.addi %mul3A_11, %add3A_2703 : vector<16xi32>
      tpu.vector_store_idx %arg11[%shift_right_arithmetic3A_13, %and3A_15, %add3A_2704], %add3A_2634 : memref<4x8x129xf32, #tpu.memory_space<vmem>>[vector<16xi32>, vector<16xi32>, vector<16xi32>], vector<16xf32>,
      tpu.vector_store_idx %arg11[%shift_right_arithmetic3A_21, %and3A_24, %add3A_2704], %add3A_2674 : memref<4x8x129xf32, #tpu.memory_space<vmem>>[vector<16xi32>, vector<16xi32>, vector<16xi32>], vector<16xf32>,
      %add3A_2705 = arith.constant 69 : i32
      %add3A_2706 = vector.broadcast %add3A_2705 : i32 to vector<16xi32>
      %add3A_2707 = arith.addi %mul3A_11, %add3A_2706 : vector<16xi32>
      tpu.vector_store_idx %arg11[%shift_right_arithmetic3A_13, %and3A_15, %add3A_2707], %add3A_2639 : memref<4x8x129xf32, #tpu.memory_space<vmem>>[vector<16xi32>, vector<16xi32>, vector<16xi32>], vector<16xf32>,
      tpu.vector_store_idx %arg11[%shift_right_arithmetic3A_21, %and3A_24, %add3A_2707], %add3A_2679 : memref<4x8x129xf32, #tpu.memory_space<vmem>>[vector<16xi32>, vector<16xi32>, vector<16xi32>], vector<16xf32>,
      %add3A_2708 = arith.constant 70 : i32
      %add3A_2709 = vector.broadcast %add3A_2708 : i32 to vector<16xi32>
      %add3A_2710 = arith.addi %mul3A_11, %add3A_2709 : vector<16xi32>
      tpu.vector_store_idx %arg11[%shift_right_arithmetic3A_13, %and3A_15, %add3A_2710], %add3A_2644 : memref<4x8x129xf32, #tpu.memory_space<vmem>>[vector<16xi32>, vector<16xi32>, vector<16xi32>], vector<16xf32>,
      tpu.vector_store_idx %arg11[%shift_right_arithmetic3A_21, %and3A_24, %add3A_2710], %add3A_2684 : memref<4x8x129xf32, #tpu.memory_space<vmem>>[vector<16xi32>, vector<16xi32>, vector<16xi32>], vector<16xf32>,
      %add3A_2711 = arith.constant 71 : i32
      %add3A_2712 = vector.broadcast %add3A_2711 : i32 to vector<16xi32>
      %add3A_2713 = arith.addi %mul3A_11, %add3A_2712 : vector<16xi32>
      tpu.vector_store_idx %arg11[%shift_right_arithmetic3A_13, %and3A_15, %add3A_2713], %add3A_2649 : memref<4x8x129xf32, #tpu.memory_space<vmem>>[vector<16xi32>, vector<16xi32>, vector<16xi32>], vector<16xf32>,
      tpu.vector_store_idx %arg11[%shift_right_arithmetic3A_21, %and3A_24, %add3A_2713], %add3A_2689 : memref<4x8x129xf32, #tpu.memory_space<vmem>>[vector<16xi32>, vector<16xi32>, vector<16xi32>], vector<16xf32>,
      %get3A_2714 = arith.constant 72 : i32
      %get3A_2715 = arith.index_cast %get3A_2714 : i32 to index
      %get3A_2716 = arith.constant 0 : index
      %get3A_2717 = tpu.vector_load %arg9[%get3A_2715, %get3A_2716] {strides = array<i32>} : memref<128x32xf32, #tpu.memory_space<vmem>>, vector<16xf32>,
      %add3A_2718 = arith.addf %get3A_2717, %get3A_1774 : vector<16xf32>
      %get3A_2719 = arith.constant 73 : i32
      %get3A_2720 = arith.index_cast %get3A_2719 : i32 to index
      %get3A_2721 = arith.constant 0 : index
      %get3A_2722 = tpu.vector_load %arg9[%get3A_2720, %get3A_2721] {strides = array<i32>} : memref<128x32xf32, #tpu.memory_space<vmem>>, vector<16xf32>,
      %add3A_2723 = arith.addf %get3A_2722, %get3A_1774 : vector<16xf32>
      %get3A_2724 = arith.constant 74 : i32
      %get3A_2725 = arith.index_cast %get3A_2724 : i32 to index
      %get3A_2726 = arith.constant 0 : index
      %get3A_2727 = tpu.vector_load %arg9[%get3A_2725, %get3A_2726] {strides = array<i32>} : memref<128x32xf32, #tpu.memory_space<vmem>>, vector<16xf32>,
      %add3A_2728 = arith.addf %get3A_2727, %get3A_1774 : vector<16xf32>
      %get3A_2729 = arith.constant 75 : i32
      %get3A_2730 = arith.index_cast %get3A_2729 : i32 to index
      %get3A_2731 = arith.constant 0 : index
      %get3A_2732 = tpu.vector_load %arg9[%get3A_2730, %get3A_2731] {strides = array<i32>} : memref<128x32xf32, #tpu.memory_space<vmem>>, vector<16xf32>,
      %add3A_2733 = arith.addf %get3A_2732, %get3A_1774 : vector<16xf32>
      %get3A_2734 = arith.constant 76 : i32
      %get3A_2735 = arith.index_cast %get3A_2734 : i32 to index
      %get3A_2736 = arith.constant 0 : index
      %get3A_2737 = tpu.vector_load %arg9[%get3A_2735, %get3A_2736] {strides = array<i32>} : memref<128x32xf32, #tpu.memory_space<vmem>>, vector<16xf32>,
      %add3A_2738 = arith.addf %get3A_2737, %get3A_1774 : vector<16xf32>
      %get3A_2739 = arith.constant 77 : i32
      %get3A_2740 = arith.index_cast %get3A_2739 : i32 to index
      %get3A_2741 = arith.constant 0 : index
      %get3A_2742 = tpu.vector_load %arg9[%get3A_2740, %get3A_2741] {strides = array<i32>} : memref<128x32xf32, #tpu.memory_space<vmem>>, vector<16xf32>,
      %add3A_2743 = arith.addf %get3A_2742, %get3A_1774 : vector<16xf32>
      %get3A_2744 = arith.constant 78 : i32
      %get3A_2745 = arith.index_cast %get3A_2744 : i32 to index
      %get3A_2746 = arith.constant 0 : index
      %get3A_2747 = tpu.vector_load %arg9[%get3A_2745, %get3A_2746] {strides = array<i32>} : memref<128x32xf32, #tpu.memory_space<vmem>>, vector<16xf32>,
      %add3A_2748 = arith.addf %get3A_2747, %get3A_1774 : vector<16xf32>
      %get3A_2749 = arith.constant 79 : i32
      %get3A_2750 = arith.index_cast %get3A_2749 : i32 to index
      %get3A_2751 = arith.constant 0 : index
      %get3A_2752 = tpu.vector_load %arg9[%get3A_2750, %get3A_2751] {strides = array<i32>} : memref<128x32xf32, #tpu.memory_space<vmem>>, vector<16xf32>,
      %add3A_2753 = arith.addf %get3A_2752, %get3A_1774 : vector<16xf32>
      %get3A_2754 = arith.constant 72 : i32
      %get3A_2755 = arith.index_cast %get3A_2754 : i32 to index
      %get3A_2756 = arith.constant 16 : index
      %get3A_2757 = tpu.vector_load %arg9[%get3A_2755, %get3A_2756] {strides = array<i32>} : memref<128x32xf32, #tpu.memory_space<vmem>>, vector<16xf32>,
      %add3A_2758 = arith.addf %get3A_2757, %get3A_1777 : vector<16xf32>
      %get3A_2759 = arith.constant 73 : i32
      %get3A_2760 = arith.index_cast %get3A_2759 : i32 to index
      %get3A_2761 = arith.constant 16 : index
      %get3A_2762 = tpu.vector_load %arg9[%get3A_2760, %get3A_2761] {strides = array<i32>} : memref<128x32xf32, #tpu.memory_space<vmem>>, vector<16xf32>,
      %add3A_2763 = arith.addf %get3A_2762, %get3A_1777 : vector<16xf32>
      %get3A_2764 = arith.constant 74 : i32
      %get3A_2765 = arith.index_cast %get3A_2764 : i32 to index
      %get3A_2766 = arith.constant 16 : index
      %get3A_2767 = tpu.vector_load %arg9[%get3A_2765, %get3A_2766] {strides = array<i32>} : memref<128x32xf32, #tpu.memory_space<vmem>>, vector<16xf32>,
      %add3A_2768 = arith.addf %get3A_2767, %get3A_1777 : vector<16xf32>
      %get3A_2769 = arith.constant 75 : i32
      %get3A_2770 = arith.index_cast %get3A_2769 : i32 to index
      %get3A_2771 = arith.constant 16 : index
      %get3A_2772 = tpu.vector_load %arg9[%get3A_2770, %get3A_2771] {strides = array<i32>} : memref<128x32xf32, #tpu.memory_space<vmem>>, vector<16xf32>,
      %add3A_2773 = arith.addf %get3A_2772, %get3A_1777 : vector<16xf32>
      %get3A_2774 = arith.constant 76 : i32
      %get3A_2775 = arith.index_cast %get3A_2774 : i32 to index
      %get3A_2776 = arith.constant 16 : index
      %get3A_2777 = tpu.vector_load %arg9[%get3A_2775, %get3A_2776] {strides = array<i32>} : memref<128x32xf32, #tpu.memory_space<vmem>>, vector<16xf32>,
      %add3A_2778 = arith.addf %get3A_2777, %get3A_1777 : vector<16xf32>
      %get3A_2779 = arith.constant 77 : i32
      %get3A_2780 = arith.index_cast %get3A_2779 : i32 to index
      %get3A_2781 = arith.constant 16 : index
      %get3A_2782 = tpu.vector_load %arg9[%get3A_2780, %get3A_2781] {strides = array<i32>} : memref<128x32xf32, #tpu.memory_space<vmem>>, vector<16xf32>,
      %add3A_2783 = arith.addf %get3A_2782, %get3A_1777 : vector<16xf32>
      %get3A_2784 = arith.constant 78 : i32
      %get3A_2785 = arith.index_cast %get3A_2784 : i32 to index
      %get3A_2786 = arith.constant 16 : index
      %get3A_2787 = tpu.vector_load %arg9[%get3A_2785, %get3A_2786] {strides = array<i32>} : memref<128x32xf32, #tpu.memory_space<vmem>>, vector<16xf32>,
      %add3A_2788 = arith.addf %get3A_2787, %get3A_1777 : vector<16xf32>
      %get3A_2789 = arith.constant 79 : i32
      %get3A_2790 = arith.index_cast %get3A_2789 : i32 to index
      %get3A_2791 = arith.constant 16 : index
      %get3A_2792 = tpu.vector_load %arg9[%get3A_2790, %get3A_2791] {strides = array<i32>} : memref<128x32xf32, #tpu.memory_space<vmem>>, vector<16xf32>,
      %add3A_2793 = arith.addf %get3A_2792, %get3A_1777 : vector<16xf32>
      %add3A_2794 = arith.constant 72 : i32
      %add3A_2795 = vector.broadcast %add3A_2794 : i32 to vector<16xi32>
      %add3A_2796 = arith.addi %mul3A_11, %add3A_2795 : vector<16xi32>
      tpu.vector_store_idx %arg11[%shift_right_arithmetic3A_13, %and3A_15, %add3A_2796], %add3A_2718 : memref<4x8x129xf32, #tpu.memory_space<vmem>>[vector<16xi32>, vector<16xi32>, vector<16xi32>], vector<16xf32>,
      tpu.vector_store_idx %arg11[%shift_right_arithmetic3A_21, %and3A_24, %add3A_2796], %add3A_2758 : memref<4x8x129xf32, #tpu.memory_space<vmem>>[vector<16xi32>, vector<16xi32>, vector<16xi32>], vector<16xf32>,
      %add3A_2797 = arith.constant 73 : i32
      %add3A_2798 = vector.broadcast %add3A_2797 : i32 to vector<16xi32>
      %add3A_2799 = arith.addi %mul3A_11, %add3A_2798 : vector<16xi32>
      tpu.vector_store_idx %arg11[%shift_right_arithmetic3A_13, %and3A_15, %add3A_2799], %add3A_2723 : memref<4x8x129xf32, #tpu.memory_space<vmem>>[vector<16xi32>, vector<16xi32>, vector<16xi32>], vector<16xf32>,
      tpu.vector_store_idx %arg11[%shift_right_arithmetic3A_21, %and3A_24, %add3A_2799], %add3A_2763 : memref<4x8x129xf32, #tpu.memory_space<vmem>>[vector<16xi32>, vector<16xi32>, vector<16xi32>], vector<16xf32>,
      %add3A_2800 = arith.constant 74 : i32
      %add3A_2801 = vector.broadcast %add3A_2800 : i32 to vector<16xi32>
      %add3A_2802 = arith.addi %mul3A_11, %add3A_2801 : vector<16xi32>
      tpu.vector_store_idx %arg11[%shift_right_arithmetic3A_13, %and3A_15, %add3A_2802], %add3A_2728 : memref<4x8x129xf32, #tpu.memory_space<vmem>>[vector<16xi32>, vector<16xi32>, vector<16xi32>], vector<16xf32>,
      tpu.vector_store_idx %arg11[%shift_right_arithmetic3A_21, %and3A_24, %add3A_2802], %add3A_2768 : memref<4x8x129xf32, #tpu.memory_space<vmem>>[vector<16xi32>, vector<16xi32>, vector<16xi32>], vector<16xf32>,
      %add3A_2803 = arith.constant 75 : i32
      %add3A_2804 = vector.broadcast %add3A_2803 : i32 to vector<16xi32>
      %add3A_2805 = arith.addi %mul3A_11, %add3A_2804 : vector<16xi32>
      tpu.vector_store_idx %arg11[%shift_right_arithmetic3A_13, %and3A_15, %add3A_2805], %add3A_2733 : memref<4x8x129xf32, #tpu.memory_space<vmem>>[vector<16xi32>, vector<16xi32>, vector<16xi32>], vector<16xf32>,
      tpu.vector_store_idx %arg11[%shift_right_arithmetic3A_21, %and3A_24, %add3A_2805], %add3A_2773 : memref<4x8x129xf32, #tpu.memory_space<vmem>>[vector<16xi32>, vector<16xi32>, vector<16xi32>], vector<16xf32>,
      %add3A_2806 = arith.constant 76 : i32
      %add3A_2807 = vector.broadcast %add3A_2806 : i32 to vector<16xi32>
      %add3A_2808 = arith.addi %mul3A_11, %add3A_2807 : vector<16xi32>
      tpu.vector_store_idx %arg11[%shift_right_arithmetic3A_13, %and3A_15, %add3A_2808], %add3A_2738 : memref<4x8x129xf32, #tpu.memory_space<vmem>>[vector<16xi32>, vector<16xi32>, vector<16xi32>], vector<16xf32>,
      tpu.vector_store_idx %arg11[%shift_right_arithmetic3A_21, %and3A_24, %add3A_2808], %add3A_2778 : memref<4x8x129xf32, #tpu.memory_space<vmem>>[vector<16xi32>, vector<16xi32>, vector<16xi32>], vector<16xf32>,
      %add3A_2809 = arith.constant 77 : i32
      %add3A_2810 = vector.broadcast %add3A_2809 : i32 to vector<16xi32>
      %add3A_2811 = arith.addi %mul3A_11, %add3A_2810 : vector<16xi32>
      tpu.vector_store_idx %arg11[%shift_right_arithmetic3A_13, %and3A_15, %add3A_2811], %add3A_2743 : memref<4x8x129xf32, #tpu.memory_space<vmem>>[vector<16xi32>, vector<16xi32>, vector<16xi32>], vector<16xf32>,
      tpu.vector_store_idx %arg11[%shift_right_arithmetic3A_21, %and3A_24, %add3A_2811], %add3A_2783 : memref<4x8x129xf32, #tpu.memory_space<vmem>>[vector<16xi32>, vector<16xi32>, vector<16xi32>], vector<16xf32>,
      %add3A_2812 = arith.constant 78 : i32
      %add3A_2813 = vector.broadcast %add3A_2812 : i32 to vector<16xi32>
      %add3A_2814 = arith.addi %mul3A_11, %add3A_2813 : vector<16xi32>
      tpu.vector_store_idx %arg11[%shift_right_arithmetic3A_13, %and3A_15, %add3A_2814], %add3A_2748 : memref<4x8x129xf32, #tpu.memory_space<vmem>>[vector<16xi32>, vector<16xi32>, vector<16xi32>], vector<16xf32>,
      tpu.vector_store_idx %arg11[%shift_right_arithmetic3A_21, %and3A_24, %add3A_2814], %add3A_2788 : memref<4x8x129xf32, #tpu.memory_space<vmem>>[vector<16xi32>, vector<16xi32>, vector<16xi32>], vector<16xf32>,
      %add3A_2815 = arith.constant 79 : i32
      %add3A_2816 = vector.broadcast %add3A_2815 : i32 to vector<16xi32>
      %add3A_2817 = arith.addi %mul3A_11, %add3A_2816 : vector<16xi32>
      tpu.vector_store_idx %arg11[%shift_right_arithmetic3A_13, %and3A_15, %add3A_2817], %add3A_2753 : memref<4x8x129xf32, #tpu.memory_space<vmem>>[vector<16xi32>, vector<16xi32>, vector<16xi32>], vector<16xf32>,
      tpu.vector_store_idx %arg11[%shift_right_arithmetic3A_21, %and3A_24, %add3A_2817], %add3A_2793 : memref<4x8x129xf32, #tpu.memory_space<vmem>>[vector<16xi32>, vector<16xi32>, vector<16xi32>], vector<16xf32>,
      %get3A_2818 = arith.constant 80 : i32
      %get3A_2819 = arith.index_cast %get3A_2818 : i32 to index
      %get3A_2820 = arith.constant 0 : index
      %get3A_2821 = tpu.vector_load %arg9[%get3A_2819, %get3A_2820] {strides = array<i32>} : memref<128x32xf32, #tpu.memory_space<vmem>>, vector<16xf32>,
      %add3A_2822 = arith.addf %get3A_2821, %get3A_1774 : vector<16xf32>
      %get3A_2823 = arith.constant 81 : i32
      %get3A_2824 = arith.index_cast %get3A_2823 : i32 to index
      %get3A_2825 = arith.constant 0 : index
      %get3A_2826 = tpu.vector_load %arg9[%get3A_2824, %get3A_2825] {strides = array<i32>} : memref<128x32xf32, #tpu.memory_space<vmem>>, vector<16xf32>,
      %add3A_2827 = arith.addf %get3A_2826, %get3A_1774 : vector<16xf32>
      %get3A_2828 = arith.constant 82 : i32
      %get3A_2829 = arith.index_cast %get3A_2828 : i32 to index
      %get3A_2830 = arith.constant 0 : index
      %get3A_2831 = tpu.vector_load %arg9[%get3A_2829, %get3A_2830] {strides = array<i32>} : memref<128x32xf32, #tpu.memory_space<vmem>>, vector<16xf32>,
      %add3A_2832 = arith.addf %get3A_2831, %get3A_1774 : vector<16xf32>
      %get3A_2833 = arith.constant 83 : i32
      %get3A_2834 = arith.index_cast %get3A_2833 : i32 to index
      %get3A_2835 = arith.constant 0 : index
      %get3A_2836 = tpu.vector_load %arg9[%get3A_2834, %get3A_2835] {strides = array<i32>} : memref<128x32xf32, #tpu.memory_space<vmem>>, vector<16xf32>,
      %add3A_2837 = arith.addf %get3A_2836, %get3A_1774 : vector<16xf32>
      %get3A_2838 = arith.constant 84 : i32
      %get3A_2839 = arith.index_cast %get3A_2838 : i32 to index
      %get3A_2840 = arith.constant 0 : index
      %get3A_2841 = tpu.vector_load %arg9[%get3A_2839, %get3A_2840] {strides = array<i32>} : memref<128x32xf32, #tpu.memory_space<vmem>>, vector<16xf32>,
      %add3A_2842 = arith.addf %get3A_2841, %get3A_1774 : vector<16xf32>
      %get3A_2843 = arith.constant 85 : i32
      %get3A_2844 = arith.index_cast %get3A_2843 : i32 to index
      %get3A_2845 = arith.constant 0 : index
      %get3A_2846 = tpu.vector_load %arg9[%get3A_2844, %get3A_2845] {strides = array<i32>} : memref<128x32xf32, #tpu.memory_space<vmem>>, vector<16xf32>,
      %add3A_2847 = arith.addf %get3A_2846, %get3A_1774 : vector<16xf32>
      %get3A_2848 = arith.constant 86 : i32
      %get3A_2849 = arith.index_cast %get3A_2848 : i32 to index
      %get3A_2850 = arith.constant 0 : index
      %get3A_2851 = tpu.vector_load %arg9[%get3A_2849, %get3A_2850] {strides = array<i32>} : memref<128x32xf32, #tpu.memory_space<vmem>>, vector<16xf32>,
      %add3A_2852 = arith.addf %get3A_2851, %get3A_1774 : vector<16xf32>
      %get3A_2853 = arith.constant 87 : i32
      %get3A_2854 = arith.index_cast %get3A_2853 : i32 to index
      %get3A_2855 = arith.constant 0 : index
      %get3A_2856 = tpu.vector_load %arg9[%get3A_2854, %get3A_2855] {strides = array<i32>} : memref<128x32xf32, #tpu.memory_space<vmem>>, vector<16xf32>,
      %add3A_2857 = arith.addf %get3A_2856, %get3A_1774 : vector<16xf32>
      %get3A_2858 = arith.constant 80 : i32
      %get3A_2859 = arith.index_cast %get3A_2858 : i32 to index
      %get3A_2860 = arith.constant 16 : index
      %get3A_2861 = tpu.vector_load %arg9[%get3A_2859, %get3A_2860] {strides = array<i32>} : memref<128x32xf32, #tpu.memory_space<vmem>>, vector<16xf32>,
      %add3A_2862 = arith.addf %get3A_2861, %get3A_1777 : vector<16xf32>
      %get3A_2863 = arith.constant 81 : i32
      %get3A_2864 = arith.index_cast %get3A_2863 : i32 to index
      %get3A_2865 = arith.constant 16 : index
      %get3A_2866 = tpu.vector_load %arg9[%get3A_2864, %get3A_2865] {strides = array<i32>} : memref<128x32xf32, #tpu.memory_space<vmem>>, vector<16xf32>,
      %add3A_2867 = arith.addf %get3A_2866, %get3A_1777 : vector<16xf32>
      %get3A_2868 = arith.constant 82 : i32
      %get3A_2869 = arith.index_cast %get3A_2868 : i32 to index
      %get3A_2870 = arith.constant 16 : index
      %get3A_2871 = tpu.vector_load %arg9[%get3A_2869, %get3A_2870] {strides = array<i32>} : memref<128x32xf32, #tpu.memory_space<vmem>>, vector<16xf32>,
      %add3A_2872 = arith.addf %get3A_2871, %get3A_1777 : vector<16xf32>
      %get3A_2873 = arith.constant 83 : i32
      %get3A_2874 = arith.index_cast %get3A_2873 : i32 to index
      %get3A_2875 = arith.constant 16 : index
      %get3A_2876 = tpu.vector_load %arg9[%get3A_2874, %get3A_2875] {strides = array<i32>} : memref<128x32xf32, #tpu.memory_space<vmem>>, vector<16xf32>,
      %add3A_2877 = arith.addf %get3A_2876, %get3A_1777 : vector<16xf32>
      %get3A_2878 = arith.constant 84 : i32
      %get3A_2879 = arith.index_cast %get3A_2878 : i32 to index
      %get3A_2880 = arith.constant 16 : index
      %get3A_2881 = tpu.vector_load %arg9[%get3A_2879, %get3A_2880] {strides = array<i32>} : memref<128x32xf32, #tpu.memory_space<vmem>>, vector<16xf32>,
      %add3A_2882 = arith.addf %get3A_2881, %get3A_1777 : vector<16xf32>
      %get3A_2883 = arith.constant 85 : i32
      %get3A_2884 = arith.index_cast %get3A_2883 : i32 to index
      %get3A_2885 = arith.constant 16 : index
      %get3A_2886 = tpu.vector_load %arg9[%get3A_2884, %get3A_2885] {strides = array<i32>} : memref<128x32xf32, #tpu.memory_space<vmem>>, vector<16xf32>,
      %add3A_2887 = arith.addf %get3A_2886, %get3A_1777 : vector<16xf32>
      %get3A_2888 = arith.constant 86 : i32
      %get3A_2889 = arith.index_cast %get3A_2888 : i32 to index
      %get3A_2890 = arith.constant 16 : index
      %get3A_2891 = tpu.vector_load %arg9[%get3A_2889, %get3A_2890] {strides = array<i32>} : memref<128x32xf32, #tpu.memory_space<vmem>>, vector<16xf32>,
      %add3A_2892 = arith.addf %get3A_2891, %get3A_1777 : vector<16xf32>
      %get3A_2893 = arith.constant 87 : i32
      %get3A_2894 = arith.index_cast %get3A_2893 : i32 to index
      %get3A_2895 = arith.constant 16 : index
      %get3A_2896 = tpu.vector_load %arg9[%get3A_2894, %get3A_2895] {strides = array<i32>} : memref<128x32xf32, #tpu.memory_space<vmem>>, vector<16xf32>,
      %add3A_2897 = arith.addf %get3A_2896, %get3A_1777 : vector<16xf32>
      %add3A_2898 = arith.constant 80 : i32
      %add3A_2899 = vector.broadcast %add3A_2898 : i32 to vector<16xi32>
      %add3A_2900 = arith.addi %mul3A_11, %add3A_2899 : vector<16xi32>
      tpu.vector_store_idx %arg11[%shift_right_arithmetic3A_13, %and3A_15, %add3A_2900], %add3A_2822 : memref<4x8x129xf32, #tpu.memory_space<vmem>>[vector<16xi32>, vector<16xi32>, vector<16xi32>], vector<16xf32>,
      tpu.vector_store_idx %arg11[%shift_right_arithmetic3A_21, %and3A_24, %add3A_2900], %add3A_2862 : memref<4x8x129xf32, #tpu.memory_space<vmem>>[vector<16xi32>, vector<16xi32>, vector<16xi32>], vector<16xf32>,
      %add3A_2901 = arith.constant 81 : i32
      %add3A_2902 = vector.broadcast %add3A_2901 : i32 to vector<16xi32>
      %add3A_2903 = arith.addi %mul3A_11, %add3A_2902 : vector<16xi32>
      tpu.vector_store_idx %arg11[%shift_right_arithmetic3A_13, %and3A_15, %add3A_2903], %add3A_2827 : memref<4x8x129xf32, #tpu.memory_space<vmem>>[vector<16xi32>, vector<16xi32>, vector<16xi32>], vector<16xf32>,
      tpu.vector_store_idx %arg11[%shift_right_arithmetic3A_21, %and3A_24, %add3A_2903], %add3A_2867 : memref<4x8x129xf32, #tpu.memory_space<vmem>>[vector<16xi32>, vector<16xi32>, vector<16xi32>], vector<16xf32>,
      %add3A_2904 = arith.constant 82 : i32
      %add3A_2905 = vector.broadcast %add3A_2904 : i32 to vector<16xi32>
      %add3A_2906 = arith.addi %mul3A_11, %add3A_2905 : vector<16xi32>
      tpu.vector_store_idx %arg11[%shift_right_arithmetic3A_13, %and3A_15, %add3A_2906], %add3A_2832 : memref<4x8x129xf32, #tpu.memory_space<vmem>>[vector<16xi32>, vector<16xi32>, vector<16xi32>], vector<16xf32>,
      tpu.vector_store_idx %arg11[%shift_right_arithmetic3A_21, %and3A_24, %add3A_2906], %add3A_2872 : memref<4x8x129xf32, #tpu.memory_space<vmem>>[vector<16xi32>, vector<16xi32>, vector<16xi32>], vector<16xf32>,
      %add3A_2907 = arith.constant 83 : i32
      %add3A_2908 = vector.broadcast %add3A_2907 : i32 to vector<16xi32>
      %add3A_2909 = arith.addi %mul3A_11, %add3A_2908 : vector<16xi32>
      tpu.vector_store_idx %arg11[%shift_right_arithmetic3A_13, %and3A_15, %add3A_2909], %add3A_2837 : memref<4x8x129xf32, #tpu.memory_space<vmem>>[vector<16xi32>, vector<16xi32>, vector<16xi32>], vector<16xf32>,
      tpu.vector_store_idx %arg11[%shift_right_arithmetic3A_21, %and3A_24, %add3A_2909], %add3A_2877 : memref<4x8x129xf32, #tpu.memory_space<vmem>>[vector<16xi32>, vector<16xi32>, vector<16xi32>], vector<16xf32>,
      %add3A_2910 = arith.constant 84 : i32
      %add3A_2911 = vector.broadcast %add3A_2910 : i32 to vector<16xi32>
      %add3A_2912 = arith.addi %mul3A_11, %add3A_2911 : vector<16xi32>
      tpu.vector_store_idx %arg11[%shift_right_arithmetic3A_13, %and3A_15, %add3A_2912], %add3A_2842 : memref<4x8x129xf32, #tpu.memory_space<vmem>>[vector<16xi32>, vector<16xi32>, vector<16xi32>], vector<16xf32>,
      tpu.vector_store_idx %arg11[%shift_right_arithmetic3A_21, %and3A_24, %add3A_2912], %add3A_2882 : memref<4x8x129xf32, #tpu.memory_space<vmem>>[vector<16xi32>, vector<16xi32>, vector<16xi32>], vector<16xf32>,
      %add3A_2913 = arith.constant 85 : i32
      %add3A_2914 = vector.broadcast %add3A_2913 : i32 to vector<16xi32>
      %add3A_2915 = arith.addi %mul3A_11, %add3A_2914 : vector<16xi32>
      tpu.vector_store_idx %arg11[%shift_right_arithmetic3A_13, %and3A_15, %add3A_2915], %add3A_2847 : memref<4x8x129xf32, #tpu.memory_space<vmem>>[vector<16xi32>, vector<16xi32>, vector<16xi32>], vector<16xf32>,
      tpu.vector_store_idx %arg11[%shift_right_arithmetic3A_21, %and3A_24, %add3A_2915], %add3A_2887 : memref<4x8x129xf32, #tpu.memory_space<vmem>>[vector<16xi32>, vector<16xi32>, vector<16xi32>], vector<16xf32>,
      %add3A_2916 = arith.constant 86 : i32
      %add3A_2917 = vector.broadcast %add3A_2916 : i32 to vector<16xi32>
      %add3A_2918 = arith.addi %mul3A_11, %add3A_2917 : vector<16xi32>
      tpu.vector_store_idx %arg11[%shift_right_arithmetic3A_13, %and3A_15, %add3A_2918], %add3A_2852 : memref<4x8x129xf32, #tpu.memory_space<vmem>>[vector<16xi32>, vector<16xi32>, vector<16xi32>], vector<16xf32>,
      tpu.vector_store_idx %arg11[%shift_right_arithmetic3A_21, %and3A_24, %add3A_2918], %add3A_2892 : memref<4x8x129xf32, #tpu.memory_space<vmem>>[vector<16xi32>, vector<16xi32>, vector<16xi32>], vector<16xf32>,
      %add3A_2919 = arith.constant 87 : i32
      %add3A_2920 = vector.broadcast %add3A_2919 : i32 to vector<16xi32>
      %add3A_2921 = arith.addi %mul3A_11, %add3A_2920 : vector<16xi32>
      tpu.vector_store_idx %arg11[%shift_right_arithmetic3A_13, %and3A_15, %add3A_2921], %add3A_2857 : memref<4x8x129xf32, #tpu.memory_space<vmem>>[vector<16xi32>, vector<16xi32>, vector<16xi32>], vector<16xf32>,
      tpu.vector_store_idx %arg11[%shift_right_arithmetic3A_21, %and3A_24, %add3A_2921], %add3A_2897 : memref<4x8x129xf32, #tpu.memory_space<vmem>>[vector<16xi32>, vector<16xi32>, vector<16xi32>], vector<16xf32>,
      %get3A_2922 = arith.constant 88 : i32
      %get3A_2923 = arith.index_cast %get3A_2922 : i32 to index
      %get3A_2924 = arith.constant 0 : index
      %get3A_2925 = tpu.vector_load %arg9[%get3A_2923, %get3A_2924] {strides = array<i32>} : memref<128x32xf32, #tpu.memory_space<vmem>>, vector<16xf32>,
      %add3A_2926 = arith.addf %get3A_2925, %get3A_1774 : vector<16xf32>
      %get3A_2927 = arith.constant 89 : i32
      %get3A_2928 = arith.index_cast %get3A_2927 : i32 to index
      %get3A_2929 = arith.constant 0 : index
      %get3A_2930 = tpu.vector_load %arg9[%get3A_2928, %get3A_2929] {strides = array<i32>} : memref<128x32xf32, #tpu.memory_space<vmem>>, vector<16xf32>,
      %add3A_2931 = arith.addf %get3A_2930, %get3A_1774 : vector<16xf32>
      %get3A_2932 = arith.constant 90 : i32
      %get3A_2933 = arith.index_cast %get3A_2932 : i32 to index
      %get3A_2934 = arith.constant 0 : index
      %get3A_2935 = tpu.vector_load %arg9[%get3A_2933, %get3A_2934] {strides = array<i32>} : memref<128x32xf32, #tpu.memory_space<vmem>>, vector<16xf32>,
      %add3A_2936 = arith.addf %get3A_2935, %get3A_1774 : vector<16xf32>
      %get3A_2937 = arith.constant 91 : i32
      %get3A_2938 = arith.index_cast %get3A_2937 : i32 to index
      %get3A_2939 = arith.constant 0 : index
      %get3A_2940 = tpu.vector_load %arg9[%get3A_2938, %get3A_2939] {strides = array<i32>} : memref<128x32xf32, #tpu.memory_space<vmem>>, vector<16xf32>,
      %add3A_2941 = arith.addf %get3A_2940, %get3A_1774 : vector<16xf32>
      %get3A_2942 = arith.constant 92 : i32
      %get3A_2943 = arith.index_cast %get3A_2942 : i32 to index
      %get3A_2944 = arith.constant 0 : index
      %get3A_2945 = tpu.vector_load %arg9[%get3A_2943, %get3A_2944] {strides = array<i32>} : memref<128x32xf32, #tpu.memory_space<vmem>>, vector<16xf32>,
      %add3A_2946 = arith.addf %get3A_2945, %get3A_1774 : vector<16xf32>
      %get3A_2947 = arith.constant 93 : i32
      %get3A_2948 = arith.index_cast %get3A_2947 : i32 to index
      %get3A_2949 = arith.constant 0 : index
      %get3A_2950 = tpu.vector_load %arg9[%get3A_2948, %get3A_2949] {strides = array<i32>} : memref<128x32xf32, #tpu.memory_space<vmem>>, vector<16xf32>,
      %add3A_2951 = arith.addf %get3A_2950, %get3A_1774 : vector<16xf32>
      %get3A_2952 = arith.constant 94 : i32
      %get3A_2953 = arith.index_cast %get3A_2952 : i32 to index
      %get3A_2954 = arith.constant 0 : index
      %get3A_2955 = tpu.vector_load %arg9[%get3A_2953, %get3A_2954] {strides = array<i32>} : memref<128x32xf32, #tpu.memory_space<vmem>>, vector<16xf32>,
      %add3A_2956 = arith.addf %get3A_2955, %get3A_1774 : vector<16xf32>
      %get3A_2957 = arith.constant 95 : i32
      %get3A_2958 = arith.index_cast %get3A_2957 : i32 to index
      %get3A_2959 = arith.constant 0 : index
      %get3A_2960 = tpu.vector_load %arg9[%get3A_2958, %get3A_2959] {strides = array<i32>} : memref<128x32xf32, #tpu.memory_space<vmem>>, vector<16xf32>,
      %add3A_2961 = arith.addf %get3A_2960, %get3A_1774 : vector<16xf32>
      %get3A_2962 = arith.constant 88 : i32
      %get3A_2963 = arith.index_cast %get3A_2962 : i32 to index
      %get3A_2964 = arith.constant 16 : index
      %get3A_2965 = tpu.vector_load %arg9[%get3A_2963, %get3A_2964] {strides = array<i32>} : memref<128x32xf32, #tpu.memory_space<vmem>>, vector<16xf32>,
      %add3A_2966 = arith.addf %get3A_2965, %get3A_1777 : vector<16xf32>
      %get3A_2967 = arith.constant 89 : i32
      %get3A_2968 = arith.index_cast %get3A_2967 : i32 to index
      %get3A_2969 = arith.constant 16 : index
      %get3A_2970 = tpu.vector_load %arg9[%get3A_2968, %get3A_2969] {strides = array<i32>} : memref<128x32xf32, #tpu.memory_space<vmem>>, vector<16xf32>,
      %add3A_2971 = arith.addf %get3A_2970, %get3A_1777 : vector<16xf32>
      %get3A_2972 = arith.constant 90 : i32
      %get3A_2973 = arith.index_cast %get3A_2972 : i32 to index
      %get3A_2974 = arith.constant 16 : index
      %get3A_2975 = tpu.vector_load %arg9[%get3A_2973, %get3A_2974] {strides = array<i32>} : memref<128x32xf32, #tpu.memory_space<vmem>>, vector<16xf32>,
      %add3A_2976 = arith.addf %get3A_2975, %get3A_1777 : vector<16xf32>
      %get3A_2977 = arith.constant 91 : i32
      %get3A_2978 = arith.index_cast %get3A_2977 : i32 to index
      %get3A_2979 = arith.constant 16 : index
      %get3A_2980 = tpu.vector_load %arg9[%get3A_2978, %get3A_2979] {strides = array<i32>} : memref<128x32xf32, #tpu.memory_space<vmem>>, vector<16xf32>,
      %add3A_2981 = arith.addf %get3A_2980, %get3A_1777 : vector<16xf32>
      %get3A_2982 = arith.constant 92 : i32
      %get3A_2983 = arith.index_cast %get3A_2982 : i32 to index
      %get3A_2984 = arith.constant 16 : index
      %get3A_2985 = tpu.vector_load %arg9[%get3A_2983, %get3A_2984] {strides = array<i32>} : memref<128x32xf32, #tpu.memory_space<vmem>>, vector<16xf32>,
      %add3A_2986 = arith.addf %get3A_2985, %get3A_1777 : vector<16xf32>
      %get3A_2987 = arith.constant 93 : i32
      %get3A_2988 = arith.index_cast %get3A_2987 : i32 to index
      %get3A_2989 = arith.constant 16 : index
      %get3A_2990 = tpu.vector_load %arg9[%get3A_2988, %get3A_2989] {strides = array<i32>} : memref<128x32xf32, #tpu.memory_space<vmem>>, vector<16xf32>,
      %add3A_2991 = arith.addf %get3A_2990, %get3A_1777 : vector<16xf32>
      %get3A_2992 = arith.constant 94 : i32
      %get3A_2993 = arith.index_cast %get3A_2992 : i32 to index
      %get3A_2994 = arith.constant 16 : index
      %get3A_2995 = tpu.vector_load %arg9[%get3A_2993, %get3A_2994] {strides = array<i32>} : memref<128x32xf32, #tpu.memory_space<vmem>>, vector<16xf32>,
      %add3A_2996 = arith.addf %get3A_2995, %get3A_1777 : vector<16xf32>
      %get3A_2997 = arith.constant 95 : i32
      %get3A_2998 = arith.index_cast %get3A_2997 : i32 to index
      %get3A_2999 = arith.constant 16 : index
      %get3A_3000 = tpu.vector_load %arg9[%get3A_2998, %get3A_2999] {strides = array<i32>} : memref<128x32xf32, #tpu.memory_space<vmem>>, vector<16xf32>,
      %add3A_3001 = arith.addf %get3A_3000, %get3A_1777 : vector<16xf32>
      %add3A_3002 = arith.constant 88 : i32
      %add3A_3003 = vector.broadcast %add3A_3002 : i32 to vector<16xi32>
      %add3A_3004 = arith.addi %mul3A_11, %add3A_3003 : vector<16xi32>
      tpu.vector_store_idx %arg11[%shift_right_arithmetic3A_13, %and3A_15, %add3A_3004], %add3A_2926 : memref<4x8x129xf32, #tpu.memory_space<vmem>>[vector<16xi32>, vector<16xi32>, vector<16xi32>], vector<16xf32>,
      tpu.vector_store_idx %arg11[%shift_right_arithmetic3A_21, %and3A_24, %add3A_3004], %add3A_2966 : memref<4x8x129xf32, #tpu.memory_space<vmem>>[vector<16xi32>, vector<16xi32>, vector<16xi32>], vector<16xf32>,
      %add3A_3005 = arith.constant 89 : i32
      %add3A_3006 = vector.broadcast %add3A_3005 : i32 to vector<16xi32>
      %add3A_3007 = arith.addi %mul3A_11, %add3A_3006 : vector<16xi32>
      tpu.vector_store_idx %arg11[%shift_right_arithmetic3A_13, %and3A_15, %add3A_3007], %add3A_2931 : memref<4x8x129xf32, #tpu.memory_space<vmem>>[vector<16xi32>, vector<16xi32>, vector<16xi32>], vector<16xf32>,
      tpu.vector_store_idx %arg11[%shift_right_arithmetic3A_21, %and3A_24, %add3A_3007], %add3A_2971 : memref<4x8x129xf32, #tpu.memory_space<vmem>>[vector<16xi32>, vector<16xi32>, vector<16xi32>], vector<16xf32>,
      %add3A_3008 = arith.constant 90 : i32
      %add3A_3009 = vector.broadcast %add3A_3008 : i32 to vector<16xi32>
      %add3A_3010 = arith.addi %mul3A_11, %add3A_3009 : vector<16xi32>
      tpu.vector_store_idx %arg11[%shift_right_arithmetic3A_13, %and3A_15, %add3A_3010], %add3A_2936 : memref<4x8x129xf32, #tpu.memory_space<vmem>>[vector<16xi32>, vector<16xi32>, vector<16xi32>], vector<16xf32>,
      tpu.vector_store_idx %arg11[%shift_right_arithmetic3A_21, %and3A_24, %add3A_3010], %add3A_2976 : memref<4x8x129xf32, #tpu.memory_space<vmem>>[vector<16xi32>, vector<16xi32>, vector<16xi32>], vector<16xf32>,
      %add3A_3011 = arith.constant 91 : i32
      %add3A_3012 = vector.broadcast %add3A_3011 : i32 to vector<16xi32>
      %add3A_3013 = arith.addi %mul3A_11, %add3A_3012 : vector<16xi32>
      tpu.vector_store_idx %arg11[%shift_right_arithmetic3A_13, %and3A_15, %add3A_3013], %add3A_2941 : memref<4x8x129xf32, #tpu.memory_space<vmem>>[vector<16xi32>, vector<16xi32>, vector<16xi32>], vector<16xf32>,
      tpu.vector_store_idx %arg11[%shift_right_arithmetic3A_21, %and3A_24, %add3A_3013], %add3A_2981 : memref<4x8x129xf32, #tpu.memory_space<vmem>>[vector<16xi32>, vector<16xi32>, vector<16xi32>], vector<16xf32>,
      %add3A_3014 = arith.constant 92 : i32
      %add3A_3015 = vector.broadcast %add3A_3014 : i32 to vector<16xi32>
      %add3A_3016 = arith.addi %mul3A_11, %add3A_3015 : vector<16xi32>
      tpu.vector_store_idx %arg11[%shift_right_arithmetic3A_13, %and3A_15, %add3A_3016], %add3A_2946 : memref<4x8x129xf32, #tpu.memory_space<vmem>>[vector<16xi32>, vector<16xi32>, vector<16xi32>], vector<16xf32>,
      tpu.vector_store_idx %arg11[%shift_right_arithmetic3A_21, %and3A_24, %add3A_3016], %add3A_2986 : memref<4x8x129xf32, #tpu.memory_space<vmem>>[vector<16xi32>, vector<16xi32>, vector<16xi32>], vector<16xf32>,
      %add3A_3017 = arith.constant 93 : i32
      %add3A_3018 = vector.broadcast %add3A_3017 : i32 to vector<16xi32>
      %add3A_3019 = arith.addi %mul3A_11, %add3A_3018 : vector<16xi32>
      tpu.vector_store_idx %arg11[%shift_right_arithmetic3A_13, %and3A_15, %add3A_3019], %add3A_2951 : memref<4x8x129xf32, #tpu.memory_space<vmem>>[vector<16xi32>, vector<16xi32>, vector<16xi32>], vector<16xf32>,
      tpu.vector_store_idx %arg11[%shift_right_arithmetic3A_21, %and3A_24, %add3A_3019], %add3A_2991 : memref<4x8x129xf32, #tpu.memory_space<vmem>>[vector<16xi32>, vector<16xi32>, vector<16xi32>], vector<16xf32>,
      %add3A_3020 = arith.constant 94 : i32
      %add3A_3021 = vector.broadcast %add3A_3020 : i32 to vector<16xi32>
      %add3A_3022 = arith.addi %mul3A_11, %add3A_3021 : vector<16xi32>
      tpu.vector_store_idx %arg11[%shift_right_arithmetic3A_13, %and3A_15, %add3A_3022], %add3A_2956 : memref<4x8x129xf32, #tpu.memory_space<vmem>>[vector<16xi32>, vector<16xi32>, vector<16xi32>], vector<16xf32>,
      tpu.vector_store_idx %arg11[%shift_right_arithmetic3A_21, %and3A_24, %add3A_3022], %add3A_2996 : memref<4x8x129xf32, #tpu.memory_space<vmem>>[vector<16xi32>, vector<16xi32>, vector<16xi32>], vector<16xf32>,
      %add3A_3023 = arith.constant 95 : i32
      %add3A_3024 = vector.broadcast %add3A_3023 : i32 to vector<16xi32>
      %add3A_3025 = arith.addi %mul3A_11, %add3A_3024 : vector<16xi32>
      tpu.vector_store_idx %arg11[%shift_right_arithmetic3A_13, %and3A_15, %add3A_3025], %add3A_2961 : memref<4x8x129xf32, #tpu.memory_space<vmem>>[vector<16xi32>, vector<16xi32>, vector<16xi32>], vector<16xf32>,
      tpu.vector_store_idx %arg11[%shift_right_arithmetic3A_21, %and3A_24, %add3A_3025], %add3A_3001 : memref<4x8x129xf32, #tpu.memory_space<vmem>>[vector<16xi32>, vector<16xi32>, vector<16xi32>], vector<16xf32>,
      %get3A_3026 = arith.constant 96 : i32
      %get3A_3027 = arith.index_cast %get3A_3026 : i32 to index
      %get3A_3028 = arith.constant 0 : index
      %get3A_3029 = tpu.vector_load %arg9[%get3A_3027, %get3A_3028] {strides = array<i32>} : memref<128x32xf32, #tpu.memory_space<vmem>>, vector<16xf32>,
      %add3A_3030 = arith.addf %get3A_3029, %get3A_1774 : vector<16xf32>
      %get3A_3031 = arith.constant 97 : i32
      %get3A_3032 = arith.index_cast %get3A_3031 : i32 to index
      %get3A_3033 = arith.constant 0 : index
      %get3A_3034 = tpu.vector_load %arg9[%get3A_3032, %get3A_3033] {strides = array<i32>} : memref<128x32xf32, #tpu.memory_space<vmem>>, vector<16xf32>,
      %add3A_3035 = arith.addf %get3A_3034, %get3A_1774 : vector<16xf32>
      %get3A_3036 = arith.constant 98 : i32
      %get3A_3037 = arith.index_cast %get3A_3036 : i32 to index
      %get3A_3038 = arith.constant 0 : index
      %get3A_3039 = tpu.vector_load %arg9[%get3A_3037, %get3A_3038] {strides = array<i32>} : memref<128x32xf32, #tpu.memory_space<vmem>>, vector<16xf32>,
      %add3A_3040 = arith.addf %get3A_3039, %get3A_1774 : vector<16xf32>
      %get3A_3041 = arith.constant 99 : i32
      %get3A_3042 = arith.index_cast %get3A_3041 : i32 to index
      %get3A_3043 = arith.constant 0 : index
      %get3A_3044 = tpu.vector_load %arg9[%get3A_3042, %get3A_3043] {strides = array<i32>} : memref<128x32xf32, #tpu.memory_space<vmem>>, vector<16xf32>,
      %add3A_3045 = arith.addf %get3A_3044, %get3A_1774 : vector<16xf32>
      %get3A_3046 = arith.constant 100 : i32
      %get3A_3047 = arith.index_cast %get3A_3046 : i32 to index
      %get3A_3048 = arith.constant 0 : index
      %get3A_3049 = tpu.vector_load %arg9[%get3A_3047, %get3A_3048] {strides = array<i32>} : memref<128x32xf32, #tpu.memory_space<vmem>>, vector<16xf32>,
      %add3A_3050 = arith.addf %get3A_3049, %get3A_1774 : vector<16xf32>
      %get3A_3051 = arith.constant 101 : i32
      %get3A_3052 = arith.index_cast %get3A_3051 : i32 to index
      %get3A_3053 = arith.constant 0 : index
      %get3A_3054 = tpu.vector_load %arg9[%get3A_3052, %get3A_3053] {strides = array<i32>} : memref<128x32xf32, #tpu.memory_space<vmem>>, vector<16xf32>,
      %add3A_3055 = arith.addf %get3A_3054, %get3A_1774 : vector<16xf32>
      %get3A_3056 = arith.constant 102 : i32
      %get3A_3057 = arith.index_cast %get3A_3056 : i32 to index
      %get3A_3058 = arith.constant 0 : index
      %get3A_3059 = tpu.vector_load %arg9[%get3A_3057, %get3A_3058] {strides = array<i32>} : memref<128x32xf32, #tpu.memory_space<vmem>>, vector<16xf32>,
      %add3A_3060 = arith.addf %get3A_3059, %get3A_1774 : vector<16xf32>
      %get3A_3061 = arith.constant 103 : i32
      %get3A_3062 = arith.index_cast %get3A_3061 : i32 to index
      %get3A_3063 = arith.constant 0 : index
      %get3A_3064 = tpu.vector_load %arg9[%get3A_3062, %get3A_3063] {strides = array<i32>} : memref<128x32xf32, #tpu.memory_space<vmem>>, vector<16xf32>,
      %add3A_3065 = arith.addf %get3A_3064, %get3A_1774 : vector<16xf32>
      %get3A_3066 = arith.constant 96 : i32
      %get3A_3067 = arith.index_cast %get3A_3066 : i32 to index
      %get3A_3068 = arith.constant 16 : index
      %get3A_3069 = tpu.vector_load %arg9[%get3A_3067, %get3A_3068] {strides = array<i32>} : memref<128x32xf32, #tpu.memory_space<vmem>>, vector<16xf32>,
      %add3A_3070 = arith.addf %get3A_3069, %get3A_1777 : vector<16xf32>
      %get3A_3071 = arith.constant 97 : i32
      %get3A_3072 = arith.index_cast %get3A_3071 : i32 to index
      %get3A_3073 = arith.constant 16 : index
      %get3A_3074 = tpu.vector_load %arg9[%get3A_3072, %get3A_3073] {strides = array<i32>} : memref<128x32xf32, #tpu.memory_space<vmem>>, vector<16xf32>,
      %add3A_3075 = arith.addf %get3A_3074, %get3A_1777 : vector<16xf32>
      %get3A_3076 = arith.constant 98 : i32
      %get3A_3077 = arith.index_cast %get3A_3076 : i32 to index
      %get3A_3078 = arith.constant 16 : index
      %get3A_3079 = tpu.vector_load %arg9[%get3A_3077, %get3A_3078] {strides = array<i32>} : memref<128x32xf32, #tpu.memory_space<vmem>>, vector<16xf32>,
      %add3A_3080 = arith.addf %get3A_3079, %get3A_1777 : vector<16xf32>
      %get3A_3081 = arith.constant 99 : i32
      %get3A_3082 = arith.index_cast %get3A_3081 : i32 to index
      %get3A_3083 = arith.constant 16 : index
      %get3A_3084 = tpu.vector_load %arg9[%get3A_3082, %get3A_3083] {strides = array<i32>} : memref<128x32xf32, #tpu.memory_space<vmem>>, vector<16xf32>,
      %add3A_3085 = arith.addf %get3A_3084, %get3A_1777 : vector<16xf32>
      %get3A_3086 = arith.constant 100 : i32
      %get3A_3087 = arith.index_cast %get3A_3086 : i32 to index
      %get3A_3088 = arith.constant 16 : index
      %get3A_3089 = tpu.vector_load %arg9[%get3A_3087, %get3A_3088] {strides = array<i32>} : memref<128x32xf32, #tpu.memory_space<vmem>>, vector<16xf32>,
      %add3A_3090 = arith.addf %get3A_3089, %get3A_1777 : vector<16xf32>
      %get3A_3091 = arith.constant 101 : i32
      %get3A_3092 = arith.index_cast %get3A_3091 : i32 to index
      %get3A_3093 = arith.constant 16 : index
      %get3A_3094 = tpu.vector_load %arg9[%get3A_3092, %get3A_3093] {strides = array<i32>} : memref<128x32xf32, #tpu.memory_space<vmem>>, vector<16xf32>,
      %add3A_3095 = arith.addf %get3A_3094, %get3A_1777 : vector<16xf32>
      %get3A_3096 = arith.constant 102 : i32
      %get3A_3097 = arith.index_cast %get3A_3096 : i32 to index
      %get3A_3098 = arith.constant 16 : index
      %get3A_3099 = tpu.vector_load %arg9[%get3A_3097, %get3A_3098] {strides = array<i32>} : memref<128x32xf32, #tpu.memory_space<vmem>>, vector<16xf32>,
      %add3A_3100 = arith.addf %get3A_3099, %get3A_1777 : vector<16xf32>
      %get3A_3101 = arith.constant 103 : i32
      %get3A_3102 = arith.index_cast %get3A_3101 : i32 to index
      %get3A_3103 = arith.constant 16 : index
      %get3A_3104 = tpu.vector_load %arg9[%get3A_3102, %get3A_3103] {strides = array<i32>} : memref<128x32xf32, #tpu.memory_space<vmem>>, vector<16xf32>,
      %add3A_3105 = arith.addf %get3A_3104, %get3A_1777 : vector<16xf32>
      %add3A_3106 = arith.constant 96 : i32
      %add3A_3107 = vector.broadcast %add3A_3106 : i32 to vector<16xi32>
      %add3A_3108 = arith.addi %mul3A_11, %add3A_3107 : vector<16xi32>
      tpu.vector_store_idx %arg11[%shift_right_arithmetic3A_13, %and3A_15, %add3A_3108], %add3A_3030 : memref<4x8x129xf32, #tpu.memory_space<vmem>>[vector<16xi32>, vector<16xi32>, vector<16xi32>], vector<16xf32>,
      tpu.vector_store_idx %arg11[%shift_right_arithmetic3A_21, %and3A_24, %add3A_3108], %add3A_3070 : memref<4x8x129xf32, #tpu.memory_space<vmem>>[vector<16xi32>, vector<16xi32>, vector<16xi32>], vector<16xf32>,
      %add3A_3109 = arith.constant 97 : i32
      %add3A_3110 = vector.broadcast %add3A_3109 : i32 to vector<16xi32>
      %add3A_3111 = arith.addi %mul3A_11, %add3A_3110 : vector<16xi32>
      tpu.vector_store_idx %arg11[%shift_right_arithmetic3A_13, %and3A_15, %add3A_3111], %add3A_3035 : memref<4x8x129xf32, #tpu.memory_space<vmem>>[vector<16xi32>, vector<16xi32>, vector<16xi32>], vector<16xf32>,
      tpu.vector_store_idx %arg11[%shift_right_arithmetic3A_21, %and3A_24, %add3A_3111], %add3A_3075 : memref<4x8x129xf32, #tpu.memory_space<vmem>>[vector<16xi32>, vector<16xi32>, vector<16xi32>], vector<16xf32>,
      %add3A_3112 = arith.constant 98 : i32
      %add3A_3113 = vector.broadcast %add3A_3112 : i32 to vector<16xi32>
      %add3A_3114 = arith.addi %mul3A_11, %add3A_3113 : vector<16xi32>
      tpu.vector_store_idx %arg11[%shift_right_arithmetic3A_13, %and3A_15, %add3A_3114], %add3A_3040 : memref<4x8x129xf32, #tpu.memory_space<vmem>>[vector<16xi32>, vector<16xi32>, vector<16xi32>], vector<16xf32>,
      tpu.vector_store_idx %arg11[%shift_right_arithmetic3A_21, %and3A_24, %add3A_3114], %add3A_3080 : memref<4x8x129xf32, #tpu.memory_space<vmem>>[vector<16xi32>, vector<16xi32>, vector<16xi32>], vector<16xf32>,
      %add3A_3115 = arith.constant 99 : i32
      %add3A_3116 = vector.broadcast %add3A_3115 : i32 to vector<16xi32>
      %add3A_3117 = arith.addi %mul3A_11, %add3A_3116 : vector<16xi32>
      tpu.vector_store_idx %arg11[%shift_right_arithmetic3A_13, %and3A_15, %add3A_3117], %add3A_3045 : memref<4x8x129xf32, #tpu.memory_space<vmem>>[vector<16xi32>, vector<16xi32>, vector<16xi32>], vector<16xf32>,
      tpu.vector_store_idx %arg11[%shift_right_arithmetic3A_21, %and3A_24, %add3A_3117], %add3A_3085 : memref<4x8x129xf32, #tpu.memory_space<vmem>>[vector<16xi32>, vector<16xi32>, vector<16xi32>], vector<16xf32>,
      %add3A_3118 = arith.constant 100 : i32
      %add3A_3119 = vector.broadcast %add3A_3118 : i32 to vector<16xi32>
      %add3A_3120 = arith.addi %mul3A_11, %add3A_3119 : vector<16xi32>
      tpu.vector_store_idx %arg11[%shift_right_arithmetic3A_13, %and3A_15, %add3A_3120], %add3A_3050 : memref<4x8x129xf32, #tpu.memory_space<vmem>>[vector<16xi32>, vector<16xi32>, vector<16xi32>], vector<16xf32>,
      tpu.vector_store_idx %arg11[%shift_right_arithmetic3A_21, %and3A_24, %add3A_3120], %add3A_3090 : memref<4x8x129xf32, #tpu.memory_space<vmem>>[vector<16xi32>, vector<16xi32>, vector<16xi32>], vector<16xf32>,
      %add3A_3121 = arith.constant 101 : i32
      %add3A_3122 = vector.broadcast %add3A_3121 : i32 to vector<16xi32>
      %add3A_3123 = arith.addi %mul3A_11, %add3A_3122 : vector<16xi32>
      tpu.vector_store_idx %arg11[%shift_right_arithmetic3A_13, %and3A_15, %add3A_3123], %add3A_3055 : memref<4x8x129xf32, #tpu.memory_space<vmem>>[vector<16xi32>, vector<16xi32>, vector<16xi32>], vector<16xf32>,
      tpu.vector_store_idx %arg11[%shift_right_arithmetic3A_21, %and3A_24, %add3A_3123], %add3A_3095 : memref<4x8x129xf32, #tpu.memory_space<vmem>>[vector<16xi32>, vector<16xi32>, vector<16xi32>], vector<16xf32>,
      %add3A_3124 = arith.constant 102 : i32
      %add3A_3125 = vector.broadcast %add3A_3124 : i32 to vector<16xi32>
      %add3A_3126 = arith.addi %mul3A_11, %add3A_3125 : vector<16xi32>
      tpu.vector_store_idx %arg11[%shift_right_arithmetic3A_13, %and3A_15, %add3A_3126], %add3A_3060 : memref<4x8x129xf32, #tpu.memory_space<vmem>>[vector<16xi32>, vector<16xi32>, vector<16xi32>], vector<16xf32>,
      tpu.vector_store_idx %arg11[%shift_right_arithmetic3A_21, %and3A_24, %add3A_3126], %add3A_3100 : memref<4x8x129xf32, #tpu.memory_space<vmem>>[vector<16xi32>, vector<16xi32>, vector<16xi32>], vector<16xf32>,
      %add3A_3127 = arith.constant 103 : i32
      %add3A_3128 = vector.broadcast %add3A_3127 : i32 to vector<16xi32>
      %add3A_3129 = arith.addi %mul3A_11, %add3A_3128 : vector<16xi32>
      tpu.vector_store_idx %arg11[%shift_right_arithmetic3A_13, %and3A_15, %add3A_3129], %add3A_3065 : memref<4x8x129xf32, #tpu.memory_space<vmem>>[vector<16xi32>, vector<16xi32>, vector<16xi32>], vector<16xf32>,
      tpu.vector_store_idx %arg11[%shift_right_arithmetic3A_21, %and3A_24, %add3A_3129], %add3A_3105 : memref<4x8x129xf32, #tpu.memory_space<vmem>>[vector<16xi32>, vector<16xi32>, vector<16xi32>], vector<16xf32>,
      %get3A_3130 = arith.constant 104 : i32
      %get3A_3131 = arith.index_cast %get3A_3130 : i32 to index
      %get3A_3132 = arith.constant 0 : index
      %get3A_3133 = tpu.vector_load %arg9[%get3A_3131, %get3A_3132] {strides = array<i32>} : memref<128x32xf32, #tpu.memory_space<vmem>>, vector<16xf32>,
      %add3A_3134 = arith.addf %get3A_3133, %get3A_1774 : vector<16xf32>
      %get3A_3135 = arith.constant 105 : i32
      %get3A_3136 = arith.index_cast %get3A_3135 : i32 to index
      %get3A_3137 = arith.constant 0 : index
      %get3A_3138 = tpu.vector_load %arg9[%get3A_3136, %get3A_3137] {strides = array<i32>} : memref<128x32xf32, #tpu.memory_space<vmem>>, vector<16xf32>,
      %add3A_3139 = arith.addf %get3A_3138, %get3A_1774 : vector<16xf32>
      %get3A_3140 = arith.constant 106 : i32
      %get3A_3141 = arith.index_cast %get3A_3140 : i32 to index
      %get3A_3142 = arith.constant 0 : index
      %get3A_3143 = tpu.vector_load %arg9[%get3A_3141, %get3A_3142] {strides = array<i32>} : memref<128x32xf32, #tpu.memory_space<vmem>>, vector<16xf32>,
      %add3A_3144 = arith.addf %get3A_3143, %get3A_1774 : vector<16xf32>
      %get3A_3145 = arith.constant 107 : i32
      %get3A_3146 = arith.index_cast %get3A_3145 : i32 to index
      %get3A_3147 = arith.constant 0 : index
      %get3A_3148 = tpu.vector_load %arg9[%get3A_3146, %get3A_3147] {strides = array<i32>} : memref<128x32xf32, #tpu.memory_space<vmem>>, vector<16xf32>,
      %add3A_3149 = arith.addf %get3A_3148, %get3A_1774 : vector<16xf32>
      %get3A_3150 = arith.constant 108 : i32
      %get3A_3151 = arith.index_cast %get3A_3150 : i32 to index
      %get3A_3152 = arith.constant 0 : index
      %get3A_3153 = tpu.vector_load %arg9[%get3A_3151, %get3A_3152] {strides = array<i32>} : memref<128x32xf32, #tpu.memory_space<vmem>>, vector<16xf32>,
      %add3A_3154 = arith.addf %get3A_3153, %get3A_1774 : vector<16xf32>
      %get3A_3155 = arith.constant 109 : i32
      %get3A_3156 = arith.index_cast %get3A_3155 : i32 to index
      %get3A_3157 = arith.constant 0 : index
      %get3A_3158 = tpu.vector_load %arg9[%get3A_3156, %get3A_3157] {strides = array<i32>} : memref<128x32xf32, #tpu.memory_space<vmem>>, vector<16xf32>,
      %add3A_3159 = arith.addf %get3A_3158, %get3A_1774 : vector<16xf32>
      %get3A_3160 = arith.constant 110 : i32
      %get3A_3161 = arith.index_cast %get3A_3160 : i32 to index
      %get3A_3162 = arith.constant 0 : index
      %get3A_3163 = tpu.vector_load %arg9[%get3A_3161, %get3A_3162] {strides = array<i32>} : memref<128x32xf32, #tpu.memory_space<vmem>>, vector<16xf32>,
      %add3A_3164 = arith.addf %get3A_3163, %get3A_1774 : vector<16xf32>
      %get3A_3165 = arith.constant 111 : i32
      %get3A_3166 = arith.index_cast %get3A_3165 : i32 to index
      %get3A_3167 = arith.constant 0 : index
      %get3A_3168 = tpu.vector_load %arg9[%get3A_3166, %get3A_3167] {strides = array<i32>} : memref<128x32xf32, #tpu.memory_space<vmem>>, vector<16xf32>,
      %add3A_3169 = arith.addf %get3A_3168, %get3A_1774 : vector<16xf32>
      %get3A_3170 = arith.constant 104 : i32
      %get3A_3171 = arith.index_cast %get3A_3170 : i32 to index
      %get3A_3172 = arith.constant 16 : index
      %get3A_3173 = tpu.vector_load %arg9[%get3A_3171, %get3A_3172] {strides = array<i32>} : memref<128x32xf32, #tpu.memory_space<vmem>>, vector<16xf32>,
      %add3A_3174 = arith.addf %get3A_3173, %get3A_1777 : vector<16xf32>
      %get3A_3175 = arith.constant 105 : i32
      %get3A_3176 = arith.index_cast %get3A_3175 : i32 to index
      %get3A_3177 = arith.constant 16 : index
      %get3A_3178 = tpu.vector_load %arg9[%get3A_3176, %get3A_3177] {strides = array<i32>} : memref<128x32xf32, #tpu.memory_space<vmem>>, vector<16xf32>,
      %add3A_3179 = arith.addf %get3A_3178, %get3A_1777 : vector<16xf32>
      %get3A_3180 = arith.constant 106 : i32
      %get3A_3181 = arith.index_cast %get3A_3180 : i32 to index
      %get3A_3182 = arith.constant 16 : index
      %get3A_3183 = tpu.vector_load %arg9[%get3A_3181, %get3A_3182] {strides = array<i32>} : memref<128x32xf32, #tpu.memory_space<vmem>>, vector<16xf32>,
      %add3A_3184 = arith.addf %get3A_3183, %get3A_1777 : vector<16xf32>
      %get3A_3185 = arith.constant 107 : i32
      %get3A_3186 = arith.index_cast %get3A_3185 : i32 to index
      %get3A_3187 = arith.constant 16 : index
      %get3A_3188 = tpu.vector_load %arg9[%get3A_3186, %get3A_3187] {strides = array<i32>} : memref<128x32xf32, #tpu.memory_space<vmem>>, vector<16xf32>,
      %add3A_3189 = arith.addf %get3A_3188, %get3A_1777 : vector<16xf32>
      %get3A_3190 = arith.constant 108 : i32
      %get3A_3191 = arith.index_cast %get3A_3190 : i32 to index
      %get3A_3192 = arith.constant 16 : index
      %get3A_3193 = tpu.vector_load %arg9[%get3A_3191, %get3A_3192] {strides = array<i32>} : memref<128x32xf32, #tpu.memory_space<vmem>>, vector<16xf32>,
      %add3A_3194 = arith.addf %get3A_3193, %get3A_1777 : vector<16xf32>
      %get3A_3195 = arith.constant 109 : i32
      %get3A_3196 = arith.index_cast %get3A_3195 : i32 to index
      %get3A_3197 = arith.constant 16 : index
      %get3A_3198 = tpu.vector_load %arg9[%get3A_3196, %get3A_3197] {strides = array<i32>} : memref<128x32xf32, #tpu.memory_space<vmem>>, vector<16xf32>,
      %add3A_3199 = arith.addf %get3A_3198, %get3A_1777 : vector<16xf32>
      %get3A_3200 = arith.constant 110 : i32
      %get3A_3201 = arith.index_cast %get3A_3200 : i32 to index
      %get3A_3202 = arith.constant 16 : index
      %get3A_3203 = tpu.vector_load %arg9[%get3A_3201, %get3A_3202] {strides = array<i32>} : memref<128x32xf32, #tpu.memory_space<vmem>>, vector<16xf32>,
      %add3A_3204 = arith.addf %get3A_3203, %get3A_1777 : vector<16xf32>
      %get3A_3205 = arith.constant 111 : i32
      %get3A_3206 = arith.index_cast %get3A_3205 : i32 to index
      %get3A_3207 = arith.constant 16 : index
      %get3A_3208 = tpu.vector_load %arg9[%get3A_3206, %get3A_3207] {strides = array<i32>} : memref<128x32xf32, #tpu.memory_space<vmem>>, vector<16xf32>,
      %add3A_3209 = arith.addf %get3A_3208, %get3A_1777 : vector<16xf32>
      %add3A_3210 = arith.constant 104 : i32
      %add3A_3211 = vector.broadcast %add3A_3210 : i32 to vector<16xi32>
      %add3A_3212 = arith.addi %mul3A_11, %add3A_3211 : vector<16xi32>
      tpu.vector_store_idx %arg11[%shift_right_arithmetic3A_13, %and3A_15, %add3A_3212], %add3A_3134 : memref<4x8x129xf32, #tpu.memory_space<vmem>>[vector<16xi32>, vector<16xi32>, vector<16xi32>], vector<16xf32>,
      tpu.vector_store_idx %arg11[%shift_right_arithmetic3A_21, %and3A_24, %add3A_3212], %add3A_3174 : memref<4x8x129xf32, #tpu.memory_space<vmem>>[vector<16xi32>, vector<16xi32>, vector<16xi32>], vector<16xf32>,
      %add3A_3213 = arith.constant 105 : i32
      %add3A_3214 = vector.broadcast %add3A_3213 : i32 to vector<16xi32>
      %add3A_3215 = arith.addi %mul3A_11, %add3A_3214 : vector<16xi32>
      tpu.vector_store_idx %arg11[%shift_right_arithmetic3A_13, %and3A_15, %add3A_3215], %add3A_3139 : memref<4x8x129xf32, #tpu.memory_space<vmem>>[vector<16xi32>, vector<16xi32>, vector<16xi32>], vector<16xf32>,
      tpu.vector_store_idx %arg11[%shift_right_arithmetic3A_21, %and3A_24, %add3A_3215], %add3A_3179 : memref<4x8x129xf32, #tpu.memory_space<vmem>>[vector<16xi32>, vector<16xi32>, vector<16xi32>], vector<16xf32>,
      %add3A_3216 = arith.constant 106 : i32
      %add3A_3217 = vector.broadcast %add3A_3216 : i32 to vector<16xi32>
      %add3A_3218 = arith.addi %mul3A_11, %add3A_3217 : vector<16xi32>
      tpu.vector_store_idx %arg11[%shift_right_arithmetic3A_13, %and3A_15, %add3A_3218], %add3A_3144 : memref<4x8x129xf32, #tpu.memory_space<vmem>>[vector<16xi32>, vector<16xi32>, vector<16xi32>], vector<16xf32>,
      tpu.vector_store_idx %arg11[%shift_right_arithmetic3A_21, %and3A_24, %add3A_3218], %add3A_3184 : memref<4x8x129xf32, #tpu.memory_space<vmem>>[vector<16xi32>, vector<16xi32>, vector<16xi32>], vector<16xf32>,
      %add3A_3219 = arith.constant 107 : i32
      %add3A_3220 = vector.broadcast %add3A_3219 : i32 to vector<16xi32>
      %add3A_3221 = arith.addi %mul3A_11, %add3A_3220 : vector<16xi32>
      tpu.vector_store_idx %arg11[%shift_right_arithmetic3A_13, %and3A_15, %add3A_3221], %add3A_3149 : memref<4x8x129xf32, #tpu.memory_space<vmem>>[vector<16xi32>, vector<16xi32>, vector<16xi32>], vector<16xf32>,
      tpu.vector_store_idx %arg11[%shift_right_arithmetic3A_21, %and3A_24, %add3A_3221], %add3A_3189 : memref<4x8x129xf32, #tpu.memory_space<vmem>>[vector<16xi32>, vector<16xi32>, vector<16xi32>], vector<16xf32>,
      %add3A_3222 = arith.constant 108 : i32
      %add3A_3223 = vector.broadcast %add3A_3222 : i32 to vector<16xi32>
      %add3A_3224 = arith.addi %mul3A_11, %add3A_3223 : vector<16xi32>
      tpu.vector_store_idx %arg11[%shift_right_arithmetic3A_13, %and3A_15, %add3A_3224], %add3A_3154 : memref<4x8x129xf32, #tpu.memory_space<vmem>>[vector<16xi32>, vector<16xi32>, vector<16xi32>], vector<16xf32>,
      tpu.vector_store_idx %arg11[%shift_right_arithmetic3A_21, %and3A_24, %add3A_3224], %add3A_3194 : memref<4x8x129xf32, #tpu.memory_space<vmem>>[vector<16xi32>, vector<16xi32>, vector<16xi32>], vector<16xf32>,
      %add3A_3225 = arith.constant 109 : i32
      %add3A_3226 = vector.broadcast %add3A_3225 : i32 to vector<16xi32>
      %add3A_3227 = arith.addi %mul3A_11, %add3A_3226 : vector<16xi32>
      tpu.vector_store_idx %arg11[%shift_right_arithmetic3A_13, %and3A_15, %add3A_3227], %add3A_3159 : memref<4x8x129xf32, #tpu.memory_space<vmem>>[vector<16xi32>, vector<16xi32>, vector<16xi32>], vector<16xf32>,
      tpu.vector_store_idx %arg11[%shift_right_arithmetic3A_21, %and3A_24, %add3A_3227], %add3A_3199 : memref<4x8x129xf32, #tpu.memory_space<vmem>>[vector<16xi32>, vector<16xi32>, vector<16xi32>], vector<16xf32>,
      %add3A_3228 = arith.constant 110 : i32
      %add3A_3229 = vector.broadcast %add3A_3228 : i32 to vector<16xi32>
      %add3A_3230 = arith.addi %mul3A_11, %add3A_3229 : vector<16xi32>
      tpu.vector_store_idx %arg11[%shift_right_arithmetic3A_13, %and3A_15, %add3A_3230], %add3A_3164 : memref<4x8x129xf32, #tpu.memory_space<vmem>>[vector<16xi32>, vector<16xi32>, vector<16xi32>], vector<16xf32>,
      tpu.vector_store_idx %arg11[%shift_right_arithmetic3A_21, %and3A_24, %add3A_3230], %add3A_3204 : memref<4x8x129xf32, #tpu.memory_space<vmem>>[vector<16xi32>, vector<16xi32>, vector<16xi32>], vector<16xf32>,
      %add3A_3231 = arith.constant 111 : i32
      %add3A_3232 = vector.broadcast %add3A_3231 : i32 to vector<16xi32>
      %add3A_3233 = arith.addi %mul3A_11, %add3A_3232 : vector<16xi32>
      tpu.vector_store_idx %arg11[%shift_right_arithmetic3A_13, %and3A_15, %add3A_3233], %add3A_3169 : memref<4x8x129xf32, #tpu.memory_space<vmem>>[vector<16xi32>, vector<16xi32>, vector<16xi32>], vector<16xf32>,
      tpu.vector_store_idx %arg11[%shift_right_arithmetic3A_21, %and3A_24, %add3A_3233], %add3A_3209 : memref<4x8x129xf32, #tpu.memory_space<vmem>>[vector<16xi32>, vector<16xi32>, vector<16xi32>], vector<16xf32>,
      %get3A_3234 = arith.constant 112 : i32
      %get3A_3235 = arith.index_cast %get3A_3234 : i32 to index
      %get3A_3236 = arith.constant 0 : index
      %get3A_3237 = tpu.vector_load %arg9[%get3A_3235, %get3A_3236] {strides = array<i32>} : memref<128x32xf32, #tpu.memory_space<vmem>>, vector<16xf32>,
      %add3A_3238 = arith.addf %get3A_3237, %get3A_1774 : vector<16xf32>
      %get3A_3239 = arith.constant 113 : i32
      %get3A_3240 = arith.index_cast %get3A_3239 : i32 to index
      %get3A_3241 = arith.constant 0 : index
      %get3A_3242 = tpu.vector_load %arg9[%get3A_3240, %get3A_3241] {strides = array<i32>} : memref<128x32xf32, #tpu.memory_space<vmem>>, vector<16xf32>,
      %add3A_3243 = arith.addf %get3A_3242, %get3A_1774 : vector<16xf32>
      %get3A_3244 = arith.constant 114 : i32
      %get3A_3245 = arith.index_cast %get3A_3244 : i32 to index
      %get3A_3246 = arith.constant 0 : index
      %get3A_3247 = tpu.vector_load %arg9[%get3A_3245, %get3A_3246] {strides = array<i32>} : memref<128x32xf32, #tpu.memory_space<vmem>>, vector<16xf32>,
      %add3A_3248 = arith.addf %get3A_3247, %get3A_1774 : vector<16xf32>
      %get3A_3249 = arith.constant 115 : i32
      %get3A_3250 = arith.index_cast %get3A_3249 : i32 to index
      %get3A_3251 = arith.constant 0 : index
      %get3A_3252 = tpu.vector_load %arg9[%get3A_3250, %get3A_3251] {strides = array<i32>} : memref<128x32xf32, #tpu.memory_space<vmem>>, vector<16xf32>,
      %add3A_3253 = arith.addf %get3A_3252, %get3A_1774 : vector<16xf32>
      %get3A_3254 = arith.constant 116 : i32
      %get3A_3255 = arith.index_cast %get3A_3254 : i32 to index
      %get3A_3256 = arith.constant 0 : index
      %get3A_3257 = tpu.vector_load %arg9[%get3A_3255, %get3A_3256] {strides = array<i32>} : memref<128x32xf32, #tpu.memory_space<vmem>>, vector<16xf32>,
      %add3A_3258 = arith.addf %get3A_3257, %get3A_1774 : vector<16xf32>
      %get3A_3259 = arith.constant 117 : i32
      %get3A_3260 = arith.index_cast %get3A_3259 : i32 to index
      %get3A_3261 = arith.constant 0 : index
      %get3A_3262 = tpu.vector_load %arg9[%get3A_3260, %get3A_3261] {strides = array<i32>} : memref<128x32xf32, #tpu.memory_space<vmem>>, vector<16xf32>,
      %add3A_3263 = arith.addf %get3A_3262, %get3A_1774 : vector<16xf32>
      %get3A_3264 = arith.constant 118 : i32
      %get3A_3265 = arith.index_cast %get3A_3264 : i32 to index
      %get3A_3266 = arith.constant 0 : index
      %get3A_3267 = tpu.vector_load %arg9[%get3A_3265, %get3A_3266] {strides = array<i32>} : memref<128x32xf32, #tpu.memory_space<vmem>>, vector<16xf32>,
      %add3A_3268 = arith.addf %get3A_3267, %get3A_1774 : vector<16xf32>
      %get3A_3269 = arith.constant 119 : i32
      %get3A_3270 = arith.index_cast %get3A_3269 : i32 to index
      %get3A_3271 = arith.constant 0 : index
      %get3A_3272 = tpu.vector_load %arg9[%get3A_3270, %get3A_3271] {strides = array<i32>} : memref<128x32xf32, #tpu.memory_space<vmem>>, vector<16xf32>,
      %add3A_3273 = arith.addf %get3A_3272, %get3A_1774 : vector<16xf32>
      %get3A_3274 = arith.constant 112 : i32
      %get3A_3275 = arith.index_cast %get3A_3274 : i32 to index
      %get3A_3276 = arith.constant 16 : index
      %get3A_3277 = tpu.vector_load %arg9[%get3A_3275, %get3A_3276] {strides = array<i32>} : memref<128x32xf32, #tpu.memory_space<vmem>>, vector<16xf32>,
      %add3A_3278 = arith.addf %get3A_3277, %get3A_1777 : vector<16xf32>
      %get3A_3279 = arith.constant 113 : i32
      %get3A_3280 = arith.index_cast %get3A_3279 : i32 to index
      %get3A_3281 = arith.constant 16 : index
      %get3A_3282 = tpu.vector_load %arg9[%get3A_3280, %get3A_3281] {strides = array<i32>} : memref<128x32xf32, #tpu.memory_space<vmem>>, vector<16xf32>,
      %add3A_3283 = arith.addf %get3A_3282, %get3A_1777 : vector<16xf32>
      %get3A_3284 = arith.constant 114 : i32
      %get3A_3285 = arith.index_cast %get3A_3284 : i32 to index
      %get3A_3286 = arith.constant 16 : index
      %get3A_3287 = tpu.vector_load %arg9[%get3A_3285, %get3A_3286] {strides = array<i32>} : memref<128x32xf32, #tpu.memory_space<vmem>>, vector<16xf32>,
      %add3A_3288 = arith.addf %get3A_3287, %get3A_1777 : vector<16xf32>
      %get3A_3289 = arith.constant 115 : i32
      %get3A_3290 = arith.index_cast %get3A_3289 : i32 to index
      %get3A_3291 = arith.constant 16 : index
      %get3A_3292 = tpu.vector_load %arg9[%get3A_3290, %get3A_3291] {strides = array<i32>} : memref<128x32xf32, #tpu.memory_space<vmem>>, vector<16xf32>,
      %add3A_3293 = arith.addf %get3A_3292, %get3A_1777 : vector<16xf32>
      %get3A_3294 = arith.constant 116 : i32
      %get3A_3295 = arith.index_cast %get3A_3294 : i32 to index
      %get3A_3296 = arith.constant 16 : index
      %get3A_3297 = tpu.vector_load %arg9[%get3A_3295, %get3A_3296] {strides = array<i32>} : memref<128x32xf32, #tpu.memory_space<vmem>>, vector<16xf32>,
      %add3A_3298 = arith.addf %get3A_3297, %get3A_1777 : vector<16xf32>
      %get3A_3299 = arith.constant 117 : i32
      %get3A_3300 = arith.index_cast %get3A_3299 : i32 to index
      %get3A_3301 = arith.constant 16 : index
      %get3A_3302 = tpu.vector_load %arg9[%get3A_3300, %get3A_3301] {strides = array<i32>} : memref<128x32xf32, #tpu.memory_space<vmem>>, vector<16xf32>,
      %add3A_3303 = arith.addf %get3A_3302, %get3A_1777 : vector<16xf32>
      %get3A_3304 = arith.constant 118 : i32
      %get3A_3305 = arith.index_cast %get3A_3304 : i32 to index
      %get3A_3306 = arith.constant 16 : index
      %get3A_3307 = tpu.vector_load %arg9[%get3A_3305, %get3A_3306] {strides = array<i32>} : memref<128x32xf32, #tpu.memory_space<vmem>>, vector<16xf32>,
      %add3A_3308 = arith.addf %get3A_3307, %get3A_1777 : vector<16xf32>
      %get3A_3309 = arith.constant 119 : i32
      %get3A_3310 = arith.index_cast %get3A_3309 : i32 to index
      %get3A_3311 = arith.constant 16 : index
      %get3A_3312 = tpu.vector_load %arg9[%get3A_3310, %get3A_3311] {strides = array<i32>} : memref<128x32xf32, #tpu.memory_space<vmem>>, vector<16xf32>,
      %add3A_3313 = arith.addf %get3A_3312, %get3A_1777 : vector<16xf32>
      %add3A_3314 = arith.constant 112 : i32
      %add3A_3315 = vector.broadcast %add3A_3314 : i32 to vector<16xi32>
      %add3A_3316 = arith.addi %mul3A_11, %add3A_3315 : vector<16xi32>
      tpu.vector_store_idx %arg11[%shift_right_arithmetic3A_13, %and3A_15, %add3A_3316], %add3A_3238 : memref<4x8x129xf32, #tpu.memory_space<vmem>>[vector<16xi32>, vector<16xi32>, vector<16xi32>], vector<16xf32>,
      tpu.vector_store_idx %arg11[%shift_right_arithmetic3A_21, %and3A_24, %add3A_3316], %add3A_3278 : memref<4x8x129xf32, #tpu.memory_space<vmem>>[vector<16xi32>, vector<16xi32>, vector<16xi32>], vector<16xf32>,
      %add3A_3317 = arith.constant 113 : i32
      %add3A_3318 = vector.broadcast %add3A_3317 : i32 to vector<16xi32>
      %add3A_3319 = arith.addi %mul3A_11, %add3A_3318 : vector<16xi32>
      tpu.vector_store_idx %arg11[%shift_right_arithmetic3A_13, %and3A_15, %add3A_3319], %add3A_3243 : memref<4x8x129xf32, #tpu.memory_space<vmem>>[vector<16xi32>, vector<16xi32>, vector<16xi32>], vector<16xf32>,
      tpu.vector_store_idx %arg11[%shift_right_arithmetic3A_21, %and3A_24, %add3A_3319], %add3A_3283 : memref<4x8x129xf32, #tpu.memory_space<vmem>>[vector<16xi32>, vector<16xi32>, vector<16xi32>], vector<16xf32>,
      %add3A_3320 = arith.constant 114 : i32
      %add3A_3321 = vector.broadcast %add3A_3320 : i32 to vector<16xi32>
      %add3A_3322 = arith.addi %mul3A_11, %add3A_3321 : vector<16xi32>
      tpu.vector_store_idx %arg11[%shift_right_arithmetic3A_13, %and3A_15, %add3A_3322], %add3A_3248 : memref<4x8x129xf32, #tpu.memory_space<vmem>>[vector<16xi32>, vector<16xi32>, vector<16xi32>], vector<16xf32>,
      tpu.vector_store_idx %arg11[%shift_right_arithmetic3A_21, %and3A_24, %add3A_3322], %add3A_3288 : memref<4x8x129xf32, #tpu.memory_space<vmem>>[vector<16xi32>, vector<16xi32>, vector<16xi32>], vector<16xf32>,
      %add3A_3323 = arith.constant 115 : i32
      %add3A_3324 = vector.broadcast %add3A_3323 : i32 to vector<16xi32>
      %add3A_3325 = arith.addi %mul3A_11, %add3A_3324 : vector<16xi32>
      tpu.vector_store_idx %arg11[%shift_right_arithmetic3A_13, %and3A_15, %add3A_3325], %add3A_3253 : memref<4x8x129xf32, #tpu.memory_space<vmem>>[vector<16xi32>, vector<16xi32>, vector<16xi32>], vector<16xf32>,
      tpu.vector_store_idx %arg11[%shift_right_arithmetic3A_21, %and3A_24, %add3A_3325], %add3A_3293 : memref<4x8x129xf32, #tpu.memory_space<vmem>>[vector<16xi32>, vector<16xi32>, vector<16xi32>], vector<16xf32>,
      %add3A_3326 = arith.constant 116 : i32
      %add3A_3327 = vector.broadcast %add3A_3326 : i32 to vector<16xi32>
      %add3A_3328 = arith.addi %mul3A_11, %add3A_3327 : vector<16xi32>
      tpu.vector_store_idx %arg11[%shift_right_arithmetic3A_13, %and3A_15, %add3A_3328], %add3A_3258 : memref<4x8x129xf32, #tpu.memory_space<vmem>>[vector<16xi32>, vector<16xi32>, vector<16xi32>], vector<16xf32>,
      tpu.vector_store_idx %arg11[%shift_right_arithmetic3A_21, %and3A_24, %add3A_3328], %add3A_3298 : memref<4x8x129xf32, #tpu.memory_space<vmem>>[vector<16xi32>, vector<16xi32>, vector<16xi32>], vector<16xf32>,
      %add3A_3329 = arith.constant 117 : i32
      %add3A_3330 = vector.broadcast %add3A_3329 : i32 to vector<16xi32>
      %add3A_3331 = arith.addi %mul3A_11, %add3A_3330 : vector<16xi32>
      tpu.vector_store_idx %arg11[%shift_right_arithmetic3A_13, %and3A_15, %add3A_3331], %add3A_3263 : memref<4x8x129xf32, #tpu.memory_space<vmem>>[vector<16xi32>, vector<16xi32>, vector<16xi32>], vector<16xf32>,
      tpu.vector_store_idx %arg11[%shift_right_arithmetic3A_21, %and3A_24, %add3A_3331], %add3A_3303 : memref<4x8x129xf32, #tpu.memory_space<vmem>>[vector<16xi32>, vector<16xi32>, vector<16xi32>], vector<16xf32>,
      %add3A_3332 = arith.constant 118 : i32
      %add3A_3333 = vector.broadcast %add3A_3332 : i32 to vector<16xi32>
      %add3A_3334 = arith.addi %mul3A_11, %add3A_3333 : vector<16xi32>
      tpu.vector_store_idx %arg11[%shift_right_arithmetic3A_13, %and3A_15, %add3A_3334], %add3A_3268 : memref<4x8x129xf32, #tpu.memory_space<vmem>>[vector<16xi32>, vector<16xi32>, vector<16xi32>], vector<16xf32>,
      tpu.vector_store_idx %arg11[%shift_right_arithmetic3A_21, %and3A_24, %add3A_3334], %add3A_3308 : memref<4x8x129xf32, #tpu.memory_space<vmem>>[vector<16xi32>, vector<16xi32>, vector<16xi32>], vector<16xf32>,
      %add3A_3335 = arith.constant 119 : i32
      %add3A_3336 = vector.broadcast %add3A_3335 : i32 to vector<16xi32>
      %add3A_3337 = arith.addi %mul3A_11, %add3A_3336 : vector<16xi32>
      tpu.vector_store_idx %arg11[%shift_right_arithmetic3A_13, %and3A_15, %add3A_3337], %add3A_3273 : memref<4x8x129xf32, #tpu.memory_space<vmem>>[vector<16xi32>, vector<16xi32>, vector<16xi32>], vector<16xf32>,
      tpu.vector_store_idx %arg11[%shift_right_arithmetic3A_21, %and3A_24, %add3A_3337], %add3A_3313 : memref<4x8x129xf32, #tpu.memory_space<vmem>>[vector<16xi32>, vector<16xi32>, vector<16xi32>], vector<16xf32>,
      %get3A_3338 = arith.constant 120 : i32
      %get3A_3339 = arith.index_cast %get3A_3338 : i32 to index
      %get3A_3340 = arith.constant 0 : index
      %get3A_3341 = tpu.vector_load %arg9[%get3A_3339, %get3A_3340] {strides = array<i32>} : memref<128x32xf32, #tpu.memory_space<vmem>>, vector<16xf32>,
      %add3A_3342 = arith.addf %get3A_3341, %get3A_1774 : vector<16xf32>
      %get3A_3343 = arith.constant 121 : i32
      %get3A_3344 = arith.index_cast %get3A_3343 : i32 to index
      %get3A_3345 = arith.constant 0 : index
      %get3A_3346 = tpu.vector_load %arg9[%get3A_3344, %get3A_3345] {strides = array<i32>} : memref<128x32xf32, #tpu.memory_space<vmem>>, vector<16xf32>,
      %add3A_3347 = arith.addf %get3A_3346, %get3A_1774 : vector<16xf32>
      %get3A_3348 = arith.constant 122 : i32
      %get3A_3349 = arith.index_cast %get3A_3348 : i32 to index
      %get3A_3350 = arith.constant 0 : index
      %get3A_3351 = tpu.vector_load %arg9[%get3A_3349, %get3A_3350] {strides = array<i32>} : memref<128x32xf32, #tpu.memory_space<vmem>>, vector<16xf32>,
      %add3A_3352 = arith.addf %get3A_3351, %get3A_1774 : vector<16xf32>
      %get3A_3353 = arith.constant 123 : i32
      %get3A_3354 = arith.index_cast %get3A_3353 : i32 to index
      %get3A_3355 = arith.constant 0 : index
      %get3A_3356 = tpu.vector_load %arg9[%get3A_3354, %get3A_3355] {strides = array<i32>} : memref<128x32xf32, #tpu.memory_space<vmem>>, vector<16xf32>,
      %add3A_3357 = arith.addf %get3A_3356, %get3A_1774 : vector<16xf32>
      %get3A_3358 = arith.constant 124 : i32
      %get3A_3359 = arith.index_cast %get3A_3358 : i32 to index
      %get3A_3360 = arith.constant 0 : index
      %get3A_3361 = tpu.vector_load %arg9[%get3A_3359, %get3A_3360] {strides = array<i32>} : memref<128x32xf32, #tpu.memory_space<vmem>>, vector<16xf32>,
      %add3A_3362 = arith.addf %get3A_3361, %get3A_1774 : vector<16xf32>
      %get3A_3363 = arith.constant 125 : i32
      %get3A_3364 = arith.index_cast %get3A_3363 : i32 to index
      %get3A_3365 = arith.constant 0 : index
      %get3A_3366 = tpu.vector_load %arg9[%get3A_3364, %get3A_3365] {strides = array<i32>} : memref<128x32xf32, #tpu.memory_space<vmem>>, vector<16xf32>,
      %add3A_3367 = arith.addf %get3A_3366, %get3A_1774 : vector<16xf32>
      %get3A_3368 = arith.constant 126 : i32
      %get3A_3369 = arith.index_cast %get3A_3368 : i32 to index
      %get3A_3370 = arith.constant 0 : index
      %get3A_3371 = tpu.vector_load %arg9[%get3A_3369, %get3A_3370] {strides = array<i32>} : memref<128x32xf32, #tpu.memory_space<vmem>>, vector<16xf32>,
      %add3A_3372 = arith.addf %get3A_3371, %get3A_1774 : vector<16xf32>
      %get3A_3373 = arith.constant 127 : i32
      %get3A_3374 = arith.index_cast %get3A_3373 : i32 to index
      %get3A_3375 = arith.constant 0 : index
      %get3A_3376 = tpu.vector_load %arg9[%get3A_3374, %get3A_3375] {strides = array<i32>} : memref<128x32xf32, #tpu.memory_space<vmem>>, vector<16xf32>,
      %add3A_3377 = arith.addf %get3A_3376, %get3A_1774 : vector<16xf32>
      %get3A_3378 = arith.constant 120 : i32
      %get3A_3379 = arith.index_cast %get3A_3378 : i32 to index
      %get3A_3380 = arith.constant 16 : index
      %get3A_3381 = tpu.vector_load %arg9[%get3A_3379, %get3A_3380] {strides = array<i32>} : memref<128x32xf32, #tpu.memory_space<vmem>>, vector<16xf32>,
      %add3A_3382 = arith.addf %get3A_3381, %get3A_1777 : vector<16xf32>
      %get3A_3383 = arith.constant 121 : i32
      %get3A_3384 = arith.index_cast %get3A_3383 : i32 to index
      %get3A_3385 = arith.constant 16 : index
      %get3A_3386 = tpu.vector_load %arg9[%get3A_3384, %get3A_3385] {strides = array<i32>} : memref<128x32xf32, #tpu.memory_space<vmem>>, vector<16xf32>,
      %add3A_3387 = arith.addf %get3A_3386, %get3A_1777 : vector<16xf32>
      %get3A_3388 = arith.constant 122 : i32
      %get3A_3389 = arith.index_cast %get3A_3388 : i32 to index
      %get3A_3390 = arith.constant 16 : index
      %get3A_3391 = tpu.vector_load %arg9[%get3A_3389, %get3A_3390] {strides = array<i32>} : memref<128x32xf32, #tpu.memory_space<vmem>>, vector<16xf32>,
      %add3A_3392 = arith.addf %get3A_3391, %get3A_1777 : vector<16xf32>
      %get3A_3393 = arith.constant 123 : i32
      %get3A_3394 = arith.index_cast %get3A_3393 : i32 to index
      %get3A_3395 = arith.constant 16 : index
      %get3A_3396 = tpu.vector_load %arg9[%get3A_3394, %get3A_3395] {strides = array<i32>} : memref<128x32xf32, #tpu.memory_space<vmem>>, vector<16xf32>,
      %add3A_3397 = arith.addf %get3A_3396, %get3A_1777 : vector<16xf32>
      %get3A_3398 = arith.constant 124 : i32
      %get3A_3399 = arith.index_cast %get3A_3398 : i32 to index
      %get3A_3400 = arith.constant 16 : index
      %get3A_3401 = tpu.vector_load %arg9[%get3A_3399, %get3A_3400] {strides = array<i32>} : memref<128x32xf32, #tpu.memory_space<vmem>>, vector<16xf32>,
      %add3A_3402 = arith.addf %get3A_3401, %get3A_1777 : vector<16xf32>
      %get3A_3403 = arith.constant 125 : i32
      %get3A_3404 = arith.index_cast %get3A_3403 : i32 to index
      %get3A_3405 = arith.constant 16 : index
      %get3A_3406 = tpu.vector_load %arg9[%get3A_3404, %get3A_3405] {strides = array<i32>} : memref<128x32xf32, #tpu.memory_space<vmem>>, vector<16xf32>,
      %add3A_3407 = arith.addf %get3A_3406, %get3A_1777 : vector<16xf32>
      %get3A_3408 = arith.constant 126 : i32
      %get3A_3409 = arith.index_cast %get3A_3408 : i32 to index
      %get3A_3410 = arith.constant 16 : index
      %get3A_3411 = tpu.vector_load %arg9[%get3A_3409, %get3A_3410] {strides = array<i32>} : memref<128x32xf32, #tpu.memory_space<vmem>>, vector<16xf32>,
      %add3A_3412 = arith.addf %get3A_3411, %get3A_1777 : vector<16xf32>
      %get3A_3413 = arith.constant 127 : i32
      %get3A_3414 = arith.index_cast %get3A_3413 : i32 to index
      %get3A_3415 = arith.constant 16 : index
      %get3A_3416 = tpu.vector_load %arg9[%get3A_3414, %get3A_3415] {strides = array<i32>} : memref<128x32xf32, #tpu.memory_space<vmem>>, vector<16xf32>,
      %add3A_3417 = arith.addf %get3A_3416, %get3A_1777 : vector<16xf32>
      %add3A_3418 = arith.constant 120 : i32
      %add3A_3419 = vector.broadcast %add3A_3418 : i32 to vector<16xi32>
      %add3A_3420 = arith.addi %mul3A_11, %add3A_3419 : vector<16xi32>
      tpu.vector_store_idx %arg11[%shift_right_arithmetic3A_13, %and3A_15, %add3A_3420], %add3A_3342 : memref<4x8x129xf32, #tpu.memory_space<vmem>>[vector<16xi32>, vector<16xi32>, vector<16xi32>], vector<16xf32>,
      tpu.vector_store_idx %arg11[%shift_right_arithmetic3A_21, %and3A_24, %add3A_3420], %add3A_3382 : memref<4x8x129xf32, #tpu.memory_space<vmem>>[vector<16xi32>, vector<16xi32>, vector<16xi32>], vector<16xf32>,
      %add3A_3421 = arith.constant 121 : i32
      %add3A_3422 = vector.broadcast %add3A_3421 : i32 to vector<16xi32>
      %add3A_3423 = arith.addi %mul3A_11, %add3A_3422 : vector<16xi32>
      tpu.vector_store_idx %arg11[%shift_right_arithmetic3A_13, %and3A_15, %add3A_3423], %add3A_3347 : memref<4x8x129xf32, #tpu.memory_space<vmem>>[vector<16xi32>, vector<16xi32>, vector<16xi32>], vector<16xf32>,
      tpu.vector_store_idx %arg11[%shift_right_arithmetic3A_21, %and3A_24, %add3A_3423], %add3A_3387 : memref<4x8x129xf32, #tpu.memory_space<vmem>>[vector<16xi32>, vector<16xi32>, vector<16xi32>], vector<16xf32>,
      %add3A_3424 = arith.constant 122 : i32
      %add3A_3425 = vector.broadcast %add3A_3424 : i32 to vector<16xi32>
      %add3A_3426 = arith.addi %mul3A_11, %add3A_3425 : vector<16xi32>
      tpu.vector_store_idx %arg11[%shift_right_arithmetic3A_13, %and3A_15, %add3A_3426], %add3A_3352 : memref<4x8x129xf32, #tpu.memory_space<vmem>>[vector<16xi32>, vector<16xi32>, vector<16xi32>], vector<16xf32>,
      tpu.vector_store_idx %arg11[%shift_right_arithmetic3A_21, %and3A_24, %add3A_3426], %add3A_3392 : memref<4x8x129xf32, #tpu.memory_space<vmem>>[vector<16xi32>, vector<16xi32>, vector<16xi32>], vector<16xf32>,
      %add3A_3427 = arith.constant 123 : i32
      %add3A_3428 = vector.broadcast %add3A_3427 : i32 to vector<16xi32>
      %add3A_3429 = arith.addi %mul3A_11, %add3A_3428 : vector<16xi32>
      tpu.vector_store_idx %arg11[%shift_right_arithmetic3A_13, %and3A_15, %add3A_3429], %add3A_3357 : memref<4x8x129xf32, #tpu.memory_space<vmem>>[vector<16xi32>, vector<16xi32>, vector<16xi32>], vector<16xf32>,
      tpu.vector_store_idx %arg11[%shift_right_arithmetic3A_21, %and3A_24, %add3A_3429], %add3A_3397 : memref<4x8x129xf32, #tpu.memory_space<vmem>>[vector<16xi32>, vector<16xi32>, vector<16xi32>], vector<16xf32>,
      %add3A_3430 = arith.constant 124 : i32
      %add3A_3431 = vector.broadcast %add3A_3430 : i32 to vector<16xi32>
      %add3A_3432 = arith.addi %mul3A_11, %add3A_3431 : vector<16xi32>
      tpu.vector_store_idx %arg11[%shift_right_arithmetic3A_13, %and3A_15, %add3A_3432], %add3A_3362 : memref<4x8x129xf32, #tpu.memory_space<vmem>>[vector<16xi32>, vector<16xi32>, vector<16xi32>], vector<16xf32>,
      tpu.vector_store_idx %arg11[%shift_right_arithmetic3A_21, %and3A_24, %add3A_3432], %add3A_3402 : memref<4x8x129xf32, #tpu.memory_space<vmem>>[vector<16xi32>, vector<16xi32>, vector<16xi32>], vector<16xf32>,
      %add3A_3433 = arith.constant 125 : i32
      %add3A_3434 = vector.broadcast %add3A_3433 : i32 to vector<16xi32>
      %add3A_3435 = arith.addi %mul3A_11, %add3A_3434 : vector<16xi32>
      tpu.vector_store_idx %arg11[%shift_right_arithmetic3A_13, %and3A_15, %add3A_3435], %add3A_3367 : memref<4x8x129xf32, #tpu.memory_space<vmem>>[vector<16xi32>, vector<16xi32>, vector<16xi32>], vector<16xf32>,
      tpu.vector_store_idx %arg11[%shift_right_arithmetic3A_21, %and3A_24, %add3A_3435], %add3A_3407 : memref<4x8x129xf32, #tpu.memory_space<vmem>>[vector<16xi32>, vector<16xi32>, vector<16xi32>], vector<16xf32>,
      %add3A_3436 = arith.constant 126 : i32
      %add3A_3437 = vector.broadcast %add3A_3436 : i32 to vector<16xi32>
      %add3A_3438 = arith.addi %mul3A_11, %add3A_3437 : vector<16xi32>
      tpu.vector_store_idx %arg11[%shift_right_arithmetic3A_13, %and3A_15, %add3A_3438], %add3A_3372 : memref<4x8x129xf32, #tpu.memory_space<vmem>>[vector<16xi32>, vector<16xi32>, vector<16xi32>], vector<16xf32>,
      tpu.vector_store_idx %arg11[%shift_right_arithmetic3A_21, %and3A_24, %add3A_3438], %add3A_3412 : memref<4x8x129xf32, #tpu.memory_space<vmem>>[vector<16xi32>, vector<16xi32>, vector<16xi32>], vector<16xf32>,
      %add3A_3439 = arith.constant 127 : i32
      %add3A_3440 = vector.broadcast %add3A_3439 : i32 to vector<16xi32>
      %add3A_3441 = arith.addi %mul3A_11, %add3A_3440 : vector<16xi32>
      tpu.vector_store_idx %arg11[%shift_right_arithmetic3A_13, %and3A_15, %add3A_3441], %add3A_3377 : memref<4x8x129xf32, #tpu.memory_space<vmem>>[vector<16xi32>, vector<16xi32>, vector<16xi32>], vector<16xf32>,
      tpu.vector_store_idx %arg11[%shift_right_arithmetic3A_21, %and3A_24, %add3A_3441], %add3A_3417 : memref<4x8x129xf32, #tpu.memory_space<vmem>>[vector<16xi32>, vector<16xi32>, vector<16xi32>], vector<16xf32>,
      %dma_start3A_3442 = arith.constant 0 : i32
      %dma_start3A_3443 = arith.constant 0 : i32
      %dma_start3A_3444 = arith.constant 0 : i32
      %dma_start3A_3445 = tpu.memref_slice %arg11[%dma_start3A_3442, %dma_start3A_3443, %dma_start3A_3444] : memref<4x8x129xf32, #tpu.memory_space<vmem>> -> memref<4x8x128xf32, #tpu.memory_space<vmem>>
      %dma_start3A_3446 = arith.constant 0 : i32
      %dma_start3A_3447 = arith.constant 0 : i32
      %dma_start3A_3448 = arith.constant 0 : i32
      %dma_start3A_3449 = tpu.memref_slice %arg5[%add3A_1753, %dma_start3A_3446, %add3A, %dma_start3A_3447, %dma_start3A_3448] : memref<200x4x32x8x128xf32, #tpu.memory_space<hbm>> -> memref<1x4x1x8x128xf32, #tpu.memory_space<hbm>>
      %dma_start3A_3450 = tpu.memref_squeeze %dma_start3A_3449 : memref<1x4x1x8x128xf32, #tpu.memory_space<hbm>> -> memref<4x8x128xf32, #tpu.memory_space<hbm>>
      %dma_start3A_3451 = arith.constant 0 : i32
      %dma_start3A_3452 = arith.constant 0 : i32
      %dma_start3A_3453 = arith.constant 0 : i32
      %dma_start3A_3454 = tpu.memref_slice %arg5[%add3A_1753, %dma_start3A_3451, %add3A, %dma_start3A_3452, %dma_start3A_3453] : memref<200x4x32x8x128xf32, #tpu.memory_space<hbm>> -> memref<1x4x1x8x128xf32, #tpu.memory_space<hbm>>
      %dma_start3A_3455 = tpu.memref_squeeze %dma_start3A_3454 : memref<1x4x1x8x128xf32, #tpu.memory_space<hbm>> -> memref<4x8x128xf32, #tpu.memory_space<hbm>>
      %dma_start3A_3456 = arith.constant 0 : i32
      %dma_start3A_3457 = arith.constant 0 : i32
      %dma_start3A_3458 = arith.constant 0 : i32
      %dma_start3A_3459 = tpu.memref_slice %arg11[%dma_start3A_3456, %dma_start3A_3457, %dma_start3A_3458] : memref<4x8x129xf32, #tpu.memory_space<vmem>> -> memref<4x8x128xf32, #tpu.memory_space<vmem>>
      tpu.enqueue_dma source(%dma_start3A_3459 : memref<4x8x128xf32, #tpu.memory_space<vmem>>) target(%dma_start3A_3455 : memref<4x8x128xf32, #tpu.memory_space<hbm>>) target_semaphore(%arg15 : memref<!tpu.dma_semaphore, #tpu.memory_space<semaphore_mem>>)
    }
    %scan3A_29 = arith.constant 100 : i32
    %dma_wait3A = arith.constant 199 : i32
    %dma_wait3A_30 = arith.constant 0 : i32
    %dma_wait3A_31 = arith.constant 0 : i32
    %dma_wait3A_32 = arith.constant 0 : i32
    %dma_wait3A_33 = tpu.memref_slice %arg11[%dma_wait3A_30, %dma_wait3A_31, %dma_wait3A_32] : memref<4x8x129xf32, #tpu.memory_space<vmem>> -> memref<4x8x128xf32, #tpu.memory_space<vmem>>
    %dma_wait3A_34 = arith.constant 0 : i32
    %dma_wait3A_35 = arith.constant 0 : i32
    %dma_wait3A_36 = arith.constant 0 : i32
    %dma_wait3A_37 = tpu.memref_slice %arg5[%dma_wait3A, %dma_wait3A_34, %add3A, %dma_wait3A_35, %dma_wait3A_36] : memref<200x4x32x8x128xf32, #tpu.memory_space<hbm>> -> memref<1x4x1x8x128xf32, #tpu.memory_space<hbm>>
    %dma_wait3A_38 = tpu.memref_squeeze %dma_wait3A_37 : memref<1x4x1x8x128xf32, #tpu.memory_space<hbm>> -> memref<4x8x128xf32, #tpu.memory_space<hbm>>
    %dma_wait3A_39 = arith.constant 0 : i32
    %dma_wait3A_40 = arith.constant 0 : i32
    %dma_wait3A_41 = arith.constant 0 : i32
    %dma_wait3A_42 = tpu.memref_slice %arg5[%dma_wait3A, %dma_wait3A_39, %add3A, %dma_wait3A_40, %dma_wait3A_41] : memref<200x4x32x8x128xf32, #tpu.memory_space<hbm>> -> memref<1x4x1x8x128xf32, #tpu.memory_space<hbm>>
    %dma_wait3A_43 = tpu.memref_squeeze %dma_wait3A_42 : memref<1x4x1x8x128xf32, #tpu.memory_space<hbm>> -> memref<4x8x128xf32, #tpu.memory_space<hbm>>
    %dma_wait3A_44 = arith.constant 0 : i32
    %dma_wait3A_45 = arith.constant 0 : i32
    %dma_wait3A_46 = arith.constant 0 : i32
    %dma_wait3A_47 = tpu.memref_slice %arg11[%dma_wait3A_44, %dma_wait3A_45, %dma_wait3A_46] : memref<4x8x129xf32, #tpu.memory_space<vmem>> -> memref<4x8x128xf32, #tpu.memory_space<vmem>>
    tpu.wait_dma2 semaphore(%arg15 : memref<!tpu.dma_semaphore, #tpu.memory_space<semaphore_mem>>) src(%dma_wait3A_47 : memref<4x8x128xf32, #tpu.memory_space<vmem>>) dst(%dma_wait3A_43 : memref<4x8x128xf32, #tpu.memory_space<hbm>>)
    return
  }
}

module attributes {stable_mosaic.version = 14 : i64} {
  func.func @body(%arg0: i32, %arg1: memref<32x8192xf32, #tpu.memory_space<vmem>>, %arg2: memref<2048x128xf32, #tpu.memory_space<vmem>>) attributes {dimension_semantics = [#tpu.dimension_semantics<arbitrary>], iteration_bounds = array<i64: 123>, scalar_prefetch = 0 : i64, scratch_operands = 0 : i64, tpu.core_type = #tpu.core_type<tc>, window_params = [{transform_indices = @transform_0, window_bounds = array<i64: 32, 8192>}, {transform_indices = @transform_1, window_bounds = array<i64: 2048, 128>}]} {
    %get3A = arith.constant 0 : index
    %get3A_0 = arith.constant 0 : index
    %get3A_1 = vector.load %arg1[%get3A, %get3A_0] : memref<32x8192xf32, #tpu.memory_space<vmem>>, vector<32x2048xf32>
    %transpose3A = tpu.transpose %get3A_1, [1, 0] : vector<32x2048xf32> -> vector<2048x32xf32>
    %swap3A = arith.constant 0 : index
    %swap3A_2 = arith.constant 0 : index
    %swap3A_3 = vector.load %arg2[%swap3A, %swap3A_2] : memref<2048x128xf32, #tpu.memory_space<vmem>>, vector<2048x32xf32>
    tpu.vector_store %arg2[%swap3A, %swap3A_2], %transpose3A {strides = array<i32>} : memref<2048x128xf32, #tpu.memory_space<vmem>>, vector<2048x32xf32>,
    %get3A_4 = arith.constant 0 : index
    %get3A_5 = arith.constant 2048 : index
    %get3A_6 = vector.load %arg1[%get3A_4, %get3A_5] : memref<32x8192xf32, #tpu.memory_space<vmem>>, vector<32x2048xf32>
    %transpose3A_7 = tpu.transpose %get3A_6, [1, 0] : vector<32x2048xf32> -> vector<2048x32xf32>
    %swap3A_8 = arith.constant 0 : index
    %swap3A_9 = arith.constant 32 : index
    %swap3A_10 = vector.load %arg2[%swap3A_8, %swap3A_9] : memref<2048x128xf32, #tpu.memory_space<vmem>>, vector<2048x32xf32>
    tpu.vector_store %arg2[%swap3A_8, %swap3A_9], %transpose3A_7 {strides = array<i32>} : memref<2048x128xf32, #tpu.memory_space<vmem>>, vector<2048x32xf32>,
    %get3A_11 = arith.constant 0 : index
    %get3A_12 = arith.constant 4096 : index
    %get3A_13 = vector.load %arg1[%get3A_11, %get3A_12] : memref<32x8192xf32, #tpu.memory_space<vmem>>, vector<32x2048xf32>
    %transpose3A_14 = tpu.transpose %get3A_13, [1, 0] : vector<32x2048xf32> -> vector<2048x32xf32>
    %swap3A_15 = arith.constant 0 : index
    %swap3A_16 = arith.constant 64 : index
    %swap3A_17 = vector.load %arg2[%swap3A_15, %swap3A_16] : memref<2048x128xf32, #tpu.memory_space<vmem>>, vector<2048x32xf32>
    tpu.vector_store %arg2[%swap3A_15, %swap3A_16], %transpose3A_14 {strides = array<i32>} : memref<2048x128xf32, #tpu.memory_space<vmem>>, vector<2048x32xf32>,
    %get3A_18 = arith.constant 0 : index
    %get3A_19 = arith.constant 6144 : index
    %get3A_20 = vector.load %arg1[%get3A_18, %get3A_19] : memref<32x8192xf32, #tpu.memory_space<vmem>>, vector<32x2048xf32>
    %transpose3A_21 = tpu.transpose %get3A_20, [1, 0] : vector<32x2048xf32> -> vector<2048x32xf32>
    %swap3A_22 = arith.constant 0 : index
    %swap3A_23 = arith.constant 96 : index
    %swap3A_24 = vector.load %arg2[%swap3A_22, %swap3A_23] : memref<2048x128xf32, #tpu.memory_space<vmem>>, vector<2048x32xf32>
    tpu.vector_store %arg2[%swap3A_22, %swap3A_23], %transpose3A_21 {strides = array<i32>} : memref<2048x128xf32, #tpu.memory_space<vmem>>, vector<2048x32xf32>,
    return
  }
  func.func @transform_0(%arg0: i32) -> (i32, i32) {
    %c0_i32 = arith.constant 0 : i32
    %c0_i32_0 = arith.constant 0 : i32
    return %c0_i32, %arg0 : i32, i32
  }
  func.func @transform_1(%arg0: i32) -> (i32, i32) {
    %c0_i32 = arith.constant 0 : i32
    %c0_i32_0 = arith.constant 0 : i32
    return %arg0, %c0_i32 : i32, i32
  }
}

</mosaic_0001>

<sc_bundles>
// kernel: kernel.4.cloned.1.call-start
scs
__scs_entry_jumppad:
0x0: {  	(pc) =	sbr.rel $0x88, $3  }
0x1: {  	(tag) =	ssettag $0x0;
	lr =	simm.s32 $0x1  }
0x2: {  	[smem:$0x3F9E] =	sst lr;
	_ =	strace $0xD0000000  }
0x3: {  	_ = 	snop  }
0x4: {  	_ = 	snop  }
0x5: {  	_ = 	snop  }
0x6: {  	_ = 	snop  }
0x7: {  	_ = 	snop  }
__scs_overlays_trampoline_lowered:
0x8: {  	[smem:$0x3FAD] =	sst s0  }
0x9: {  	[smem:$0x3FAE] =	sst s1  }
0xa: {  	[smem:$0x3FAF] =	sst s2  }
0xb: {  	[smem:$0x3FB0] =	sst s3  }
0xc: {  	[smem:$0x3FB1] =	sst s4  }
0xd: {  	[smem:$0x3FB2] =	sst s5  }
0xe: {  	[smem:$0x3FB3] =	sst s6  }
0xf: {  	[smem:$0x3FB4] =	sst s7  }
0x10: {  	[smem:$0x3FB5] =	sst s8  }
0x11: {  	[smem:$0x3FB6] =	sst s9;
	s0 =	simm.s32 @!p0 $0x0  }
0x12: {  	s1 =	sld [smem:$0x3F9C];
	s0 =	simm.s32 @p0 $0x1  }
0x13: {  	[smem:$0x3FB7] =	sst s0;
	s0 =	simm.s32 @!p1 $0x0  }
0x14: {  	s2 =	sld [smem:$0x3F9B];
	s0 =	simm.s32 @p1 $0x1  }
0x15: {  	[smem:$0x3FB8] =	sst s0;
	s0 =	simm.s32 @!p2 $0x0  }
0x16: {  	s3 =	sld [smem:$0x3FDB];
	s0 =	simm.s32 @p2 $0x1  }
0x17: {  	s4 =	simm.s32 $0x1BF5;
	[smem:$0x3FBA] =	sst s0  }
0x18: {  	s0 =	sld [smem:$0x3F9D];
	_ =	swait.ge [sflag:s4], $0x0  }
0x19: {  	s7 =	sld [smem:$0x3F9E]  }
0x1a: {  	s8 =	sadd.s32 $0xFFFFE003, lr  }
0x1b: {  	s9 =	sadd.s32 $0xFFFFFEF7, lr;
	s5 =	simm.s32 $0xFFFFFFFF;
	p2 =	slt.u32 s8, $0xFFFFF086  }
0x1c: {  	p1 =	slt.u32 s9, $0xF7A;
	s5 =	simm.s32 @!p2 $0x0  }
0x1d: {  	s5 =	simm.s32 @p1 $0x1;
	p0 =	seq.s32 s7, s2  }
0x1e: {  	s7 =	smul.u32 @!p0 $0xF7A, s2;
	p2 =	seq.s32 @!p0 s5, $0x0  }
0x1f: {  	s9 =	smul.u32 $0xF7A, s1;
	s8 =	simm.s32 @!p0 $0x1BF5;
	p2 =	por !p2, p0  }
0x20: {  	[sflag:s8] =	ssyncset.s32 @!p0 $0xFFFFF086;
	s6 =	sadd.s32 @!p0 s3, s7;
	s7 =	simm.s32 @!p0 $0x108  }
0x21: {  	s3 =	sadd.s32 s3, s9;
	s6 =	sadd.s32 @!p0 $0x88, s6;
	s7 =	simm.s32 @p2 $0x1082  }
0x22: {  	[simem:s7], [sflag:s8] =	dma.local @!p0 [hbm:s6], $0xF7A  }
0x23: {  	s9 =	sor.u32 $0xD0000000, s2;
	s6 =	simm.s32 $0x108;
	_ =	swait.ge @!p0 [sflag:s8], $0x0  }
0x24: {  	s3 =	sadd.s32 $0x88, s3;
	s6 =	simm.s32 @!p1 $0x1082;
	[sflag:s4] =	ssyncset.s32 $0xFFFFF086  }
0x25: {  	[simem:s6], [sflag:s4] =	dma.local [hbm:s3], $0xF7A  }
0x26: {  	[smem:$0x3F9E] =	sst s1;
	(tag) =	ssettag s2;
	_ =	strace s9  }
0x27: {  	s1 =	sld [smem:$0x3FAE]  }
0x28: {  	s2 =	sld [smem:$0x3FAF]  }
0x29: {  	s4 =	sld [smem:$0x3FB1]  }
0x2a: {  	p0 =	seq.s32 s5, $0x0;
	s5 =	sld [smem:$0x3FB2]  }
0x2b: {  	s6 =	sld [smem:$0x3FB3]  }
0x2c: {  	s7 =	sld [smem:$0x3FB4]  }
0x2d: {  	s3 =	simm.s32 $0x108;
	s8 =	sld [smem:$0x3FB5]  }
0x2e: {  	s3 =	simm.s32 @!p0 $0x1082;
	s9 =	sld [smem:$0x3FB6]  }
0x2f: {  	lr =	sadd.s32 s0, s3;
	s0 =	sld [smem:$0x3FAD]  }
0x30: {  	s3 =	sld [smem:$0x3FB0]  }
0x31: {  	[smem:$0x3FB9] =	sst s10  }
0x32: {  	s10 =	sld [smem:$0x3FB7];
	_ =	sdelay $0x3  }
0x33: {  	p0 =	seq.s32 s10, $0x1;
	s10 =	sld [smem:$0x3FB9];
	_ =	sdelay $0x3  }
0x34: {  	[smem:$0x3FB9] =	sst s10  }
0x35: {  	s10 =	sld [smem:$0x3FB8];
	_ =	sdelay $0x3  }
0x36: {  	p1 =	seq.s32 s10, $0x1;
	s10 =	sld [smem:$0x3FB9];
	_ =	sdelay $0x3  }
0x37: {  	[smem:$0x3FB9] =	sst s10  }
0x38: {  	s10 =	sld [smem:$0x3FBA]  }
0x39: {  	_ = 	snop;
	(pc) =	sbr.ind lr, $3  }
0x3a: {  	_ = 	snop  }
0x3b: {  	_ = 	snop  }
0x3c: {  	p2 =	seq.s32 s10, $0x1;
	s10 =	sld [smem:$0x3FB9]  }
0x3d: {  	_ =	shalt  }
0x3e: {  	_ =	shalt  }
0x3f: {  	_ =	shalt  }
0x40: {  	_ =	shalt  }
0x41: {  	_ =	shalt  }
0x42: {  	_ =	shalt  }
0x43: {  	_ =	shalt  }
0x44: {  	_ =	shalt  }
0x45: {  	_ =	shalt  }
0x46: {  	_ =	shalt  }
0x47: {  	_ =	shalt  }
0x48: {  	_ =	shalt  }
0x49: {  	_ =	shalt  }
0x4a: {  	_ =	shalt  }
0x4b: {  	_ =	shalt  }
0x4c: {  	_ =	shalt  }
0x4d: {  	_ =	shalt  }
0x4e: {  	_ =	shalt  }
0x4f: {  	_ =	shalt  }
0x50: {  	_ =	shalt  }
0x51: {  	_ =	shalt  }
0x52: {  	_ =	shalt  }
0x53: {  	_ =	shalt  }
0x54: {  	_ =	shalt  }
0x55: {  	_ =	shalt  }
0x56: {  	_ =	shalt  }
0x57: {  	_ =	shalt  }
0x58: {  	_ =	shalt  }
0x59: {  	_ =	shalt  }
0x5a: {  	_ =	shalt  }
0x5b: {  	_ =	shalt  }
0x5c: {  	_ =	shalt  }
0x5d: {  	_ =	shalt  }
0x5e: {  	_ =	shalt  }
0x5f: {  	_ =	shalt  }
0x60: {  	_ =	shalt  }
0x61: {  	_ =	shalt  }
0x62: {  	_ =	shalt  }
0x63: {  	_ =	shalt  }
0x64: {  	_ =	shalt  }
0x65: {  	_ =	shalt  }
0x66: {  	_ =	shalt  }
0x67: {  	_ =	shalt  }
0x68: {  	_ =	shalt  }
0x69: {  	_ =	shalt  }
0x6a: {  	_ =	shalt  }
0x6b: {  	_ =	shalt  }
0x6c: {  	_ =	shalt  }
0x6d: {  	_ =	shalt  }
0x6e: {  	_ =	shalt  }
0x6f: {  	_ =	shalt  }
0x70: {  	_ =	shalt  }
0x71: {  	_ =	shalt  }
0x72: {  	_ =	shalt  }
0x73: {  	_ =	shalt  }
0x74: {  	_ =	shalt  }
0x75: {  	_ =	shalt  }
0x76: {  	_ =	shalt  }
0x77: {  	_ =	shalt  }
0x78: {  	_ =	shalt  }
0x79: {  	_ =	shalt  }
0x7a: {  	_ =	shalt  }
0x7b: {  	_ =	shalt  }
0x7c: {  	_ =	shalt  }
0x7d: {  	_ =	shalt  }
0x7e: {  	_ =	shalt  }
0x7f: {  	_ =	shalt  }
0x80: {  	_ =	shalt  }
0x81: {  	_ =	shalt  }
0x82: {  	_ =	shalt  }
0x83: {  	_ =	shalt  }
0x84: {  	_ =	shalt  }
0x85: {  	_ =	shalt  }
0x86: {  	_ =	shalt  }
0x87: {  	_ =	shalt  }
.Lfunc_end0:
.L_simem_size_0:
called_computation_lowered:
.L_overlay_start_0:
0x88: {  	s2 =	sld [smem:$0x3FD9]  }
0x89: {  	s3 =	sld [smem:$0x3FFE];
	_ =	sdelay $0x1  }
0x8a: {  	s1 =	srdreg.scid  }
0x8b: {  	s0 =	sand.u32 $0x1, s1  }
0x8c: {  	s17 =	sshll.u32 s0, $0xA;
	s2 =	sadd.s32 s3, s2  }
0x8d: {  	s2 =	sadd.s32 s2, s17  }
0x8e: {  	[smem:$0x3FC5] =	sst s2  }
0x8f: {  	_ = 	snop  }
0x90: {  	s2 =	sld [smem:$0x3FD0];
	(tm) =	ssettm $0x1  }
0x91: {  	s18 =	sld [smem:$0x3FFB];
	_ =	sdelay $0x3  }
0x92: {  	_ =	strace s18  }
0x93: {  	s3 =	sld [smem:$0x3FFC];
	_ =	sdelay $0x3  }
0x94: {  	_ =	strace s3  }
0x95: {  	s3 =	sld [smem:$0x3FFD];
	_ =	sdelay $0x3  }
0x96: {  	_ =	strace s3  }
0x97: {  	_ =	strace $0x8FFFFFFF  }
0x98: {  	s19 =	sld [smem:$0x3FDB];
	_ =	sdelay $0x1  }
0x99: {  	s4 =	simm.s32 $_scs_section_size  }
0x9a: {  	s5 =	simm.s32 $_size__tile_overlayer_lowered;
	s6 =	simm.s32 $_tile_overlayer_lowered  }
0x9b: {  	s22 =	simm.s32 $0x1BFF;
	s21 =	sshll.u32 s6, $0x1;
	s3 =	sadd.s32 s4, s19  }
0x9c: {  	s7 =	simm.s32 $0x0;
	s20 =	sshll.u32 s5, $0x1;
	s5 =	sadd.s32 s21, s3  }
0x9d: {  	[timem:s7], [sflag:s22] =	dma.local [hbm:s5], s20  }
0x9e: {  	_ =	swait.ge [sflag:s22], s20  }
0x9f: {  	s4 =	ssub.s32 $0x0, s20;
	[sflag:s22] =	ssyncset.done $0x0  }
0xa0: {  	[sflag:s22] =	ssyncadd.s32 s4;
	_ =	sdelay $0x1  }
0xa1: {  	s23 =	simm.s32 $0x1B8B  }
0xa2: {  	_ =	swait.ge [sflag:s23], $0x1  }
0xa3: {  	[sflag:s23] =	ssyncset.done $0x0  }
0xa4: {  	s25 =	simm.s32 $0x1B8E;
	s24 =	sld [smem:$0x3FFE];
	[sflag:s23] =	ssyncadd.s32 $0xFFFFFFFF  }
0xa5: {  	s26 =	simm.s32 $execute0_lowered;
	[smem:$0x3FD2] =	sst s25  }
0xa6: {  	s5 =	sshll.u32 s26, $0x1;
	_ =	strace $0x80000046;
	[dreg:$0x1] =	wrdreg $0xFFFFFFFF  }
0xa7: {  	s28 =	simm.s32 $_size_execute0_lowered;
	s3 =	sadd.s32 s3, s5;
	[dreg:$0x0] =	wrdreg $0x0  }
0xa8: {  	s5 =	sshll.u32 s28, $0x1;
	[dreg:$0x2] =	wrdreg s3  }
0xa9: {  	[dreg:$0x3] =	wrdreg s5  }
0xaa: {  	[dreg:$0x4] =	wrdreg $0xC0  }
0xab: {  	_ =	task [dreg:s7], $0x5FFFF  }
0xac: {  	[dreg:$0x1] =	wrdreg $0xFFFFFFFF  }
0xad: {  	[dreg:$0x0] =	wrdreg $0x60  }
0xae: {  	[dreg:$0x2] =	wrdreg s24  }
0xaf: {  	[dreg:$0x3] =	wrdreg s2  }
0xb0: {  	[dreg:$0x4] =	wrdreg $0x9  }
0xb1: {  	_ =	task.clear_ibuf [dreg:s7], $0x5FFFF;
	_ =	strace $0x90000046  }
0xb2: {  	s29 =	simm.s32 $0x9;
	_ =	strace $0x80000048  }
0xb3: {  	_ =	swait.ge [sflag:s29], $0x1  }
0xb4: {  	[sflag:s29] =	ssyncadd.s32 $0xFFFFFFFF  }
0xb5: {  	_ =	strace $0x90000048  }
0xb6: {  	_ =	sfence  }
0xb7: {  	s30 =	sld [smem:$0x0];
	_ =	sdelay $0x2  }
0xb8: {  	s31 =	sshll.u32 s1, $0xD;
	s1 =	sshrl.u32 s1, $0x2  }
0xb9: {  	s3 =	sand.u32 $0x4000, s31;
	s1 =	sadd.s32 s1, s30  }
0xba: {  	s0 =	sor.u32 s3, s0;
	s1 =	sshll.u32 s1, $0x11  }
0xbb: {  	s0 =	sor.u32 s1, s0  }
0xbc: {  	s0 =	sadd.s32 $0x8F2B, s0  }
0xbd: {  	[sflag:s0] =	ssyncadd.remote.s32 $0x1  }
0xbe: {  	_ =	sfence.sel $0xFFFF  }
0xbf: {  	[dreg:$0x0] =	wrdreg $0xFFFFFFFF;
	(pc) =	sbr.abs _section_cstart, $3  }
0xc0: {  	[dreg:$0x1] =	wrdreg $0xFFFFFFFF  }
0xc1: {  	_ =	task.clear_ibuf [dreg:s7], $0x2FFFF;
	_ =	strace $0x9FFFFFFF  }
0xc2: {  	(tm) =	ssettm $0x7FFFFFFF  }
0xc3: {  	_ =	shalt  }
tec
execute0_lowered:
.L_overlay_start_1:
0x0: {  	(tag) =	ssettag $0x1  }
0x1: {  	s4 =	rddreg [dreg:$0x0]  }
0x2: {  	s8 =	rddreg [dreg:$0x1]  }
0x3: {  	s0 =	rddreg [dreg:$0x2];
	s1 =	simm.s32 $0x0  }
0x4: {  	s2 =	simm.s32 $0x8D00;
	[smem:$0x7FF] =	sst s1  }
0x5: {  	s23 =	simm.s32 $0x9D88;
	_ =	strace $0x80000047;
	[dreg:$0x3] =	wrdreg s2  }
0x6: {  	s24 =	simm.s32 $0x9E10;
	[dreg:$0x4] =	wrdreg s23  }
0x7: {  	s25 =	simm.s32 $0x9E98;
	[dreg:$0x5] =	wrdreg s24  }
0x8: {  	s26 =	simm.s32 $0x9F20;
	[dreg:$0x6] =	wrdreg s25  }
0x9: {  	s28 =	simm.s32 $0x9FA8;
	[dreg:$0x7] =	wrdreg s26  }
0xa: {  	s29 =	simm.s32 $0xA030;
	[dreg:$0x8] =	wrdreg s28  }
0xb: {  	s30 =	simm.s32 $0xA0B8;
	[dreg:$0x9] =	wrdreg s29  }
0xc: {  	s31 =	simm.s32 $0xA140;
	[dreg:$0xa] =	wrdreg s30  }
0xd: {  	s3 =	simm.s32 $0xA1C8;
	[dreg:$0xb] =	wrdreg s31  }
0xe: {  	s5 =	simm.s32 $0xA250;
	[dreg:$0xc] =	wrdreg s3  }
0xf: {  	s6 =	simm.s32 $0xA2D8;
	[dreg:$0xd] =	wrdreg s5  }
0x10: {  	s7 =	simm.s32 $0xA360;
	[dreg:$0xe] =	wrdreg s6  }
0x11: {  	s9 =	simm.s32 $0xA3E8;
	[dreg:$0xf] =	wrdreg s7  }
0x12: {  	s10 =	simm.s32 $0xA470;
	[dreg:$0x10] =	wrdreg s9  }
0x13: {  	s11 =	simm.s32 $0xA4F8;
	[dreg:$0x11] =	wrdreg s10  }
0x14: {  	s12 =	simm.s32 $0xA580;
	[dreg:$0x12] =	wrdreg s11  }
0x15: {  	s13 =	simm.s32 $0xA608;
	[dreg:$0x13] =	wrdreg s12  }
0x16: {  	s14 =	simm.s32 $0xA690;
	[dreg:$0x14] =	wrdreg s13  }
0x17: {  	s15 =	simm.s32 $0xA718;
	[dreg:$0x15] =	wrdreg s14  }
0x18: {  	s16 =	simm.s32 $0xA7A0;
	[dreg:$0x16] =	wrdreg s15  }
0x19: {  	s17 =	simm.s32 $0xA828;
	[dreg:$0x17] =	wrdreg s16  }
0x1a: {  	s18 =	simm.s32 $0xA8B0;
	[dreg:$0x18] =	wrdreg s17  }
0x1b: {  	s19 =	simm.s32 $0xA938;
	[dreg:$0x19] =	wrdreg s18  }
0x1c: {  	s20 =	simm.s32 $0xA9C0;
	[dreg:$0x1a] =	wrdreg s19  }
0x1d: {  	s21 =	simm.s32 $0xAA48;
	[dreg:$0x1b] =	wrdreg s20  }
0x1e: {  	s22 =	simm.s32 $0xAAD0;
	[dreg:$0x1c] =	wrdreg s21  }
0x1f: {  	[dreg:$0x1d] =	wrdreg s22;
	s23 =	simm.s32 $0xAB58  }
0x20: {  	s24 =	simm.s32 $0xABE0;
	[dreg:$0x1e] =	wrdreg s23  }
0x21: {  	s25 =	simm.s32 $0xAC68;
	[dreg:$0x1f] =	wrdreg s24  }
0x22: {  	s3 =	simm.s32 $0xACF0;
	[smem:$0x7DC] =	sst s25  }
0x23: {  	s26 =	simm.s32 $0xAD78;
	[smem:$0x7DD] =	sst s3  }
0x24: {  	s6 =	simm.s32 $0xAE88;
	[smem:$0x7DE] =	sst s26  }
0x25: {  	s28 =	simm.s32 $0xAF10;
	[smem:$0x7DF] =	sst s6  }
0x26: {  	s29 =	simm.s32 $0xAF98;
	[smem:$0x7E0] =	sst s28  }
0x27: {  	s31 =	simm.s32 $0xB020;
	[smem:$0x7E1] =	sst s29  }
0x28: {  	s10 =	simm.s32 $0xB0A8;
	[smem:$0x7E2] =	sst s31  }
0x29: {  	s11 =	simm.s32 $0xB130;
	[smem:$0x7E3] =	sst s10  }
0x2a: {  	s12 =	simm.s32 $0xB1B8;
	[smem:$0x7E4] =	sst s11  }
0x2b: {  	s13 =	simm.s32 $0xB240;
	[smem:$0x7E5] =	sst s12  }
0x2c: {  	s15 =	simm.s32 $0xB2C8;
	[smem:$0x7E6] =	sst s13  }
0x2d: {  	s16 =	simm.s32 $0xB350;
	[smem:$0x7E7] =	sst s15  }
0x2e: {  	v0 =	vlaneseq.u32;
	s17 =	simm.s32 $0xB3D8;
	[smem:$0x7E8] =	sst s16  }
0x2f: {  	v59 =	vmul.u32 $0x88, v0;
	s18 =	simm.s32 $0xB460;
	[smem:$0x7E9] =	sst s17  }
0x30: {  	s19 =	simm.s32 $0xB4E8;
	[smem:$0x7EA] =	sst s18  }
0x31: {  	s21 =	simm.s32 $0xB570;
	[smem:$0x7EB] =	sst s19;
	v0 =	vadd.s32 $0x17, v59  }
0x32: {  	s2 =	sadd.s32 $0x19800, s4;
	s22 =	simm.s32 $0xB5F8;
	[smem:$0x7EC] =	sst s21;
	v11 =	vadd.s32 $0x897, v59;
	[tilespmem:$0x1FE90] =	vst v0  }
0x33: {  	s5 =	srdreg.scid;
	[smem:$0x7ED] =	sst s22;
	s23 =	simm.s32 $0xB680;
	v12 =	vadd.s32 $0x18, v59;
	[tilespmem:$0x1FEA0] =	vst v11  }
0x34: {  	s3 =	stileid.u32;
	s11 =	simm.s32 $0xB708;
	v13 =	vadd.s32 $0x898, v59;
	[smem:$0x7EE] =	sst s23;
	[tilespmem:$0x1FEB0] =	vst v12  }
0x35: {  	s7 =	sand.u32 $0x1, s5;
	v17 =	vadd.s32 $0x880, v59;
	s25 =	simm.s32 $0xB790;
	v14 =	vadd.s32 $0x19, v59;
	[smem:$0x7EF] =	sst s11;
	[tilespmem:$0x1FEC0] =	vst v13  }
0x36: {  	v18 =	vor.u32 $0x1, v59;
	v19 =	vadd.s32 $0x881, v59;
	s26 =	simm.s32 $0xB818;
	s28 =	simm.s32 $0xB8A0;
	v57 =	vadd.s32 $0x899, v59;
	[smem:$0x7F0] =	sst s25;
	[tilespmem:$0x1FED0] =	vst v14  }
0x37: {  	v20 =	vor.u32 $0x2, v59;
	v21 =	vadd.s32 $0x882, v59;
	s29 =	simm.s32 $0xB928;
	s12 =	simm.s32 $0xBA38;
	v4 =	vadd.s32 $0x1A, v59;
	[smem:$0x7F1] =	sst s26;
	[tilespmem:$0x1FEE0] =	vst v57  }
0x38: {  	v22 =	vor.u32 $0x3, v59;
	v23 =	vadd.s32 $0x883, v59;
	s13 =	simm.s32 $0xBAC0;
	s15 =	simm.s32 $0xBBD0;
	v5 =	vadd.s32 $0x89A, v59;
	[smem:$0x7F2] =	sst s28;
	[tilespmem:$0x1FEF0] =	vst v4  }
0x39: {  	v24 =	vor.u32 $0x4, v59;
	v25 =	vadd.s32 $0x884, v59;
	s16 =	simm.s32 $0xBC58;
	s17 =	simm.s32 $0xBCE0;
	v6 =	vadd.s32 $0x1B, v59;
	[smem:$0x7F3] =	sst s29;
	[tilespmem:$0x1FF00] =	vst v5  }
0x3a: {  	v26 =	vor.u32 $0x5, v59;
	v27 =	vadd.s32 $0x885, v59;
	s18 =	simm.s32 $0xBD68;
	v7 =	vadd.s32 $0x89B, v59;
	s19 =	simm.s32 $0xBDF0;
	[smem:$0x7F5] =	sst s12;
	[tilespmem:$0x1FF10] =	vst v6  }
0x3b: {  	v28 =	vor.u32 $0x6, v59;
	v29 =	vadd.s32 $0x886, v59;
	v8 =	vadd.s32 $0x1C, v59;
	s31 =	simm.s32 $0xBE78;
	s30 =	sshll.u32 s3, $0x5;
	[smem:$0x7F6] =	sst s13;
	[tilespmem:$0x1FF20] =	vst v7  }
0x3c: {  	v31 =	vadd.s32 $0x887, v59;
	v33 =	vadd.s32 $0x888, v59;
	v9 =	vadd.s32 $0x89C, v59;
	s9 =	sshll.u32 s7, $0x4;
	s14 =	ssub.s32 $0x2, s7;
	[smem:$0x7F8] =	sst s15;
	[tilespmem:$0x1FF30] =	vst v8  }
0x3d: {  	v30 =	vor.u32 $0x7, v59;
	v34 =	vadd.s32 $0x9, v59;
	v10 =	vadd.s32 $0x1D, v59;
	s20 =	sshll.u32 s3, $0xB;
	s7 =	sshll.u32 s7, $0xA;
	[smem:$0x7F9] =	sst s16;
	[tilespmem:$0x1FF40] =	vst v9  }
0x3e: {  	v35 =	vadd.s32 $0x889, v59;
	v36 =	vadd.s32 $0xA, v59;
	v37 =	vadd.s32 $0x88A, v59;
	s11 =	simm.s32 $0x5;
	s12 =	simm.s32 $0x6400;
	[smem:$0x7FA] =	sst s17;
	[tilespmem:$0x1FF50] =	vst v10  }
0x3f: {  	v32 =	vadd.s32 $0x8, v59;
	v38 =	vadd.s32 $0xB, v59;
	v39 =	vadd.s32 $0x88B, v59;
	s13 =	simm.s32 $0x7D00;
	s15 =	simm.s32 $0x9D00;
	[smem:$0x7FB] =	sst s18;
	[tilespmem:$0x1FFB0] =	vst v17  }
0x40: {  	v40 =	vadd.s32 $0xC, v59;
	v41 =	vadd.s32 $0x88C, v59;
	v42 =	vadd.s32 $0xD, v59;
	s16 =	simm.s32 $0x3;
	s17 =	simm.s32 $0x2;
	[smem:$0x7FC] =	sst s19;
	[tilespmem:$0x1FFC0] =	vst v18  }
0x41: {  	v43 =	vadd.s32 $0x88D, v59;
	v44 =	vadd.s32 $0xE, v59;
	v45 =	vadd.s32 $0x88E, v59;
	s18 =	simm.s32 $0xAE00;
	[smem:$0x7FD] =	sst s31;
	s19 =	simm.s32 $0x4;
	[tilespmem:$0x1FFD0] =	vst v19  }
0x42: {  	v46 =	vadd.s32 $0xF, v59;
	v47 =	vadd.s32 $0x88F, v59;
	v48 =	vadd.s32 $0x10, v59;
	[tilespmem:$0x1FFE0] =	vst v20;
	s6 =	sor.u32 s9, s30;
	s10 =	sshrl.u32 s14, $0x1;
	s30 =	simm.s32 $0xB9B0  }
0x43: {  	v49 =	vadd.s32 $0x890, v59;
	v50 =	vadd.s32 $0x11, v59;
	v11 =	vadd.s32 $0x89D, v59;
	[tilespmem:$0x1FFF0] =	vst v21;
	s6 =	sadd.s32 s6, s4;
	s4 =	sadd.s32 $0x400, s4;
	s9 =	ssub.s32 s14, s10  }
0x44: {  	v51 =	vadd.s32 $0x891, v59;
	v52 =	vadd.s32 $0x12, v59;
	v12 =	vadd.s32 $0x1E, v59;
	[tilespmem:$0x1FF60] =	vst v11;
	s10 =	sor.u32 s7, s20;
	[smem:$0x7F4] =	sst s30;
	s14 =	simm.s32 $0xBB48  }
0x45: {  	v53 =	vadd.s32 $0x892, v59;
	v54 =	vadd.s32 $0x13, v59;
	v13 =	vadd.s32 $0x89E, v59;
	[tilespmem:$0x1FF70] =	vst v12;
	s20 =	simm.s32 $0x0;
	s5 =	sadd.s32 $0x800, s6;
	s6 =	smax.u32 s9, $0x1  }
0x46: {  	v55 =	vadd.s32 $0x893, v59;
	v56 =	vadd.s32 $0x14, v59;
	v14 =	vadd.s32 $0x1F, v59;
	[tilespmem:$0x1FF80] =	vst v13;
	s24 =	sshrl.u32 s10, $0x3;
	s10 =	sor.u32 $0x20000, s10;
	s9 =	simm.s32 $0x80  }
0x47: {  	v58 =	vadd.s32 $0x894, v59;
	v60 =	vadd.s32 $0x15, v59;
	v57 =	vadd.s32 $0x89F, v59;
	[tilespmem:$0x1FF90] =	vst v14;
	[smem:$0x7F7] =	sst s14;
	s14 =	simm.s32 $0x1;
	s10 =	sshrl.u32 s10, $0x3  }
0x48: {  	v61 =	vadd.s32 $0x895, v59;
	v62 =	vadd.s32 $0x16, v59;
	v63 =	vadd.s32 $0x896, v59;
	[tilespmem:$0x1FFA0] =	vst v57;
	s7 =	sadd.s32 s24, s8;
	s8 =	sadd.s32 s10, s8;
	s10 =	simm.s32 $0x1000  }
.LBB2_1:
0x49: {  	[tilespmem:s1], [sflag:$0x5] =	stream.strided.gather [hbm4b:s5+s9], $0x6400, s10, s9, $0x38;
	[tilespmem:$0xBF00] =	vst v63  }
0x4a: {  	_ =	swait.ge [sflag:s11], $0x6400  }
0x4b: {  	[sflag:s11] =	ssyncset.done $0x0  }
0x4c: {  	[sflag:s11] =	ssyncadd.s32 $0xFFFF9C00  }
0x4d: {  	[tilespmem:s12], [sflag:$0x5] =	stream.linear.gather [hbm4b:s4+s1], $0x1900, $0x38;
	[tilespmem:$0xBF00] =	vst v63  }
0x4e: {  	_ =	swait.ge [sflag:s11], $0x1900  }
0x4f: {  	s21 =	simm.s32 $0x6420;
	s22 =	smov.u32 s8;
	[sflag:s11] =	ssyncset.done $0x0  }
0x50: {  	s23 =	smov.u32 s7;
	s24 =	simm.s32 $0x0;
	[sflag:s11] =	ssyncadd.s32 $0xFFFFE700  }
0x51: {  	[tilespmem:s13], [sflag:$0x1] =	stream.indirect.gather [hbm4b:s2+s9], $0x20, s1, s9, $0xb8;
	[tilespmem:$0xBF00] =	vst v63  }
.LBB2_2:
0x52: {  	p0 =	seq.s32 s24, $0x0  }
0x53: {  	s25 =	simm.s32 @!p0 $0x4  }
0x54: {  	_ =	swait.ge @!p0 [sflag:s25], $0x1000  }
0x55: {  	s28 =	sshra.s32 s24, $0x2;
	[sflag:s25] =	ssyncset.done @!p0 $0x0  }
0x56: {  	s28 =	sadd.s32 $0x80, s28;
	s26 =	rddreg [dreg:$0x3];
	[sflag:s25] =	ssyncadd.s32 @!p0 $0xFFFFF000  }
0x57: {  	[tilespmem:s26], [sflag:$0x2] =	stream.indirect.gather [hbm4b:s2+s9], $0x20, s28, s9, $0xb8;
	[tilespmem:$0xBF00] =	vst v63  }
0x58: {  	_ =	swait.ge [sflag:s14], $0x1000  }
0x59: {  	[sflag:s14] =	ssyncset.done $0x0  }
0x5a: {  	[sflag:s14] =	ssyncadd.s32 $0xFFFFF000  }
0x5b: {  	v57 =	vld [tilespmem:s21+$0xFFFFFFE0]  }
0x5c: {  	v0 =	vld [tilespmem:s21+$0xFFFFFFF0]  }
0x5d: {  	v1 =	vld [tilespmem:$0x7D00]  }
0x5e: {  	v2 =	vld [tilespmem:$0x7D20]  }
0x5f: {  	v3 =	vld [tilespmem:$0x7D40]  }
0x60: {  	v4 =	vld [tilespmem:$0x7D60]  }
0x61: {  	v5 =	vld [tilespmem:$0x7D80]  }
0x62: {  	v6 =	vld [tilespmem:$0x7DA0]  }
0x63: {  	v7 =	vld [tilespmem:$0x7DC0]  }
0x64: {  	v8 =	vld [tilespmem:$0x7DE0]  }
0x65: {  	v9 =	vld [tilespmem:$0x7D10]  }
0x66: {  	v10 =	vld [tilespmem:$0x7D30]  }
0x67: {  	v11 =	vld [tilespmem:$0x7D50]  }
0x68: {  	v12 =	vld [tilespmem:$0x7D70]  }
0x69: {  	v13 =	vld [tilespmem:$0x7D90]  }
0x6a: {  	v14 =	vld [tilespmem:$0x7DB0];
	v1 =	vadd.f32 v1, v57  }
0x6b: {  	v15 =	vld [tilespmem:$0x7DD0];
	v9 =	vadd.f32 v9, v0  }
0x6c: {  	v16 =	vld [tilespmem:$0x7DF0];
	v2 =	vadd.f32 v2, v57;
	[tilespmem:v59+s15+$0x0] =	vst.idx.msk $0xffff, v1  }
0x6d: {  	v10 =	vadd.f32 v10, v0;
	[tilespmem:v17+s15+$0x0] =	vst.idx.msk $0xffff, v9  }
0x6e: {  	v3 =	vadd.f32 v3, v57;
	[tilespmem:v18+s15+$0x0] =	vst.idx.msk $0xffff, v2  }
0x6f: {  	v11 =	vadd.f32 v11, v0;
	[tilespmem:v19+s15+$0x0] =	vst.idx.msk $0xffff, v10  }
0x70: {  	v9 =	vadd.f32 v4, v57;
	[tilespmem:v20+s15+$0x0] =	vst.idx.msk $0xffff, v3  }
0x71: {  	v10 =	vadd.f32 v12, v0;
	[tilespmem:v21+s15+$0x0] =	vst.idx.msk $0xffff, v11  }
0x72: {  	v11 =	vadd.f32 v5, v57;
	[tilespmem:v22+s15+$0x0] =	vst.idx.msk $0xffff, v9  }
0x73: {  	v12 =	vadd.f32 v13, v0;
	[tilespmem:v23+s15+$0x0] =	vst.idx.msk $0xffff, v10  }
0x74: {  	v13 =	vadd.f32 v6, v57;
	[tilespmem:v24+s15+$0x0] =	vst.idx.msk $0xffff, v11  }
0x75: {  	v14 =	vadd.f32 v14, v0;
	[tilespmem:v25+s15+$0x0] =	vst.idx.msk $0xffff, v12  }
0x76: {  	v6 =	vadd.f32 v7, v57;
	[tilespmem:v26+s15+$0x0] =	vst.idx.msk $0xffff, v13  }
0x77: {  	v7 =	vadd.f32 v15, v0;
	[tilespmem:v27+s15+$0x0] =	vst.idx.msk $0xffff, v14  }
0x78: {  	v8 =	vadd.f32 v8, v57;
	[tilespmem:v28+s15+$0x0] =	vst.idx.msk $0xffff, v6  }
0x79: {  	v9 =	vadd.f32 v16, v0;
	[tilespmem:v29+s15+$0x0] =	vst.idx.msk $0xffff, v7  }
0x7a: {  	[tilespmem:v30+s15+$0x0] =	vst.idx.msk $0xffff, v8  }
0x7b: {  	[tilespmem:v31+s15+$0x0] =	vst.idx.msk $0xffff, v9  }
0x7c: {  	v1 =	vld [tilespmem:$0x7E00]  }
0x7d: {  	v2 =	vld [tilespmem:$0x7E20]  }
0x7e: {  	v3 =	vld [tilespmem:$0x7E40]  }
0x7f: {  	v4 =	vld [tilespmem:$0x7E60]  }
0x80: {  	v5 =	vld [tilespmem:$0x7E80]  }
0x81: {  	v6 =	vld [tilespmem:$0x7EA0]  }
0x82: {  	v7 =	vld [tilespmem:$0x7EC0]  }
0x83: {  	v8 =	vld [tilespmem:$0x7EE0]  }
0x84: {  	v9 =	vld [tilespmem:$0x7E10]  }
0x85: {  	v10 =	vld [tilespmem:$0x7E30]  }
0x86: {  	v11 =	vld [tilespmem:$0x7E50]  }
0x87: {  	v12 =	vld [tilespmem:$0x7E70]  }
0x88: {  	v13 =	vld [tilespmem:$0x7E90]  }
0x89: {  	v14 =	vld [tilespmem:$0x7EB0];
	v1 =	vadd.f32 v1, v57  }
0x8a: {  	v15 =	vld [tilespmem:$0x7ED0];
	v9 =	vadd.f32 v9, v0  }
0x8b: {  	v16 =	vld [tilespmem:$0x7EF0];
	v2 =	vadd.f32 v2, v57;
	[tilespmem:v32+s15+$0x0] =	vst.idx.msk $0xffff, v1  }
0x8c: {  	v10 =	vadd.f32 v10, v0;
	[tilespmem:v33+s15+$0x0] =	vst.idx.msk $0xffff, v9  }
0x8d: {  	v3 =	vadd.f32 v3, v57;
	[tilespmem:v34+s15+$0x0] =	vst.idx.msk $0xffff, v2  }
0x8e: {  	v11 =	vadd.f32 v11, v0;
	[tilespmem:v35+s15+$0x0] =	vst.idx.msk $0xffff, v10  }
0x8f: {  	v9 =	vadd.f32 v4, v57;
	[tilespmem:v36+s15+$0x0] =	vst.idx.msk $0xffff, v3  }
0x90: {  	v10 =	vadd.f32 v12, v0;
	[tilespmem:v37+s15+$0x0] =	vst.idx.msk $0xffff, v11  }
0x91: {  	v11 =	vadd.f32 v5, v57;
	[tilespmem:v38+s15+$0x0] =	vst.idx.msk $0xffff, v9  }
0x92: {  	v12 =	vadd.f32 v13, v0;
	[tilespmem:v39+s15+$0x0] =	vst.idx.msk $0xffff, v10  }
0x93: {  	v13 =	vadd.f32 v6, v57;
	[tilespmem:v40+s15+$0x0] =	vst.idx.msk $0xffff, v11  }
0x94: {  	v14 =	vadd.f32 v14, v0;
	[tilespmem:v41+s15+$0x0] =	vst.idx.msk $0xffff, v12  }
0x95: {  	v6 =	vadd.f32 v7, v57;
	[tilespmem:v42+s15+$0x0] =	vst.idx.msk $0xffff, v13  }
0x96: {  	v7 =	vadd.f32 v15, v0;
	[tilespmem:v43+s15+$0x0] =	vst.idx.msk $0xffff, v14  }
0x97: {  	v8 =	vadd.f32 v8, v57;
	[tilespmem:v44+s15+$0x0] =	vst.idx.msk $0xffff, v6  }
0x98: {  	v9 =	vadd.f32 v16, v0;
	[tilespmem:v45+s15+$0x0] =	vst.idx.msk $0xffff, v7  }
0x99: {  	[tilespmem:v46+s15+$0x0] =	vst.idx.msk $0xffff, v8  }
0x9a: {  	[tilespmem:v47+s15+$0x0] =	vst.idx.msk $0xffff, v9  }
0x9b: {  	v1 =	vld [tilespmem:$0x7F00]  }
0x9c: {  	v2 =	vld [tilespmem:$0x7F20]  }
0x9d: {  	v3 =	vld [tilespmem:$0x7F40]  }
0x9e: {  	v4 =	vld [tilespmem:$0x7F60]  }
0x9f: {  	v5 =	vld [tilespmem:$0x7F80]  }
0xa0: {  	v6 =	vld [tilespmem:$0x7FA0]  }
0xa1: {  	v7 =	vld [tilespmem:$0x7FC0]  }
0xa2: {  	v8 =	vld [tilespmem:$0x7FE0]  }
0xa3: {  	v9 =	vld [tilespmem:$0x7F10]  }
0xa4: {  	v10 =	vld [tilespmem:$0x7F30]  }
0xa5: {  	v11 =	vld [tilespmem:$0x7F50]  }
0xa6: {  	v12 =	vld [tilespmem:$0x7F70]  }
0xa7: {  	v13 =	vld [tilespmem:$0x7F90]  }
0xa8: {  	v14 =	vld [tilespmem:$0x7FB0];
	v1 =	vadd.f32 v1, v57  }
0xa9: {  	v15 =	vld [tilespmem:$0x7FD0];
	v9 =	vadd.f32 v9, v0  }
0xaa: {  	v16 =	vld [tilespmem:$0x7FF0];
	v2 =	vadd.f32 v2, v57;
	[tilespmem:v48+s15+$0x0] =	vst.idx.msk $0xffff, v1  }
0xab: {  	v1 =	vadd.f32 v10, v0;
	[tilespmem:v49+s15+$0x0] =	vst.idx.msk $0xffff, v9  }
0xac: {  	v3 =	vadd.f32 v3, v57;
	[tilespmem:v50+s15+$0x0] =	vst.idx.msk $0xffff, v2  }
0xad: {  	v10 =	vadd.f32 v11, v0;
	[tilespmem:v51+s15+$0x0] =	vst.idx.msk $0xffff, v1  }
0xae: {  	v11 =	vadd.f32 v4, v57;
	[tilespmem:v52+s15+$0x0] =	vst.idx.msk $0xffff, v3  }
0xaf: {  	v9 =	vadd.f32 v12, v0;
	[tilespmem:v53+s15+$0x0] =	vst.idx.msk $0xffff, v10  }
0xb0: {  	v10 =	vadd.f32 v5, v57;
	[tilespmem:v54+s15+$0x0] =	vst.idx.msk $0xffff, v11  }
0xb1: {  	[tilespmem:v55+s15+$0x0] =	vst.idx.msk $0xffff, v9;
	v9 =	vld [tilespmem:$0x1FE90]  }
0xb2: {  	v11 =	vadd.f32 v13, v0;
	[tilespmem:v56+s15+$0x0] =	vst.idx.msk $0xffff, v10;
	v10 =	vld [tilespmem:$0x1FEA0]  }
0xb3: {  	v12 =	vadd.f32 v6, v57  }
0xb4: {  	v13 =	vadd.f32 v14, v0;
	[tilespmem:v58+s15+$0x0] =	vst.idx.msk $0xffff, v11  }
0xb5: {  	v14 =	vadd.f32 v7, v57;
	[tilespmem:v60+s15+$0x0] =	vst.idx.msk $0xffff, v12  }
0xb6: {  	v6 =	vadd.f32 v15, v0;
	[tilespmem:v61+s15+$0x0] =	vst.idx.msk $0xffff, v13  }
0xb7: {  	v7 =	vadd.f32 v8, v57;
	[tilespmem:v62+s15+$0x0] =	vst.idx.msk $0xffff, v14  }
0xb8: {  	v8 =	vadd.f32 v16, v0;
	[tilespmem:v63+s15+$0x0] =	vst.idx.msk $0xffff, v6  }
0xb9: {  	[tilespmem:v9+s15+$0x0] =	vst.idx.msk $0xffff, v7  }
0xba: {  	v17 =	vld [tilespmem:$0x1FEB0];
	[tilespmem:v10+s15+$0x0] =	vst.idx.msk $0xffff, v8  }
0xbb: {  	v1 =	vld [tilespmem:$0x8000]  }
0xbc: {  	v2 =	vld [tilespmem:$0x8020]  }
0xbd: {  	v3 =	vld [tilespmem:$0x8040]  }
0xbe: {  	v4 =	vld [tilespmem:$0x8060]  }
0xbf: {  	v5 =	vld [tilespmem:$0x8080]  }
0xc0: {  	v6 =	vld [tilespmem:$0x80A0]  }
0xc1: {  	v7 =	vld [tilespmem:$0x80C0]  }
0xc2: {  	v8 =	vld [tilespmem:$0x80E0]  }
0xc3: {  	v9 =	vld [tilespmem:$0x8010]  }
0xc4: {  	v10 =	vld [tilespmem:$0x8030]  }
0xc5: {  	v11 =	vld [tilespmem:$0x8050]  }
0xc6: {  	v12 =	vld [tilespmem:$0x8070]  }
0xc7: {  	v13 =	vld [tilespmem:$0x8090]  }
0xc8: {  	v14 =	vld [tilespmem:$0x80B0]  }
0xc9: {  	v15 =	vld [tilespmem:$0x80D0];
	v1 =	vadd.f32 v1, v57  }
0xca: {  	v16 =	vld [tilespmem:$0x80F0]  }
0xcb: {  	[tilespmem:v17+s15+$0x0] =	vst.idx.msk $0xffff, v1;
	v1 =	vadd.f32 v10, v0;
	v10 =	vld [tilespmem:$0x1FEC0];
	_ =	sdelay $0x5  }
0xcc: {  	v9 =	vadd.f32 v9, v0;
	_ =	sdelay $0x1  }
0xcd: {  	[tilespmem:v10+s15+$0x0] =	vst.idx.msk $0xffff, v9;
	v9 =	vld [tilespmem:$0x1FED0];
	_ =	sdelay $0x5  }
0xce: {  	v2 =	vadd.f32 v2, v57;
	_ =	sdelay $0x1  }
0xcf: {  	[tilespmem:v9+s15+$0x0] =	vst.idx.msk $0xffff, v2;
	v9 =	vld [tilespmem:$0x1FEE0];
	_ =	sdelay $0x5  }
0xd0: {  	v2 =	vadd.f32 v11, v0;
	v11 =	vld [tilespmem:$0x1FEF0]  }
0xd1: {  	v10 =	vld [tilespmem:$0x1FF00]  }
0xd2: {  	[tilespmem:v9+s15+$0x0] =	vst.idx.msk $0xffff, v1;
	v9 =	vadd.f32 v12, v0;
	v12 =	vld [tilespmem:$0x1FF10];
	_ =	sdelay $0x3  }
0xd3: {  	v3 =	vadd.f32 v3, v57;
	_ =	sdelay $0x1  }
0xd4: {  	v1 =	vadd.f32 v4, v57;
	[tilespmem:v11+s15+$0x0] =	vst.idx.msk $0xffff, v3  }
0xd5: {  	[tilespmem:v10+s15+$0x0] =	vst.idx.msk $0xffff, v2  }
0xd6: {  	[tilespmem:v12+s15+$0x0] =	vst.idx.msk $0xffff, v1;
	v1 =	vadd.f32 v13, v0;
	v13 =	vld [tilespmem:$0x1FF20]  }
0xd7: {  	v10 =	vld [tilespmem:$0x1FF30];
	_ =	sdelay $0x5  }
0xd8: {  	v11 =	vadd.f32 v5, v57  }
0xd9: {  	v12 =	vld [tilespmem:$0x1FF40];
	[tilespmem:v13+s15+$0x0] =	vst.idx.msk $0xffff, v9  }
0xda: {  	[tilespmem:v10+s15+$0x0] =	vst.idx.msk $0xffff, v11;
	v11 =	vadd.f32 v14, v0;
	v14 =	vld [tilespmem:$0x1FF50];
	_ =	sdelay $0x5  }
0xdb: {  	v9 =	vadd.f32 v6, v57;
	v10 =	vld [tilespmem:$0x1FF60]  }
0xdc: {  	[tilespmem:v12+s15+$0x0] =	vst.idx.msk $0xffff, v1;
	v12 =	vld [tilespmem:$0x1FF70]  }
0xdd: {  	[tilespmem:v14+s15+$0x0] =	vst.idx.msk $0xffff, v9;
	v14 =	vld [tilespmem:$0x1FF80];
	_ =	sdelay $0x4  }
0xde: {  	v13 =	vadd.f32 v7, v57  }
0xdf: {  	v9 =	vadd.f32 v15, v0;
	[tilespmem:v10+s15+$0x0] =	vst.idx.msk $0xffff, v11  }
0xe0: {  	v11 =	vadd.f32 v8, v57;
	v8 =	vld [tilespmem:$0x1FF90];
	[tilespmem:v12+s15+$0x0] =	vst.idx.msk $0xffff, v13  }
0xe1: {  	[tilespmem:v14+s15+$0x0] =	vst.idx.msk $0xffff, v9;
	v9 =	vld [tilespmem:$0x1FFA0];
	_ =	sdelay $0x5  }
0xe2: {  	v13 =	vadd.f32 v16, v0  }
0xe3: {  	[tilespmem:v8+s15+$0x0] =	vst.idx.msk $0xffff, v11  }
0xe4: {  	[tilespmem:v9+s15+$0x0] =	vst.idx.msk $0xffff, v13  }
0xe5: {  	v15 =	vld [tilespmem:$0x8100]  }
0xe6: {  	v6 =	vld [tilespmem:$0x8120]  }
0xe7: {  	v8 =	vld [tilespmem:$0x8140]  }
0xe8: {  	v14 =	vld [tilespmem:$0x8160]  }
0xe9: {  	v17 =	vld [tilespmem:$0x8180]  }
0xea: {  	v19 =	vld [tilespmem:$0x81A0]  }
0xeb: {  	v20 =	vld [tilespmem:$0x81C0]  }
0xec: {  	v21 =	vld [tilespmem:$0x81E0]  }
0xed: {  	v9 =	vld [tilespmem:$0x8110]  }
0xee: {  	v4 =	vadd.s32 $0x8A1, v59;
	v10 =	vld [tilespmem:$0x8130]  }
0xef: {  	v3 =	vadd.s32 $0x21, v59;
	[tilespmem:$0x1F2C0] =	vst v4;
	v1 =	vadd.s32 $0x20, v59;
	v11 =	vld [tilespmem:$0x8150]  }
0xf0: {  	v5 =	vadd.s32 $0x22, v59;
	v2 =	vadd.s32 $0x8A0, v59;
	[tilespmem:$0x1F2B0] =	vst v3;
	v12 =	vld [tilespmem:$0x8170]  }
0xf1: {  	[tilespmem:$0x1F2D0] =	vst v5;
	v13 =	vld [tilespmem:$0x8190]  }
0xf2: {  	[tilespmem:$0x1F2A0] =	vst v2;
	v16 =	vld [tilespmem:$0x81B0];
	v7 =	vadd.f32 v15, v57  }
0xf3: {  	[tilespmem:$0x1F290] =	vst v1;
	v18 =	vld [tilespmem:$0x81F0];
	v9 =	vadd.f32 v9, v0  }
0xf4: {  	v15 =	vld [tilespmem:$0x81D0];
	[tilespmem:v1+s15+$0x0] =	vst.idx.msk $0xffff, v7  }
0xf5: {  	v7 =	vadd.f32 v8, v57;
	v8 =	vadd.s32 $0x24, v59;
	[tilespmem:v2+s15+$0x0] =	vst.idx.msk $0xffff, v9  }
0xf6: {  	v6 =	vadd.f32 v6, v57;
	v9 =	vadd.s32 $0x23, v59;
	[tilespmem:$0x1F310] =	vst v8  }
0xf7: {  	v1 =	vadd.s32 $0x8A2, v59;
	[tilespmem:$0x1F2F0] =	vst v9  }
0xf8: {  	v10 =	vadd.f32 v10, v0;
	[tilespmem:v3+s15+$0x0] =	vst.idx.msk $0xffff, v6;
	v6 =	vadd.s32 $0x8A3, v59  }
0xf9: {  	[tilespmem:$0x1F300] =	vst v6  }
0xfa: {  	v2 =	vadd.f32 v11, v0;
	[tilespmem:v4+s15+$0x0] =	vst.idx.msk $0xffff, v10  }
0xfb: {  	v10 =	vadd.f32 v14, v57;
	[tilespmem:v5+s15+$0x0] =	vst.idx.msk $0xffff, v7;
	v5 =	vadd.s32 $0x8A4, v59  }
0xfc: {  	v11 =	vadd.f32 v12, v0;
	v7 =	vadd.s32 $0x25, v59;
	[tilespmem:v1+s15+$0x0] =	vst.idx.msk $0xffff, v2  }
0xfd: {  	v12 =	vadd.f32 v17, v57;
	v4 =	vadd.s32 $0x8A5, v59;
	[tilespmem:v9+s15+$0x0] =	vst.idx.msk $0xffff, v10  }
0xfe: {  	v14 =	vadd.f32 v13, v0;
	[tilespmem:v6+s15+$0x0] =	vst.idx.msk $0xffff, v11;
	v6 =	vadd.s32 $0x26, v59  }
0xff: {  	v3 =	vadd.f32 v19, v57;
	[tilespmem:v8+s15+$0x0] =	vst.idx.msk $0xffff, v12;
	v8 =	vadd.s32 $0x8A6, v59  }
0x100: {  	v13 =	vadd.s32 $0x27, v59;
	v12 =	vadd.f32 v16, v0;
	[tilespmem:v5+s15+$0x0] =	vst.idx.msk $0xffff, v14  }
0x101: {  	v9 =	vadd.s32 $0x8A7, v59;
	v14 =	vadd.f32 v20, v57;
	[tilespmem:v7+s15+$0x0] =	vst.idx.msk $0xffff, v3  }
0x102: {  	v10 =	vadd.f32 v15, v0;
	[tilespmem:v4+s15+$0x0] =	vst.idx.msk $0xffff, v12  }
0x103: {  	v11 =	vadd.f32 v21, v57;
	[tilespmem:v6+s15+$0x0] =	vst.idx.msk $0xffff, v14  }
0x104: {  	v12 =	vadd.f32 v18, v0;
	[tilespmem:v8+s15+$0x0] =	vst.idx.msk $0xffff, v10  }
0x105: {  	[tilespmem:v13+s15+$0x0] =	vst.idx.msk $0xffff, v11  }
0x106: {  	[tilespmem:v9+s15+$0x0] =	vst.idx.msk $0xffff, v12  }
0x107: {  	[tilespmem:$0x1F2E0] =	vst v1;
	v1 =	vld [tilespmem:$0x8200]  }
0x108: {  	v2 =	vld [tilespmem:$0x8220]  }
0x109: {  	v3 =	vld [tilespmem:$0x8240]  }
0x10a: {  	[tilespmem:$0x1F340] =	vst v4;
	v4 =	vld [tilespmem:$0x8260]  }
0x10b: {  	[tilespmem:$0x1F320] =	vst v5;
	v5 =	vld [tilespmem:$0x8280]  }
0x10c: {  	[tilespmem:$0x1F350] =	vst v6;
	v6 =	vld [tilespmem:$0x82A0]  }
0x10d: {  	[tilespmem:$0x1F330] =	vst v7;
	v7 =	vld [tilespmem:$0x82C0]  }
0x10e: {  	[tilespmem:$0x1F360] =	vst v8;
	v8 =	vld [tilespmem:$0x82E0]  }
0x10f: {  	[tilespmem:$0x1F380] =	vst v9;
	v9 =	vld [tilespmem:$0x8210]  }
0x110: {  	v10 =	vld [tilespmem:$0x8230]  }
0x111: {  	v17 =	vadd.s32 $0x28, v59;
	v11 =	vld [tilespmem:$0x8250]  }
0x112: {  	v18 =	vadd.s32 $0x8A8, v59;
	v12 =	vld [tilespmem:$0x8270]  }
0x113: {  	[tilespmem:$0x1F370] =	vst v13;
	v13 =	vld [tilespmem:$0x8290]  }
0x114: {  	v14 =	vld [tilespmem:$0x82B0];
	v1 =	vadd.f32 v1, v57  }
0x115: {  	[tilespmem:$0x1F390] =	vst v17;
	v19 =	vadd.s32 $0x29, v59;
	v15 =	vld [tilespmem:$0x82D0];
	v9 =	vadd.f32 v9, v0  }
0x116: {  	v20 =	vadd.s32 $0x8A9, v59;
	v16 =	vld [tilespmem:$0x82F0];
	[tilespmem:v17+s15+$0x0] =	vst.idx.msk $0xffff, v1  }
0x117: {  	v1 =	vadd.f32 v10, v0;
	v10 =	vadd.s32 $0x8AB, v59;
	[tilespmem:v18+s15+$0x0] =	vst.idx.msk $0xffff, v9  }
0x118: {  	v21 =	vadd.s32 $0x2A, v59;
	v2 =	vadd.f32 v2, v57;
	v9 =	vadd.s32 $0x2B, v59;
	[tilespmem:$0x1F400] =	vst v10  }
0x119: {  	[tilespmem:$0x1F3F0] =	vst v9  }
0x11a: {  	v17 =	vadd.s32 $0x8AA, v59;
	[tilespmem:v19+s15+$0x0] =	vst.idx.msk $0xffff, v2  }
0x11b: {  	v3 =	vadd.f32 v3, v57;
	v2 =	vadd.f32 v11, v0;
	v11 =	vadd.s32 $0x2C, v59;
	[tilespmem:v20+s15+$0x0] =	vst.idx.msk $0xffff, v1  }
0x11c: {  	[tilespmem:$0x1F410] =	vst v11  }
0x11d: {  	v1 =	vadd.f32 v4, v57;
	v4 =	vadd.s32 $0x8AC, v59;
	[tilespmem:v21+s15+$0x0] =	vst.idx.msk $0xffff, v3  }
0x11e: {  	[tilespmem:$0x1F420] =	vst v4  }
0x11f: {  	v3 =	vadd.f32 v12, v0;
	v12 =	vadd.s32 $0x2D, v59;
	[tilespmem:v17+s15+$0x0] =	vst.idx.msk $0xffff, v2  }
0x120: {  	[tilespmem:$0x1F430] =	vst v12  }
0x121: {  	v2 =	vadd.f32 v5, v57;
	v5 =	vadd.s32 $0x8AD, v59;
	[tilespmem:v9+s15+$0x0] =	vst.idx.msk $0xffff, v1  }
0x122: {  	v13 =	vadd.f32 v13, v0;
	v9 =	vadd.s32 $0x2E, v59;
	[tilespmem:v10+s15+$0x0] =	vst.idx.msk $0xffff, v3  }
0x123: {  	v10 =	vadd.f32 v6, v57;
	v6 =	vadd.s32 $0x8AE, v59;
	[tilespmem:v11+s15+$0x0] =	vst.idx.msk $0xffff, v2  }
0x124: {  	v11 =	vadd.f32 v14, v0;
	[tilespmem:v4+s15+$0x0] =	vst.idx.msk $0xffff, v13;
	v4 =	vadd.s32 $0x2F, v59  }
0x125: {  	v14 =	vadd.s32 $0x8AF, v59;
	v13 =	vadd.f32 v7, v57;
	[tilespmem:v12+s15+$0x0] =	vst.idx.msk $0xffff, v10  }
0x126: {  	v10 =	vadd.f32 v15, v0;
	[tilespmem:v5+s15+$0x0] =	vst.idx.msk $0xffff, v11  }
0x127: {  	v11 =	vadd.f32 v8, v57;
	[tilespmem:v9+s15+$0x0] =	vst.idx.msk $0xffff, v13  }
0x128: {  	v12 =	vadd.f32 v16, v0;
	[tilespmem:v6+s15+$0x0] =	vst.idx.msk $0xffff, v10  }
0x129: {  	[tilespmem:v4+s15+$0x0] =	vst.idx.msk $0xffff, v11  }
0x12a: {  	[tilespmem:v14+s15+$0x0] =	vst.idx.msk $0xffff, v12  }
0x12b: {  	v1 =	vld [tilespmem:$0x8300]  }
0x12c: {  	v2 =	vld [tilespmem:$0x8320]  }
0x12d: {  	v3 =	vld [tilespmem:$0x8340]  }
0x12e: {  	[tilespmem:$0x1F470] =	vst v4;
	v4 =	vld [tilespmem:$0x8360]  }
0x12f: {  	[tilespmem:$0x1F440] =	vst v5;
	v5 =	vld [tilespmem:$0x8380]  }
0x130: {  	[tilespmem:$0x1F460] =	vst v6;
	v6 =	vld [tilespmem:$0x83A0]  }
0x131: {  	v7 =	vld [tilespmem:$0x83C0]  }
0x132: {  	[tilespmem:$0x1F3B0] =	vst v19;
	v8 =	vld [tilespmem:$0x83E0]  }
0x133: {  	[tilespmem:$0x1F450] =	vst v9;
	v9 =	vld [tilespmem:$0x8310]  }
0x134: {  	[tilespmem:$0x1F3D0] =	vst v21;
	v10 =	vld [tilespmem:$0x8330]  }
0x135: {  	[tilespmem:$0x1F3E0] =	vst v17;
	v17 =	vadd.s32 $0x30, v59;
	v11 =	vld [tilespmem:$0x8350]  }
0x136: {  	[tilespmem:$0x1F3A0] =	vst v18;
	v18 =	vadd.s32 $0x8B0, v59;
	v12 =	vld [tilespmem:$0x8370]  }
0x137: {  	[tilespmem:$0x1F3C0] =	vst v20;
	v13 =	vld [tilespmem:$0x8390]  }
0x138: {  	[tilespmem:$0x1F480] =	vst v14;
	v14 =	vld [tilespmem:$0x83B0];
	v1 =	vadd.f32 v1, v57  }
0x139: {  	v19 =	vadd.s32 $0x31, v59;
	[tilespmem:$0x1F490] =	vst v17;
	v15 =	vld [tilespmem:$0x83D0];
	v9 =	vadd.f32 v9, v0  }
0x13a: {  	v20 =	vadd.s32 $0x8B1, v59;
	v16 =	vld [tilespmem:$0x83F0];
	[tilespmem:v17+s15+$0x0] =	vst.idx.msk $0xffff, v1  }
0x13b: {  	v1 =	vadd.f32 v10, v0;
	v10 =	vadd.s32 $0x8B3, v59;
	[tilespmem:v18+s15+$0x0] =	vst.idx.msk $0xffff, v9  }
0x13c: {  	v21 =	vadd.s32 $0x32, v59;
	v2 =	vadd.f32 v2, v57;
	v9 =	vadd.s32 $0x33, v59;
	[tilespmem:$0x1F500] =	vst v10  }
0x13d: {  	[tilespmem:$0x1F4F0] =	vst v9  }
0x13e: {  	v17 =	vadd.s32 $0x8B2, v59;
	[tilespmem:v19+s15+$0x0] =	vst.idx.msk $0xffff, v2  }
0x13f: {  	v3 =	vadd.f32 v3, v57;
	v2 =	vadd.f32 v11, v0;
	v11 =	vadd.s32 $0x34, v59;
	[tilespmem:v20+s15+$0x0] =	vst.idx.msk $0xffff, v1  }
0x140: {  	[tilespmem:$0x1F510] =	vst v11  }
0x141: {  	v1 =	vadd.f32 v4, v57;
	v4 =	vadd.s32 $0x8B4, v59;
	[tilespmem:v21+s15+$0x0] =	vst.idx.msk $0xffff, v3  }
0x142: {  	[tilespmem:$0x1F520] =	vst v4  }
0x143: {  	v3 =	vadd.f32 v12, v0;
	v12 =	vadd.s32 $0x35, v59;
	[tilespmem:v17+s15+$0x0] =	vst.idx.msk $0xffff, v2  }
0x144: {  	v2 =	vadd.f32 v5, v57;
	v5 =	vadd.s32 $0x8B5, v59;
	[tilespmem:v9+s15+$0x0] =	vst.idx.msk $0xffff, v1  }
0x145: {  	v1 =	vadd.f32 v13, v0;
	v9 =	vadd.s32 $0x36, v59;
	[tilespmem:v10+s15+$0x0] =	vst.idx.msk $0xffff, v3  }
0x146: {  	v13 =	vadd.f32 v6, v57;
	v6 =	vadd.s32 $0x8B6, v59;
	[tilespmem:v11+s15+$0x0] =	vst.idx.msk $0xffff, v2  }
0x147: {  	v10 =	vadd.f32 v14, v0;
	[tilespmem:v4+s15+$0x0] =	vst.idx.msk $0xffff, v1;
	v4 =	vadd.s32 $0x37, v59  }
0x148: {  	v11 =	vadd.f32 v7, v57;
	[tilespmem:v12+s15+$0x0] =	vst.idx.msk $0xffff, v13;
	v13 =	vadd.s32 $0x8B7, v59  }
0x149: {  	v14 =	vadd.f32 v15, v0;
	[tilespmem:v5+s15+$0x0] =	vst.idx.msk $0xffff, v10  }
0x14a: {  	v10 =	vadd.f32 v8, v57;
	[tilespmem:v9+s15+$0x0] =	vst.idx.msk $0xffff, v11  }
0x14b: {  	v11 =	vadd.f32 v16, v0;
	[tilespmem:v6+s15+$0x0] =	vst.idx.msk $0xffff, v14  }
0x14c: {  	[tilespmem:v4+s15+$0x0] =	vst.idx.msk $0xffff, v10  }
0x14d: {  	[tilespmem:v13+s15+$0x0] =	vst.idx.msk $0xffff, v11  }
0x14e: {  	v1 =	vld [tilespmem:$0x8400]  }
0x14f: {  	v2 =	vld [tilespmem:$0x8420]  }
0x150: {  	v3 =	vld [tilespmem:$0x8440]  }
0x151: {  	[tilespmem:$0x1F570] =	vst v4;
	v4 =	vld [tilespmem:$0x8460]  }
0x152: {  	[tilespmem:$0x1F540] =	vst v5;
	v5 =	vld [tilespmem:$0x8480]  }
0x153: {  	[tilespmem:$0x1F560] =	vst v6;
	v6 =	vld [tilespmem:$0x84A0]  }
0x154: {  	[tilespmem:$0x1F4A0] =	vst v18;
	v7 =	vld [tilespmem:$0x84C0]  }
0x155: {  	[tilespmem:$0x1F4B0] =	vst v19;
	v8 =	vld [tilespmem:$0x84E0]  }
0x156: {  	[tilespmem:$0x1F550] =	vst v9;
	v9 =	vld [tilespmem:$0x8410]  }
0x157: {  	[tilespmem:$0x1F4C0] =	vst v20;
	v10 =	vld [tilespmem:$0x8430]  }
0x158: {  	[tilespmem:$0x1F4E0] =	vst v17;
	v17 =	vadd.s32 $0x38, v59;
	v11 =	vld [tilespmem:$0x8450]  }
0x159: {  	v18 =	vadd.s32 $0x8B8, v59;
	[tilespmem:$0x1F530] =	vst v12;
	v12 =	vld [tilespmem:$0x8470]  }
0x15a: {  	[tilespmem:$0x1F580] =	vst v13;
	v13 =	vld [tilespmem:$0x8490]  }
0x15b: {  	[tilespmem:$0x1F4D0] =	vst v21;
	v14 =	vld [tilespmem:$0x84B0];
	v1 =	vadd.f32 v1, v57  }
0x15c: {  	v19 =	vadd.s32 $0x39, v59;
	[tilespmem:$0x1F590] =	vst v17;
	v15 =	vld [tilespmem:$0x84D0];
	v9 =	vadd.f32 v9, v0  }
0x15d: {  	v20 =	vadd.s32 $0x8B9, v59;
	v16 =	vld [tilespmem:$0x84F0];
	[tilespmem:v17+s15+$0x0] =	vst.idx.msk $0xffff, v1  }
0x15e: {  	v1 =	vadd.f32 v2, v57;
	v2 =	vadd.f32 v10, v0;
	v10 =	vadd.s32 $0x3C, v59;
	[tilespmem:v18+s15+$0x0] =	vst.idx.msk $0xffff, v9  }
0x15f: {  	v21 =	vadd.s32 $0x3A, v59;
	v9 =	vadd.s32 $0x3B, v59;
	[tilespmem:$0x1F610] =	vst v10  }
0x160: {  	[tilespmem:$0x1F5F0] =	vst v9  }
0x161: {  	v17 =	vadd.s32 $0x8BA, v59;
	[tilespmem:v19+s15+$0x0] =	vst.idx.msk $0xffff, v1;
	v1 =	vadd.f32 v3, v57;
	v3 =	vadd.s32 $0x8BB, v59  }
0x162: {  	[tilespmem:$0x1F600] =	vst v3  }
0x163: {  	[tilespmem:v20+s15+$0x0] =	vst.idx.msk $0xffff, v2  }
0x164: {  	v2 =	vadd.f32 v11, v0;
	v11 =	vadd.s32 $0x3D, v59;
	[tilespmem:v21+s15+$0x0] =	vst.idx.msk $0xffff, v1  }
0x165: {  	v1 =	vadd.f32 v4, v57;
	v4 =	vadd.s32 $0x8BC, v59;
	[tilespmem:$0x1F630] =	vst v11  }
0x166: {  	[tilespmem:v17+s15+$0x0] =	vst.idx.msk $0xffff, v2;
	v2 =	vadd.f32 v12, v0  }
0x167: {  	v12 =	vadd.f32 v5, v57;
	v5 =	vadd.s32 $0x8BD, v59;
	[tilespmem:v9+s15+$0x0] =	vst.idx.msk $0xffff, v1  }
0x168: {  	v13 =	vadd.f32 v13, v0;
	[tilespmem:v3+s15+$0x0] =	vst.idx.msk $0xffff, v2;
	v3 =	vadd.s32 $0x3E, v59  }
0x169: {  	v9 =	vadd.f32 v6, v57;
	v6 =	vadd.s32 $0x8BE, v59;
	[tilespmem:v10+s15+$0x0] =	vst.idx.msk $0xffff, v12  }
0x16a: {  	v10 =	vadd.f32 v14, v0;
	v12 =	vadd.s32 $0x3F, v59;
	[tilespmem:v4+s15+$0x0] =	vst.idx.msk $0xffff, v13  }
0x16b: {  	v14 =	vadd.s32 $0x8BF, v59;
	v13 =	vadd.f32 v7, v57;
	[tilespmem:v11+s15+$0x0] =	vst.idx.msk $0xffff, v9  }
0x16c: {  	v9 =	vadd.f32 v15, v0;
	[tilespmem:v5+s15+$0x0] =	vst.idx.msk $0xffff, v10  }
0x16d: {  	v10 =	vadd.f32 v8, v57;
	[tilespmem:v3+s15+$0x0] =	vst.idx.msk $0xffff, v13  }
0x16e: {  	v11 =	vadd.f32 v16, v0;
	[tilespmem:v6+s15+$0x0] =	vst.idx.msk $0xffff, v9  }
0x16f: {  	[tilespmem:v12+s15+$0x0] =	vst.idx.msk $0xffff, v10  }
0x170: {  	[tilespmem:v14+s15+$0x0] =	vst.idx.msk $0xffff, v11  }
0x171: {  	v1 =	vld [tilespmem:$0x8500]  }
0x172: {  	v2 =	vld [tilespmem:$0x8520]  }
0x173: {  	[tilespmem:$0x1F650] =	vst v3;
	v3 =	vld [tilespmem:$0x8540]  }
0x174: {  	[tilespmem:$0x1F620] =	vst v4;
	v4 =	vld [tilespmem:$0x8560]  }
0x175: {  	[tilespmem:$0x1F640] =	vst v5;
	v5 =	vld [tilespmem:$0x8580]  }
0x176: {  	[tilespmem:$0x1F660] =	vst v6;
	v6 =	vld [tilespmem:$0x85A0]  }
0x177: {  	v7 =	vld [tilespmem:$0x85C0]  }
0x178: {  	[tilespmem:$0x1F5A0] =	vst v18;
	v8 =	vld [tilespmem:$0x85E0]  }
0x179: {  	[tilespmem:$0x1F5B0] =	vst v19;
	v9 =	vld [tilespmem:$0x8510]  }
0x17a: {  	[tilespmem:$0x1F5C0] =	vst v20;
	v10 =	vld [tilespmem:$0x8530]  }
0x17b: {  	[tilespmem:$0x1F5E0] =	vst v17;
	v17 =	vadd.s32 $0x40, v59;
	v11 =	vld [tilespmem:$0x8550]  }
0x17c: {  	v18 =	vadd.s32 $0x8C0, v59;
	[tilespmem:$0x1F670] =	vst v12;
	v12 =	vld [tilespmem:$0x8570]  }
0x17d: {  	[tilespmem:$0x1F5D0] =	vst v21;
	v13 =	vld [tilespmem:$0x8590]  }
0x17e: {  	[tilespmem:$0x1F680] =	vst v14;
	v14 =	vld [tilespmem:$0x85B0];
	v1 =	vadd.f32 v1, v57  }
0x17f: {  	v19 =	vadd.s32 $0x41, v59;
	[tilespmem:$0x1F690] =	vst v17;
	v15 =	vld [tilespmem:$0x85D0];
	v9 =	vadd.f32 v9, v0  }
0x180: {  	v20 =	vadd.s32 $0x8C1, v59;
	v16 =	vld [tilespmem:$0x85F0];
	[tilespmem:v17+s15+$0x0] =	vst.idx.msk $0xffff, v1  }
0x181: {  	v1 =	vadd.f32 v2, v57;
	v2 =	vadd.f32 v10, v0;
	v10 =	vadd.s32 $0x44, v59;
	[tilespmem:v18+s15+$0x0] =	vst.idx.msk $0xffff, v9  }
0x182: {  	v21 =	vadd.s32 $0x42, v59;
	v9 =	vadd.s32 $0x43, v59;
	[tilespmem:$0x1F710] =	vst v10  }
0x183: {  	[tilespmem:$0x1F6F0] =	vst v9  }
0x184: {  	v17 =	vadd.s32 $0x8C2, v59;
	[tilespmem:v19+s15+$0x0] =	vst.idx.msk $0xffff, v1;
	v1 =	vadd.f32 v3, v57;
	v3 =	vadd.s32 $0x8C3, v59  }
0x185: {  	[tilespmem:$0x1F700] =	vst v3  }
0x186: {  	[tilespmem:v20+s15+$0x0] =	vst.idx.msk $0xffff, v2  }
0x187: {  	v2 =	vadd.f32 v11, v0;
	v11 =	vadd.s32 $0x45, v59;
	[tilespmem:v21+s15+$0x0] =	vst.idx.msk $0xffff, v1  }
0x188: {  	v1 =	vadd.f32 v4, v57;
	v4 =	vadd.s32 $0x8C4, v59;
	[tilespmem:$0x1F730] =	vst v11  }
0x189: {  	[tilespmem:v17+s15+$0x0] =	vst.idx.msk $0xffff, v2;
	v2 =	vadd.f32 v12, v0  }
0x18a: {  	v12 =	vadd.f32 v5, v57;
	v5 =	vadd.s32 $0x8C5, v59;
	[tilespmem:v9+s15+$0x0] =	vst.idx.msk $0xffff, v1  }
0x18b: {  	v13 =	vadd.f32 v13, v0;
	[tilespmem:v3+s15+$0x0] =	vst.idx.msk $0xffff, v2;
	v3 =	vadd.s32 $0x46, v59  }
0x18c: {  	v9 =	vadd.f32 v6, v57;
	v6 =	vadd.s32 $0x8C6, v59;
	[tilespmem:v10+s15+$0x0] =	vst.idx.msk $0xffff, v12  }
0x18d: {  	v10 =	vadd.f32 v14, v0;
	v12 =	vadd.s32 $0x47, v59;
	[tilespmem:v4+s15+$0x0] =	vst.idx.msk $0xffff, v13  }
0x18e: {  	v14 =	vadd.s32 $0x8C7, v59;
	v13 =	vadd.f32 v7, v57;
	[tilespmem:v11+s15+$0x0] =	vst.idx.msk $0xffff, v9  }
0x18f: {  	v9 =	vadd.f32 v15, v0;
	[tilespmem:v5+s15+$0x0] =	vst.idx.msk $0xffff, v10  }
0x190: {  	v10 =	vadd.f32 v8, v57;
	[tilespmem:v3+s15+$0x0] =	vst.idx.msk $0xffff, v13  }
0x191: {  	v11 =	vadd.f32 v16, v0;
	[tilespmem:v6+s15+$0x0] =	vst.idx.msk $0xffff, v9  }
0x192: {  	[tilespmem:v12+s15+$0x0] =	vst.idx.msk $0xffff, v10  }
0x193: {  	[tilespmem:v14+s15+$0x0] =	vst.idx.msk $0xffff, v11  }
0x194: {  	v1 =	vld [tilespmem:$0x8600]  }
0x195: {  	v2 =	vld [tilespmem:$0x8620]  }
0x196: {  	[tilespmem:$0x1F750] =	vst v3;
	v3 =	vld [tilespmem:$0x8640]  }
0x197: {  	[tilespmem:$0x1F720] =	vst v4;
	v4 =	vld [tilespmem:$0x8660]  }
0x198: {  	[tilespmem:$0x1F740] =	vst v5;
	v5 =	vld [tilespmem:$0x8680]  }
0x199: {  	[tilespmem:$0x1F760] =	vst v6;
	v6 =	vld [tilespmem:$0x86A0]  }
0x19a: {  	v7 =	vld [tilespmem:$0x86C0]  }
0x19b: {  	[tilespmem:$0x1F6A0] =	vst v18;
	v8 =	vld [tilespmem:$0x86E0]  }
0x19c: {  	[tilespmem:$0x1F6B0] =	vst v19;
	v9 =	vld [tilespmem:$0x8610]  }
0x19d: {  	[tilespmem:$0x1F6C0] =	vst v20;
	v10 =	vld [tilespmem:$0x8630]  }
0x19e: {  	[tilespmem:$0x1F6E0] =	vst v17;
	v17 =	vadd.s32 $0x48, v59;
	v11 =	vld [tilespmem:$0x8650]  }
0x19f: {  	v18 =	vadd.s32 $0x8C8, v59;
	[tilespmem:$0x1F770] =	vst v12;
	v12 =	vld [tilespmem:$0x8670]  }
0x1a0: {  	[tilespmem:$0x1F6D0] =	vst v21;
	v13 =	vld [tilespmem:$0x8690]  }
0x1a1: {  	[tilespmem:$0x1F780] =	vst v14;
	v14 =	vld [tilespmem:$0x86B0];
	v1 =	vadd.f32 v1, v57  }
0x1a2: {  	v19 =	vadd.s32 $0x49, v59;
	[tilespmem:$0x1F790] =	vst v17;
	v15 =	vld [tilespmem:$0x86D0];
	v9 =	vadd.f32 v9, v0  }
0x1a3: {  	v20 =	vadd.s32 $0x8C9, v59;
	v16 =	vld [tilespmem:$0x86F0];
	[tilespmem:v17+s15+$0x0] =	vst.idx.msk $0xffff, v1  }
0x1a4: {  	v1 =	vadd.f32 v2, v57;
	v2 =	vadd.f32 v10, v0;
	v10 =	vadd.s32 $0x4C, v59;
	[tilespmem:v18+s15+$0x0] =	vst.idx.msk $0xffff, v9  }
0x1a5: {  	v21 =	vadd.s32 $0x4A, v59;
	v9 =	vadd.s32 $0x4B, v59;
	[tilespmem:$0x1F810] =	vst v10  }
0x1a6: {  	[tilespmem:$0x1F7F0] =	vst v9  }
0x1a7: {  	v17 =	vadd.s32 $0x8CA, v59;
	[tilespmem:v19+s15+$0x0] =	vst.idx.msk $0xffff, v1;
	v1 =	vadd.f32 v3, v57;
	v3 =	vadd.s32 $0x8CB, v59  }
0x1a8: {  	[tilespmem:$0x1F800] =	vst v3  }
0x1a9: {  	[tilespmem:v20+s15+$0x0] =	vst.idx.msk $0xffff, v2  }
0x1aa: {  	v2 =	vadd.f32 v11, v0;
	v11 =	vadd.s32 $0x4D, v59;
	[tilespmem:v21+s15+$0x0] =	vst.idx.msk $0xffff, v1  }
0x1ab: {  	v1 =	vadd.f32 v4, v57;
	v4 =	vadd.s32 $0x8CC, v59;
	[tilespmem:$0x1F830] =	vst v11  }
0x1ac: {  	[tilespmem:v17+s15+$0x0] =	vst.idx.msk $0xffff, v2;
	v2 =	vadd.f32 v12, v0  }
0x1ad: {  	v12 =	vadd.f32 v5, v57;
	v5 =	vadd.s32 $0x8CD, v59;
	[tilespmem:v9+s15+$0x0] =	vst.idx.msk $0xffff, v1  }
0x1ae: {  	v13 =	vadd.f32 v13, v0;
	[tilespmem:v3+s15+$0x0] =	vst.idx.msk $0xffff, v2;
	v3 =	vadd.s32 $0x4E, v59  }
0x1af: {  	v9 =	vadd.f32 v6, v57;
	v6 =	vadd.s32 $0x8CE, v59;
	[tilespmem:v10+s15+$0x0] =	vst.idx.msk $0xffff, v12  }
0x1b0: {  	v10 =	vadd.f32 v14, v0;
	v12 =	vadd.s32 $0x4F, v59;
	[tilespmem:v4+s15+$0x0] =	vst.idx.msk $0xffff, v13  }
0x1b1: {  	v14 =	vadd.s32 $0x8CF, v59;
	v13 =	vadd.f32 v7, v57;
	[tilespmem:v11+s15+$0x0] =	vst.idx.msk $0xffff, v9  }
0x1b2: {  	v9 =	vadd.f32 v15, v0;
	[tilespmem:v5+s15+$0x0] =	vst.idx.msk $0xffff, v10  }
0x1b3: {  	v10 =	vadd.f32 v8, v57;
	[tilespmem:v3+s15+$0x0] =	vst.idx.msk $0xffff, v13  }
0x1b4: {  	v11 =	vadd.f32 v16, v0;
	[tilespmem:v6+s15+$0x0] =	vst.idx.msk $0xffff, v9  }
0x1b5: {  	[tilespmem:v12+s15+$0x0] =	vst.idx.msk $0xffff, v10  }
0x1b6: {  	[tilespmem:v14+s15+$0x0] =	vst.idx.msk $0xffff, v11  }
0x1b7: {  	v1 =	vld [tilespmem:$0x8700]  }
0x1b8: {  	v2 =	vld [tilespmem:$0x8720]  }
0x1b9: {  	[tilespmem:$0x1F850] =	vst v3;
	v3 =	vld [tilespmem:$0x8740]  }
0x1ba: {  	[tilespmem:$0x1F820] =	vst v4;
	v4 =	vld [tilespmem:$0x8760]  }
0x1bb: {  	[tilespmem:$0x1F840] =	vst v5;
	v5 =	vld [tilespmem:$0x8780]  }
0x1bc: {  	[tilespmem:$0x1F860] =	vst v6;
	v6 =	vld [tilespmem:$0x87A0]  }
0x1bd: {  	v7 =	vld [tilespmem:$0x87C0]  }
0x1be: {  	[tilespmem:$0x1F7A0] =	vst v18;
	v8 =	vld [tilespmem:$0x87E0]  }
0x1bf: {  	[tilespmem:$0x1F7B0] =	vst v19;
	v9 =	vld [tilespmem:$0x8710]  }
0x1c0: {  	[tilespmem:$0x1F7C0] =	vst v20;
	v10 =	vld [tilespmem:$0x8730]  }
0x1c1: {  	[tilespmem:$0x1F7E0] =	vst v17;
	v17 =	vadd.s32 $0x50, v59;
	v11 =	vld [tilespmem:$0x8750]  }
0x1c2: {  	v18 =	vadd.s32 $0x8D0, v59;
	[tilespmem:$0x1F870] =	vst v12;
	v12 =	vld [tilespmem:$0x8770]  }
0x1c3: {  	[tilespmem:$0x1F7D0] =	vst v21;
	v13 =	vld [tilespmem:$0x8790]  }
0x1c4: {  	[tilespmem:$0x1F880] =	vst v14;
	v14 =	vld [tilespmem:$0x87B0];
	v1 =	vadd.f32 v1, v57  }
0x1c5: {  	v19 =	vadd.s32 $0x51, v59;
	[tilespmem:$0x1F890] =	vst v17;
	v15 =	vld [tilespmem:$0x87D0];
	v9 =	vadd.f32 v9, v0  }
0x1c6: {  	v20 =	vadd.s32 $0x8D1, v59;
	v16 =	vld [tilespmem:$0x87F0];
	[tilespmem:v17+s15+$0x0] =	vst.idx.msk $0xffff, v1  }
0x1c7: {  	v1 =	vadd.f32 v2, v57;
	v2 =	vadd.f32 v10, v0;
	v10 =	vadd.s32 $0x54, v59;
	[tilespmem:v18+s15+$0x0] =	vst.idx.msk $0xffff, v9  }
0x1c8: {  	v21 =	vadd.s32 $0x52, v59;
	v9 =	vadd.s32 $0x53, v59;
	[tilespmem:$0x1F910] =	vst v10  }
0x1c9: {  	[tilespmem:$0x1F8F0] =	vst v9  }
0x1ca: {  	v17 =	vadd.s32 $0x8D2, v59;
	[tilespmem:v19+s15+$0x0] =	vst.idx.msk $0xffff, v1;
	v1 =	vadd.f32 v3, v57;
	v3 =	vadd.s32 $0x8D3, v59  }
0x1cb: {  	[tilespmem:$0x1F900] =	vst v3  }
0x1cc: {  	[tilespmem:v20+s15+$0x0] =	vst.idx.msk $0xffff, v2  }
0x1cd: {  	v2 =	vadd.f32 v11, v0;
	v11 =	vadd.s32 $0x55, v59;
	[tilespmem:v21+s15+$0x0] =	vst.idx.msk $0xffff, v1  }
0x1ce: {  	v1 =	vadd.f32 v4, v57;
	v4 =	vadd.s32 $0x8D4, v59;
	[tilespmem:$0x1F930] =	vst v11  }
0x1cf: {  	[tilespmem:v17+s15+$0x0] =	vst.idx.msk $0xffff, v2;
	v2 =	vadd.f32 v12, v0  }
0x1d0: {  	v12 =	vadd.f32 v5, v57;
	v5 =	vadd.s32 $0x8D5, v59;
	[tilespmem:v9+s15+$0x0] =	vst.idx.msk $0xffff, v1  }
0x1d1: {  	v13 =	vadd.f32 v13, v0;
	[tilespmem:v3+s15+$0x0] =	vst.idx.msk $0xffff, v2;
	v3 =	vadd.s32 $0x56, v59  }
0x1d2: {  	v9 =	vadd.f32 v6, v57;
	v6 =	vadd.s32 $0x8D6, v59;
	[tilespmem:v10+s15+$0x0] =	vst.idx.msk $0xffff, v12  }
0x1d3: {  	v10 =	vadd.f32 v14, v0;
	v12 =	vadd.s32 $0x57, v59;
	[tilespmem:v4+s15+$0x0] =	vst.idx.msk $0xffff, v13  }
0x1d4: {  	v14 =	vadd.s32 $0x8D7, v59;
	v13 =	vadd.f32 v7, v57;
	[tilespmem:v11+s15+$0x0] =	vst.idx.msk $0xffff, v9  }
0x1d5: {  	v9 =	vadd.f32 v15, v0;
	[tilespmem:v5+s15+$0x0] =	vst.idx.msk $0xffff, v10  }
0x1d6: {  	v10 =	vadd.f32 v8, v57;
	[tilespmem:v3+s15+$0x0] =	vst.idx.msk $0xffff, v13  }
0x1d7: {  	v11 =	vadd.f32 v16, v0;
	[tilespmem:v6+s15+$0x0] =	vst.idx.msk $0xffff, v9  }
0x1d8: {  	[tilespmem:v12+s15+$0x0] =	vst.idx.msk $0xffff, v10  }
0x1d9: {  	[tilespmem:v14+s15+$0x0] =	vst.idx.msk $0xffff, v11  }
0x1da: {  	v1 =	vld [tilespmem:$0x8800]  }
0x1db: {  	v2 =	vld [tilespmem:$0x8820]  }
0x1dc: {  	[tilespmem:$0x1F950] =	vst v3;
	v3 =	vld [tilespmem:$0x8840]  }
0x1dd: {  	[tilespmem:$0x1F920] =	vst v4;
	v4 =	vld [tilespmem:$0x8860]  }
0x1de: {  	[tilespmem:$0x1F940] =	vst v5;
	v5 =	vld [tilespmem:$0x8880]  }
0x1df: {  	[tilespmem:$0x1F960] =	vst v6;
	v6 =	vld [tilespmem:$0x88A0]  }
0x1e0: {  	[tilespmem:$0x1F8A0] =	vst v18;
	v7 =	vld [tilespmem:$0x88C0]  }
0x1e1: {  	[tilespmem:$0x1F8B0] =	vst v19;
	v8 =	vld [tilespmem:$0x88E0]  }
0x1e2: {  	[tilespmem:$0x1F8C0] =	vst v20;
	v9 =	vld [tilespmem:$0x8810]  }
0x1e3: {  	[tilespmem:$0x1F8D0] =	vst v21;
	v10 =	vld [tilespmem:$0x8830]  }
0x1e4: {  	[tilespmem:$0x1F8E0] =	vst v17;
	v17 =	vadd.s32 $0x58, v59;
	v11 =	vld [tilespmem:$0x8850]  }
0x1e5: {  	v18 =	vadd.s32 $0x8D8, v59;
	[tilespmem:$0x1F970] =	vst v12;
	v12 =	vld [tilespmem:$0x8870]  }
0x1e6: {  	[tilespmem:$0x1F9A0] =	vst v18;
	v13 =	vld [tilespmem:$0x8890]  }
0x1e7: {  	[tilespmem:$0x1F980] =	vst v14;
	v14 =	vld [tilespmem:$0x88B0];
	v1 =	vadd.f32 v1, v57  }
0x1e8: {  	v19 =	vadd.s32 $0x59, v59;
	[tilespmem:$0x1F990] =	vst v17;
	v15 =	vld [tilespmem:$0x88D0];
	v9 =	vadd.f32 v9, v0  }
0x1e9: {  	v20 =	vadd.s32 $0x8D9, v59;
	v16 =	vld [tilespmem:$0x88F0];
	[tilespmem:v17+s15+$0x0] =	vst.idx.msk $0xffff, v1  }
0x1ea: {  	v1 =	vadd.f32 v2, v57;
	v2 =	vadd.f32 v10, v0;
	v10 =	vadd.s32 $0x5C, v59;
	[tilespmem:v18+s15+$0x0] =	vst.idx.msk $0xffff, v9  }
0x1eb: {  	v21 =	vadd.s32 $0x5A, v59;
	v9 =	vadd.s32 $0x5B, v59;
	[tilespmem:$0x1FA10] =	vst v10  }
0x1ec: {  	[tilespmem:$0x1F9F0] =	vst v9  }
0x1ed: {  	v17 =	vadd.s32 $0x8DA, v59;
	[tilespmem:v19+s15+$0x0] =	vst.idx.msk $0xffff, v1;
	v1 =	vadd.f32 v3, v57;
	v3 =	vadd.s32 $0x8DB, v59  }
0x1ee: {  	[tilespmem:$0x1FA00] =	vst v3  }
0x1ef: {  	[tilespmem:v20+s15+$0x0] =	vst.idx.msk $0xffff, v2  }
0x1f0: {  	v2 =	vadd.f32 v11, v0;
	v11 =	vadd.s32 $0x5D, v59;
	[tilespmem:v21+s15+$0x0] =	vst.idx.msk $0xffff, v1  }
0x1f1: {  	v1 =	vadd.f32 v4, v57;
	v4 =	vadd.s32 $0x8DC, v59;
	[tilespmem:$0x1FA30] =	vst v11  }
0x1f2: {  	[tilespmem:v17+s15+$0x0] =	vst.idx.msk $0xffff, v2;
	v2 =	vadd.f32 v12, v0  }
0x1f3: {  	v12 =	vadd.f32 v5, v57;
	v5 =	vadd.s32 $0x8DD, v59;
	[tilespmem:v9+s15+$0x0] =	vst.idx.msk $0xffff, v1  }
0x1f4: {  	v13 =	vadd.f32 v13, v0;
	[tilespmem:v3+s15+$0x0] =	vst.idx.msk $0xffff, v2;
	v3 =	vadd.s32 $0x5E, v59  }
0x1f5: {  	v9 =	vadd.f32 v6, v57;
	v6 =	vadd.s32 $0x8DE, v59;
	[tilespmem:v10+s15+$0x0] =	vst.idx.msk $0xffff, v12  }
0x1f6: {  	v10 =	vadd.f32 v14, v0;
	v12 =	vadd.s32 $0x5F, v59;
	[tilespmem:v4+s15+$0x0] =	vst.idx.msk $0xffff, v13  }
0x1f7: {  	v14 =	vadd.s32 $0x8DF, v59;
	v13 =	vadd.f32 v7, v57;
	[tilespmem:v11+s15+$0x0] =	vst.idx.msk $0xffff, v9  }
0x1f8: {  	v9 =	vadd.f32 v15, v0;
	[tilespmem:v5+s15+$0x0] =	vst.idx.msk $0xffff, v10  }
0x1f9: {  	v10 =	vadd.f32 v8, v57;
	[tilespmem:v3+s15+$0x0] =	vst.idx.msk $0xffff, v13  }
0x1fa: {  	v11 =	vadd.f32 v16, v0;
	[tilespmem:v6+s15+$0x0] =	vst.idx.msk $0xffff, v9  }
0x1fb: {  	[tilespmem:v12+s15+$0x0] =	vst.idx.msk $0xffff, v10  }
0x1fc: {  	[tilespmem:v14+s15+$0x0] =	vst.idx.msk $0xffff, v11  }
0x1fd: {  	[tilespmem:$0x1F9B0] =	vst v19;
	v1 =	vld [tilespmem:$0x8900]  }
0x1fe: {  	[tilespmem:$0x1F9C0] =	vst v20;
	v2 =	vld [tilespmem:$0x8920]  }
0x1ff: {  	[tilespmem:$0x1FA50] =	vst v3;
	v3 =	vld [tilespmem:$0x8940]  }
0x200: {  	[tilespmem:$0x1FA20] =	vst v4;
	v4 =	vld [tilespmem:$0x8960]  }
0x201: {  	[tilespmem:$0x1FA40] =	vst v5;
	v5 =	vld [tilespmem:$0x8980]  }
0x202: {  	[tilespmem:$0x1FA60] =	vst v6;
	v6 =	vld [tilespmem:$0x89A0]  }
0x203: {  	[tilespmem:$0x1F9D0] =	vst v21;
	v7 =	vld [tilespmem:$0x89C0]  }
0x204: {  	[tilespmem:$0x1F9E0] =	vst v17;
	v18 =	vadd.s32 $0x8E0, v59;
	v8 =	vld [tilespmem:$0x89E0]  }
0x205: {  	[tilespmem:$0x1FAA0] =	vst v18;
	v19 =	vadd.s32 $0x61, v59;
	v9 =	vld [tilespmem:$0x8910]  }
0x206: {  	[tilespmem:$0x1FAB0] =	vst v19;
	v20 =	vadd.s32 $0x8E1, v59;
	v10 =	vld [tilespmem:$0x8930]  }
0x207: {  	[tilespmem:$0x1FAC0] =	vst v20;
	v17 =	vadd.s32 $0x60, v59;
	v11 =	vld [tilespmem:$0x8950]  }
0x208: {  	v21 =	vadd.s32 $0x62, v59;
	[tilespmem:$0x1FA70] =	vst v12;
	v12 =	vld [tilespmem:$0x8970]  }
0x209: {  	[tilespmem:$0x1FAD0] =	vst v21;
	v13 =	vld [tilespmem:$0x8990]  }
0x20a: {  	[tilespmem:$0x1FA80] =	vst v14;
	v14 =	vld [tilespmem:$0x89B0];
	v1 =	vadd.f32 v1, v57  }
0x20b: {  	[tilespmem:$0x1FA90] =	vst v17;
	v15 =	vld [tilespmem:$0x89D0]  }
0x20c: {  	v16 =	vld [tilespmem:$0x89F0];
	v9 =	vadd.f32 v9, v0;
	[tilespmem:v17+s15+$0x0] =	vst.idx.msk $0xffff, v1;
	v17 =	vadd.s32 $0x8E2, v59  }
0x20d: {  	[tilespmem:$0x1FAE0] =	vst v17  }
0x20e: {  	v1 =	vadd.f32 v2, v57;
	v2 =	vadd.f32 v10, v0;
	v10 =	vadd.s32 $0x64, v59;
	[tilespmem:v18+s15+$0x0] =	vst.idx.msk $0xffff, v9  }
0x20f: {  	v9 =	vadd.s32 $0x63, v59;
	[tilespmem:$0x1FB10] =	vst v10  }
0x210: {  	[tilespmem:$0x1FAF0] =	vst v9  }
0x211: {  	[tilespmem:v19+s15+$0x0] =	vst.idx.msk $0xffff, v1;
	v1 =	vadd.f32 v3, v57;
	v3 =	vadd.s32 $0x8E3, v59  }
0x212: {  	[tilespmem:$0x1FB00] =	vst v3  }
0x213: {  	[tilespmem:v20+s15+$0x0] =	vst.idx.msk $0xffff, v2  }
0x214: {  	v2 =	vadd.f32 v11, v0;
	v11 =	vadd.s32 $0x65, v59;
	[tilespmem:v21+s15+$0x0] =	vst.idx.msk $0xffff, v1  }
0x215: {  	v1 =	vadd.f32 v4, v57;
	v4 =	vadd.s32 $0x8E4, v59;
	[tilespmem:$0x1FB30] =	vst v11  }
0x216: {  	[tilespmem:$0x1FB20] =	vst v4  }
0x217: {  	[tilespmem:v17+s15+$0x0] =	vst.idx.msk $0xffff, v2;
	v2 =	vadd.f32 v12, v0  }
0x218: {  	v12 =	vadd.f32 v5, v57;
	v5 =	vadd.s32 $0x8E5, v59;
	[tilespmem:v9+s15+$0x0] =	vst.idx.msk $0xffff, v1  }
0x219: {  	v13 =	vadd.f32 v13, v0;
	[tilespmem:v3+s15+$0x0] =	vst.idx.msk $0xffff, v2;
	v3 =	vadd.s32 $0x66, v59  }
0x21a: {  	v9 =	vadd.f32 v6, v57;
	v6 =	vadd.s32 $0x8E6, v59;
	[tilespmem:v10+s15+$0x0] =	vst.idx.msk $0xffff, v12  }
0x21b: {  	v10 =	vadd.f32 v14, v0;
	v12 =	vadd.s32 $0x67, v59;
	[tilespmem:v4+s15+$0x0] =	vst.idx.msk $0xffff, v13  }
0x21c: {  	v14 =	vadd.s32 $0x8E7, v59;
	v13 =	vadd.f32 v7, v57;
	[tilespmem:v11+s15+$0x0] =	vst.idx.msk $0xffff, v9  }
0x21d: {  	v9 =	vadd.f32 v15, v0;
	[tilespmem:v5+s15+$0x0] =	vst.idx.msk $0xffff, v10  }
0x21e: {  	v10 =	vadd.f32 v8, v57;
	[tilespmem:v3+s15+$0x0] =	vst.idx.msk $0xffff, v13  }
0x21f: {  	v11 =	vadd.f32 v16, v0;
	[tilespmem:v6+s15+$0x0] =	vst.idx.msk $0xffff, v9  }
0x220: {  	[tilespmem:v12+s15+$0x0] =	vst.idx.msk $0xffff, v10  }
0x221: {  	[tilespmem:v14+s15+$0x0] =	vst.idx.msk $0xffff, v11  }
0x222: {  	[tilespmem:$0x1FB40] =	vst v5;
	v1 =	vld [tilespmem:$0x8A00]  }
0x223: {  	[tilespmem:$0x1FB60] =	vst v6;
	v2 =	vld [tilespmem:$0x8A20]  }
0x224: {  	[tilespmem:$0x1FB50] =	vst v3;
	v3 =	vld [tilespmem:$0x8A40]  }
0x225: {  	[tilespmem:$0x1FB70] =	vst v12;
	v4 =	vld [tilespmem:$0x8A60]  }
0x226: {  	[tilespmem:$0x1FB80] =	vst v14;
	v5 =	vld [tilespmem:$0x8A80]  }
0x227: {  	v6 =	vld [tilespmem:$0x8AA0]  }
0x228: {  	v7 =	vld [tilespmem:$0x8AC0]  }
0x229: {  	v8 =	vld [tilespmem:$0x8AE0]  }
0x22a: {  	v9 =	vld [tilespmem:$0x8A10]  }
0x22b: {  	v10 =	vld [tilespmem:$0x8A30]  }
0x22c: {  	v17 =	vadd.s32 $0x68, v59;
	v11 =	vld [tilespmem:$0x8A50]  }
0x22d: {  	v18 =	vadd.s32 $0x8E8, v59;
	v12 =	vld [tilespmem:$0x8A70]  }
0x22e: {  	v13 =	vld [tilespmem:$0x8A90]  }
0x22f: {  	v14 =	vld [tilespmem:$0x8AB0];
	v1 =	vadd.f32 v1, v57  }
0x230: {  	v19 =	vadd.s32 $0x69, v59;
	[tilespmem:$0x1FB90] =	vst v17;
	v15 =	vld [tilespmem:$0x8AD0];
	v9 =	vadd.f32 v9, v0  }
0x231: {  	v20 =	vadd.s32 $0x8E9, v59;
	v16 =	vld [tilespmem:$0x8AF0];
	[tilespmem:v17+s15+$0x0] =	vst.idx.msk $0xffff, v1  }
0x232: {  	v1 =	vadd.f32 v2, v57;
	v2 =	vadd.f32 v10, v0;
	v10 =	vadd.s32 $0x6C, v59;
	[tilespmem:v18+s15+$0x0] =	vst.idx.msk $0xffff, v9  }
0x233: {  	v21 =	vadd.s32 $0x6A, v59;
	v9 =	vadd.s32 $0x6B, v59;
	[tilespmem:$0x1FC10] =	vst v10  }
0x234: {  	[tilespmem:$0x1FBF0] =	vst v9  }
0x235: {  	v17 =	vadd.s32 $0x8EA, v59;
	[tilespmem:v19+s15+$0x0] =	vst.idx.msk $0xffff, v1;
	v1 =	vadd.f32 v3, v57;
	v3 =	vadd.s32 $0x8EB, v59  }
0x236: {  	[tilespmem:$0x1FC00] =	vst v3  }
0x237: {  	[tilespmem:v20+s15+$0x0] =	vst.idx.msk $0xffff, v2  }
0x238: {  	v2 =	vadd.f32 v11, v0;
	v11 =	vadd.s32 $0x6D, v59;
	[tilespmem:v21+s15+$0x0] =	vst.idx.msk $0xffff, v1  }
0x239: {  	v1 =	vadd.f32 v4, v57;
	v4 =	vadd.s32 $0x8EC, v59;
	[tilespmem:$0x1FC30] =	vst v11  }
0x23a: {  	[tilespmem:v17+s15+$0x0] =	vst.idx.msk $0xffff, v2;
	v2 =	vadd.f32 v12, v0  }
0x23b: {  	v12 =	vadd.f32 v5, v57;
	v5 =	vadd.s32 $0x8ED, v59;
	[tilespmem:v9+s15+$0x0] =	vst.idx.msk $0xffff, v1  }
0x23c: {  	v13 =	vadd.f32 v13, v0;
	[tilespmem:v3+s15+$0x0] =	vst.idx.msk $0xffff, v2;
	v3 =	vadd.s32 $0x6E, v59  }
0x23d: {  	v9 =	vadd.f32 v6, v57;
	v6 =	vadd.s32 $0x8EE, v59;
	[tilespmem:v10+s15+$0x0] =	vst.idx.msk $0xffff, v12  }
0x23e: {  	v10 =	vadd.f32 v14, v0;
	v12 =	vadd.s32 $0x6F, v59;
	[tilespmem:v4+s15+$0x0] =	vst.idx.msk $0xffff, v13  }
0x23f: {  	v14 =	vadd.s32 $0x8EF, v59;
	v13 =	vadd.f32 v7, v57;
	[tilespmem:v11+s15+$0x0] =	vst.idx.msk $0xffff, v9  }
0x240: {  	v9 =	vadd.f32 v15, v0;
	[tilespmem:v5+s15+$0x0] =	vst.idx.msk $0xffff, v10  }
0x241: {  	v10 =	vadd.f32 v8, v57;
	[tilespmem:v3+s15+$0x0] =	vst.idx.msk $0xffff, v13  }
0x242: {  	v11 =	vadd.f32 v16, v0;
	[tilespmem:v6+s15+$0x0] =	vst.idx.msk $0xffff, v9  }
0x243: {  	[tilespmem:v12+s15+$0x0] =	vst.idx.msk $0xffff, v10  }
0x244: {  	[tilespmem:v14+s15+$0x0] =	vst.idx.msk $0xffff, v11  }
0x245: {  	v1 =	vld [tilespmem:$0x8B00]  }
0x246: {  	v2 =	vld [tilespmem:$0x8B20]  }
0x247: {  	[tilespmem:$0x1FC50] =	vst v3;
	v3 =	vld [tilespmem:$0x8B40]  }
0x248: {  	[tilespmem:$0x1FC20] =	vst v4;
	v4 =	vld [tilespmem:$0x8B60]  }
0x249: {  	[tilespmem:$0x1FC40] =	vst v5;
	v5 =	vld [tilespmem:$0x8B80]  }
0x24a: {  	[tilespmem:$0x1FC60] =	vst v6;
	v6 =	vld [tilespmem:$0x8BA0]  }
0x24b: {  	v7 =	vld [tilespmem:$0x8BC0]  }
0x24c: {  	[tilespmem:$0x1FBA0] =	vst v18;
	v8 =	vld [tilespmem:$0x8BE0]  }
0x24d: {  	[tilespmem:$0x1FBB0] =	vst v19;
	v9 =	vld [tilespmem:$0x8B10]  }
0x24e: {  	[tilespmem:$0x1FBC0] =	vst v20;
	v10 =	vld [tilespmem:$0x8B30]  }
0x24f: {  	[tilespmem:$0x1FBE0] =	vst v17;
	v17 =	vadd.s32 $0x70, v59;
	v11 =	vld [tilespmem:$0x8B50]  }
0x250: {  	v18 =	vadd.s32 $0x8F0, v59;
	[tilespmem:$0x1FC70] =	vst v12;
	v12 =	vld [tilespmem:$0x8B70]  }
0x251: {  	[tilespmem:$0x1FBD0] =	vst v21;
	v13 =	vld [tilespmem:$0x8B90]  }
0x252: {  	[tilespmem:$0x1FC80] =	vst v14;
	v14 =	vld [tilespmem:$0x8BB0];
	v1 =	vadd.f32 v1, v57  }
0x253: {  	v19 =	vadd.s32 $0x71, v59;
	[tilespmem:$0x1FC90] =	vst v17;
	v15 =	vld [tilespmem:$0x8BD0];
	v9 =	vadd.f32 v9, v0  }
0x254: {  	v20 =	vadd.s32 $0x8F1, v59;
	v16 =	vld [tilespmem:$0x8BF0];
	[tilespmem:v17+s15+$0x0] =	vst.idx.msk $0xffff, v1  }
0x255: {  	v1 =	vadd.f32 v2, v57;
	v2 =	vadd.f32 v10, v0;
	v10 =	vadd.s32 $0x74, v59;
	[tilespmem:v18+s15+$0x0] =	vst.idx.msk $0xffff, v9  }
0x256: {  	v21 =	vadd.s32 $0x72, v59;
	v9 =	vadd.s32 $0x73, v59;
	[tilespmem:$0x1FD10] =	vst v10  }
0x257: {  	v17 =	vadd.s32 $0x8F2, v59;
	[tilespmem:$0x1FCF0] =	vst v9  }
0x258: {  	[tilespmem:v19+s15+$0x0] =	vst.idx.msk $0xffff, v1;
	v1 =	vadd.f32 v3, v57;
	v3 =	vadd.s32 $0x8F3, v59  }
0x259: {  	[tilespmem:$0x1FD00] =	vst v3  }
0x25a: {  	[tilespmem:v20+s15+$0x0] =	vst.idx.msk $0xffff, v2;
	v2 =	vadd.f32 v11, v0  }
0x25b: {  	[tilespmem:v21+s15+$0x0] =	vst.idx.msk $0xffff, v1;
	v1 =	vadd.f32 v4, v57  }
0x25c: {  	v11 =	vadd.s32 $0x75, v59;
	v4 =	vadd.s32 $0x8F4, v59;
	[tilespmem:v17+s15+$0x0] =	vst.idx.msk $0xffff, v2  }
0x25d: {  	v2 =	vadd.f32 v12, v0;
	v12 =	vadd.f32 v5, v57;
	v5 =	vadd.s32 $0x8F5, v59;
	[tilespmem:v9+s15+$0x0] =	vst.idx.msk $0xffff, v1  }
0x25e: {  	[tilespmem:$0x1FD40] =	vst v5  }
0x25f: {  	v13 =	vadd.f32 v13, v0;
	[tilespmem:v3+s15+$0x0] =	vst.idx.msk $0xffff, v2;
	v3 =	vadd.s32 $0x76, v59  }
0x260: {  	v9 =	vadd.f32 v6, v57;
	v6 =	vadd.s32 $0x8F6, v59;
	[tilespmem:v10+s15+$0x0] =	vst.idx.msk $0xffff, v12  }
0x261: {  	v10 =	vadd.f32 v14, v0;
	v12 =	vadd.s32 $0x77, v59;
	[tilespmem:v4+s15+$0x0] =	vst.idx.msk $0xffff, v13  }
0x262: {  	v14 =	vadd.s32 $0x8F7, v59;
	v13 =	vadd.f32 v7, v57;
	[tilespmem:v11+s15+$0x0] =	vst.idx.msk $0xffff, v9  }
0x263: {  	[tilespmem:v5+s15+$0x0] =	vst.idx.msk $0xffff, v10;
	v5 =	vadd.f32 v15, v0  }
0x264: {  	v9 =	vadd.f32 v8, v57;
	[tilespmem:v3+s15+$0x0] =	vst.idx.msk $0xffff, v13  }
0x265: {  	v10 =	vadd.f32 v16, v0;
	[tilespmem:v6+s15+$0x0] =	vst.idx.msk $0xffff, v5  }
0x266: {  	[tilespmem:v12+s15+$0x0] =	vst.idx.msk $0xffff, v9  }
0x267: {  	[tilespmem:v14+s15+$0x0] =	vst.idx.msk $0xffff, v10  }
0x268: {  	v1 =	vld [tilespmem:$0x8C00]  }
0x269: {  	v2 =	vld [tilespmem:$0x8C20]  }
0x26a: {  	[tilespmem:$0x1FD50] =	vst v3;
	v3 =	vld [tilespmem:$0x8C40]  }
0x26b: {  	[tilespmem:$0x1FD60] =	vst v6;
	v6 =	vld [tilespmem:$0x8C60]  }
0x26c: {  	v8 =	vld [tilespmem:$0x8C80]  }
0x26d: {  	[tilespmem:$0x1FD80] =	vst v14;
	v14 =	vld [tilespmem:$0x8CA0]  }
0x26e: {  	[tilespmem:$0x1FCA0] =	vst v18;
	v15 =	vld [tilespmem:$0x8CC0]  }
0x26f: {  	[tilespmem:$0x1FCB0] =	vst v19;
	v16 =	vld [tilespmem:$0x8CE0]  }
0x270: {  	[tilespmem:$0x1FCC0] =	vst v20;
	v9 =	vld [tilespmem:$0x8C10]  }
0x271: {  	[tilespmem:$0x1FCE0] =	vst v17;
	v10 =	vld [tilespmem:$0x8C30]  }
0x272: {  	[tilespmem:$0x1FD30] =	vst v11;
	v17 =	vadd.s32 $0x78, v59;
	v11 =	vld [tilespmem:$0x8C50]  }
0x273: {  	v18 =	vadd.s32 $0x8F8, v59;
	[tilespmem:$0x1FD20] =	vst v4;
	v4 =	vld [tilespmem:$0x8C70]  }
0x274: {  	[tilespmem:$0x1FCD0] =	vst v21;
	v5 =	vld [tilespmem:$0x8C90]  }
0x275: {  	v19 =	vadd.s32 $0x79, v59;
	[tilespmem:$0x1FD90] =	vst v17;
	v7 =	vld [tilespmem:$0x8CB0];
	v1 =	vadd.f32 v1, v57  }
0x276: {  	[tilespmem:$0x1FD70] =	vst v12;
	v12 =	vld [tilespmem:$0x8CD0];
	v9 =	vadd.f32 v9, v0  }
0x277: {  	v20 =	vadd.s32 $0x8F9, v59;
	v13 =	vld [tilespmem:$0x8CF0];
	[tilespmem:v17+s15+$0x0] =	vst.idx.msk $0xffff, v1  }
0x278: {  	v21 =	vadd.s32 $0x7A, v59;
	v1 =	vadd.f32 v2, v57;
	[tilespmem:v18+s15+$0x0] =	vst.idx.msk $0xffff, v9;
	v9 =	vadd.s32 $0x7B, v59  }
0x279: {  	v17 =	vadd.s32 $0x8FA, v59;
	[tilespmem:$0x1FDF0] =	vst v9  }
0x27a: {  	v2 =	vadd.f32 v10, v0;
	[tilespmem:v19+s15+$0x0] =	vst.idx.msk $0xffff, v1;
	v1 =	vadd.f32 v3, v57;
	v3 =	vadd.s32 $0x8FB, v59  }
0x27b: {  	[tilespmem:$0x1FE00] =	vst v3  }
0x27c: {  	[tilespmem:v20+s15+$0x0] =	vst.idx.msk $0xffff, v2;
	v2 =	vadd.f32 v11, v0  }
0x27d: {  	v10 =	vadd.s32 $0x7C, v59;
	v11 =	vadd.f32 v6, v57;
	[tilespmem:v21+s15+$0x0] =	vst.idx.msk $0xffff, v1  }
0x27e: {  	v6 =	vadd.s32 $0x8FC, v59;
	[tilespmem:v17+s15+$0x0] =	vst.idx.msk $0xffff, v2;
	v2 =	vadd.f32 v4, v0;
	v4 =	vadd.s32 $0x7D, v59  }
0x27f: {  	[tilespmem:$0x1FE30] =	vst v4  }
0x280: {  	v1 =	vadd.f32 v8, v57;
	v8 =	vadd.s32 $0x8FD, v59;
	[tilespmem:v9+s15+$0x0] =	vst.idx.msk $0xffff, v11  }
0x281: {  	[tilespmem:v3+s15+$0x0] =	vst.idx.msk $0xffff, v2;
	v2 =	vadd.f32 v5, v0;
	v3 =	vadd.s32 $0x7E, v59  }
0x282: {  	v14 =	vadd.f32 v14, v57;
	v9 =	vadd.s32 $0x8FE, v59;
	[tilespmem:v10+s15+$0x0] =	vst.idx.msk $0xffff, v1  }
0x283: {  	v11 =	vadd.f32 v7, v0;
	[tilespmem:v6+s15+$0x0] =	vst.idx.msk $0xffff, v2;
	v2 =	vadd.s32 $0x7F, v59  }
0x284: {  	v7 =	vadd.f32 v15, v57;
	v1 =	vadd.s32 $0x8FF, v59;
	[tilespmem:v4+s15+$0x0] =	vst.idx.msk $0xffff, v14  }
0x285: {  	v14 =	vadd.f32 v12, v0;
	[tilespmem:v8+s15+$0x0] =	vst.idx.msk $0xffff, v11  }
0x286: {  	v4 =	vadd.f32 v16, v57;
	[tilespmem:v3+s15+$0x0] =	vst.idx.msk $0xffff, v7  }
0x287: {  	v0 =	vadd.f32 v13, v0;
	[tilespmem:v9+s15+$0x0] =	vst.idx.msk $0xffff, v14  }
0x288: {  	[tilespmem:v2+s15+$0x0] =	vst.idx.msk $0xffff, v4  }
0x289: {  	s29 =	rddreg [dreg:$0x4];
	[tilespmem:v1+s15+$0x0] =	vst.idx.msk $0xffff, v0  }
0x28a: {  	[hbm4b:s23+s1] =	stream.linear.scatter [tilespmem:s15], [sflag:$0x3], $0x80, $0x38;
	[tilespmem:$0xBF00] =	vst v63  }
0x28b: {  	s30 =	sadd.s32 $0x10, s23;
	s31 =	rddreg [dreg:$0x5]  }
0x28c: {  	[hbm4b:s30+s1] =	stream.linear.scatter [tilespmem:s29], [sflag:$0x3], $0x80, $0x38;
	[tilespmem:$0xBF00] =	vst v63  }
0x28d: {  	s26 =	sadd.s32 $0x20, s23;
	s29 =	rddreg [dreg:$0x6]  }
0x28e: {  	[hbm4b:s26+s1] =	stream.linear.scatter [tilespmem:s31], [sflag:$0x3], $0x80, $0x38;
	[tilespmem:$0xBF00] =	vst v63  }
0x28f: {  	s30 =	sadd.s32 $0x30, s23;
	s31 =	rddreg [dreg:$0x7]  }
0x290: {  	[hbm4b:s30+s1] =	stream.linear.scatter [tilespmem:s29], [sflag:$0x3], $0x80, $0x38;
	[tilespmem:$0xBF00] =	vst v63  }
0x291: {  	s26 =	sadd.s32 $0x40, s23;
	s29 =	rddreg [dreg:$0x8]  }
0x292: {  	[hbm4b:s26+s1] =	stream.linear.scatter [tilespmem:s31], [sflag:$0x3], $0x80, $0x38;
	[tilespmem:$0xBF00] =	vst v63  }
0x293: {  	s30 =	sadd.s32 $0x50, s23;
	s31 =	rddreg [dreg:$0x9]  }
0x294: {  	[hbm4b:s30+s1] =	stream.linear.scatter [tilespmem:s29], [sflag:$0x3], $0x80, $0x38;
	[tilespmem:$0xBF00] =	vst v63  }
0x295: {  	s26 =	sadd.s32 $0x60, s23;
	s29 =	rddreg [dreg:$0xa]  }
0x296: {  	[hbm4b:s26+s1] =	stream.linear.scatter [tilespmem:s31], [sflag:$0x3], $0x80, $0x38;
	[tilespmem:$0xBF00] =	vst v63  }
0x297: {  	s30 =	sadd.s32 $0x70, s23;
	s31 =	rddreg [dreg:$0xb]  }
0x298: {  	[hbm4b:s30+s1] =	stream.linear.scatter [tilespmem:s29], [sflag:$0x3], $0x80, $0x38;
	[tilespmem:$0xBF00] =	vst v63  }
0x299: {  	s26 =	sadd.s32 $0x1000, s23;
	s29 =	rddreg [dreg:$0xc]  }
0x29a: {  	[hbm4b:s26+s1] =	stream.linear.scatter [tilespmem:s31], [sflag:$0x3], $0x80, $0x38;
	[tilespmem:$0xBF00] =	vst v63  }
0x29b: {  	s30 =	sadd.s32 $0x1010, s23;
	s31 =	rddreg [dreg:$0xd]  }
0x29c: {  	[hbm4b:s30+s1] =	stream.linear.scatter [tilespmem:s29], [sflag:$0x3], $0x80, $0x38;
	[tilespmem:$0xBF00] =	vst v63  }
0x29d: {  	s26 =	sadd.s32 $0x1020, s23;
	s29 =	rddreg [dreg:$0xe]  }
0x29e: {  	[hbm4b:s26+s1] =	stream.linear.scatter [tilespmem:s31], [sflag:$0x3], $0x80, $0x38;
	[tilespmem:$0xBF00] =	vst v63  }
0x29f: {  	s30 =	sadd.s32 $0x1030, s23;
	s31 =	rddreg [dreg:$0xf]  }
0x2a0: {  	[hbm4b:s30+s1] =	stream.linear.scatter [tilespmem:s29], [sflag:$0x3], $0x80, $0x38;
	[tilespmem:$0xBF00] =	vst v63  }
0x2a1: {  	s26 =	sadd.s32 $0x1040, s23;
	s29 =	rddreg [dreg:$0x10]  }
0x2a2: {  	[hbm4b:s26+s1] =	stream.linear.scatter [tilespmem:s31], [sflag:$0x3], $0x80, $0x38;
	[tilespmem:$0xBF00] =	vst v63  }
0x2a3: {  	s30 =	sadd.s32 $0x1050, s23;
	s31 =	rddreg [dreg:$0x11]  }
0x2a4: {  	[hbm4b:s30+s1] =	stream.linear.scatter [tilespmem:s29], [sflag:$0x3], $0x80, $0x38;
	[tilespmem:$0xBF00] =	vst v63  }
0x2a5: {  	s26 =	sadd.s32 $0x1060, s23;
	s29 =	rddreg [dreg:$0x12]  }
0x2a6: {  	[hbm4b:s26+s1] =	stream.linear.scatter [tilespmem:s31], [sflag:$0x3], $0x80, $0x38;
	[tilespmem:$0xBF00] =	vst v63  }
0x2a7: {  	s30 =	sadd.s32 $0x1070, s23;
	s31 =	rddreg [dreg:$0x13]  }
0x2a8: {  	[hbm4b:s30+s1] =	stream.linear.scatter [tilespmem:s29], [sflag:$0x3], $0x80, $0x38;
	[tilespmem:$0xBF00] =	vst v63  }
0x2a9: {  	s26 =	sadd.s32 $0x2000, s23;
	s29 =	rddreg [dreg:$0x14]  }
0x2aa: {  	[hbm4b:s26+s1] =	stream.linear.scatter [tilespmem:s31], [sflag:$0x3], $0x80, $0x38;
	[tilespmem:$0xBF00] =	vst v63  }
0x2ab: {  	s30 =	sadd.s32 $0x2010, s23;
	s31 =	rddreg [dreg:$0x15]  }
0x2ac: {  	[hbm4b:s30+s1] =	stream.linear.scatter [tilespmem:s29], [sflag:$0x3], $0x80, $0x38;
	[tilespmem:$0xBF00] =	vst v63  }
0x2ad: {  	s26 =	sadd.s32 $0x2020, s23;
	s29 =	rddreg [dreg:$0x16]  }
0x2ae: {  	[hbm4b:s26+s1] =	stream.linear.scatter [tilespmem:s31], [sflag:$0x3], $0x80, $0x38;
	[tilespmem:$0xBF00] =	vst v63  }
0x2af: {  	s30 =	sadd.s32 $0x2030, s23;
	s31 =	rddreg [dreg:$0x17]  }
0x2b0: {  	[hbm4b:s30+s1] =	stream.linear.scatter [tilespmem:s29], [sflag:$0x3], $0x80, $0x38;
	[tilespmem:$0xBF00] =	vst v63  }
0x2b1: {  	[tilespmem:$0x1FDA0] =	vst v18;
	s26 =	sadd.s32 $0x2040, s23;
	s29 =	rddreg [dreg:$0x18]  }
0x2b2: {  	[hbm4b:s26+s1] =	stream.linear.scatter [tilespmem:s31], [sflag:$0x3], $0x80, $0x38;
	[tilespmem:$0xBF00] =	vst v63  }
0x2b3: {  	[tilespmem:$0x1FDB0] =	vst v19;
	s30 =	sadd.s32 $0x2050, s23;
	s31 =	rddreg [dreg:$0x19]  }
0x2b4: {  	[hbm4b:s30+s1] =	stream.linear.scatter [tilespmem:s29], [sflag:$0x3], $0x80, $0x38;
	[tilespmem:$0xBF00] =	vst v63  }
0x2b5: {  	[tilespmem:$0x1FDC0] =	vst v20;
	s26 =	sadd.s32 $0x2060, s23;
	s29 =	rddreg [dreg:$0x1a]  }
0x2b6: {  	[hbm4b:s26+s1] =	stream.linear.scatter [tilespmem:s31], [sflag:$0x3], $0x80, $0x38;
	[tilespmem:$0xBF00] =	vst v63  }
0x2b7: {  	[tilespmem:$0x1FDD0] =	vst v21;
	s30 =	sadd.s32 $0x2070, s23;
	s31 =	rddreg [dreg:$0x1b]  }
0x2b8: {  	[hbm4b:s30+s1] =	stream.linear.scatter [tilespmem:s29], [sflag:$0x3], $0x80, $0x38;
	[tilespmem:$0xBF00] =	vst v63  }
0x2b9: {  	[tilespmem:$0x1FDE0] =	vst v17;
	s26 =	sadd.s32 $0x3000, s23;
	s29 =	rddreg [dreg:$0x1c]  }
0x2ba: {  	[hbm4b:s26+s1] =	stream.linear.scatter [tilespmem:s31], [sflag:$0x3], $0x80, $0x38;
	[tilespmem:$0xBF00] =	vst v63  }
0x2bb: {  	[tilespmem:$0x1FE10] =	vst v10;
	s30 =	sadd.s32 $0x3010, s23;
	s31 =	rddreg [dreg:$0x1d]  }
0x2bc: {  	[hbm4b:s30+s1] =	stream.linear.scatter [tilespmem:s29], [sflag:$0x3], $0x80, $0x38;
	[tilespmem:$0xBF00] =	vst v63  }
0x2bd: {  	[tilespmem:$0x1FE20] =	vst v6;
	s26 =	sadd.s32 $0x3020, s23;
	s29 =	rddreg [dreg:$0x1e]  }
0x2be: {  	[hbm4b:s26+s1] =	stream.linear.scatter [tilespmem:s31], [sflag:$0x3], $0x80, $0x38;
	[tilespmem:$0xBF00] =	vst v63  }
0x2bf: {  	[tilespmem:$0x1FE40] =	vst v8;
	s30 =	sadd.s32 $0x3030, s23;
	s31 =	rddreg [dreg:$0x1f]  }
0x2c0: {  	[hbm4b:s30+s1] =	stream.linear.scatter [tilespmem:s29], [sflag:$0x3], $0x80, $0x38;
	[tilespmem:$0xBF00] =	vst v63  }
0x2c1: {  	[tilespmem:$0x1FE60] =	vst v9;
	s29 =	sadd.s32 $0x3040, s23;
	s30 =	sld [smem:$0x7DC]  }
0x2c2: {  	[hbm4b:s29+s1] =	stream.linear.scatter [tilespmem:s31], [sflag:$0x3], $0x80, $0x38;
	[tilespmem:$0xBF00] =	vst v63  }
0x2c3: {  	[tilespmem:$0x1FE50] =	vst v3;
	s31 =	sadd.s32 $0x3050, s23;
	s29 =	sld [smem:$0x7DD]  }
0x2c4: {  	[hbm4b:s31+s1] =	stream.linear.scatter [tilespmem:s30], [sflag:$0x3], $0x80, $0x38;
	[tilespmem:$0xBF00] =	vst v63  }
0x2c5: {  	[tilespmem:$0x1FE80] =	vst v1;
	s30 =	sadd.s32 $0x3060, s23;
	s31 =	sld [smem:$0x7DE]  }
0x2c6: {  	v18 =	vld [tilespmem:$0x1FFC0];
	[hbm4b:s30+s1] =	stream.linear.scatter [tilespmem:s29], [sflag:$0x3], $0x80, $0x38  }
0x2c7: {  	p0 =	seq.s32 s24, $0x18C00;
	s28 =	sadd.s32 $0x3070, s23;
	v19 =	vld [tilespmem:$0x1FFD0];
	[tilespmem:$0x1FE70] =	vst v2  }
0x2c8: {  	v20 =	vld [tilespmem:$0x1FFE0];
	[hbm4b:s28+s1] =	stream.linear.scatter [tilespmem:s31], [sflag:$0x3], $0x80, $0x38  }
0x2c9: {  	s25 =	sshra.s32 @!p0 s24, $0x2;
	v21 =	vld [tilespmem:$0x1FFF0];
	_ =	swait.ge [sflag:s16], $0x1000  }
0x2ca: {  	s25 =	sadd.s32 @!p0 $0x100, s25;
	[sflag:s16] =	ssyncset.done $0x0  }
0x2cb: {  	s26 =	simm.s32 @!p0 $0x80;
	s28 =	simm.s32 @!p0 $0x7D00;
	[sflag:s16] =	ssyncadd.s32 $0xFFFFF000  }
0x2cc: {  	[tilespmem:s28], [sflag:$0x1] =	stream.indirect.gather @!p0 [hbm4b:s2+s26], $0x20, s25, s26, $0xb8;
	[tilespmem:$0xBF00] =	vst v63  }
0x2cd: {  	_ =	swait.ge [sflag:s17], $0x1000  }
0x2ce: {  	[sflag:s17] =	ssyncset.done $0x0  }
0x2cf: {  	[sflag:s17] =	ssyncadd.s32 $0xFFFFF000  }
0x2d0: {  	v57 =	vld [tilespmem:s21+$0x0]  }
0x2d1: {  	v0 =	vld [tilespmem:s21+$0x10]  }
0x2d2: {  	v5 =	vld [tilespmem:$0x8D00]  }
0x2d3: {  	v7 =	vld [tilespmem:$0x8D20]  }
0x2d4: {  	v8 =	vld [tilespmem:$0x8D40]  }
0x2d5: {  	v12 =	vld [tilespmem:$0x8D60]  }
0x2d6: {  	v13 =	vld [tilespmem:$0x8D80]  }
0x2d7: {  	v14 =	vld [tilespmem:$0x8DA0]  }
0x2d8: {  	v15 =	vld [tilespmem:$0x8DC0]  }
0x2d9: {  	v16 =	vld [tilespmem:$0x8DE0]  }
0x2da: {  	v1 =	vld [tilespmem:$0x8D10]  }
0x2db: {  	v2 =	vld [tilespmem:$0x8D30]  }
0x2dc: {  	v3 =	vld [tilespmem:$0x8D50]  }
0x2dd: {  	v4 =	vld [tilespmem:$0x8D70]  }
0x2de: {  	v6 =	vld [tilespmem:$0x8D90]  }
0x2df: {  	v9 =	vld [tilespmem:$0x8DB0]  }
0x2e0: {  	v10 =	vld [tilespmem:$0x8DD0];
	v5 =	vadd.f32 v5, v57  }
0x2e1: {  	v11 =	vld [tilespmem:$0x8DF0]  }
0x2e2: {  	[tilespmem:v59+s18+$0x0] =	vst.idx.msk $0xffff, v5;
	v5 =	vadd.f32 v7, v57;
	v7 =	vld [tilespmem:$0x1FFB0];
	_ =	sdelay $0x5  }
0x2e3: {  	v1 =	vadd.f32 v1, v0;
	_ =	sdelay $0x1  }
0x2e4: {  	[tilespmem:v7+s18+$0x0] =	vst.idx.msk $0xffff, v1;
	v7 =	vadd.f32 v2, v0  }
0x2e5: {  	v8 =	vadd.f32 v8, v57;
	[tilespmem:v18+s18+$0x0] =	vst.idx.msk $0xffff, v5  }
0x2e6: {  	v5 =	vadd.f32 v3, v0;
	[tilespmem:v19+s18+$0x0] =	vst.idx.msk $0xffff, v7  }
0x2e7: {  	v7 =	vadd.f32 v12, v57;
	[tilespmem:v20+s18+$0x0] =	vst.idx.msk $0xffff, v8  }
0x2e8: {  	v8 =	vadd.f32 v4, v0;
	[tilespmem:v21+s18+$0x0] =	vst.idx.msk $0xffff, v5  }
0x2e9: {  	v12 =	vadd.f32 v13, v57;
	[tilespmem:v22+s18+$0x0] =	vst.idx.msk $0xffff, v7  }
0x2ea: {  	v13 =	vadd.f32 v6, v0;
	[tilespmem:v23+s18+$0x0] =	vst.idx.msk $0xffff, v8  }
0x2eb: {  	v14 =	vadd.f32 v14, v57;
	[tilespmem:v24+s18+$0x0] =	vst.idx.msk $0xffff, v12  }
0x2ec: {  	v4 =	vadd.f32 v9, v0;
	[tilespmem:v25+s18+$0x0] =	vst.idx.msk $0xffff, v13  }
0x2ed: {  	v5 =	vadd.f32 v15, v57;
	[tilespmem:v26+s18+$0x0] =	vst.idx.msk $0xffff, v14  }
0x2ee: {  	v6 =	vadd.f32 v10, v0;
	[tilespmem:v27+s18+$0x0] =	vst.idx.msk $0xffff, v4  }
0x2ef: {  	v7 =	vadd.f32 v16, v57;
	[tilespmem:v28+s18+$0x0] =	vst.idx.msk $0xffff, v5  }
0x2f0: {  	v8 =	vadd.f32 v11, v0;
	[tilespmem:v29+s18+$0x0] =	vst.idx.msk $0xffff, v6  }
0x2f1: {  	[tilespmem:v30+s18+$0x0] =	vst.idx.msk $0xffff, v7  }
0x2f2: {  	[tilespmem:v31+s18+$0x0] =	vst.idx.msk $0xffff, v8  }
0x2f3: {  	v1 =	vld [tilespmem:$0x8E00]  }
0x2f4: {  	v2 =	vld [tilespmem:$0x8E20]  }
0x2f5: {  	v3 =	vld [tilespmem:$0x8E40]  }
0x2f6: {  	v4 =	vld [tilespmem:$0x8E60]  }
0x2f7: {  	v5 =	vld [tilespmem:$0x8E80]  }
0x2f8: {  	v6 =	vld [tilespmem:$0x8EA0]  }
0x2f9: {  	v7 =	vld [tilespmem:$0x8EC0]  }
0x2fa: {  	v8 =	vld [tilespmem:$0x8EE0]  }
0x2fb: {  	v9 =	vld [tilespmem:$0x8E10]  }
0x2fc: {  	v10 =	vld [tilespmem:$0x8E30]  }
0x2fd: {  	v11 =	vld [tilespmem:$0x8E50]  }
0x2fe: {  	v12 =	vld [tilespmem:$0x8E70]  }
0x2ff: {  	v13 =	vld [tilespmem:$0x8E90]  }
0x300: {  	v14 =	vld [tilespmem:$0x8EB0];
	v1 =	vadd.f32 v1, v57  }
0x301: {  	v15 =	vld [tilespmem:$0x8ED0];
	v9 =	vadd.f32 v9, v0  }
0x302: {  	v16 =	vld [tilespmem:$0x8EF0];
	[tilespmem:v32+s18+$0x0] =	vst.idx.msk $0xffff, v1;
	v1 =	vadd.f32 v2, v57  }
0x303: {  	[tilespmem:v33+s18+$0x0] =	vst.idx.msk $0xffff, v9;
	v9 =	vadd.f32 v10, v0  }
0x304: {  	v10 =	vadd.f32 v3, v57;
	[tilespmem:v34+s18+$0x0] =	vst.idx.msk $0xffff, v1  }
0x305: {  	[tilespmem:v35+s18+$0x0] =	vst.idx.msk $0xffff, v9;
	v9 =	vadd.f32 v11, v0  }
0x306: {  	[tilespmem:v36+s18+$0x0] =	vst.idx.msk $0xffff, v10;
	v10 =	vadd.f32 v4, v57  }
0x307: {  	v11 =	vadd.f32 v12, v0;
	[tilespmem:v37+s18+$0x0] =	vst.idx.msk $0xffff, v9  }
0x308: {  	v12 =	vadd.f32 v5, v57;
	[tilespmem:v38+s18+$0x0] =	vst.idx.msk $0xffff, v10  }
0x309: {  	v13 =	vadd.f32 v13, v0;
	[tilespmem:v39+s18+$0x0] =	vst.idx.msk $0xffff, v11  }
0x30a: {  	v4 =	vadd.f32 v6, v57;
	[tilespmem:v40+s18+$0x0] =	vst.idx.msk $0xffff, v12  }
0x30b: {  	v5 =	vadd.f32 v14, v0;
	[tilespmem:v41+s18+$0x0] =	vst.idx.msk $0xffff, v13  }
0x30c: {  	v6 =	vadd.f32 v7, v57;
	[tilespmem:v42+s18+$0x0] =	vst.idx.msk $0xffff, v4  }
0x30d: {  	v7 =	vadd.f32 v15, v0;
	[tilespmem:v43+s18+$0x0] =	vst.idx.msk $0xffff, v5  }
0x30e: {  	v8 =	vadd.f32 v8, v57;
	[tilespmem:v44+s18+$0x0] =	vst.idx.msk $0xffff, v6  }
0x30f: {  	v9 =	vadd.f32 v16, v0;
	[tilespmem:v45+s18+$0x0] =	vst.idx.msk $0xffff, v7  }
0x310: {  	[tilespmem:v46+s18+$0x0] =	vst.idx.msk $0xffff, v8  }
0x311: {  	[tilespmem:v47+s18+$0x0] =	vst.idx.msk $0xffff, v9  }
0x312: {  	v1 =	vld [tilespmem:$0x8F00]  }
0x313: {  	v2 =	vld [tilespmem:$0x8F20]  }
0x314: {  	v3 =	vld [tilespmem:$0x8F40]  }
0x315: {  	v4 =	vld [tilespmem:$0x8F60]  }
0x316: {  	v5 =	vld [tilespmem:$0x8F80]  }
0x317: {  	v6 =	vld [tilespmem:$0x8FA0]  }
0x318: {  	v7 =	vld [tilespmem:$0x8FC0]  }
0x319: {  	v8 =	vld [tilespmem:$0x8FE0]  }
0x31a: {  	v9 =	vld [tilespmem:$0x8F10]  }
0x31b: {  	v10 =	vld [tilespmem:$0x8F30]  }
0x31c: {  	v11 =	vld [tilespmem:$0x8F50]  }
0x31d: {  	v12 =	vld [tilespmem:$0x8F70]  }
0x31e: {  	v13 =	vld [tilespmem:$0x8F90]  }
0x31f: {  	v14 =	vld [tilespmem:$0x8FB0];
	v1 =	vadd.f32 v1, v57  }
0x320: {  	v15 =	vld [tilespmem:$0x8FD0];
	v9 =	vadd.f32 v9, v0  }
0x321: {  	v16 =	vld [tilespmem:$0x8FF0];
	[tilespmem:v48+s18+$0x0] =	vst.idx.msk $0xffff, v1;
	v1 =	vadd.f32 v2, v57  }
0x322: {  	v10 =	vadd.f32 v10, v0;
	[tilespmem:v49+s18+$0x0] =	vst.idx.msk $0xffff, v9  }
0x323: {  	v9 =	vadd.f32 v3, v57;
	[tilespmem:v50+s18+$0x0] =	vst.idx.msk $0xffff, v1  }
0x324: {  	[tilespmem:v51+s18+$0x0] =	vst.idx.msk $0xffff, v10;
	v10 =	vadd.f32 v11, v0  }
0x325: {  	v11 =	vadd.f32 v4, v57;
	[tilespmem:v52+s18+$0x0] =	vst.idx.msk $0xffff, v9  }
0x326: {  	v5 =	vadd.f32 v5, v57;
	v4 =	vadd.f32 v12, v0;
	[tilespmem:v53+s18+$0x0] =	vst.idx.msk $0xffff, v10  }
0x327: {  	v12 =	vadd.f32 v7, v57;
	v7 =	vld [tilespmem:$0x1FE90];
	v9 =	vadd.f32 v13, v0;
	[tilespmem:v54+s18+$0x0] =	vst.idx.msk $0xffff, v11  }
0x328: {  	v11 =	vadd.f32 v14, v0;
	v14 =	vadd.f32 v8, v57;
	v8 =	vld [tilespmem:$0x1FEA0];
	[tilespmem:v55+s18+$0x0] =	vst.idx.msk $0xffff, v4  }
0x329: {  	v10 =	vadd.f32 v6, v57;
	[tilespmem:v56+s18+$0x0] =	vst.idx.msk $0xffff, v5  }
0x32a: {  	[tilespmem:v58+s18+$0x0] =	vst.idx.msk $0xffff, v9  }
0x32b: {  	[tilespmem:v60+s18+$0x0] =	vst.idx.msk $0xffff, v10  }
0x32c: {  	v13 =	vadd.f32 v15, v0;
	[tilespmem:v61+s18+$0x0] =	vst.idx.msk $0xffff, v11  }
0x32d: {  	[tilespmem:v62+s18+$0x0] =	vst.idx.msk $0xffff, v12  }
0x32e: {  	v6 =	vadd.f32 v16, v0;
	[tilespmem:v63+s18+$0x0] =	vst.idx.msk $0xffff, v13  }
0x32f: {  	[tilespmem:v7+s18+$0x0] =	vst.idx.msk $0xffff, v14  }
0x330: {  	v17 =	vld [tilespmem:$0x1FEB0];
	[tilespmem:v8+s18+$0x0] =	vst.idx.msk $0xffff, v6  }
0x331: {  	v1 =	vld [tilespmem:$0x9000]  }
0x332: {  	v2 =	vld [tilespmem:$0x9020]  }
0x333: {  	v3 =	vld [tilespmem:$0x9040]  }
0x334: {  	v4 =	vld [tilespmem:$0x9060]  }
0x335: {  	v5 =	vld [tilespmem:$0x9080]  }
0x336: {  	v6 =	vld [tilespmem:$0x90A0]  }
0x337: {  	v7 =	vld [tilespmem:$0x90C0]  }
0x338: {  	v8 =	vld [tilespmem:$0x90E0]  }
0x339: {  	v9 =	vld [tilespmem:$0x9010]  }
0x33a: {  	v10 =	vld [tilespmem:$0x9030]  }
0x33b: {  	v11 =	vld [tilespmem:$0x9050]  }
0x33c: {  	v12 =	vld [tilespmem:$0x9070]  }
0x33d: {  	v13 =	vld [tilespmem:$0x9090]  }
0x33e: {  	v14 =	vld [tilespmem:$0x90B0]  }
0x33f: {  	v15 =	vld [tilespmem:$0x90D0];
	v1 =	vadd.f32 v1, v57  }
0x340: {  	v16 =	vld [tilespmem:$0x90F0]  }
0x341: {  	[tilespmem:v17+s18+$0x0] =	vst.idx.msk $0xffff, v1;
	v1 =	vadd.f32 v2, v57;
	v2 =	vld [tilespmem:$0x1FEC0];
	_ =	sdelay $0x5  }
0x342: {  	v9 =	vadd.f32 v9, v0;
	_ =	sdelay $0x1  }
0x343: {  	[tilespmem:v2+s18+$0x0] =	vst.idx.msk $0xffff, v9;
	v9 =	vld [tilespmem:$0x1FED0];
	_ =	sdelay $0x7  }
0x344: {  	[tilespmem:v9+s18+$0x0] =	vst.idx.msk $0xffff, v1;
	v9 =	vld [tilespmem:$0x1FEE0];
	_ =	sdelay $0x5  }
0x345: {  	v2 =	vadd.f32 v10, v0  }
0x346: {  	v10 =	vadd.f32 v11, v0;
	v11 =	vld [tilespmem:$0x1FEF0]  }
0x347: {  	[tilespmem:v9+s18+$0x0] =	vst.idx.msk $0xffff, v2;
	v9 =	vld [tilespmem:$0x1FF00];
	_ =	sdelay $0x4  }
0x348: {  	v1 =	vadd.f32 v3, v57;
	_ =	sdelay $0x1  }
0x349: {  	[tilespmem:v11+s18+$0x0] =	vst.idx.msk $0xffff, v1;
	v11 =	vld [tilespmem:$0x1FF10]  }
0x34a: {  	[tilespmem:v9+s18+$0x0] =	vst.idx.msk $0xffff, v10;
	v9 =	vld [tilespmem:$0x1FF20];
	_ =	sdelay $0x4  }
0x34b: {  	v1 =	vadd.f32 v4, v57  }
0x34c: {  	v10 =	vadd.f32 v12, v0  }
0x34d: {  	[tilespmem:v11+s18+$0x0] =	vst.idx.msk $0xffff, v1;
	v11 =	vld [tilespmem:$0x1FF30]  }
0x34e: {  	[tilespmem:v9+s18+$0x0] =	vst.idx.msk $0xffff, v10;
	v10 =	vadd.f32 v13, v0;
	v13 =	vld [tilespmem:$0x1FF40];
	_ =	sdelay $0x4  }
0x34f: {  	v12 =	vadd.f32 v5, v57;
	_ =	sdelay $0x1  }
0x350: {  	[tilespmem:v11+s18+$0x0] =	vst.idx.msk $0xffff, v12;
	v12 =	vadd.f32 v6, v57;
	v6 =	vld [tilespmem:$0x1FF50]  }
0x351: {  	[tilespmem:v13+s18+$0x0] =	vst.idx.msk $0xffff, v10;
	v10 =	vld [tilespmem:$0x1FF60];
	_ =	sdelay $0x5  }
0x352: {  	v14 =	vadd.f32 v14, v0  }
0x353: {  	[tilespmem:v6+s18+$0x0] =	vst.idx.msk $0xffff, v12;
	v12 =	vld [tilespmem:$0x1FF70]  }
0x354: {  	[tilespmem:v10+s18+$0x0] =	vst.idx.msk $0xffff, v14;
	v14 =	vld [tilespmem:$0x1FF80]  }
0x355: {  	v9 =	vadd.f32 v7, v57;
	v7 =	vld [tilespmem:$0x1FF90]  }
0x356: {  	v13 =	vadd.f32 v8, v57;
	v8 =	vld [tilespmem:$0x1FFA0];
	_ =	sdelay $0x3  }
0x357: {  	v11 =	vadd.f32 v15, v0  }
0x358: {  	[tilespmem:v12+s18+$0x0] =	vst.idx.msk $0xffff, v9  }
0x359: {  	v6 =	vadd.f32 v16, v0;
	[tilespmem:v14+s18+$0x0] =	vst.idx.msk $0xffff, v11  }
0x35a: {  	[tilespmem:v7+s18+$0x0] =	vst.idx.msk $0xffff, v13  }
0x35b: {  	v17 =	vld [tilespmem:$0x1F290];
	[tilespmem:v8+s18+$0x0] =	vst.idx.msk $0xffff, v6  }
0x35c: {  	v1 =	vld [tilespmem:$0x9100]  }
0x35d: {  	v2 =	vld [tilespmem:$0x9120]  }
0x35e: {  	v3 =	vld [tilespmem:$0x9140]  }
0x35f: {  	v4 =	vld [tilespmem:$0x9160]  }
0x360: {  	v5 =	vld [tilespmem:$0x9180]  }
0x361: {  	v6 =	vld [tilespmem:$0x91A0]  }
0x362: {  	v7 =	vld [tilespmem:$0x91C0]  }
0x363: {  	v8 =	vld [tilespmem:$0x91E0]  }
0x364: {  	v9 =	vld [tilespmem:$0x9110]  }
0x365: {  	v10 =	vld [tilespmem:$0x9130]  }
0x366: {  	v11 =	vld [tilespmem:$0x9150]  }
0x367: {  	v12 =	vld [tilespmem:$0x9170]  }
0x368: {  	v13 =	vld [tilespmem:$0x9190]  }
0x369: {  	v14 =	vld [tilespmem:$0x91B0]  }
0x36a: {  	v15 =	vld [tilespmem:$0x91D0];
	v1 =	vadd.f32 v1, v57  }
0x36b: {  	v16 =	vld [tilespmem:$0x91F0]  }
0x36c: {  	[tilespmem:v17+s18+$0x0] =	vst.idx.msk $0xffff, v1;
	v1 =	vadd.f32 v2, v57;
	v2 =	vld [tilespmem:$0x1F2A0];
	_ =	sdelay $0x5  }
0x36d: {  	v9 =	vadd.f32 v9, v0;
	_ =	sdelay $0x1  }
0x36e: {  	[tilespmem:v2+s18+$0x0] =	vst.idx.msk $0xffff, v9;
	v9 =	vld [tilespmem:$0x1F2B0];
	_ =	sdelay $0x7  }
0x36f: {  	[tilespmem:v9+s18+$0x0] =	vst.idx.msk $0xffff, v1;
	v9 =	vld [tilespmem:$0x1F2C0];
	_ =	sdelay $0x5  }
0x370: {  	v2 =	vadd.f32 v10, v0  }
0x371: {  	v10 =	vadd.f32 v11, v0;
	v11 =	vld [tilespmem:$0x1F2D0]  }
0x372: {  	[tilespmem:v9+s18+$0x0] =	vst.idx.msk $0xffff, v2;
	v9 =	vld [tilespmem:$0x1F2E0];
	_ =	sdelay $0x4  }
0x373: {  	v1 =	vadd.f32 v3, v57;
	_ =	sdelay $0x1  }
0x374: {  	[tilespmem:v11+s18+$0x0] =	vst.idx.msk $0xffff, v1;
	v11 =	vld [tilespmem:$0x1F2F0]  }
0x375: {  	[tilespmem:v9+s18+$0x0] =	vst.idx.msk $0xffff, v10;
	v9 =	vld [tilespmem:$0x1F300];
	_ =	sdelay $0x4  }
0x376: {  	v1 =	vadd.f32 v4, v57  }
0x377: {  	v10 =	vadd.f32 v12, v0  }
0x378: {  	[tilespmem:v11+s18+$0x0] =	vst.idx.msk $0xffff, v1;
	v11 =	vld [tilespmem:$0x1F310]  }
0x379: {  	[tilespmem:v9+s18+$0x0] =	vst.idx.msk $0xffff, v10;
	v10 =	vadd.f32 v13, v0;
	v13 =	vld [tilespmem:$0x1F320];
	_ =	sdelay $0x4  }
0x37a: {  	v12 =	vadd.f32 v5, v57;
	_ =	sdelay $0x1  }
0x37b: {  	[tilespmem:v11+s18+$0x0] =	vst.idx.msk $0xffff, v12;
	v12 =	vadd.f32 v6, v57;
	v6 =	vld [tilespmem:$0x1F330]  }
0x37c: {  	[tilespmem:v13+s18+$0x0] =	vst.idx.msk $0xffff, v10;
	v10 =	vld [tilespmem:$0x1F340];
	_ =	sdelay $0x5  }
0x37d: {  	v14 =	vadd.f32 v14, v0  }
0x37e: {  	[tilespmem:v6+s18+$0x0] =	vst.idx.msk $0xffff, v12;
	v12 =	vld [tilespmem:$0x1F350]  }
0x37f: {  	[tilespmem:v10+s18+$0x0] =	vst.idx.msk $0xffff, v14;
	v14 =	vld [tilespmem:$0x1F360]  }
0x380: {  	v9 =	vadd.f32 v7, v57;
	v7 =	vld [tilespmem:$0x1F370]  }
0x381: {  	v13 =	vadd.f32 v8, v57;
	v8 =	vld [tilespmem:$0x1F380];
	_ =	sdelay $0x3  }
0x382: {  	v11 =	vadd.f32 v15, v0  }
0x383: {  	[tilespmem:v12+s18+$0x0] =	vst.idx.msk $0xffff, v9  }
0x384: {  	v6 =	vadd.f32 v16, v0;
	[tilespmem:v14+s18+$0x0] =	vst.idx.msk $0xffff, v11  }
0x385: {  	[tilespmem:v7+s18+$0x0] =	vst.idx.msk $0xffff, v13  }
0x386: {  	v17 =	vld [tilespmem:$0x1F390];
	[tilespmem:v8+s18+$0x0] =	vst.idx.msk $0xffff, v6  }
0x387: {  	v1 =	vld [tilespmem:$0x9200]  }
0x388: {  	v2 =	vld [tilespmem:$0x9220]  }
0x389: {  	v3 =	vld [tilespmem:$0x9240]  }
0x38a: {  	v4 =	vld [tilespmem:$0x9260]  }
0x38b: {  	v5 =	vld [tilespmem:$0x9280]  }
0x38c: {  	v6 =	vld [tilespmem:$0x92A0]  }
0x38d: {  	v7 =	vld [tilespmem:$0x92C0]  }
0x38e: {  	v8 =	vld [tilespmem:$0x92E0]  }
0x38f: {  	v9 =	vld [tilespmem:$0x9210]  }
0x390: {  	v10 =	vld [tilespmem:$0x9230]  }
0x391: {  	v11 =	vld [tilespmem:$0x9250]  }
0x392: {  	v12 =	vld [tilespmem:$0x9270]  }
0x393: {  	v13 =	vld [tilespmem:$0x9290]  }
0x394: {  	v14 =	vld [tilespmem:$0x92B0]  }
0x395: {  	v15 =	vld [tilespmem:$0x92D0];
	v1 =	vadd.f32 v1, v57  }
0x396: {  	v16 =	vld [tilespmem:$0x92F0]  }
0x397: {  	[tilespmem:v17+s18+$0x0] =	vst.idx.msk $0xffff, v1;
	v1 =	vadd.f32 v2, v57;
	v2 =	vld [tilespmem:$0x1F3A0];
	_ =	sdelay $0x5  }
0x398: {  	v9 =	vadd.f32 v9, v0;
	_ =	sdelay $0x1  }
0x399: {  	[tilespmem:v2+s18+$0x0] =	vst.idx.msk $0xffff, v9;
	v9 =	vld [tilespmem:$0x1F3B0];
	_ =	sdelay $0x7  }
0x39a: {  	[tilespmem:v9+s18+$0x0] =	vst.idx.msk $0xffff, v1;
	v9 =	vld [tilespmem:$0x1F3C0];
	_ =	sdelay $0x5  }
0x39b: {  	v2 =	vadd.f32 v10, v0  }
0x39c: {  	v10 =	vadd.f32 v11, v0;
	v11 =	vld [tilespmem:$0x1F3D0]  }
0x39d: {  	[tilespmem:v9+s18+$0x0] =	vst.idx.msk $0xffff, v2;
	v9 =	vld [tilespmem:$0x1F3E0];
	_ =	sdelay $0x4  }
0x39e: {  	v1 =	vadd.f32 v3, v57;
	_ =	sdelay $0x1  }
0x39f: {  	[tilespmem:v11+s18+$0x0] =	vst.idx.msk $0xffff, v1;
	v11 =	vld [tilespmem:$0x1F3F0]  }
0x3a0: {  	[tilespmem:v9+s18+$0x0] =	vst.idx.msk $0xffff, v10;
	v9 =	vld [tilespmem:$0x1F400];
	_ =	sdelay $0x4  }
0x3a1: {  	v1 =	vadd.f32 v4, v57  }
0x3a2: {  	v10 =	vadd.f32 v12, v0  }
0x3a3: {  	[tilespmem:v11+s18+$0x0] =	vst.idx.msk $0xffff, v1;
	v11 =	vld [tilespmem:$0x1F410]  }
0x3a4: {  	[tilespmem:v9+s18+$0x0] =	vst.idx.msk $0xffff, v10;
	v10 =	vadd.f32 v13, v0;
	v13 =	vld [tilespmem:$0x1F420];
	_ =	sdelay $0x4  }
0x3a5: {  	v12 =	vadd.f32 v5, v57;
	_ =	sdelay $0x1  }
0x3a6: {  	[tilespmem:v11+s18+$0x0] =	vst.idx.msk $0xffff, v12;
	v12 =	vadd.f32 v6, v57;
	v6 =	vld [tilespmem:$0x1F430]  }
0x3a7: {  	[tilespmem:v13+s18+$0x0] =	vst.idx.msk $0xffff, v10;
	v10 =	vld [tilespmem:$0x1F440];
	_ =	sdelay $0x5  }
0x3a8: {  	v14 =	vadd.f32 v14, v0  }
0x3a9: {  	[tilespmem:v6+s18+$0x0] =	vst.idx.msk $0xffff, v12;
	v12 =	vld [tilespmem:$0x1F450]  }
0x3aa: {  	[tilespmem:v10+s18+$0x0] =	vst.idx.msk $0xffff, v14;
	v14 =	vld [tilespmem:$0x1F460]  }
0x3ab: {  	v9 =	vadd.f32 v7, v57;
	v7 =	vld [tilespmem:$0x1F470]  }
0x3ac: {  	v13 =	vadd.f32 v8, v57;
	v8 =	vld [tilespmem:$0x1F480];
	_ =	sdelay $0x3  }
0x3ad: {  	v11 =	vadd.f32 v15, v0  }
0x3ae: {  	[tilespmem:v12+s18+$0x0] =	vst.idx.msk $0xffff, v9  }
0x3af: {  	v6 =	vadd.f32 v16, v0;
	[tilespmem:v14+s18+$0x0] =	vst.idx.msk $0xffff, v11  }
0x3b0: {  	[tilespmem:v7+s18+$0x0] =	vst.idx.msk $0xffff, v13  }
0x3b1: {  	v17 =	vld [tilespmem:$0x1F490];
	[tilespmem:v8+s18+$0x0] =	vst.idx.msk $0xffff, v6  }
0x3b2: {  	v1 =	vld [tilespmem:$0x9300]  }
0x3b3: {  	v2 =	vld [tilespmem:$0x9320]  }
0x3b4: {  	v3 =	vld [tilespmem:$0x9340]  }
0x3b5: {  	v4 =	vld [tilespmem:$0x9360]  }
0x3b6: {  	v5 =	vld [tilespmem:$0x9380]  }
0x3b7: {  	v6 =	vld [tilespmem:$0x93A0]  }
0x3b8: {  	v7 =	vld [tilespmem:$0x93C0]  }
0x3b9: {  	v8 =	vld [tilespmem:$0x93E0]  }
0x3ba: {  	v9 =	vld [tilespmem:$0x9310]  }
0x3bb: {  	v10 =	vld [tilespmem:$0x9330]  }
0x3bc: {  	v11 =	vld [tilespmem:$0x9350]  }
0x3bd: {  	v12 =	vld [tilespmem:$0x9370]  }
0x3be: {  	v13 =	vld [tilespmem:$0x9390]  }
0x3bf: {  	v14 =	vld [tilespmem:$0x93B0]  }
0x3c0: {  	v15 =	vld [tilespmem:$0x93D0];
	v1 =	vadd.f32 v1, v57  }
0x3c1: {  	v16 =	vld [tilespmem:$0x93F0]  }
0x3c2: {  	[tilespmem:v17+s18+$0x0] =	vst.idx.msk $0xffff, v1;
	v1 =	vadd.f32 v2, v57;
	v2 =	vld [tilespmem:$0x1F4A0];
	_ =	sdelay $0x5  }
0x3c3: {  	v9 =	vadd.f32 v9, v0;
	_ =	sdelay $0x1  }
0x3c4: {  	[tilespmem:v2+s18+$0x0] =	vst.idx.msk $0xffff, v9;
	v9 =	vld [tilespmem:$0x1F4B0];
	_ =	sdelay $0x7  }
0x3c5: {  	[tilespmem:v9+s18+$0x0] =	vst.idx.msk $0xffff, v1;
	v9 =	vld [tilespmem:$0x1F4C0];
	_ =	sdelay $0x1  }
0x3c6: {  	v2 =	vadd.f32 v10, v0;
	v10 =	vadd.f32 v11, v0;
	v11 =	vld [tilespmem:$0x1F4D0];
	_ =	sdelay $0x5  }
0x3c7: {  	v1 =	vadd.f32 v3, v57;
	[tilespmem:v9+s18+$0x0] =	vst.idx.msk $0xffff, v2;
	v9 =	vld [tilespmem:$0x1F4E0];
	_ =	sdelay $0x1  }
0x3c8: {  	[tilespmem:v11+s18+$0x0] =	vst.idx.msk $0xffff, v1;
	v11 =	vld [tilespmem:$0x1F4F0];
	_ =	sdelay $0x5  }
0x3c9: {  	v1 =	vadd.f32 v4, v57;
	[tilespmem:v9+s18+$0x0] =	vst.idx.msk $0xffff, v10;
	v9 =	vld [tilespmem:$0x1F500];
	_ =	sdelay $0x1  }
0x3ca: {  	[tilespmem:v11+s18+$0x0] =	vst.idx.msk $0xffff, v1;
	v11 =	vld [tilespmem:$0x1F510];
	_ =	sdelay $0x3  }
0x3cb: {  	v10 =	vadd.f32 v12, v0;
	_ =	sdelay $0x1  }
0x3cc: {  	v12 =	vadd.f32 v5, v57;
	[tilespmem:v9+s18+$0x0] =	vst.idx.msk $0xffff, v10;
	v10 =	vadd.f32 v13, v0;
	v13 =	vld [tilespmem:$0x1F520]  }
0x3cd: {  	v9 =	vld [tilespmem:$0x1F530]  }
0x3ce: {  	[tilespmem:v11+s18+$0x0] =	vst.idx.msk $0xffff, v12;
	v11 =	vld [tilespmem:$0x1F540];
	_ =	sdelay $0x4  }
0x3cf: {  	v12 =	vadd.f32 v6, v57  }
0x3d0: {  	v6 =	vadd.f32 v14, v0;
	[tilespmem:v13+s18+$0x0] =	vst.idx.msk $0xffff, v10  }
0x3d1: {  	v13 =	vld [tilespmem:$0x1F550];
	[tilespmem:v9+s18+$0x0] =	vst.idx.msk $0xffff, v12  }
0x3d2: {  	[tilespmem:v11+s18+$0x0] =	vst.idx.msk $0xffff, v6;
	v6 =	vld [tilespmem:$0x1F560];
	_ =	sdelay $0x4  }
0x3d3: {  	v10 =	vadd.f32 v7, v57  }
0x3d4: {  	v12 =	vadd.f32 v15, v0  }
0x3d5: {  	[tilespmem:v13+s18+$0x0] =	vst.idx.msk $0xffff, v10  }
0x3d6: {  	[tilespmem:v6+s18+$0x0] =	vst.idx.msk $0xffff, v12  }
0x3d7: {  	v3 =	vld [tilespmem:$0x1F570]  }
0x3d8: {  	v14 =	vadd.f32 v8, v57;
	v8 =	vld [tilespmem:$0x1F580];
	_ =	sdelay $0x5  }
0x3d9: {  	v7 =	vadd.f32 v16, v0  }
0x3da: {  	[tilespmem:v3+s18+$0x0] =	vst.idx.msk $0xffff, v14  }
0x3db: {  	v17 =	vld [tilespmem:$0x1F590];
	[tilespmem:v8+s18+$0x0] =	vst.idx.msk $0xffff, v7  }
0x3dc: {  	v1 =	vld [tilespmem:$0x9400]  }
0x3dd: {  	v2 =	vld [tilespmem:$0x9420]  }
0x3de: {  	v3 =	vld [tilespmem:$0x9440]  }
0x3df: {  	v4 =	vld [tilespmem:$0x9460]  }
0x3e0: {  	v5 =	vld [tilespmem:$0x9480]  }
0x3e1: {  	v6 =	vld [tilespmem:$0x94A0]  }
0x3e2: {  	v7 =	vld [tilespmem:$0x94C0]  }
0x3e3: {  	v8 =	vld [tilespmem:$0x94E0]  }
0x3e4: {  	v9 =	vld [tilespmem:$0x9410]  }
0x3e5: {  	v10 =	vld [tilespmem:$0x9430]  }
0x3e6: {  	v11 =	vld [tilespmem:$0x9450]  }
0x3e7: {  	v12 =	vld [tilespmem:$0x9470]  }
0x3e8: {  	v13 =	vld [tilespmem:$0x9490]  }
0x3e9: {  	v14 =	vld [tilespmem:$0x94B0]  }
0x3ea: {  	v15 =	vld [tilespmem:$0x94D0];
	v1 =	vadd.f32 v1, v57  }
0x3eb: {  	v16 =	vld [tilespmem:$0x94F0]  }
0x3ec: {  	[tilespmem:v17+s18+$0x0] =	vst.idx.msk $0xffff, v1;
	v1 =	vadd.f32 v2, v57;
	v2 =	vld [tilespmem:$0x1F5A0];
	_ =	sdelay $0x5  }
0x3ed: {  	v9 =	vadd.f32 v9, v0;
	_ =	sdelay $0x1  }
0x3ee: {  	[tilespmem:v2+s18+$0x0] =	vst.idx.msk $0xffff, v9;
	v9 =	vld [tilespmem:$0x1F5B0];
	_ =	sdelay $0x7  }
0x3ef: {  	[tilespmem:v9+s18+$0x0] =	vst.idx.msk $0xffff, v1;
	v9 =	vld [tilespmem:$0x1F5C0];
	_ =	sdelay $0x5  }
0x3f0: {  	v2 =	vadd.f32 v10, v0  }
0x3f1: {  	v10 =	vadd.f32 v11, v0;
	v11 =	vld [tilespmem:$0x1F5D0]  }
0x3f2: {  	[tilespmem:v9+s18+$0x0] =	vst.idx.msk $0xffff, v2;
	v9 =	vld [tilespmem:$0x1F5E0];
	_ =	sdelay $0x4  }
0x3f3: {  	v1 =	vadd.f32 v3, v57;
	_ =	sdelay $0x1  }
0x3f4: {  	[tilespmem:v11+s18+$0x0] =	vst.idx.msk $0xffff, v1;
	v11 =	vld [tilespmem:$0x1F5F0]  }
0x3f5: {  	[tilespmem:v9+s18+$0x0] =	vst.idx.msk $0xffff, v10;
	v9 =	vld [tilespmem:$0x1F600];
	_ =	sdelay $0x4  }
0x3f6: {  	v1 =	vadd.f32 v4, v57  }
0x3f7: {  	v10 =	vadd.f32 v12, v0  }
0x3f8: {  	[tilespmem:v11+s18+$0x0] =	vst.idx.msk $0xffff, v1;
	v11 =	vld [tilespmem:$0x1F610]  }
0x3f9: {  	[tilespmem:v9+s18+$0x0] =	vst.idx.msk $0xffff, v10;
	v10 =	vadd.f32 v13, v0;
	v13 =	vld [tilespmem:$0x1F620];
	_ =	sdelay $0x4  }
0x3fa: {  	v12 =	vadd.f32 v5, v57;
	_ =	sdelay $0x1  }
0x3fb: {  	[tilespmem:v11+s18+$0x0] =	vst.idx.msk $0xffff, v12;
	v12 =	vadd.f32 v6, v57;
	v6 =	vld [tilespmem:$0x1F630]  }
0x3fc: {  	[tilespmem:v13+s18+$0x0] =	vst.idx.msk $0xffff, v10;
	v10 =	vld [tilespmem:$0x1F640];
	_ =	sdelay $0x5  }
0x3fd: {  	v14 =	vadd.f32 v14, v0  }
0x3fe: {  	[tilespmem:v6+s18+$0x0] =	vst.idx.msk $0xffff, v12;
	v12 =	vld [tilespmem:$0x1F650]  }
0x3ff: {  	[tilespmem:v10+s18+$0x0] =	vst.idx.msk $0xffff, v14;
	v14 =	vld [tilespmem:$0x1F660]  }
0x400: {  	v9 =	vadd.f32 v7, v57;
	v7 =	vld [tilespmem:$0x1F670]  }
0x401: {  	v13 =	vadd.f32 v8, v57;
	v8 =	vld [tilespmem:$0x1F680];
	_ =	sdelay $0x3  }
0x402: {  	v11 =	vadd.f32 v15, v0  }
0x403: {  	[tilespmem:v12+s18+$0x0] =	vst.idx.msk $0xffff, v9  }
0x404: {  	v6 =	vadd.f32 v16, v0;
	[tilespmem:v14+s18+$0x0] =	vst.idx.msk $0xffff, v11  }
0x405: {  	[tilespmem:v7+s18+$0x0] =	vst.idx.msk $0xffff, v13  }
0x406: {  	v17 =	vld [tilespmem:$0x1F690];
	[tilespmem:v8+s18+$0x0] =	vst.idx.msk $0xffff, v6  }
0x407: {  	v1 =	vld [tilespmem:$0x9500]  }
0x408: {  	v2 =	vld [tilespmem:$0x9520]  }
0x409: {  	v3 =	vld [tilespmem:$0x9540]  }
0x40a: {  	v4 =	vld [tilespmem:$0x9560]  }
0x40b: {  	v5 =	vld [tilespmem:$0x9580]  }
0x40c: {  	v6 =	vld [tilespmem:$0x95A0]  }
0x40d: {  	v7 =	vld [tilespmem:$0x95C0]  }
0x40e: {  	v8 =	vld [tilespmem:$0x95E0]  }
0x40f: {  	v9 =	vld [tilespmem:$0x9510]  }
0x410: {  	v10 =	vld [tilespmem:$0x9530]  }
0x411: {  	v11 =	vld [tilespmem:$0x9550]  }
0x412: {  	v12 =	vld [tilespmem:$0x9570]  }
0x413: {  	v13 =	vld [tilespmem:$0x9590]  }
0x414: {  	v14 =	vld [tilespmem:$0x95B0]  }
0x415: {  	v15 =	vld [tilespmem:$0x95D0];
	v1 =	vadd.f32 v1, v57  }
0x416: {  	v16 =	vld [tilespmem:$0x95F0]  }
0x417: {  	[tilespmem:v17+s18+$0x0] =	vst.idx.msk $0xffff, v1;
	v1 =	vadd.f32 v2, v57;
	v2 =	vld [tilespmem:$0x1F6A0];
	_ =	sdelay $0x5  }
0x418: {  	v9 =	vadd.f32 v9, v0;
	_ =	sdelay $0x1  }
0x419: {  	[tilespmem:v2+s18+$0x0] =	vst.idx.msk $0xffff, v9;
	v9 =	vld [tilespmem:$0x1F6B0];
	_ =	sdelay $0x7  }
0x41a: {  	[tilespmem:v9+s18+$0x0] =	vst.idx.msk $0xffff, v1;
	v9 =	vld [tilespmem:$0x1F6C0];
	_ =	sdelay $0x5  }
0x41b: {  	v2 =	vadd.f32 v10, v0  }
0x41c: {  	v10 =	vadd.f32 v11, v0;
	v11 =	vld [tilespmem:$0x1F6D0]  }
0x41d: {  	[tilespmem:v9+s18+$0x0] =	vst.idx.msk $0xffff, v2;
	v9 =	vld [tilespmem:$0x1F6E0];
	_ =	sdelay $0x4  }
0x41e: {  	v1 =	vadd.f32 v3, v57;
	_ =	sdelay $0x1  }
0x41f: {  	[tilespmem:v11+s18+$0x0] =	vst.idx.msk $0xffff, v1;
	v11 =	vld [tilespmem:$0x1F6F0]  }
0x420: {  	[tilespmem:v9+s18+$0x0] =	vst.idx.msk $0xffff, v10;
	v9 =	vld [tilespmem:$0x1F700];
	_ =	sdelay $0x4  }
0x421: {  	v1 =	vadd.f32 v4, v57  }
0x422: {  	v10 =	vadd.f32 v12, v0  }
0x423: {  	[tilespmem:v11+s18+$0x0] =	vst.idx.msk $0xffff, v1;
	v11 =	vld [tilespmem:$0x1F710]  }
0x424: {  	[tilespmem:v9+s18+$0x0] =	vst.idx.msk $0xffff, v10;
	v10 =	vadd.f32 v13, v0;
	v13 =	vld [tilespmem:$0x1F720];
	_ =	sdelay $0x4  }
0x425: {  	v12 =	vadd.f32 v5, v57;
	_ =	sdelay $0x1  }
0x426: {  	[tilespmem:v11+s18+$0x0] =	vst.idx.msk $0xffff, v12;
	v12 =	vadd.f32 v6, v57;
	v6 =	vld [tilespmem:$0x1F730]  }
0x427: {  	[tilespmem:v13+s18+$0x0] =	vst.idx.msk $0xffff, v10;
	v10 =	vld [tilespmem:$0x1F740];
	_ =	sdelay $0x5  }
0x428: {  	v14 =	vadd.f32 v14, v0  }
0x429: {  	[tilespmem:v6+s18+$0x0] =	vst.idx.msk $0xffff, v12;
	v12 =	vld [tilespmem:$0x1F750]  }
0x42a: {  	[tilespmem:v10+s18+$0x0] =	vst.idx.msk $0xffff, v14;
	v14 =	vld [tilespmem:$0x1F760]  }
0x42b: {  	v9 =	vadd.f32 v7, v57;
	v7 =	vld [tilespmem:$0x1F770]  }
0x42c: {  	v13 =	vadd.f32 v8, v57;
	v8 =	vld [tilespmem:$0x1F780];
	_ =	sdelay $0x3  }
0x42d: {  	v11 =	vadd.f32 v15, v0  }
0x42e: {  	[tilespmem:v12+s18+$0x0] =	vst.idx.msk $0xffff, v9  }
0x42f: {  	v6 =	vadd.f32 v16, v0;
	[tilespmem:v14+s18+$0x0] =	vst.idx.msk $0xffff, v11  }
0x430: {  	[tilespmem:v7+s18+$0x0] =	vst.idx.msk $0xffff, v13  }
0x431: {  	v17 =	vld [tilespmem:$0x1F790];
	[tilespmem:v8+s18+$0x0] =	vst.idx.msk $0xffff, v6  }
0x432: {  	v1 =	vld [tilespmem:$0x9600]  }
0x433: {  	v2 =	vld [tilespmem:$0x9620]  }
0x434: {  	v3 =	vld [tilespmem:$0x9640]  }
0x435: {  	v4 =	vld [tilespmem:$0x9660]  }
0x436: {  	v5 =	vld [tilespmem:$0x9680]  }
0x437: {  	v6 =	vld [tilespmem:$0x96A0]  }
0x438: {  	v7 =	vld [tilespmem:$0x96C0]  }
0x439: {  	v8 =	vld [tilespmem:$0x96E0]  }
0x43a: {  	v9 =	vld [tilespmem:$0x9610]  }
0x43b: {  	v10 =	vld [tilespmem:$0x9630]  }
0x43c: {  	v11 =	vld [tilespmem:$0x9650]  }
0x43d: {  	v12 =	vld [tilespmem:$0x9670]  }
0x43e: {  	v13 =	vld [tilespmem:$0x9690]  }
0x43f: {  	v14 =	vld [tilespmem:$0x96B0]  }
0x440: {  	v15 =	vld [tilespmem:$0x96D0];
	v1 =	vadd.f32 v1, v57  }
0x441: {  	v16 =	vld [tilespmem:$0x96F0]  }
0x442: {  	[tilespmem:v17+s18+$0x0] =	vst.idx.msk $0xffff, v1;
	v1 =	vadd.f32 v2, v57;
	v2 =	vld [tilespmem:$0x1F7A0];
	_ =	sdelay $0x5  }
0x443: {  	v9 =	vadd.f32 v9, v0;
	_ =	sdelay $0x1  }
0x444: {  	[tilespmem:v2+s18+$0x0] =	vst.idx.msk $0xffff, v9;
	v9 =	vld [tilespmem:$0x1F7B0];
	_ =	sdelay $0x7  }
0x445: {  	[tilespmem:v9+s18+$0x0] =	vst.idx.msk $0xffff, v1;
	v9 =	vld [tilespmem:$0x1F7C0];
	_ =	sdelay $0x5  }
0x446: {  	v2 =	vadd.f32 v10, v0  }
0x447: {  	v10 =	vadd.f32 v11, v0;
	v11 =	vld [tilespmem:$0x1F7D0]  }
0x448: {  	[tilespmem:v9+s18+$0x0] =	vst.idx.msk $0xffff, v2;
	v9 =	vld [tilespmem:$0x1F7E0];
	_ =	sdelay $0x4  }
0x449: {  	v1 =	vadd.f32 v3, v57;
	_ =	sdelay $0x1  }
0x44a: {  	[tilespmem:v11+s18+$0x0] =	vst.idx.msk $0xffff, v1;
	v11 =	vld [tilespmem:$0x1F7F0]  }
0x44b: {  	[tilespmem:v9+s18+$0x0] =	vst.idx.msk $0xffff, v10;
	v9 =	vld [tilespmem:$0x1F800];
	_ =	sdelay $0x4  }
0x44c: {  	v1 =	vadd.f32 v4, v57  }
0x44d: {  	v10 =	vadd.f32 v12, v0  }
0x44e: {  	[tilespmem:v11+s18+$0x0] =	vst.idx.msk $0xffff, v1;
	v11 =	vld [tilespmem:$0x1F810]  }
0x44f: {  	[tilespmem:v9+s18+$0x0] =	vst.idx.msk $0xffff, v10;
	v10 =	vadd.f32 v13, v0;
	v13 =	vld [tilespmem:$0x1F820];
	_ =	sdelay $0x4  }
0x450: {  	v12 =	vadd.f32 v5, v57;
	_ =	sdelay $0x1  }
0x451: {  	[tilespmem:v11+s18+$0x0] =	vst.idx.msk $0xffff, v12;
	v12 =	vadd.f32 v6, v57;
	v6 =	vld [tilespmem:$0x1F830]  }
0x452: {  	[tilespmem:v13+s18+$0x0] =	vst.idx.msk $0xffff, v10;
	v10 =	vld [tilespmem:$0x1F840];
	_ =	sdelay $0x5  }
0x453: {  	v14 =	vadd.f32 v14, v0  }
0x454: {  	[tilespmem:v6+s18+$0x0] =	vst.idx.msk $0xffff, v12;
	v12 =	vld [tilespmem:$0x1F850]  }
0x455: {  	[tilespmem:v10+s18+$0x0] =	vst.idx.msk $0xffff, v14;
	v14 =	vld [tilespmem:$0x1F860]  }
0x456: {  	v9 =	vadd.f32 v7, v57;
	v7 =	vld [tilespmem:$0x1F870]  }
0x457: {  	v13 =	vadd.f32 v8, v57;
	v8 =	vld [tilespmem:$0x1F880];
	_ =	sdelay $0x3  }
0x458: {  	v11 =	vadd.f32 v15, v0  }
0x459: {  	[tilespmem:v12+s18+$0x0] =	vst.idx.msk $0xffff, v9  }
0x45a: {  	v6 =	vadd.f32 v16, v0;
	[tilespmem:v14+s18+$0x0] =	vst.idx.msk $0xffff, v11  }
0x45b: {  	[tilespmem:v7+s18+$0x0] =	vst.idx.msk $0xffff, v13  }
0x45c: {  	v17 =	vld [tilespmem:$0x1F890];
	[tilespmem:v8+s18+$0x0] =	vst.idx.msk $0xffff, v6  }
0x45d: {  	v1 =	vld [tilespmem:$0x9700]  }
0x45e: {  	v2 =	vld [tilespmem:$0x9720]  }
0x45f: {  	v3 =	vld [tilespmem:$0x9740]  }
0x460: {  	v4 =	vld [tilespmem:$0x9760]  }
0x461: {  	v5 =	vld [tilespmem:$0x9780]  }
0x462: {  	v6 =	vld [tilespmem:$0x97A0]  }
0x463: {  	v7 =	vld [tilespmem:$0x97C0]  }
0x464: {  	v8 =	vld [tilespmem:$0x97E0]  }
0x465: {  	v9 =	vld [tilespmem:$0x9710]  }
0x466: {  	v10 =	vld [tilespmem:$0x9730]  }
0x467: {  	v11 =	vld [tilespmem:$0x9750]  }
0x468: {  	v12 =	vld [tilespmem:$0x9770]  }
0x469: {  	v13 =	vld [tilespmem:$0x9790]  }
0x46a: {  	v14 =	vld [tilespmem:$0x97B0]  }
0x46b: {  	v15 =	vld [tilespmem:$0x97D0];
	v1 =	vadd.f32 v1, v57  }
0x46c: {  	v16 =	vld [tilespmem:$0x97F0]  }
0x46d: {  	[tilespmem:v17+s18+$0x0] =	vst.idx.msk $0xffff, v1;
	v1 =	vadd.f32 v2, v57;
	v2 =	vld [tilespmem:$0x1F8A0];
	_ =	sdelay $0x5  }
0x46e: {  	v9 =	vadd.f32 v9, v0;
	_ =	sdelay $0x1  }
0x46f: {  	[tilespmem:v2+s18+$0x0] =	vst.idx.msk $0xffff, v9;
	v9 =	vld [tilespmem:$0x1F8B0];
	_ =	sdelay $0x7  }
0x470: {  	[tilespmem:v9+s18+$0x0] =	vst.idx.msk $0xffff, v1;
	v9 =	vld [tilespmem:$0x1F8C0];
	_ =	sdelay $0x5  }
0x471: {  	v2 =	vadd.f32 v10, v0  }
0x472: {  	v10 =	vadd.f32 v11, v0;
	v11 =	vld [tilespmem:$0x1F8D0]  }
0x473: {  	[tilespmem:v9+s18+$0x0] =	vst.idx.msk $0xffff, v2;
	v9 =	vld [tilespmem:$0x1F8E0];
	_ =	sdelay $0x4  }
0x474: {  	v1 =	vadd.f32 v3, v57;
	_ =	sdelay $0x1  }
0x475: {  	[tilespmem:v11+s18+$0x0] =	vst.idx.msk $0xffff, v1;
	v11 =	vld [tilespmem:$0x1F8F0]  }
0x476: {  	[tilespmem:v9+s18+$0x0] =	vst.idx.msk $0xffff, v10;
	v9 =	vld [tilespmem:$0x1F900];
	_ =	sdelay $0x4  }
0x477: {  	v1 =	vadd.f32 v4, v57  }
0x478: {  	v10 =	vadd.f32 v12, v0  }
0x479: {  	[tilespmem:v11+s18+$0x0] =	vst.idx.msk $0xffff, v1;
	v11 =	vld [tilespmem:$0x1F910]  }
0x47a: {  	[tilespmem:v9+s18+$0x0] =	vst.idx.msk $0xffff, v10;
	v10 =	vadd.f32 v13, v0;
	v13 =	vld [tilespmem:$0x1F920];
	_ =	sdelay $0x4  }
0x47b: {  	v12 =	vadd.f32 v5, v57;
	_ =	sdelay $0x1  }
0x47c: {  	[tilespmem:v11+s18+$0x0] =	vst.idx.msk $0xffff, v12;
	v12 =	vadd.f32 v6, v57;
	v6 =	vld [tilespmem:$0x1F930]  }
0x47d: {  	[tilespmem:v13+s18+$0x0] =	vst.idx.msk $0xffff, v10;
	v10 =	vld [tilespmem:$0x1F940];
	_ =	sdelay $0x5  }
0x47e: {  	v14 =	vadd.f32 v14, v0  }
0x47f: {  	[tilespmem:v6+s18+$0x0] =	vst.idx.msk $0xffff, v12;
	v12 =	vld [tilespmem:$0x1F950]  }
0x480: {  	[tilespmem:v10+s18+$0x0] =	vst.idx.msk $0xffff, v14;
	v14 =	vld [tilespmem:$0x1F960]  }
0x481: {  	v9 =	vadd.f32 v7, v57;
	v7 =	vld [tilespmem:$0x1F970]  }
0x482: {  	v13 =	vadd.f32 v8, v57;
	v8 =	vld [tilespmem:$0x1F980];
	_ =	sdelay $0x3  }
0x483: {  	v11 =	vadd.f32 v15, v0  }
0x484: {  	[tilespmem:v12+s18+$0x0] =	vst.idx.msk $0xffff, v9  }
0x485: {  	v6 =	vadd.f32 v16, v0;
	[tilespmem:v14+s18+$0x0] =	vst.idx.msk $0xffff, v11  }
0x486: {  	[tilespmem:v7+s18+$0x0] =	vst.idx.msk $0xffff, v13  }
0x487: {  	v17 =	vld [tilespmem:$0x1F990];
	[tilespmem:v8+s18+$0x0] =	vst.idx.msk $0xffff, v6  }
0x488: {  	v1 =	vld [tilespmem:$0x9800]  }
0x489: {  	v2 =	vld [tilespmem:$0x9820]  }
0x48a: {  	v3 =	vld [tilespmem:$0x9840]  }
0x48b: {  	v4 =	vld [tilespmem:$0x9860]  }
0x48c: {  	v5 =	vld [tilespmem:$0x9880]  }
0x48d: {  	v6 =	vld [tilespmem:$0x98A0]  }
0x48e: {  	v7 =	vld [tilespmem:$0x98C0]  }
0x48f: {  	v8 =	vld [tilespmem:$0x98E0]  }
0x490: {  	v9 =	vld [tilespmem:$0x9810]  }
0x491: {  	v10 =	vld [tilespmem:$0x9830]  }
0x492: {  	v11 =	vld [tilespmem:$0x9850]  }
0x493: {  	v12 =	vld [tilespmem:$0x9870]  }
0x494: {  	v13 =	vld [tilespmem:$0x9890]  }
0x495: {  	v14 =	vld [tilespmem:$0x98B0]  }
0x496: {  	v15 =	vld [tilespmem:$0x98D0];
	v1 =	vadd.f32 v1, v57  }
0x497: {  	v16 =	vld [tilespmem:$0x98F0]  }
0x498: {  	[tilespmem:v17+s18+$0x0] =	vst.idx.msk $0xffff, v1;
	v1 =	vadd.f32 v2, v57;
	v2 =	vld [tilespmem:$0x1F9A0];
	_ =	sdelay $0x5  }
0x499: {  	v9 =	vadd.f32 v9, v0;
	_ =	sdelay $0x1  }
0x49a: {  	[tilespmem:v2+s18+$0x0] =	vst.idx.msk $0xffff, v9;
	v9 =	vld [tilespmem:$0x1F9B0];
	_ =	sdelay $0x7  }
0x49b: {  	[tilespmem:v9+s18+$0x0] =	vst.idx.msk $0xffff, v1;
	v9 =	vld [tilespmem:$0x1F9C0];
	_ =	sdelay $0x1  }
0x49c: {  	v2 =	vadd.f32 v10, v0;
	v10 =	vadd.f32 v11, v0;
	v11 =	vld [tilespmem:$0x1F9D0];
	_ =	sdelay $0x5  }
0x49d: {  	v1 =	vadd.f32 v3, v57;
	[tilespmem:v9+s18+$0x0] =	vst.idx.msk $0xffff, v2;
	v9 =	vld [tilespmem:$0x1F9E0];
	_ =	sdelay $0x1  }
0x49e: {  	[tilespmem:v11+s18+$0x0] =	vst.idx.msk $0xffff, v1;
	v11 =	vld [tilespmem:$0x1F9F0];
	_ =	sdelay $0x5  }
0x49f: {  	v1 =	vadd.f32 v4, v57;
	[tilespmem:v9+s18+$0x0] =	vst.idx.msk $0xffff, v10;
	v9 =	vld [tilespmem:$0x1FA00];
	_ =	sdelay $0x1  }
0x4a0: {  	[tilespmem:v11+s18+$0x0] =	vst.idx.msk $0xffff, v1;
	v11 =	vld [tilespmem:$0x1FA10];
	_ =	sdelay $0x3  }
0x4a1: {  	v10 =	vadd.f32 v12, v0;
	_ =	sdelay $0x1  }
0x4a2: {  	v12 =	vadd.f32 v5, v57;
	[tilespmem:v9+s18+$0x0] =	vst.idx.msk $0xffff, v10;
	v10 =	vadd.f32 v13, v0;
	v13 =	vld [tilespmem:$0x1FA20]  }
0x4a3: {  	v9 =	vld [tilespmem:$0x1FA30]  }
0x4a4: {  	[tilespmem:v11+s18+$0x0] =	vst.idx.msk $0xffff, v12;
	v11 =	vld [tilespmem:$0x1FA40];
	_ =	sdelay $0x4  }
0x4a5: {  	v12 =	vadd.f32 v6, v57  }
0x4a6: {  	v6 =	vadd.f32 v14, v0;
	[tilespmem:v13+s18+$0x0] =	vst.idx.msk $0xffff, v10  }
0x4a7: {  	v13 =	vld [tilespmem:$0x1FA50];
	[tilespmem:v9+s18+$0x0] =	vst.idx.msk $0xffff, v12  }
0x4a8: {  	[tilespmem:v11+s18+$0x0] =	vst.idx.msk $0xffff, v6;
	v6 =	vld [tilespmem:$0x1FA60]  }
0x4a9: {  	v14 =	vadd.f32 v8, v57;
	v8 =	vld [tilespmem:$0x1FA70]  }
0x4aa: {  	v9 =	vld [tilespmem:$0x1FA80];
	_ =	sdelay $0x2  }
0x4ab: {  	v10 =	vadd.f32 v7, v57  }
0x4ac: {  	v12 =	vadd.f32 v15, v0  }
0x4ad: {  	[tilespmem:v13+s18+$0x0] =	vst.idx.msk $0xffff, v10  }
0x4ae: {  	v7 =	vadd.f32 v16, v0;
	[tilespmem:v6+s18+$0x0] =	vst.idx.msk $0xffff, v12  }
0x4af: {  	[tilespmem:v8+s18+$0x0] =	vst.idx.msk $0xffff, v14  }
0x4b0: {  	v17 =	vld [tilespmem:$0x1FA90];
	[tilespmem:v9+s18+$0x0] =	vst.idx.msk $0xffff, v7  }
0x4b1: {  	v1 =	vld [tilespmem:$0x9900]  }
0x4b2: {  	v2 =	vld [tilespmem:$0x9920]  }
0x4b3: {  	v3 =	vld [tilespmem:$0x9940]  }
0x4b4: {  	v4 =	vld [tilespmem:$0x9960]  }
0x4b5: {  	v5 =	vld [tilespmem:$0x9980]  }
0x4b6: {  	v6 =	vld [tilespmem:$0x99A0]  }
0x4b7: {  	v7 =	vld [tilespmem:$0x99C0]  }
0x4b8: {  	v8 =	vld [tilespmem:$0x99E0]  }
0x4b9: {  	v9 =	vld [tilespmem:$0x9910]  }
0x4ba: {  	v10 =	vld [tilespmem:$0x9930]  }
0x4bb: {  	v11 =	vld [tilespmem:$0x9950]  }
0x4bc: {  	v12 =	vld [tilespmem:$0x9970]  }
0x4bd: {  	v13 =	vld [tilespmem:$0x9990]  }
0x4be: {  	v14 =	vld [tilespmem:$0x99B0]  }
0x4bf: {  	v15 =	vld [tilespmem:$0x99D0];
	v1 =	vadd.f32 v1, v57  }
0x4c0: {  	v16 =	vld [tilespmem:$0x99F0]  }
0x4c1: {  	[tilespmem:v17+s18+$0x0] =	vst.idx.msk $0xffff, v1;
	v1 =	vadd.f32 v2, v57;
	v2 =	vld [tilespmem:$0x1FAA0];
	_ =	sdelay $0x5  }
0x4c2: {  	v9 =	vadd.f32 v9, v0;
	_ =	sdelay $0x1  }
0x4c3: {  	[tilespmem:v2+s18+$0x0] =	vst.idx.msk $0xffff, v9;
	v9 =	vld [tilespmem:$0x1FAB0]  }
0x4c4: {  	v2 =	vadd.f32 v10, v0;
	v10 =	vld [tilespmem:$0x1FAC0];
	_ =	sdelay $0x6  }
0x4c5: {  	[tilespmem:v9+s18+$0x0] =	vst.idx.msk $0xffff, v1  }
0x4c6: {  	[tilespmem:v10+s18+$0x0] =	vst.idx.msk $0xffff, v2;
	v10 =	vld [tilespmem:$0x1FAD0]  }
0x4c7: {  	v9 =	vadd.f32 v11, v0;
	v11 =	vld [tilespmem:$0x1FAE0];
	_ =	sdelay $0x4  }
0x4c8: {  	v1 =	vadd.f32 v3, v57;
	_ =	sdelay $0x1  }
0x4c9: {  	[tilespmem:v10+s18+$0x0] =	vst.idx.msk $0xffff, v1;
	v10 =	vld [tilespmem:$0x1FAF0]  }
0x4ca: {  	[tilespmem:v11+s18+$0x0] =	vst.idx.msk $0xffff, v9;
	v9 =	vadd.f32 v12, v0;
	v12 =	vld [tilespmem:$0x1FB00];
	_ =	sdelay $0x4  }
0x4cb: {  	v1 =	vadd.f32 v4, v57;
	_ =	sdelay $0x1  }
0x4cc: {  	[tilespmem:v10+s18+$0x0] =	vst.idx.msk $0xffff, v1  }
0x4cd: {  	[tilespmem:v12+s18+$0x0] =	vst.idx.msk $0xffff, v9;
	v9 =	vld [tilespmem:$0x1FB10];
	_ =	sdelay $0x5  }
0x4ce: {  	v11 =	vadd.f32 v5, v57  }
0x4cf: {  	v12 =	vld [tilespmem:$0x1FB20]  }
0x4d0: {  	[tilespmem:v9+s18+$0x0] =	vst.idx.msk $0xffff, v11;
	v11 =	vadd.f32 v14, v0;
	v14 =	vld [tilespmem:$0x1FB30];
	_ =	sdelay $0x4  }
0x4d1: {  	v13 =	vadd.f32 v13, v0  }
0x4d2: {  	v10 =	vadd.f32 v6, v57  }
0x4d3: {  	[tilespmem:v12+s18+$0x0] =	vst.idx.msk $0xffff, v13  }
0x4d4: {  	[tilespmem:v14+s18+$0x0] =	vst.idx.msk $0xffff, v10;
	v10 =	vld [tilespmem:$0x1FB40]  }
0x4d5: {  	v12 =	vld [tilespmem:$0x1FB50]  }
0x4d6: {  	v14 =	vld [tilespmem:$0x1FB60];
	_ =	sdelay $0x4  }
0x4d7: {  	v13 =	vadd.f32 v7, v57  }
0x4d8: {  	v9 =	vadd.f32 v15, v0;
	[tilespmem:v10+s18+$0x0] =	vst.idx.msk $0xffff, v11  }
0x4d9: {  	v11 =	vadd.f32 v8, v57;
	v8 =	vld [tilespmem:$0x1FB70];
	[tilespmem:v12+s18+$0x0] =	vst.idx.msk $0xffff, v13  }
0x4da: {  	[tilespmem:v14+s18+$0x0] =	vst.idx.msk $0xffff, v9;
	v9 =	vld [tilespmem:$0x1FB80];
	_ =	sdelay $0x5  }
0x4db: {  	v13 =	vadd.f32 v16, v0  }
0x4dc: {  	[tilespmem:v8+s18+$0x0] =	vst.idx.msk $0xffff, v11  }
0x4dd: {  	v17 =	vld [tilespmem:$0x1FB90];
	[tilespmem:v9+s18+$0x0] =	vst.idx.msk $0xffff, v13  }
0x4de: {  	v1 =	vld [tilespmem:$0x9A00]  }
0x4df: {  	v2 =	vld [tilespmem:$0x9A20]  }
0x4e0: {  	v3 =	vld [tilespmem:$0x9A40]  }
0x4e1: {  	v4 =	vld [tilespmem:$0x9A60]  }
0x4e2: {  	v5 =	vld [tilespmem:$0x9A80]  }
0x4e3: {  	v6 =	vld [tilespmem:$0x9AA0]  }
0x4e4: {  	v7 =	vld [tilespmem:$0x9AC0]  }
0x4e5: {  	v8 =	vld [tilespmem:$0x9AE0]  }
0x4e6: {  	v9 =	vld [tilespmem:$0x9A10]  }
0x4e7: {  	v10 =	vld [tilespmem:$0x9A30]  }
0x4e8: {  	v11 =	vld [tilespmem:$0x9A50]  }
0x4e9: {  	v12 =	vld [tilespmem:$0x9A70]  }
0x4ea: {  	v13 =	vld [tilespmem:$0x9A90]  }
0x4eb: {  	v14 =	vld [tilespmem:$0x9AB0]  }
0x4ec: {  	v15 =	vld [tilespmem:$0x9AD0];
	v1 =	vadd.f32 v1, v57  }
0x4ed: {  	v16 =	vld [tilespmem:$0x9AF0]  }
0x4ee: {  	[tilespmem:v17+s18+$0x0] =	vst.idx.msk $0xffff, v1;
	v1 =	vadd.f32 v2, v57;
	v2 =	vld [tilespmem:$0x1FBA0];
	_ =	sdelay $0x5  }
0x4ef: {  	v9 =	vadd.f32 v9, v0;
	_ =	sdelay $0x1  }
0x4f0: {  	[tilespmem:v2+s18+$0x0] =	vst.idx.msk $0xffff, v9;
	v9 =	vld [tilespmem:$0x1FBB0]  }
0x4f1: {  	v2 =	vadd.f32 v10, v0;
	v10 =	vld [tilespmem:$0x1FBC0];
	_ =	sdelay $0x6  }
0x4f2: {  	[tilespmem:v9+s18+$0x0] =	vst.idx.msk $0xffff, v1  }
0x4f3: {  	[tilespmem:v10+s18+$0x0] =	vst.idx.msk $0xffff, v2;
	v10 =	vld [tilespmem:$0x1FBD0];
	_ =	sdelay $0x5  }
0x4f4: {  	v1 =	vadd.f32 v3, v57  }
0x4f5: {  	v9 =	vadd.f32 v11, v0;
	v11 =	vld [tilespmem:$0x1FBE0]  }
0x4f6: {  	[tilespmem:v10+s18+$0x0] =	vst.idx.msk $0xffff, v1;
	v10 =	vld [tilespmem:$0x1FBF0];
	_ =	sdelay $0x5  }
0x4f7: {  	v1 =	vadd.f32 v4, v57  }
0x4f8: {  	[tilespmem:v11+s18+$0x0] =	vst.idx.msk $0xffff, v9;
	v9 =	vadd.f32 v12, v0;
	v12 =	vld [tilespmem:$0x1FC00]  }
0x4f9: {  	[tilespmem:v10+s18+$0x0] =	vst.idx.msk $0xffff, v1;
	v10 =	vld [tilespmem:$0x1FC10];
	_ =	sdelay $0x5  }
0x4fa: {  	v11 =	vadd.f32 v5, v57  }
0x4fb: {  	[tilespmem:v12+s18+$0x0] =	vst.idx.msk $0xffff, v9;
	v12 =	vld [tilespmem:$0x1FC20]  }
0x4fc: {  	[tilespmem:v10+s18+$0x0] =	vst.idx.msk $0xffff, v11;
	v11 =	vadd.f32 v14, v0;
	v14 =	vld [tilespmem:$0x1FC30];
	_ =	sdelay $0x4  }
0x4fd: {  	v13 =	vadd.f32 v13, v0  }
0x4fe: {  	v9 =	vadd.f32 v6, v57;
	v10 =	vld [tilespmem:$0x1FC40]  }
0x4ff: {  	[tilespmem:v12+s18+$0x0] =	vst.idx.msk $0xffff, v13;
	v12 =	vld [tilespmem:$0x1FC50]  }
0x500: {  	[tilespmem:v14+s18+$0x0] =	vst.idx.msk $0xffff, v9;
	v14 =	vld [tilespmem:$0x1FC60];
	_ =	sdelay $0x4  }
0x501: {  	v13 =	vadd.f32 v7, v57  }
0x502: {  	v9 =	vadd.f32 v15, v0;
	[tilespmem:v10+s18+$0x0] =	vst.idx.msk $0xffff, v11  }
0x503: {  	v11 =	vadd.f32 v8, v57;
	v8 =	vld [tilespmem:$0x1FC70];
	[tilespmem:v12+s18+$0x0] =	vst.idx.msk $0xffff, v13  }
0x504: {  	[tilespmem:v14+s18+$0x0] =	vst.idx.msk $0xffff, v9;
	v9 =	vld [tilespmem:$0x1FC80];
	_ =	sdelay $0x5  }
0x505: {  	v13 =	vadd.f32 v16, v0  }
0x506: {  	[tilespmem:v8+s18+$0x0] =	vst.idx.msk $0xffff, v11  }
0x507: {  	v17 =	vld [tilespmem:$0x1FC90];
	[tilespmem:v9+s18+$0x0] =	vst.idx.msk $0xffff, v13  }
0x508: {  	v1 =	vld [tilespmem:$0x9B00]  }
0x509: {  	v2 =	vld [tilespmem:$0x9B20]  }
0x50a: {  	v3 =	vld [tilespmem:$0x9B40]  }
0x50b: {  	v4 =	vld [tilespmem:$0x9B60]  }
0x50c: {  	v5 =	vld [tilespmem:$0x9B80]  }
0x50d: {  	v6 =	vld [tilespmem:$0x9BA0]  }
0x50e: {  	v7 =	vld [tilespmem:$0x9BC0]  }
0x50f: {  	v8 =	vld [tilespmem:$0x9BE0]  }
0x510: {  	v9 =	vld [tilespmem:$0x9B10]  }
0x511: {  	v10 =	vld [tilespmem:$0x9B30]  }
0x512: {  	v11 =	vld [tilespmem:$0x9B50]  }
0x513: {  	v12 =	vld [tilespmem:$0x9B70]  }
0x514: {  	v13 =	vld [tilespmem:$0x9B90]  }
0x515: {  	v14 =	vld [tilespmem:$0x9BB0]  }
0x516: {  	v15 =	vld [tilespmem:$0x9BD0];
	v1 =	vadd.f32 v1, v57  }
0x517: {  	v16 =	vld [tilespmem:$0x9BF0]  }
0x518: {  	[tilespmem:v17+s18+$0x0] =	vst.idx.msk $0xffff, v1;
	v1 =	vadd.f32 v2, v57;
	v2 =	vld [tilespmem:$0x1FCA0];
	_ =	sdelay $0x5  }
0x519: {  	v9 =	vadd.f32 v9, v0;
	_ =	sdelay $0x1  }
0x51a: {  	[tilespmem:v2+s18+$0x0] =	vst.idx.msk $0xffff, v9;
	v9 =	vld [tilespmem:$0x1FCB0]  }
0x51b: {  	v2 =	vadd.f32 v10, v0;
	v10 =	vld [tilespmem:$0x1FCC0];
	_ =	sdelay $0x6  }
0x51c: {  	[tilespmem:v9+s18+$0x0] =	vst.idx.msk $0xffff, v1  }
0x51d: {  	[tilespmem:v10+s18+$0x0] =	vst.idx.msk $0xffff, v2;
	v10 =	vld [tilespmem:$0x1FCD0];
	_ =	sdelay $0x5  }
0x51e: {  	v1 =	vadd.f32 v3, v57  }
0x51f: {  	v9 =	vadd.f32 v11, v0;
	v11 =	vld [tilespmem:$0x1FCE0]  }
0x520: {  	[tilespmem:v10+s18+$0x0] =	vst.idx.msk $0xffff, v1;
	v10 =	vld [tilespmem:$0x1FCF0];
	_ =	sdelay $0x5  }
0x521: {  	v1 =	vadd.f32 v4, v57  }
0x522: {  	[tilespmem:v11+s18+$0x0] =	vst.idx.msk $0xffff, v9;
	v9 =	vadd.f32 v12, v0;
	v12 =	vld [tilespmem:$0x1FD00]  }
0x523: {  	[tilespmem:v10+s18+$0x0] =	vst.idx.msk $0xffff, v1;
	v10 =	vld [tilespmem:$0x1FD10];
	_ =	sdelay $0x5  }
0x524: {  	v11 =	vadd.f32 v5, v57  }
0x525: {  	[tilespmem:v12+s18+$0x0] =	vst.idx.msk $0xffff, v9;
	v12 =	vld [tilespmem:$0x1FD20]  }
0x526: {  	[tilespmem:v10+s18+$0x0] =	vst.idx.msk $0xffff, v11;
	v11 =	vadd.f32 v14, v0;
	v14 =	vld [tilespmem:$0x1FD30];
	_ =	sdelay $0x1  }
0x527: {  	v10 =	vld [tilespmem:$0x1FD40];
	_ =	sdelay $0x2  }
0x528: {  	v13 =	vadd.f32 v13, v0  }
0x529: {  	v9 =	vadd.f32 v6, v57  }
0x52a: {  	[tilespmem:v12+s18+$0x0] =	vst.idx.msk $0xffff, v13;
	v12 =	vld [tilespmem:$0x1FD50]  }
0x52b: {  	[tilespmem:v14+s18+$0x0] =	vst.idx.msk $0xffff, v9;
	v14 =	vld [tilespmem:$0x1FD60]  }
0x52c: {  	v13 =	vadd.f32 v7, v57;
	v7 =	vld [tilespmem:$0x1FD70]  }
0x52d: {  	[tilespmem:v10+s18+$0x0] =	vst.idx.msk $0xffff, v11;
	v11 =	vadd.f32 v8, v57;
	v8 =	vld [tilespmem:$0x1FD80];
	_ =	sdelay $0x3  }
0x52e: {  	v9 =	vadd.f32 v15, v0  }
0x52f: {  	[tilespmem:v12+s18+$0x0] =	vst.idx.msk $0xffff, v13  }
0x530: {  	v13 =	vadd.f32 v16, v0;
	[tilespmem:v14+s18+$0x0] =	vst.idx.msk $0xffff, v9  }
0x531: {  	[tilespmem:v7+s18+$0x0] =	vst.idx.msk $0xffff, v11  }
0x532: {  	v17 =	vld [tilespmem:$0x1FD90];
	[tilespmem:v8+s18+$0x0] =	vst.idx.msk $0xffff, v13  }
0x533: {  	v1 =	vld [tilespmem:$0x9C00]  }
0x534: {  	v2 =	vld [tilespmem:$0x9C20]  }
0x535: {  	v3 =	vld [tilespmem:$0x9C40]  }
0x536: {  	v4 =	vld [tilespmem:$0x9C60]  }
0x537: {  	v5 =	vld [tilespmem:$0x9C80]  }
0x538: {  	v6 =	vld [tilespmem:$0x9CA0]  }
0x539: {  	v7 =	vld [tilespmem:$0x9CC0]  }
0x53a: {  	v8 =	vld [tilespmem:$0x9CE0]  }
0x53b: {  	v9 =	vld [tilespmem:$0x9C10]  }
0x53c: {  	v10 =	vld [tilespmem:$0x9C30]  }
0x53d: {  	v11 =	vld [tilespmem:$0x9C50]  }
0x53e: {  	v12 =	vld [tilespmem:$0x9C70]  }
0x53f: {  	v13 =	vld [tilespmem:$0x9C90]  }
0x540: {  	v14 =	vld [tilespmem:$0x9CB0]  }
0x541: {  	v15 =	vld [tilespmem:$0x9CD0];
	v1 =	vadd.f32 v1, v57  }
0x542: {  	v16 =	vld [tilespmem:$0x9CF0]  }
0x543: {  	[tilespmem:v17+s18+$0x0] =	vst.idx.msk $0xffff, v1;
	v1 =	vadd.f32 v2, v57;
	v2 =	vld [tilespmem:$0x1FDA0];
	_ =	sdelay $0x5  }
0x544: {  	v9 =	vadd.f32 v9, v0;
	_ =	sdelay $0x1  }
0x545: {  	[tilespmem:v2+s18+$0x0] =	vst.idx.msk $0xffff, v9;
	v9 =	vld [tilespmem:$0x1FDB0];
	_ =	sdelay $0x7  }
0x546: {  	[tilespmem:v9+s18+$0x0] =	vst.idx.msk $0xffff, v1;
	v9 =	vld [tilespmem:$0x1FDC0]  }
0x547: {  	v2 =	vadd.f32 v10, v0;
	v10 =	vadd.f32 v11, v0;
	v11 =	vld [tilespmem:$0x1FDD0];
	_ =	sdelay $0x5  }
0x548: {  	v1 =	vadd.f32 v3, v57  }
0x549: {  	[tilespmem:v9+s18+$0x0] =	vst.idx.msk $0xffff, v2;
	v9 =	vld [tilespmem:$0x1FDE0]  }
0x54a: {  	[tilespmem:v11+s18+$0x0] =	vst.idx.msk $0xffff, v1;
	v11 =	vld [tilespmem:$0x1FDF0];
	_ =	sdelay $0x5  }
0x54b: {  	v1 =	vadd.f32 v4, v57  }
0x54c: {  	[tilespmem:v9+s18+$0x0] =	vst.idx.msk $0xffff, v10;
	v9 =	vld [tilespmem:$0x1FE00]  }
0x54d: {  	[tilespmem:v11+s18+$0x0] =	vst.idx.msk $0xffff, v1;
	v11 =	vld [tilespmem:$0x1FE10];
	_ =	sdelay $0x4  }
0x54e: {  	v10 =	vadd.f32 v12, v0  }
0x54f: {  	v12 =	vadd.f32 v5, v57  }
0x550: {  	[tilespmem:v9+s18+$0x0] =	vst.idx.msk $0xffff, v10;
	v10 =	vadd.f32 v13, v0;
	v13 =	vld [tilespmem:$0x1FE20]  }
0x551: {  	[tilespmem:v11+s18+$0x0] =	vst.idx.msk $0xffff, v12;
	v12 =	vadd.f32 v6, v57;
	v6 =	vld [tilespmem:$0x1FE30]  }
0x552: {  	v9 =	vld [tilespmem:$0x1FE40];
	_ =	sdelay $0x5  }
0x553: {  	v14 =	vadd.f32 v14, v0;
	v11 =	vld [tilespmem:$0x1FE50];
	[tilespmem:v13+s18+$0x0] =	vst.idx.msk $0xffff, v10  }
0x554: {  	v13 =	vld [tilespmem:$0x1FE60];
	[tilespmem:v6+s18+$0x0] =	vst.idx.msk $0xffff, v12  }
0x555: {  	[tilespmem:v9+s18+$0x0] =	vst.idx.msk $0xffff, v14;
	v14 =	vld [tilespmem:$0x1FE70]  }
0x556: {  	v7 =	vadd.f32 v7, v57;
	v12 =	vadd.f32 v8, v57;
	v57 =	vld [tilespmem:$0x1FE80];
	_ =	sdelay $0x3  }
0x557: {  	v10 =	vadd.f32 v15, v0  }
0x558: {  	[tilespmem:v11+s18+$0x0] =	vst.idx.msk $0xffff, v7  }
0x559: {  	v0 =	vadd.f32 v16, v0;
	[tilespmem:v13+s18+$0x0] =	vst.idx.msk $0xffff, v10  }
0x55a: {  	[tilespmem:v14+s18+$0x0] =	vst.idx.msk $0xffff, v12  }
0x55b: {  	s29 =	sld [smem:$0x7DF];
	[tilespmem:v57+s18+$0x0] =	vst.idx.msk $0xffff, v0  }
0x55c: {  	[hbm4b:s22+s1] =	stream.linear.scatter [tilespmem:s18], [sflag:$0x4], $0x80, $0x38;
	[tilespmem:$0xBF00] =	vst v63  }
0x55d: {  	s30 =	sadd.s32 $0x10, s22;
	s31 =	sld [smem:$0x7E0]  }
0x55e: {  	[hbm4b:s30+s1] =	stream.linear.scatter [tilespmem:s29], [sflag:$0x4], $0x80, $0x38;
	[tilespmem:$0xBF00] =	vst v63  }
0x55f: {  	s26 =	sadd.s32 $0x20, s22;
	s29 =	sld [smem:$0x7E1]  }
0x560: {  	[hbm4b:s26+s1] =	stream.linear.scatter [tilespmem:s31], [sflag:$0x4], $0x80, $0x38;
	[tilespmem:$0xBF00] =	vst v63  }
0x561: {  	s30 =	sadd.s32 $0x30, s22;
	s31 =	sld [smem:$0x7E2]  }
0x562: {  	[hbm4b:s30+s1] =	stream.linear.scatter [tilespmem:s29], [sflag:$0x4], $0x80, $0x38;
	[tilespmem:$0xBF00] =	vst v63  }
0x563: {  	s26 =	sadd.s32 $0x40, s22;
	s29 =	sld [smem:$0x7E3]  }
0x564: {  	[hbm4b:s26+s1] =	stream.linear.scatter [tilespmem:s31], [sflag:$0x4], $0x80, $0x38;
	[tilespmem:$0xBF00] =	vst v63  }
0x565: {  	s30 =	sadd.s32 $0x50, s22;
	s31 =	sld [smem:$0x7E4]  }
0x566: {  	[hbm4b:s30+s1] =	stream.linear.scatter [tilespmem:s29], [sflag:$0x4], $0x80, $0x38;
	[tilespmem:$0xBF00] =	vst v63  }
0x567: {  	s26 =	sadd.s32 $0x60, s22;
	s29 =	sld [smem:$0x7E5]  }
0x568: {  	[hbm4b:s26+s1] =	stream.linear.scatter [tilespmem:s31], [sflag:$0x4], $0x80, $0x38;
	[tilespmem:$0xBF00] =	vst v63  }
0x569: {  	s30 =	sadd.s32 $0x70, s22;
	s31 =	sld [smem:$0x7E6]  }
0x56a: {  	[hbm4b:s30+s1] =	stream.linear.scatter [tilespmem:s29], [sflag:$0x4], $0x80, $0x38;
	[tilespmem:$0xBF00] =	vst v63  }
0x56b: {  	s26 =	sadd.s32 $0x1000, s22;
	s29 =	sld [smem:$0x7E7]  }
0x56c: {  	[hbm4b:s26+s1] =	stream.linear.scatter [tilespmem:s31], [sflag:$0x4], $0x80, $0x38;
	[tilespmem:$0xBF00] =	vst v63  }
0x56d: {  	s30 =	sadd.s32 $0x1010, s22;
	s31 =	sld [smem:$0x7E8]  }
0x56e: {  	[hbm4b:s30+s1] =	stream.linear.scatter [tilespmem:s29], [sflag:$0x4], $0x80, $0x38;
	[tilespmem:$0xBF00] =	vst v63  }
0x56f: {  	s26 =	sadd.s32 $0x1020, s22;
	s29 =	sld [smem:$0x7E9]  }
0x570: {  	[hbm4b:s26+s1] =	stream.linear.scatter [tilespmem:s31], [sflag:$0x4], $0x80, $0x38;
	[tilespmem:$0xBF00] =	vst v63  }
0x571: {  	s30 =	sadd.s32 $0x1030, s22;
	s31 =	sld [smem:$0x7EA]  }
0x572: {  	[hbm4b:s30+s1] =	stream.linear.scatter [tilespmem:s29], [sflag:$0x4], $0x80, $0x38;
	[tilespmem:$0xBF00] =	vst v63  }
0x573: {  	s26 =	sadd.s32 $0x1040, s22;
	s29 =	sld [smem:$0x7EB]  }
0x574: {  	[hbm4b:s26+s1] =	stream.linear.scatter [tilespmem:s31], [sflag:$0x4], $0x80, $0x38;
	[tilespmem:$0xBF00] =	vst v63  }
0x575: {  	s30 =	sadd.s32 $0x1050, s22;
	s31 =	sld [smem:$0x7EC]  }
0x576: {  	[hbm4b:s30+s1] =	stream.linear.scatter [tilespmem:s29], [sflag:$0x4], $0x80, $0x38;
	[tilespmem:$0xBF00] =	vst v63  }
0x577: {  	s26 =	sadd.s32 $0x1060, s22;
	s29 =	sld [smem:$0x7ED]  }
0x578: {  	[hbm4b:s26+s1] =	stream.linear.scatter [tilespmem:s31], [sflag:$0x4], $0x80, $0x38;
	[tilespmem:$0xBF00] =	vst v63  }
0x579: {  	s30 =	sadd.s32 $0x1070, s22;
	s31 =	sld [smem:$0x7EE]  }
0x57a: {  	[hbm4b:s30+s1] =	stream.linear.scatter [tilespmem:s29], [sflag:$0x4], $0x80, $0x38;
	[tilespmem:$0xBF00] =	vst v63  }
0x57b: {  	s26 =	sadd.s32 $0x2000, s22;
	s29 =	sld [smem:$0x7EF]  }
0x57c: {  	[hbm4b:s26+s1] =	stream.linear.scatter [tilespmem:s31], [sflag:$0x4], $0x80, $0x38;
	[tilespmem:$0xBF00] =	vst v63  }
0x57d: {  	s30 =	sadd.s32 $0x2010, s22;
	s31 =	sld [smem:$0x7F0]  }
0x57e: {  	[hbm4b:s30+s1] =	stream.linear.scatter [tilespmem:s29], [sflag:$0x4], $0x80, $0x38;
	[tilespmem:$0xBF00] =	vst v63  }
0x57f: {  	s26 =	sadd.s32 $0x2020, s22;
	s29 =	sld [smem:$0x7F1]  }
0x580: {  	[hbm4b:s26+s1] =	stream.linear.scatter [tilespmem:s31], [sflag:$0x4], $0x80, $0x38;
	[tilespmem:$0xBF00] =	vst v63  }
0x581: {  	s30 =	sadd.s32 $0x2030, s22;
	s31 =	sld [smem:$0x7F2]  }
0x582: {  	[hbm4b:s30+s1] =	stream.linear.scatter [tilespmem:s29], [sflag:$0x4], $0x80, $0x38;
	[tilespmem:$0xBF00] =	vst v63  }
0x583: {  	s26 =	sadd.s32 $0x2040, s22;
	s29 =	sld [smem:$0x7F3]  }
0x584: {  	[hbm4b:s26+s1] =	stream.linear.scatter [tilespmem:s31], [sflag:$0x4], $0x80, $0x38;
	[tilespmem:$0xBF00] =	vst v63  }
0x585: {  	s30 =	sadd.s32 $0x2050, s22;
	s31 =	sld [smem:$0x7F4]  }
0x586: {  	[hbm4b:s30+s1] =	stream.linear.scatter [tilespmem:s29], [sflag:$0x4], $0x80, $0x38;
	[tilespmem:$0xBF00] =	vst v63  }
0x587: {  	s26 =	sadd.s32 $0x2060, s22;
	s29 =	sld [smem:$0x7F5]  }
0x588: {  	[hbm4b:s26+s1] =	stream.linear.scatter [tilespmem:s31], [sflag:$0x4], $0x80, $0x38;
	[tilespmem:$0xBF00] =	vst v63  }
0x589: {  	s30 =	sadd.s32 $0x2070, s22;
	s31 =	sld [smem:$0x7F6]  }
0x58a: {  	[hbm4b:s30+s1] =	stream.linear.scatter [tilespmem:s29], [sflag:$0x4], $0x80, $0x38;
	[tilespmem:$0xBF00] =	vst v63  }
0x58b: {  	s26 =	sadd.s32 $0x3000, s22;
	s29 =	sld [smem:$0x7F7]  }
0x58c: {  	[hbm4b:s26+s1] =	stream.linear.scatter [tilespmem:s31], [sflag:$0x4], $0x80, $0x38;
	[tilespmem:$0xBF00] =	vst v63  }
0x58d: {  	s30 =	sadd.s32 $0x3010, s22;
	s31 =	sld [smem:$0x7F8]  }
0x58e: {  	[hbm4b:s30+s1] =	stream.linear.scatter [tilespmem:s29], [sflag:$0x4], $0x80, $0x38;
	[tilespmem:$0xBF00] =	vst v63  }
0x58f: {  	s26 =	sadd.s32 $0x3020, s22;
	s29 =	sld [smem:$0x7F9]  }
0x590: {  	[hbm4b:s26+s1] =	stream.linear.scatter [tilespmem:s31], [sflag:$0x4], $0x80, $0x38;
	[tilespmem:$0xBF00] =	vst v63  }
0x591: {  	s30 =	sadd.s32 $0x3030, s22;
	s31 =	sld [smem:$0x7FA]  }
0x592: {  	[hbm4b:s30+s1] =	stream.linear.scatter [tilespmem:s29], [sflag:$0x4], $0x80, $0x38;
	[tilespmem:$0xBF00] =	vst v63  }
0x593: {  	s24 =	sadd.s32 $0x400, s24;
	s26 =	sadd.s32 $0x3040, s22;
	s29 =	sld [smem:$0x7FB]  }
0x594: {  	[hbm4b:s26+s1] =	stream.linear.scatter [tilespmem:s31], [sflag:$0x4], $0x80, $0x38;
	[tilespmem:$0xBF00] =	vst v63  }
0x595: {  	p0 =	sne.s32 s24, $0x19000;
	s30 =	sadd.s32 $0x3050, s22;
	s31 =	sld [smem:$0x7FC]  }
0x596: {  	[hbm4b:s30+s1] =	stream.linear.scatter [tilespmem:s29], [sflag:$0x4], $0x80, $0x38;
	[tilespmem:$0xBF00] =	vst v63  }
.Ltmp0:
0x597: {  	_ = 	snop;
	(pc) =	sbr.rel @p0 .LBB2_2-.Ltmp0, $4  }
0x598: {  	s23 =	sadd.s32 $0x8000, s23;
	s29 =	sadd.s32 $0x3060, s22;
	s30 =	sld [smem:$0x7FD]  }
0x599: {  	[hbm4b:s29+s1] =	stream.linear.scatter [tilespmem:s31], [sflag:$0x4], $0x80, $0x38;
	[tilespmem:$0xBF00] =	vst v63  }
0x59a: {  	s21 =	sadd.s32 $0x40, s21;
	s31 =	sadd.s32 $0x3070, s22;
	s22 =	sadd.s32 $0x8000, s22  }
0x59b: {  	v17 =	vld [tilespmem:$0x1FFB0];
	[hbm4b:s31+s1] =	stream.linear.scatter [tilespmem:s30], [sflag:$0x4], $0x80, $0x38  }
0x59c: {  	s20 =	sadd.s32 $0x1, s20  }
0x59d: {  	p0 =	sne.s32 s20, s6  }
.Ltmp1:
0x59e: {  	_ = 	snop;
	(pc) =	sbr.rel @p0 .LBB2_1-.Ltmp1, $4  }
0x59f: {  	_ = 	snop  }
0x5a0: {  	_ =	swait.ge [sflag:s19], $0x1000  }
0x5a1: {  	[sflag:s19] =	ssyncset.done $0x0  }
0x5a2: {  	[sflag:s19] =	ssyncadd.s32 $0xFFFFF000  }
0x5a3: {  	_ =	sfence.sel $0x180000  }
0x5a4: {  	[bflag:$0x0] =	sbarrier.arrive $0xFFFF  }
0x5a5: {  	p0 =	sne.s32 s3, $0x0;
	_ =	strace $0x90000047  }
0x5a6: {  	s0 =	sadd.s32 @!p0 $0x100000, s0;
	[bflag:$0x2] =	sbarrier.arrive $0xFFFF  }
0x5a7: {  	[sflag:s0] =	ssyncadd.tile.s32 @!p0 $0x1;
	_ =	shalt  }
.Lfunc_end2:
_tile_overlayer_lowered:
.L_overlay_start_2:
0x5a8: {  	(tag) =	ssettag $0x2  }
0x5a9: {  	s0 =	rddreg [dreg:$0x0];
	s2 =	stileid.u32  }
0x5aa: {  	s1 =	rddreg [dreg:$0x1];
	p0 =	sne.s32 s2, $0x0  }
0x5ab: {  	s3 =	rddreg [dreg:$0x2];
	[bflag:$0x3] =	sbarrier.arrive $0xFFFF;
	s2 =	simm.s32 @!p0 $0x1C05  }
0x5ac: {  	[timem:s3], [sflag:s2] =	dma.local @!p0 [hbm:s0], s1  }
0x5ad: {  	s0 =	simm.s32 @!p0 $0x5  }
0x5ae: {  	_ =	swait.ge @!p0 [sflag:s0], s1  }
0x5af: {  	s1 =	ssub.s32 @!p0 $0x0, s1;
	[sflag:s0] =	ssyncset.done @!p0 $0x0  }
0x5b0: {  	[sflag:s0] =	ssyncadd.s32 @!p0 s1  }
0x5b1: {  	[bflag:$0x3] =	sbarrier.arrive $0xFFFF  }
0x5b2: {  	_ =	shalt  }

</sc_bundles>
